<compile_context>
chip_gen: v7x
topology: tpu7x:2x2x1
jax: 0.10.2.dev20260603
libtpu: 0.0.44.dev20260713+nightly
codegen_flags: <defaults>
</compile_context>

<pallas_src>
import jax, jax.numpy as jnp
from jax.experimental import pallas as pl
from jax.experimental.pallas import tpu as pltpu

N = 10000

from jax import lax
from jax.experimental.pallas import tpu_sc as plsc

S_ = 32
E = 160000
NT = 16
EPT = E // NT
CH = 2000
NR, NC_ = 48, 256
NP = NR * NC_


def _zero_hist(ref):
    z = jnp.zeros((16,), jnp.float32)
    def row(r, _):
        def col(i, _):
            ref[r, pl.ds(i * 16, 16)] = z
            return 0
        lax.fori_loop(0, NC_ // 16, col, 0)
        return 0
    lax.fori_loop(0, NR, row, 0)


def _rsqrt16(x):
    xi = plsc.bitcast(x, jnp.int32)
    yi = jnp.int32(0x5F3759DF) - lax.shift_right_logical(xi, 1)
    y = plsc.bitcast(yi, jnp.float32)
    for _ in range(3):
        y = y * (1.5 - 0.5 * x * y * y)
    return y


def _rc(idx):
    return lax.shift_right_logical(idx, 8), jnp.bitwise_and(idx, 255)


def _sc1_body(src_hbm, dst_hbm, dinv_hbm, ssum_hbm,
              hist_v, dinv_v, ebuf_s, ebuf_d,
              tmp3_v, load3_v, stage_sh, deg_sh, red_sh, sem):
    c = lax.axis_index("c")
    s = lax.axis_index("s")
    tile0 = s == 0
    ones16 = jnp.full((16,), 1.0, jnp.float32)

    _zero_hist(hist_v)
    lo = s * EPT

    def chunkA(k, _):
        off = lo + k * CH
        pltpu.sync_copy(dst_hbm.at[pl.ds(off, CH)], ebuf_d)
        def vec(i, _):
            r, cc = _rc(ebuf_d[pl.ds(i * 16, 16)])
            plsc.addupdate_scatter(hist_v, [r, cc], ones16)
            return 0
        lax.fori_loop(0, CH // 16, vec, 0)
        return 0
    lax.fori_loop(0, EPT // CH, chunkA, 0)

    pltpu.sync_copy(hist_v, stage_sh.at[s])
    plsc.subcore_barrier()
    def redt(t, _):
        pltpu.sync_copy(stage_sh.at[t].at[pl.ds(8 * s, 8)], load3_v)
        def addrow(r, _):
            def addcol(i, _):
                tmp3_v[r, pl.ds(i * 16, 16)] = tmp3_v[r, pl.ds(i * 16, 16)] + load3_v[r, pl.ds(i * 16, 16)]
                return 0
            lax.fori_loop(0, NC_ // 16, addcol, 0)
            return 0
        lax.fori_loop(0, 8, addrow, 0)
        return 0
    @pl.when(s < NR // 8)
    def _():
        pltpu.sync_copy(stage_sh.at[0].at[pl.ds(8 * s, 8)], tmp3_v)
        lax.fori_loop(1, NT, redt, 0)
        pltpu.sync_copy(tmp3_v, deg_sh.at[pl.ds(8 * s, 8)])
    plsc.subcore_barrier()

    pltpu.sync_copy(deg_sh, hist_v)
    def rowB(r, _):
        def colB(i, _):
            v = hist_v[r, pl.ds(i * 16, 16)] + 1.0
            dinv_v[pl.ds(r * NC_ + i * 16, 16)] = _rsqrt16(v)
            return 0
        lax.fori_loop(0, NC_ // 16, colB, 0)
        return 0
    lax.fori_loop(0, NR, rowB, 0)

    @pl.when(jnp.logical_and(tile0, c == 0))
    def _():
        pltpu.sync_copy(dinv_v, dinv_hbm)

    _zero_hist(hist_v)

    def chunkC(k, _):
        off = lo + k * CH
        pltpu.sync_copy(src_hbm.at[pl.ds(off, CH)], ebuf_s)
        pltpu.sync_copy(dst_hbm.at[pl.ds(off, CH)], ebuf_d)
        def vec(i, _):
            sidx = ebuf_s[pl.ds(i * 16, 16)]
            r, cc = _rc(ebuf_d[pl.ds(i * 16, 16)])
            val = plsc.load_gather(dinv_v, [sidx])
            plsc.addupdate_scatter(hist_v, [r, cc], val)
            return 0
        lax.fori_loop(0, CH // 16, vec, 0)
        return 0
    lax.fori_loop(0, EPT // CH, chunkC, 0)

    pltpu.sync_copy(hist_v, stage_sh.at[s])
    plsc.subcore_barrier()
    def redtC(t, _):
        pltpu.sync_copy(stage_sh.at[t].at[pl.ds(8 * s, 8)], load3_v)
        def addrow(r, _):
            def addcol(i, _):
                tmp3_v[r, pl.ds(i * 16, 16)] = tmp3_v[r, pl.ds(i * 16, 16)] + load3_v[r, pl.ds(i * 16, 16)]
                return 0
            lax.fori_loop(0, NC_ // 16, addcol, 0)
            return 0
        lax.fori_loop(0, 8, addrow, 0)
        return 0
    @pl.when(s < NR // 8)
    def _():
        pltpu.sync_copy(stage_sh.at[0].at[pl.ds(8 * s, 8)], tmp3_v)
        lax.fori_loop(1, NT, redtC, 0)
        pltpu.sync_copy(tmp3_v, red_sh.at[pl.ds(8 * s, 8)])
    plsc.subcore_barrier()
    @pl.when(jnp.logical_and(tile0, c == 0))
    def _():
        pltpu.sync_copy(red_sh, ssum_hbm)



def sc1_graph_stats(src, dst, sensor_idx):
    mesh = plsc.VectorSubcoreMesh(core_axis_name="c", subcore_axis_name="s",
                                  num_cores=2, num_subcores=16)
    f = pl.kernel(
        _sc1_body,
        out_type=[
            jax.ShapeDtypeStruct((NP,), jnp.float32),
            jax.ShapeDtypeStruct((NR, NC_), jnp.float32),
        ],
        mesh=mesh,
        scratch_types=[
            pltpu.VMEM((NR, NC_), jnp.float32),
            pltpu.VMEM((NP,), jnp.float32),
            pltpu.VMEM((CH,), jnp.int32),
            pltpu.VMEM((CH,), jnp.int32),
            pltpu.VMEM((8, NC_), jnp.float32),
            pltpu.VMEM((8, NC_), jnp.float32),
            pltpu.VMEM_SHARED((NT, NR, NC_), jnp.float32),
            pltpu.VMEM_SHARED((NR, NC_), jnp.float32),
            pltpu.VMEM_SHARED((NR, NC_), jnp.float32),
            pltpu.SemaphoreType.DMA,
        ],
        compiler_params=pltpu.CompilerParams(needs_layout_passes=False),
    )
    dinv_p, ssum_p = f(src, dst)
    return dinv_p[:N], ssum_p.reshape(NP)[:N]




def _gru_body(inp_t_ref, wih_ref, whh_ref, bih_ref, bhh_ref, out_ref):
    L_, BS_, IN = inp_t_ref.shape
    H_ = whh_ref.shape[0]
    bih = bih_ref[...]
    bhh = bhh_ref[...]
    wih = wih_ref[...]
    whh = whh_ref[...]

    def step(t, h):
        gi_t = jnp.dot(inp_t_ref[t], wih, preferred_element_type=jnp.float32) + bih
        gh = jnp.dot(h, whh, preferred_element_type=jnp.float32) + bhh
        i_r = gi_t[:, :H_]; i_z = gi_t[:, H_:2 * H_]; i_n = gi_t[:, 2 * H_:]
        h_r = gh[:, :H_]; h_z = gh[:, H_:2 * H_]; h_n = gh[:, 2 * H_:]
        r = jax.nn.sigmoid(i_r + h_r)
        z = jax.nn.sigmoid(i_z + h_z)
        n = jnp.tanh(i_n + r * h_n)
        return (1.0 - z) * n + z * h

    h = jnp.zeros((BS_, H_), jnp.float32)
    h = jax.lax.fori_loop(0, L_, step, h)
    out_ref[...] = h


def _gru_pallas(inp_t, W_ih, W_hh, b_ih, b_hh):
    L_, BS_, IN = inp_t.shape
    H_ = W_hh.shape[1]
    return pl.pallas_call(
        _gru_body,
        out_shape=jax.ShapeDtypeStruct((BS_, H_), jnp.float32),
    )(inp_t, W_ih.T, W_hh.T, b_ih[None, :], b_hh[None, :])


def kernel(residual, tfeat, gru_W_ih, gru_W_hh, gru_b_ih, gru_b_hh, s2n_W, s2n_b,
           c0_W, c0_b, c1_W, c1_b, eh_W1, eh_b1, eh_W2, eh_b2, nl_W1, nl_b1,
           nl_W2, nl_b2, edge_index_single, pipe_ends, sensor_idx):
    B, L, S = residual.shape
    H = gru_W_hh.shape[1]
    rr = jnp.swapaxes(residual, 1, 2).reshape(B * S, L, 1)
    tf = jnp.broadcast_to(tfeat[:, None, :, :], (B, S, L, tfeat.shape[-1])).reshape(B * S, L, -1)
    inp_t = jnp.swapaxes(jnp.concatenate([rr, tf], axis=-1), 0, 1)
    h_last = _gru_pallas(inp_t, gru_W_ih, gru_W_hh, gru_b_ih, gru_b_hh)
    h_s = h_last.reshape(B, S, H)
    c = jax.nn.relu(s2n_b)
    xs = jax.nn.relu(h_s @ s2n_W[:H] + s2n_W[H] + s2n_b)
    cw = c @ c0_W
    sw = xs @ c0_W
    dmat = sw - cw
    src = edge_index_single[0]
    dst = edge_index_single[1]
    dinv, Ssum = sc1_graph_stats(src, dst, sensor_idx)
    a = dinv * Ssum + dinv * dinv
    slot = jnp.full((N,), -1, jnp.int32).at[sensor_idx].set(jnp.arange(S, dtype=jnp.int32))
    esl = slot[src]
    matched = esl >= 0
    ev = jnp.where(matched, dinv[src], 0.0)[:, None] * jax.nn.one_hot(jnp.where(matched, esl, 0), S, dtype=jnp.float32)
    Mn = jax.ops.segment_sum(ev, dst, num_segments=N)
    Mn = Mn.at[sensor_idx, jnp.arange(S)].add(dinv[sensor_idx])
    corr = jnp.einsum('bsh,ns->bnh', dmat, Mn)
    x1 = jax.nn.relu(a[None, :, None] * cw[None, None, :] + dinv[None, :, None] * corr + c0_b)
    xw1 = x1 @ c1_W
    y = (dinv[None, :, None] * xw1).reshape(B * N, H)
    offs = (jnp.arange(B, dtype=jnp.int32) * N)[:, None]
    srcB = (src[None, :] + offs).reshape(-1)
    dstB = (dst[None, :] + offs).reshape(-1)
    agg = jax.ops.segment_sum(y[srcB], dstB, num_segments=B * N).reshape(B, N, H)
    x2 = jax.nn.relu(dinv[None, :, None] * agg + (dinv * dinv)[None, :, None] * xw1.reshape(B, N, H) + c1_b)
    u = pipe_ends[:, 0]; v = pipe_ends[:, 1]
    h_u = x2[:, u, :]; h_v = x2[:, v, :]
    feat = jnp.concatenate([h_u, h_v, jnp.abs(h_u - h_v)], axis=-1)
    pipe_logits = (jax.nn.relu(feat @ eh_W1 + eh_b1) @ eh_W2 + eh_b2)[..., 0]
    pooled = x2.mean(axis=1)
    noleak = jax.nn.relu(pooled @ nl_W1 + nl_b1) @ nl_W2 + nl_b2
    return jnp.concatenate([pipe_logits, noleak], axis=-1)

# --- scband reference (transcript-rebuilt; emitter-appended) ---
"""Pipeline reference for scband-leak-detector-52664888983964 (READ-ONLY COPY).

The authoritative reference and input builder live on the scoring server;
editing this copy changes nothing except your own understanding.
"""

import jax, jax.numpy as jnp
import numpy as np

B, L, S = 4, 96, 32
N, E_HALF, P, H = 10000, 80000, 12000, 64
TIME_DIM = 9


def setup_inputs(seed: int = 0) -> dict:
    key = jax.random.key(seed)
    ks = jax.random.split(key, 20)
    residual = jax.random.normal(ks[0], (B, L, S), dtype=jnp.float32)
    tfeat = jax.random.normal(ks[1], (B, L, TIME_DIM), dtype=jnp.float32)
    src = jax.random.randint(ks[2], (E_HALF,), 0, N)
    dst = jax.random.randint(ks[3], (E_HALF,), 0, N)
    edge_index_single = jnp.stack([jnp.concatenate([src, dst]), jnp.concatenate([dst, src])]).astype(jnp.int32)
    pipe_ends = jax.random.randint(ks[4], (P, 2), 0, N).astype(jnp.int32)
    sensor_idx = jax.random.permutation(ks[5], N)[:S].astype(jnp.int32)
    in_dim = 1 + TIME_DIM
    inp = {
        'residual': residual,
        'tfeat': tfeat,
        'gru_W_ih': jax.random.normal(ks[6], (3 * H, in_dim), dtype=jnp.float32) * 0.1,
        'gru_W_hh': jax.random.normal(ks[7], (3 * H, H), dtype=jnp.float32) * 0.1,
        'gru_b_ih': jnp.zeros((3 * H,), jnp.float32),
        'gru_b_hh': jnp.zeros((3 * H,), jnp.float32),
        's2n_W': jax.random.normal(ks[8], (H + 1, H), dtype=jnp.float32) * 0.1,
        's2n_b': jnp.zeros((H,), jnp.float32),
        'c0_W': jax.random.normal(ks[9], (H, H), dtype=jnp.float32) * 0.1,
        'c0_b': jnp.zeros((H,), jnp.float32),
        'c1_W': jax.random.normal(ks[10], (H, H), dtype=jnp.float32) * 0.1,
        'c1_b': jnp.zeros((H,), jnp.float32),
        'eh_W1': jax.random.normal(ks[11], (3 * H, 128), dtype=jnp.float32) * 0.1,
        'eh_b1': jnp.zeros((128,), jnp.float32),
        'eh_W2': jax.random.normal(ks[12], (128, 1), dtype=jnp.float32) * 0.1,
        'eh_b2': jnp.zeros((1,), jnp.float32),
        'nl_W1': jax.random.normal(ks[13], (H, 128), dtype=jnp.float32) * 0.1,
        'nl_b1': jnp.zeros((128,), jnp.float32),
        'nl_W2': jax.random.normal(ks[14], (128, 1), dtype=jnp.float32) * 0.1,
        'nl_b2': jnp.zeros((1,), jnp.float32),
        'edge_index_single': edge_index_single,
        'pipe_ends': pipe_ends,
        'sensor_idx': sensor_idx,
    }
    return inp


def _gru_last(inp, W_ih, W_hh, b_ih, b_hh):
    Hh = W_hh.shape[1]
    BS = inp.shape[0]

    def step(h, x_t):
        gi = x_t @ W_ih.T + b_ih
        gh = h @ W_hh.T + b_hh
        i_r, i_z, i_n = jnp.split(gi, 3, axis=-1)
        h_r, h_z, h_n = jnp.split(gh, 3, axis=-1)
        r = jax.nn.sigmoid(i_r + h_r)
        z = jax.nn.sigmoid(i_z + h_z)
        n = jnp.tanh(i_n + r * h_n)
        h_new = (1.0 - z) * n + z * h
        return h_new, None

    h0 = jnp.zeros((BS, Hh), inp.dtype)
    h_last, _ = jax.lax.scan(step, h0, jnp.swapaxes(inp, 0, 1))
    return h_last


def _gcn(x, src, dst, W, b):
    Ntot = x.shape[0]
    xw = x @ W
    deg = jax.ops.segment_sum(jnp.ones_like(dst, dtype=x.dtype), dst, num_segments=Ntot)
    dinv = jnp.where(deg > 0, deg ** -0.5, 0.0)
    norm = dinv[src] * dinv[dst]
    out = jax.ops.segment_sum(norm[:, None] * xw[src], dst, num_segments=Ntot)
    return out + b


def reference(residual, tfeat, gru_W_ih, gru_W_hh, gru_b_ih, gru_b_hh, s2n_W, s2n_b, c0_W, c0_b, c1_W, c1_b, eh_W1, eh_b1, eh_W2, eh_b2, nl_W1, nl_b1, nl_W2, nl_b2, edge_index_single, pipe_ends, sensor_idx):
    Bb, Ll, Ss = residual.shape
    # shared sensor GRU encoder
    rr = jnp.swapaxes(residual, 1, 2).reshape(Bb * Ss, Ll, 1)
    tf = jnp.broadcast_to(tfeat[:, None, :, :], (Bb, Ss, Ll, tfeat.shape[-1])).reshape(Bb * Ss, Ll, -1)
    inp = jnp.concatenate([rr, tf], axis=-1)
    h_last = _gru_last(inp, gru_W_ih, gru_W_hh, gru_b_ih, gru_b_hh)
    h_s = h_last.reshape(Bb, Ss, -1)
    # scatter sensor embeddings onto graph nodes + mask channel
    h0 = jnp.zeros((Bb, N, h_s.shape[-1]), residual.dtype).at[:, sensor_idx, :].set(h_s)
    mask = jnp.zeros((N, 1), residual.dtype).at[sensor_idx, 0].set(1.0)
    mask = jnp.broadcast_to(mask[None, :, :], (Bb, N, 1))
    h = jnp.concatenate([h0, mask], axis=-1)
    h = jax.nn.relu(h @ s2n_W + s2n_b)
    x = h.reshape(Bb * N, -1)
    # batchified edge index (disjoint union of B copies) + self loops
    E = edge_index_single.shape[1]
    offset = jnp.repeat(jnp.arange(Bb, dtype=edge_index_single.dtype), E) * N
    ei = jnp.tile(edge_index_single, (1, Bb)) + offset[None, :]
    loops = jnp.arange(Bb * N, dtype=edge_index_single.dtype)
    src = jnp.concatenate([ei[0], loops])
    dst = jnp.concatenate([ei[1], loops])
    x = jax.nn.relu(_gcn(x, src, dst, c0_W, c0_b))
    x = jax.nn.relu(_gcn(x, src, dst, c1_W, c1_b))
    h_nodes = x.reshape(Bb, N, -1)
    # edge head over pipe endpoints
    u = pipe_ends[:, 0]
    v = pipe_ends[:, 1]
    h_u = h_nodes[:, u, :]
    h_v = h_nodes[:, v, :]
    feat = jnp.concatenate([h_u, h_v, jnp.abs(h_u - h_v)], axis=-1)
    pipe_logits = (jax.nn.relu(feat @ eh_W1 + eh_b1) @ eh_W2 + eh_b2)[..., 0]
    # no-leak head over global mean pool
    pooled = h_nodes.mean(axis=1)
    noleak = jax.nn.relu(pooled @ nl_W1 + nl_b1) @ nl_W2 + nl_b2
    return jnp.concatenate([pipe_logits, noleak], axis=-1)

if __name__ == "__main__":
    import jax
    _d = setup_inputs()
    print(jax.jit(kernel)(*tuple(_d.values())))

</pallas_src>

<mosaic_0001>
#map = affine_map<(d0, d1) -> (0)>
#map1 = affine_map<(d0, d1) -> (0, 0)>
module attributes {stable_mosaic.version = 14 : i64} {
  func.func @_sc1_body(%arg0: i32, %arg1: i32, %arg2: memref<160000xi32, #tpu.memory_space<hbm>>, %arg3: memref<160000xi32, #tpu.memory_space<hbm>>, %arg4: memref<12288xf32, #tpu.memory_space<hbm>>, %arg5: memref<48x256xf32, #tpu.memory_space<hbm>>, %arg6: memref<48x256xf32, #tpu.memory_space<vmem>>, %arg7: memref<12288xf32, #tpu.memory_space<vmem>>, %arg8: memref<2000xi32, #tpu.memory_space<vmem>>, %arg9: memref<2000xi32, #tpu.memory_space<vmem>>, %arg10: memref<8x256xf32, #tpu.memory_space<vmem>>, %arg11: memref<8x256xf32, #tpu.memory_space<vmem>>, %arg12: memref<16x48x256xf32, #tpu.memory_space<vmem_shared>>, %arg13: memref<48x256xf32, #tpu.memory_space<vmem_shared>>, %arg14: memref<48x256xf32, #tpu.memory_space<vmem_shared>>, %arg15: memref<!tpu.dma_semaphore, #tpu.memory_space<semaphore_mem>>) attributes {dimension_semantics = [#tpu.dimension_semantics<core_parallel>, #tpu.dimension_semantics<subcore_parallel>], iteration_bounds = array<i64: 2, 16>, scalar_prefetch = 0 : i64, scratch_operands = 10 : i64, tpu.core_type = #tpu.core_type<sc_vector_subcore>, window_params = [{transform_indices = #map}, {transform_indices = #map}, {transform_indices = #map}, {transform_indices = #map1}]} {
    %eq3A = arith.constant 0 : i32
    %eq3A_0 = arith.cmpi eq, %arg1, %eq3A : i32
    %broadcast_in_dim3A = arith.constant 1.000000e+00 : f32
    %broadcast_in_dim3A_1 = vector.broadcast %broadcast_in_dim3A : f32 to vector<16xf32>
    %broadcast_in_dim3A_2 = arith.constant 0.000000e+00 : f32
    %broadcast_in_dim3A_3 = vector.broadcast %broadcast_in_dim3A_2 : f32 to vector<16xf32>
    %scan3A = arith.constant 0 : i32
    %scan3A_4 = arith.constant 0 : i32
    %scan3A_5 = arith.constant 48 : i32
    %scan3A_6 = arith.addi %scan3A_4, %scan3A_5 : i32
    %scan3A_7 = arith.constant 1 : i32
    %scan3A_8 = scf.for %scan3A_62 = %scan3A_4 to %scan3A_6 step %scan3A_7 iter_args(%scan3A_63 = %scan3A) -> (i32)  : i32 {
      %scan3A_64 = arith.constant 0 : i32
      %scan3A_65 = arith.constant 0 : i32
      %scan3A_66 = arith.constant 16 : i32
      %scan3A_67 = arith.addi %scan3A_65, %scan3A_66 : i32
      %scan3A_68 = arith.constant 1 : i32
      %scan3A_69 = scf.for %scan3A_72 = %scan3A_65 to %scan3A_67 step %scan3A_68 iter_args(%scan3A_73 = %scan3A_64) -> (i32)  : i32 {
        %mul3A_74 = arith.constant 16 : i32
        %mul3A_75 = arith.muli %scan3A_72, %mul3A_74 : i32
        %swap3A = arith.index_cast %scan3A_62 : i32 to index
        %swap3A_76 = arith.index_cast %mul3A_75 : i32 to index
        %swap3A_77 = tpu.vector_load %arg6[%swap3A, %swap3A_76] {strides = array<i32>} : memref<48x256xf32, #tpu.memory_space<vmem>>, vector<16xf32>,
        tpu.vector_store %arg6[%swap3A, %swap3A_76], %broadcast_in_dim3A_3 {strides = array<i32>} : memref<48x256xf32, #tpu.memory_space<vmem>>, vector<16xf32>,
        %scan3A_78 = arith.constant 0 : i32
        scf.yield %scan3A_78 : i32
      }
      %scan3A_70 = arith.constant 16 : i32
      %scan3A_71 = arith.constant 0 : i32
      scf.yield %scan3A_71 : i32
    }
    %scan3A_9 = arith.constant 48 : i32
    %mul3A = arith.constant 10000 : i32
    %mul3A_10 = arith.muli %arg1, %mul3A : i32
    %scan3A_11 = arith.constant 0 : i32
    %scan3A_12 = arith.constant 0 : i32
    %scan3A_13 = arith.constant 5 : i32
    %scan3A_14 = arith.addi %scan3A_12, %scan3A_13 : i32
    %scan3A_15 = arith.constant 1 : i32
    %scan3A_16 = scf.for %scan3A_62 = %scan3A_12 to %scan3A_14 step %scan3A_15 iter_args(%scan3A_63 = %scan3A_11) -> (i32)  : i32 {
      %mul3A_64 = arith.constant 2000 : i32
      %mul3A_65 = arith.muli %scan3A_62, %mul3A_64 : i32
      %add3A = arith.addi %mul3A_10, %mul3A_65 : i32
      "tpu.region"() ({
        %run_scoped3A = tpu.sem_alloc : memref<!tpu.dma_semaphore, #tpu.memory_space<semaphore_mem>>
        %dma_start3A = tpu.memref_slice %arg3[%add3A] : memref<160000xi32, #tpu.memory_space<hbm>> -> memref<2000xi32, #tpu.memory_space<hbm>>
        %dma_start3A_74 = tpu.memref_slice %arg3[%add3A] : memref<160000xi32, #tpu.memory_space<hbm>> -> memref<2000xi32, #tpu.memory_space<hbm>>
        tpu.enqueue_dma source(%dma_start3A_74 : memref<2000xi32, #tpu.memory_space<hbm>>) target(%arg9 : memref<2000xi32, #tpu.memory_space<vmem>>) target_semaphore(%run_scoped3A : memref<!tpu.dma_semaphore, #tpu.memory_space<semaphore_mem>>)
        %dma_wait3A = tpu.memref_slice %arg3[%add3A] : memref<160000xi32, #tpu.memory_space<hbm>> -> memref<2000xi32, #tpu.memory_space<hbm>>
        %dma_wait3A_75 = tpu.memref_slice %arg3[%add3A] : memref<160000xi32, #tpu.memory_space<hbm>> -> memref<2000xi32, #tpu.memory_space<hbm>>
        tpu.wait_dma2 semaphore(%run_scoped3A : memref<!tpu.dma_semaphore, #tpu.memory_space<semaphore_mem>>) src(%dma_wait3A_75 : memref<2000xi32, #tpu.memory_space<hbm>>) dst(%arg9 : memref<2000xi32, #tpu.memory_space<vmem>>)
        tpu.yield
      }) : () -> ()
      %scan3A_66 = arith.constant 0 : i32
      %scan3A_67 = arith.constant 0 : i32
      %scan3A_68 = arith.constant 125 : i32
      %scan3A_69 = arith.addi %scan3A_67, %scan3A_68 : i32
      %scan3A_70 = arith.constant 1 : i32
      %scan3A_71 = scf.for %scan3A_74 = %scan3A_67 to %scan3A_69 step %scan3A_70 iter_args(%scan3A_75 = %scan3A_66) -> (i32)  : i32 {
        %mul3A_76 = arith.constant 16 : i32
        %mul3A_77 = arith.muli %scan3A_74, %mul3A_76 : i32
        %get3A = arith.index_cast %mul3A_77 : i32 to index
        %get3A_78 = tpu.vector_load %arg9[%get3A] {strides = array<i32>} : memref<2000xi32, #tpu.memory_space<vmem>>, vector<16xi32>,
        %shift_right_logical3A = arith.constant 8 : i32
        %shift_right_logical3A_79 = vector.broadcast %shift_right_logical3A : i32 to vector<16xi32>
        %shift_right_logical3A_80 = arith.shrui %get3A_78, %shift_right_logical3A_79 : vector<16xi32>
        %and3A_81 = arith.constant 255 : i32
        %and3A_82 = vector.broadcast %and3A_81 : i32 to vector<16xi32>
        %and3A_83 = arith.andi %get3A_78, %and3A_82 : vector<16xi32>
        tpu.vector_store_idx %arg6[%shift_right_logical3A_80, %and3A_83], %broadcast_in_dim3A_1 {add = true} : memref<48x256xf32, #tpu.memory_space<vmem>>[vector<16xi32>, vector<16xi32>], vector<16xf32>,
        %scan3A_84 = arith.constant 0 : i32
        scf.yield %scan3A_84 : i32
      }
      %scan3A_72 = arith.constant 125 : i32
      %scan3A_73 = arith.constant 0 : i32
      scf.yield %scan3A_73 : i32
    }
    %scan3A_17 = arith.constant 5 : i32
    "tpu.region"() ({
      %run_scoped3A = tpu.sem_alloc : memref<!tpu.dma_semaphore, #tpu.memory_space<semaphore_mem>>
      %dma_start3A = arith.constant 0 : i32
      %dma_start3A_62 = arith.constant 0 : i32
      %dma_start3A_63 = tpu.memref_slice %arg12[%arg1, %dma_start3A, %dma_start3A_62] : memref<16x48x256xf32, #tpu.memory_space<vmem_shared>> -> memref<1x48x256xf32, #tpu.memory_space<vmem_shared>>
      %dma_start3A_64 = tpu.memref_squeeze %dma_start3A_63 : memref<1x48x256xf32, #tpu.memory_space<vmem_shared>> -> memref<48x256xf32, #tpu.memory_space<vmem_shared>>
      %dma_start3A_65 = arith.constant 0 : i32
      %dma_start3A_66 = arith.constant 0 : i32
      %dma_start3A_67 = tpu.memref_slice %arg12[%arg1, %dma_start3A_65, %dma_start3A_66] : memref<16x48x256xf32, #tpu.memory_space<vmem_shared>> -> memref<1x48x256xf32, #tpu.memory_space<vmem_shared>>
      %dma_start3A_68 = tpu.memref_squeeze %dma_start3A_67 : memref<1x48x256xf32, #tpu.memory_space<vmem_shared>> -> memref<48x256xf32, #tpu.memory_space<vmem_shared>>
      tpu.enqueue_dma source(%arg6 : memref<48x256xf32, #tpu.memory_space<vmem>>) target(%dma_start3A_68 : memref<48x256xf32, #tpu.memory_space<vmem_shared>>) target_semaphore(%run_scoped3A : memref<!tpu.dma_semaphore, #tpu.memory_space<semaphore_mem>>)
      %dma_wait3A = arith.constant 0 : i32
      %dma_wait3A_69 = arith.constant 0 : i32
      %dma_wait3A_70 = tpu.memref_slice %arg12[%arg1, %dma_wait3A, %dma_wait3A_69] : memref<16x48x256xf32, #tpu.memory_space<vmem_shared>> -> memref<1x48x256xf32, #tpu.memory_space<vmem_shared>>
      %dma_wait3A_71 = tpu.memref_squeeze %dma_wait3A_70 : memref<1x48x256xf32, #tpu.memory_space<vmem_shared>> -> memref<48x256xf32, #tpu.memory_space<vmem_shared>>
      %dma_wait3A_72 = arith.constant 0 : i32
      %dma_wait3A_73 = arith.constant 0 : i32
      %dma_wait3A_74 = tpu.memref_slice %arg12[%arg1, %dma_wait3A_72, %dma_wait3A_73] : memref<16x48x256xf32, #tpu.memory_space<vmem_shared>> -> memref<1x48x256xf32, #tpu.memory_space<vmem_shared>>
      %dma_wait3A_75 = tpu.memref_squeeze %dma_wait3A_74 : memref<1x48x256xf32, #tpu.memory_space<vmem_shared>> -> memref<48x256xf32, #tpu.memory_space<vmem_shared>>
      tpu.wait_dma2 semaphore(%run_scoped3A : memref<!tpu.dma_semaphore, #tpu.memory_space<semaphore_mem>>) src(%arg6 : memref<48x256xf32, #tpu.memory_space<vmem>>) dst(%dma_wait3A_75 : memref<48x256xf32, #tpu.memory_space<vmem_shared>>)
      tpu.yield
    }) : () -> ()
    %barrier3A = arith.constant 0 : index
    tpu.barrier barrier_id(%barrier3A)
    %lt3A = arith.constant 6 : i32
    %lt3A_18 = arith.cmpi slt, %arg1, %lt3A : i32
    %convert_element_type3A = arith.extui %lt3A_18 : i1 to i32
    %cond3A = arith.constant 0 : i32
    %cond3A_19 = arith.cmpi ne, %convert_element_type3A, %cond3A : i32
    scf.if %cond3A_19 {
      %mul3A_62 = arith.constant 8 : i32
      %mul3A_63 = arith.muli %mul3A_62, %arg1 : i32
      %run_scoped3A = arith.constant 0 : i32
      "tpu.region"() ({
        %run_scoped3A_73 = tpu.sem_alloc : memref<!tpu.dma_semaphore, #tpu.memory_space<semaphore_mem>>
        %dma_start3A = arith.constant 0 : i32
        %dma_start3A_74 = arith.constant 0 : i32
        %dma_start3A_75 = tpu.memref_slice %arg12[%run_scoped3A, %dma_start3A, %dma_start3A_74] : memref<16x48x256xf32, #tpu.memory_space<vmem_shared>> -> memref<1x48x256xf32, #tpu.memory_space<vmem_shared>>
        %dma_start3A_76 = tpu.memref_squeeze %dma_start3A_75 : memref<1x48x256xf32, #tpu.memory_space<vmem_shared>> -> memref<48x256xf32, #tpu.memory_space<vmem_shared>>
        %dma_start3A_77 = arith.constant 0 : i32
        %dma_start3A_78 = tpu.memref_slice %dma_start3A_76[%mul3A_63, %dma_start3A_77] : memref<48x256xf32, #tpu.memory_space<vmem_shared>> -> memref<8x256xf32, #tpu.memory_space<vmem_shared>>
        %dma_start3A_79 = arith.constant 0 : i32
        %dma_start3A_80 = arith.constant 0 : i32
        %dma_start3A_81 = tpu.memref_slice %arg12[%run_scoped3A, %dma_start3A_79, %dma_start3A_80] : memref<16x48x256xf32, #tpu.memory_space<vmem_shared>> -> memref<1x48x256xf32, #tpu.memory_space<vmem_shared>>
        %dma_start3A_82 = tpu.memref_squeeze %dma_start3A_81 : memref<1x48x256xf32, #tpu.memory_space<vmem_shared>> -> memref<48x256xf32, #tpu.memory_space<vmem_shared>>
        %dma_start3A_83 = arith.constant 0 : i32
        %dma_start3A_84 = tpu.memref_slice %dma_start3A_82[%mul3A_63, %dma_start3A_83] : memref<48x256xf32, #tpu.memory_space<vmem_shared>> -> memref<8x256xf32, #tpu.memory_space<vmem_shared>>
        tpu.enqueue_dma source(%dma_start3A_84 : memref<8x256xf32, #tpu.memory_space<vmem_shared>>) target(%arg10 : memref<8x256xf32, #tpu.memory_space<vmem>>) target_semaphore(%run_scoped3A_73 : memref<!tpu.dma_semaphore, #tpu.memory_space<semaphore_mem>>)
        %dma_wait3A = arith.constant 0 : i32
        %dma_wait3A_85 = arith.constant 0 : i32
        %dma_wait3A_86 = tpu.memref_slice %arg12[%run_scoped3A, %dma_wait3A, %dma_wait3A_85] : memref<16x48x256xf32, #tpu.memory_space<vmem_shared>> -> memref<1x48x256xf32, #tpu.memory_space<vmem_shared>>
        %dma_wait3A_87 = tpu.memref_squeeze %dma_wait3A_86 : memref<1x48x256xf32, #tpu.memory_space<vmem_shared>> -> memref<48x256xf32, #tpu.memory_space<vmem_shared>>
        %dma_wait3A_88 = arith.constant 0 : i32
        %dma_wait3A_89 = tpu.memref_slice %dma_wait3A_87[%mul3A_63, %dma_wait3A_88] : memref<48x256xf32, #tpu.memory_space<vmem_shared>> -> memref<8x256xf32, #tpu.memory_space<vmem_shared>>
        %dma_wait3A_90 = arith.constant 0 : i32
        %dma_wait3A_91 = arith.constant 0 : i32
        %dma_wait3A_92 = tpu.memref_slice %arg12[%run_scoped3A, %dma_wait3A_90, %dma_wait3A_91] : memref<16x48x256xf32, #tpu.memory_space<vmem_shared>> -> memref<1x48x256xf32, #tpu.memory_space<vmem_shared>>
        %dma_wait3A_93 = tpu.memref_squeeze %dma_wait3A_92 : memref<1x48x256xf32, #tpu.memory_space<vmem_shared>> -> memref<48x256xf32, #tpu.memory_space<vmem_shared>>
        %dma_wait3A_94 = arith.constant 0 : i32
        %dma_wait3A_95 = tpu.memref_slice %dma_wait3A_93[%mul3A_63, %dma_wait3A_94] : memref<48x256xf32, #tpu.memory_space<vmem_shared>> -> memref<8x256xf32, #tpu.memory_space<vmem_shared>>
        tpu.wait_dma2 semaphore(%run_scoped3A_73 : memref<!tpu.dma_semaphore, #tpu.memory_space<semaphore_mem>>) src(%dma_wait3A_95 : memref<8x256xf32, #tpu.memory_space<vmem_shared>>) dst(%arg10 : memref<8x256xf32, #tpu.memory_space<vmem>>)
        tpu.yield
      }) : () -> ()
      %scan3A_64 = arith.constant 0 : i32
      %scan3A_65 = arith.constant 1 : i32
      %scan3A_66 = arith.constant 15 : i32
      %scan3A_67 = arith.addi %scan3A_65, %scan3A_66 : i32
      %scan3A_68 = arith.constant 1 : i32
      %scan3A_69 = scf.for %scan3A_73 = %scan3A_65 to %scan3A_67 step %scan3A_68 iter_args(%scan3A_74 = %scan3A_64) -> (i32)  : i32 {
        %mul3A_75 = arith.constant 8 : i32
        %mul3A_76 = arith.muli %mul3A_75, %arg1 : i32
        "tpu.region"() ({
          %run_scoped3A_85 = tpu.sem_alloc : memref<!tpu.dma_semaphore, #tpu.memory_space<semaphore_mem>>
          %dma_start3A = arith.constant 0 : i32
          %dma_start3A_86 = arith.constant 0 : i32
          %dma_start3A_87 = tpu.memref_slice %arg12[%scan3A_73, %dma_start3A, %dma_start3A_86] : memref<16x48x256xf32, #tpu.memory_space<vmem_shared>> -> memref<1x48x256xf32, #tpu.memory_space<vmem_shared>>
          %dma_start3A_88 = tpu.memref_squeeze %dma_start3A_87 : memref<1x48x256xf32, #tpu.memory_space<vmem_shared>> -> memref<48x256xf32, #tpu.memory_space<vmem_shared>>
          %dma_start3A_89 = arith.constant 0 : i32
          %dma_start3A_90 = tpu.memref_slice %dma_start3A_88[%mul3A_76, %dma_start3A_89] : memref<48x256xf32, #tpu.memory_space<vmem_shared>> -> memref<8x256xf32, #tpu.memory_space<vmem_shared>>
          %dma_start3A_91 = arith.constant 0 : i32
          %dma_start3A_92 = arith.constant 0 : i32
          %dma_start3A_93 = tpu.memref_slice %arg12[%scan3A_73, %dma_start3A_91, %dma_start3A_92] : memref<16x48x256xf32, #tpu.memory_space<vmem_shared>> -> memref<1x48x256xf32, #tpu.memory_space<vmem_shared>>
          %dma_start3A_94 = tpu.memref_squeeze %dma_start3A_93 : memref<1x48x256xf32, #tpu.memory_space<vmem_shared>> -> memref<48x256xf32, #tpu.memory_space<vmem_shared>>
          %dma_start3A_95 = arith.constant 0 : i32
          %dma_start3A_96 = tpu.memref_slice %dma_start3A_94[%mul3A_76, %dma_start3A_95] : memref<48x256xf32, #tpu.memory_space<vmem_shared>> -> memref<8x256xf32, #tpu.memory_space<vmem_shared>>
          tpu.enqueue_dma source(%dma_start3A_96 : memref<8x256xf32, #tpu.memory_space<vmem_shared>>) target(%arg11 : memref<8x256xf32, #tpu.memory_space<vmem>>) target_semaphore(%run_scoped3A_85 : memref<!tpu.dma_semaphore, #tpu.memory_space<semaphore_mem>>)
          %dma_wait3A = arith.constant 0 : i32
          %dma_wait3A_97 = arith.constant 0 : i32
          %dma_wait3A_98 = tpu.memref_slice %arg12[%scan3A_73, %dma_wait3A, %dma_wait3A_97] : memref<16x48x256xf32, #tpu.memory_space<vmem_shared>> -> memref<1x48x256xf32, #tpu.memory_space<vmem_shared>>
          %dma_wait3A_99 = tpu.memref_squeeze %dma_wait3A_98 : memref<1x48x256xf32, #tpu.memory_space<vmem_shared>> -> memref<48x256xf32, #tpu.memory_space<vmem_shared>>
          %dma_wait3A_100 = arith.constant 0 : i32
          %dma_wait3A_101 = tpu.memref_slice %dma_wait3A_99[%mul3A_76, %dma_wait3A_100] : memref<48x256xf32, #tpu.memory_space<vmem_shared>> -> memref<8x256xf32, #tpu.memory_space<vmem_shared>>
          %dma_wait3A_102 = arith.constant 0 : i32
          %dma_wait3A_103 = arith.constant 0 : i32
          %dma_wait3A_104 = tpu.memref_slice %arg12[%scan3A_73, %dma_wait3A_102, %dma_wait3A_103] : memref<16x48x256xf32, #tpu.memory_space<vmem_shared>> -> memref<1x48x256xf32, #tpu.memory_space<vmem_shared>>
          %dma_wait3A_105 = tpu.memref_squeeze %dma_wait3A_104 : memref<1x48x256xf32, #tpu.memory_space<vmem_shared>> -> memref<48x256xf32, #tpu.memory_space<vmem_shared>>
          %dma_wait3A_106 = arith.constant 0 : i32
          %dma_wait3A_107 = tpu.memref_slice %dma_wait3A_105[%mul3A_76, %dma_wait3A_106] : memref<48x256xf32, #tpu.memory_space<vmem_shared>> -> memref<8x256xf32, #tpu.memory_space<vmem_shared>>
          tpu.wait_dma2 semaphore(%run_scoped3A_85 : memref<!tpu.dma_semaphore, #tpu.memory_space<semaphore_mem>>) src(%dma_wait3A_107 : memref<8x256xf32, #tpu.memory_space<vmem_shared>>) dst(%arg11 : memref<8x256xf32, #tpu.memory_space<vmem>>)
          tpu.yield
        }) : () -> ()
        %scan3A_77 = arith.constant 0 : i32
        %scan3A_78 = arith.constant 0 : i32
        %scan3A_79 = arith.constant 8 : i32
        %scan3A_80 = arith.addi %scan3A_78, %scan3A_79 : i32
        %scan3A_81 = arith.constant 1 : i32
        %scan3A_82 = scf.for %scan3A_85 = %scan3A_78 to %scan3A_80 step %scan3A_81 iter_args(%scan3A_86 = %scan3A_77) -> (i32)  : i32 {
          %scan3A_87 = arith.constant 0 : i32
          %scan3A_88 = arith.constant 0 : i32
          %scan3A_89 = arith.constant 16 : i32
          %scan3A_90 = arith.addi %scan3A_88, %scan3A_89 : i32
          %scan3A_91 = arith.constant 1 : i32
          %scan3A_92 = scf.for %scan3A_95 = %scan3A_88 to %scan3A_90 step %scan3A_91 iter_args(%scan3A_96 = %scan3A_87) -> (i32)  : i32 {
            %mul3A_97 = arith.constant 16 : i32
            %mul3A_98 = arith.muli %scan3A_95, %mul3A_97 : i32
            %get3A = arith.index_cast %scan3A_85 : i32 to index
            %get3A_99 = arith.index_cast %mul3A_98 : i32 to index
            %get3A_100 = tpu.vector_load %arg10[%get3A, %get3A_99] {strides = array<i32>} : memref<8x256xf32, #tpu.memory_space<vmem>>, vector<16xf32>,
            %mul3A_101 = arith.constant 16 : i32
            %mul3A_102 = arith.muli %scan3A_95, %mul3A_101 : i32
            %get3A_103 = arith.index_cast %scan3A_85 : i32 to index
            %get3A_104 = arith.index_cast %mul3A_102 : i32 to index
            %get3A_105 = tpu.vector_load %arg11[%get3A_103, %get3A_104] {strides = array<i32>} : memref<8x256xf32, #tpu.memory_space<vmem>>, vector<16xf32>,
            %add3A = arith.addf %get3A_100, %get3A_105 : vector<16xf32>
            %mul3A_106 = arith.constant 16 : i32
            %mul3A_107 = arith.muli %scan3A_95, %mul3A_106 : i32
            %swap3A = arith.index_cast %scan3A_85 : i32 to index
            %swap3A_108 = arith.index_cast %mul3A_107 : i32 to index
            %swap3A_109 = tpu.vector_load %arg10[%swap3A, %swap3A_108] {strides = array<i32>} : memref<8x256xf32, #tpu.memory_space<vmem>>, vector<16xf32>,
            tpu.vector_store %arg10[%swap3A, %swap3A_108], %add3A {strides = array<i32>} : memref<8x256xf32, #tpu.memory_space<vmem>>, vector<16xf32>,
            %scan3A_110 = arith.constant 0 : i32
            scf.yield %scan3A_110 : i32
          }
          %scan3A_93 = arith.constant 16 : i32
          %scan3A_94 = arith.constant 0 : i32
          scf.yield %scan3A_94 : i32
        }
        %scan3A_83 = arith.constant 8 : i32
        %scan3A_84 = arith.constant 0 : i32
        scf.yield %scan3A_84 : i32
      }
      %scan3A_70 = arith.constant 15 : i32
      %mul3A_71 = arith.constant 8 : i32
      %mul3A_72 = arith.muli %mul3A_71, %arg1 : i32
      "tpu.region"() ({
        %run_scoped3A_73 = tpu.sem_alloc : memref<!tpu.dma_semaphore, #tpu.memory_space<semaphore_mem>>
        %dma_start3A = arith.constant 0 : i32
        %dma_start3A_74 = tpu.memref_slice %arg13[%mul3A_72, %dma_start3A] : memref<48x256xf32, #tpu.memory_space<vmem_shared>> -> memref<8x256xf32, #tpu.memory_space<vmem_shared>>
        %dma_start3A_75 = arith.constant 0 : i32
        %dma_start3A_76 = tpu.memref_slice %arg13[%mul3A_72, %dma_start3A_75] : memref<48x256xf32, #tpu.memory_space<vmem_shared>> -> memref<8x256xf32, #tpu.memory_space<vmem_shared>>
        tpu.enqueue_dma source(%arg10 : memref<8x256xf32, #tpu.memory_space<vmem>>) target(%dma_start3A_76 : memref<8x256xf32, #tpu.memory_space<vmem_shared>>) target_semaphore(%run_scoped3A_73 : memref<!tpu.dma_semaphore, #tpu.memory_space<semaphore_mem>>)
        %dma_wait3A = arith.constant 0 : i32
        %dma_wait3A_77 = tpu.memref_slice %arg13[%mul3A_72, %dma_wait3A] : memref<48x256xf32, #tpu.memory_space<vmem_shared>> -> memref<8x256xf32, #tpu.memory_space<vmem_shared>>
        %dma_wait3A_78 = arith.constant 0 : i32
        %dma_wait3A_79 = tpu.memref_slice %arg13[%mul3A_72, %dma_wait3A_78] : memref<48x256xf32, #tpu.memory_space<vmem_shared>> -> memref<8x256xf32, #tpu.memory_space<vmem_shared>>
        tpu.wait_dma2 semaphore(%run_scoped3A_73 : memref<!tpu.dma_semaphore, #tpu.memory_space<semaphore_mem>>) src(%arg10 : memref<8x256xf32, #tpu.memory_space<vmem>>) dst(%dma_wait3A_79 : memref<8x256xf32, #tpu.memory_space<vmem_shared>>)
        tpu.yield
      }) : () -> ()
    } else {
    }
    %barrier3A_20 = arith.constant 0 : index
    tpu.barrier barrier_id(%barrier3A_20)
    "tpu.region"() ({
      %run_scoped3A = tpu.sem_alloc : memref<!tpu.dma_semaphore, #tpu.memory_space<semaphore_mem>>
      tpu.enqueue_dma source(%arg13 : memref<48x256xf32, #tpu.memory_space<vmem_shared>>) target(%arg6 : memref<48x256xf32, #tpu.memory_space<vmem>>) target_semaphore(%run_scoped3A : memref<!tpu.dma_semaphore, #tpu.memory_space<semaphore_mem>>)
      tpu.wait_dma2 semaphore(%run_scoped3A : memref<!tpu.dma_semaphore, #tpu.memory_space<semaphore_mem>>) src(%arg13 : memref<48x256xf32, #tpu.memory_space<vmem_shared>>) dst(%arg6 : memref<48x256xf32, #tpu.memory_space<vmem>>)
      tpu.yield
    }) : () -> ()
    %scan3A_21 = arith.constant 0 : i32
    %scan3A_22 = arith.constant 0 : i32
    %scan3A_23 = arith.constant 48 : i32
    %scan3A_24 = arith.addi %scan3A_22, %scan3A_23 : i32
    %scan3A_25 = arith.constant 1 : i32
    %scan3A_26 = scf.for %scan3A_62 = %scan3A_22 to %scan3A_24 step %scan3A_25 iter_args(%scan3A_63 = %scan3A_21) -> (i32)  : i32 {
      %scan3A_64 = arith.constant 0 : i32
      %scan3A_65 = arith.constant 0 : i32
      %scan3A_66 = arith.constant 16 : i32
      %scan3A_67 = arith.addi %scan3A_65, %scan3A_66 : i32
      %scan3A_68 = arith.constant 1 : i32
      %scan3A_69 = scf.for %scan3A_72 = %scan3A_65 to %scan3A_67 step %scan3A_68 iter_args(%scan3A_73 = %scan3A_64) -> (i32)  : i32 {
        %mul3A_74 = arith.constant 16 : i32
        %mul3A_75 = arith.muli %scan3A_72, %mul3A_74 : i32
        %get3A = arith.index_cast %scan3A_62 : i32 to index
        %get3A_76 = arith.index_cast %mul3A_75 : i32 to index
        %get3A_77 = tpu.vector_load %arg6[%get3A, %get3A_76] {strides = array<i32>} : memref<48x256xf32, #tpu.memory_space<vmem>>, vector<16xf32>,
        %add3A = arith.constant 1.000000e+00 : f32
        %add3A_78 = vector.broadcast %add3A : f32 to vector<16xf32>
        %add3A_79 = arith.addf %get3A_77, %add3A_78 : vector<16xf32>
        %bitcast3A = vector.bitcast %add3A_79 : vector<16xf32> to vector<16xi32>
        %shift_right_logical3A = arith.constant 1 : i32
        %shift_right_logical3A_80 = vector.broadcast %shift_right_logical3A : i32 to vector<16xi32>
        %shift_right_logical3A_81 = arith.shrui %bitcast3A, %shift_right_logical3A_80 : vector<16xi32>
        %sub3A = arith.constant 1597463007 : i32
        %sub3A_82 = vector.broadcast %sub3A : i32 to vector<16xi32>
        %sub3A_83 = arith.subi %sub3A_82, %shift_right_logical3A_81 : vector<16xi32>
        %bitcast3A_84 = vector.bitcast %sub3A_83 : vector<16xi32> to vector<16xf32>
        %mul3A_85 = arith.constant 5.000000e-01 : f32
        %mul3A_86 = vector.broadcast %mul3A_85 : f32 to vector<16xf32>
        %mul3A_87 = arith.mulf %mul3A_86, %add3A_79 : vector<16xf32>
        %mul3A_88 = arith.mulf %mul3A_87, %bitcast3A_84 : vector<16xf32>
        %mul3A_89 = arith.mulf %mul3A_88, %bitcast3A_84 : vector<16xf32>
        %sub3A_90 = arith.constant 1.500000e+00 : f32
        %sub3A_91 = vector.broadcast %sub3A_90 : f32 to vector<16xf32>
        %sub3A_92 = arith.subf %sub3A_91, %mul3A_89 : vector<16xf32>
        %mul3A_93 = arith.mulf %bitcast3A_84, %sub3A_92 : vector<16xf32>
        %mul3A_94 = arith.constant 5.000000e-01 : f32
        %mul3A_95 = vector.broadcast %mul3A_94 : f32 to vector<16xf32>
        %mul3A_96 = arith.mulf %mul3A_95, %add3A_79 : vector<16xf32>
        %mul3A_97 = arith.mulf %mul3A_96, %mul3A_93 : vector<16xf32>
        %mul3A_98 = arith.mulf %mul3A_97, %mul3A_93 : vector<16xf32>
        %sub3A_99 = arith.constant 1.500000e+00 : f32
        %sub3A_100 = vector.broadcast %sub3A_99 : f32 to vector<16xf32>
        %sub3A_101 = arith.subf %sub3A_100, %mul3A_98 : vector<16xf32>
        %mul3A_102 = arith.mulf %mul3A_93, %sub3A_101 : vector<16xf32>
        %mul3A_103 = arith.constant 5.000000e-01 : f32
        %mul3A_104 = vector.broadcast %mul3A_103 : f32 to vector<16xf32>
        %mul3A_105 = arith.mulf %mul3A_104, %add3A_79 : vector<16xf32>
        %mul3A_106 = arith.mulf %mul3A_105, %mul3A_102 : vector<16xf32>
        %mul3A_107 = arith.mulf %mul3A_106, %mul3A_102 : vector<16xf32>
        %sub3A_108 = arith.constant 1.500000e+00 : f32
        %sub3A_109 = vector.broadcast %sub3A_108 : f32 to vector<16xf32>
        %sub3A_110 = arith.subf %sub3A_109, %mul3A_107 : vector<16xf32>
        %mul3A_111 = arith.mulf %mul3A_102, %sub3A_110 : vector<16xf32>
        %mul3A_112 = arith.constant 256 : i32
        %mul3A_113 = arith.muli %scan3A_62, %mul3A_112 : i32
        %mul3A_114 = arith.constant 16 : i32
        %mul3A_115 = arith.muli %scan3A_72, %mul3A_114 : i32
        %add3A_116 = arith.addi %mul3A_113, %mul3A_115 : i32
        %swap3A = arith.index_cast %add3A_116 : i32 to index
        %swap3A_117 = tpu.vector_load %arg7[%swap3A] {strides = array<i32>} : memref<12288xf32, #tpu.memory_space<vmem>>, vector<16xf32>,
        tpu.vector_store %arg7[%swap3A], %mul3A_111 {strides = array<i32>} : memref<12288xf32, #tpu.memory_space<vmem>>, vector<16xf32>,
        %scan3A_118 = arith.constant 0 : i32
        scf.yield %scan3A_118 : i32
      }
      %scan3A_70 = arith.constant 16 : i32
      %scan3A_71 = arith.constant 0 : i32
      scf.yield %scan3A_71 : i32
    }
    %scan3A_27 = arith.constant 48 : i32
    %eq3A_28 = arith.constant 0 : i32
    %eq3A_29 = arith.cmpi eq, %arg0, %eq3A_28 : i32
    %and3A = arith.andi %eq3A_0, %eq3A_29 : i1
    %convert_element_type3A_30 = arith.extui %and3A : i1 to i32
    %cond3A_31 = arith.constant 0 : i32
    %cond3A_32 = arith.cmpi ne, %convert_element_type3A_30, %cond3A_31 : i32
    scf.if %cond3A_32 {
      "tpu.region"() ({
        %run_scoped3A = tpu.sem_alloc : memref<!tpu.dma_semaphore, #tpu.memory_space<semaphore_mem>>
        tpu.enqueue_dma source(%arg7 : memref<12288xf32, #tpu.memory_space<vmem>>) target(%arg4 : memref<12288xf32, #tpu.memory_space<hbm>>) target_semaphore(%run_scoped3A : memref<!tpu.dma_semaphore, #tpu.memory_space<semaphore_mem>>)
        tpu.wait_dma2 semaphore(%run_scoped3A : memref<!tpu.dma_semaphore, #tpu.memory_space<semaphore_mem>>) src(%arg7 : memref<12288xf32, #tpu.memory_space<vmem>>) dst(%arg4 : memref<12288xf32, #tpu.memory_space<hbm>>)
        tpu.yield
      }) : () -> ()
    } else {
    }
    %broadcast_in_dim3A_33 = arith.constant 0.000000e+00 : f32
    %broadcast_in_dim3A_34 = vector.broadcast %broadcast_in_dim3A_33 : f32 to vector<16xf32>
    %scan3A_35 = arith.constant 0 : i32
    %scan3A_36 = arith.constant 0 : i32
    %scan3A_37 = arith.constant 48 : i32
    %scan3A_38 = arith.addi %scan3A_36, %scan3A_37 : i32
    %scan3A_39 = arith.constant 1 : i32
    %scan3A_40 = scf.for %scan3A_62 = %scan3A_36 to %scan3A_38 step %scan3A_39 iter_args(%scan3A_63 = %scan3A_35) -> (i32)  : i32 {
      %scan3A_64 = arith.constant 0 : i32
      %scan3A_65 = arith.constant 0 : i32
      %scan3A_66 = arith.constant 16 : i32
      %scan3A_67 = arith.addi %scan3A_65, %scan3A_66 : i32
      %scan3A_68 = arith.constant 1 : i32
      %scan3A_69 = scf.for %scan3A_72 = %scan3A_65 to %scan3A_67 step %scan3A_68 iter_args(%scan3A_73 = %scan3A_64) -> (i32)  : i32 {
        %mul3A_74 = arith.constant 16 : i32
        %mul3A_75 = arith.muli %scan3A_72, %mul3A_74 : i32
        %swap3A = arith.index_cast %scan3A_62 : i32 to index
        %swap3A_76 = arith.index_cast %mul3A_75 : i32 to index
        %swap3A_77 = tpu.vector_load %arg6[%swap3A, %swap3A_76] {strides = array<i32>} : memref<48x256xf32, #tpu.memory_space<vmem>>, vector<16xf32>,
        tpu.vector_store %arg6[%swap3A, %swap3A_76], %broadcast_in_dim3A_34 {strides = array<i32>} : memref<48x256xf32, #tpu.memory_space<vmem>>, vector<16xf32>,
        %scan3A_78 = arith.constant 0 : i32
        scf.yield %scan3A_78 : i32
      }
      %scan3A_70 = arith.constant 16 : i32
      %scan3A_71 = arith.constant 0 : i32
      scf.yield %scan3A_71 : i32
    }
    %scan3A_41 = arith.constant 48 : i32
    %scan3A_42 = arith.constant 0 : i32
    %scan3A_43 = arith.constant 0 : i32
    %scan3A_44 = arith.constant 5 : i32
    %scan3A_45 = arith.addi %scan3A_43, %scan3A_44 : i32
    %scan3A_46 = arith.constant 1 : i32
    %scan3A_47 = scf.for %scan3A_62 = %scan3A_43 to %scan3A_45 step %scan3A_46 iter_args(%scan3A_63 = %scan3A_42) -> (i32)  : i32 {
      %mul3A_64 = arith.constant 2000 : i32
      %mul3A_65 = arith.muli %scan3A_62, %mul3A_64 : i32
      %add3A = arith.addi %mul3A_10, %mul3A_65 : i32
      "tpu.region"() ({
        %run_scoped3A = tpu.sem_alloc : memref<!tpu.dma_semaphore, #tpu.memory_space<semaphore_mem>>
        %dma_start3A = tpu.memref_slice %arg2[%add3A] : memref<160000xi32, #tpu.memory_space<hbm>> -> memref<2000xi32, #tpu.memory_space<hbm>>
        %dma_start3A_74 = tpu.memref_slice %arg2[%add3A] : memref<160000xi32, #tpu.memory_space<hbm>> -> memref<2000xi32, #tpu.memory_space<hbm>>
        tpu.enqueue_dma source(%dma_start3A_74 : memref<2000xi32, #tpu.memory_space<hbm>>) target(%arg8 : memref<2000xi32, #tpu.memory_space<vmem>>) target_semaphore(%run_scoped3A : memref<!tpu.dma_semaphore, #tpu.memory_space<semaphore_mem>>)
        %dma_wait3A = tpu.memref_slice %arg2[%add3A] : memref<160000xi32, #tpu.memory_space<hbm>> -> memref<2000xi32, #tpu.memory_space<hbm>>
        %dma_wait3A_75 = tpu.memref_slice %arg2[%add3A] : memref<160000xi32, #tpu.memory_space<hbm>> -> memref<2000xi32, #tpu.memory_space<hbm>>
        tpu.wait_dma2 semaphore(%run_scoped3A : memref<!tpu.dma_semaphore, #tpu.memory_space<semaphore_mem>>) src(%dma_wait3A_75 : memref<2000xi32, #tpu.memory_space<hbm>>) dst(%arg8 : memref<2000xi32, #tpu.memory_space<vmem>>)
        tpu.yield
      }) : () -> ()
      "tpu.region"() ({
        %run_scoped3A = tpu.sem_alloc : memref<!tpu.dma_semaphore, #tpu.memory_space<semaphore_mem>>
        %dma_start3A = tpu.memref_slice %arg3[%add3A] : memref<160000xi32, #tpu.memory_space<hbm>> -> memref<2000xi32, #tpu.memory_space<hbm>>
        %dma_start3A_74 = tpu.memref_slice %arg3[%add3A] : memref<160000xi32, #tpu.memory_space<hbm>> -> memref<2000xi32, #tpu.memory_space<hbm>>
        tpu.enqueue_dma source(%dma_start3A_74 : memref<2000xi32, #tpu.memory_space<hbm>>) target(%arg9 : memref<2000xi32, #tpu.memory_space<vmem>>) target_semaphore(%run_scoped3A : memref<!tpu.dma_semaphore, #tpu.memory_space<semaphore_mem>>)
        %dma_wait3A = tpu.memref_slice %arg3[%add3A] : memref<160000xi32, #tpu.memory_space<hbm>> -> memref<2000xi32, #tpu.memory_space<hbm>>
        %dma_wait3A_75 = tpu.memref_slice %arg3[%add3A] : memref<160000xi32, #tpu.memory_space<hbm>> -> memref<2000xi32, #tpu.memory_space<hbm>>
        tpu.wait_dma2 semaphore(%run_scoped3A : memref<!tpu.dma_semaphore, #tpu.memory_space<semaphore_mem>>) src(%dma_wait3A_75 : memref<2000xi32, #tpu.memory_space<hbm>>) dst(%arg9 : memref<2000xi32, #tpu.memory_space<vmem>>)
        tpu.yield
      }) : () -> ()
      %scan3A_66 = arith.constant 0 : i32
      %scan3A_67 = arith.constant 0 : i32
      %scan3A_68 = arith.constant 125 : i32
      %scan3A_69 = arith.addi %scan3A_67, %scan3A_68 : i32
      %scan3A_70 = arith.constant 1 : i32
      %scan3A_71 = scf.for %scan3A_74 = %scan3A_67 to %scan3A_69 step %scan3A_70 iter_args(%scan3A_75 = %scan3A_66) -> (i32)  : i32 {
        %mul3A_76 = arith.constant 16 : i32
        %mul3A_77 = arith.muli %scan3A_74, %mul3A_76 : i32
        %get3A = arith.index_cast %mul3A_77 : i32 to index
        %get3A_78 = tpu.vector_load %arg8[%get3A] {strides = array<i32>} : memref<2000xi32, #tpu.memory_space<vmem>>, vector<16xi32>,
        %mul3A_79 = arith.constant 16 : i32
        %mul3A_80 = arith.muli %scan3A_74, %mul3A_79 : i32
        %get3A_81 = arith.index_cast %mul3A_80 : i32 to index
        %get3A_82 = tpu.vector_load %arg9[%get3A_81] {strides = array<i32>} : memref<2000xi32, #tpu.memory_space<vmem>>, vector<16xi32>,
        %shift_right_logical3A = arith.constant 8 : i32
        %shift_right_logical3A_83 = vector.broadcast %shift_right_logical3A : i32 to vector<16xi32>
        %shift_right_logical3A_84 = arith.shrui %get3A_82, %shift_right_logical3A_83 : vector<16xi32>
        %and3A_85 = arith.constant 255 : i32
        %and3A_86 = vector.broadcast %and3A_85 : i32 to vector<16xi32>
        %and3A_87 = arith.andi %get3A_82, %and3A_86 : vector<16xi32>
        %gather3A = tpu.vector_load_idx %arg7[%get3A_78] : memref<12288xf32, #tpu.memory_space<vmem>>[vector<16xi32>], vector<16xf32>,
        tpu.vector_store_idx %arg6[%shift_right_logical3A_84, %and3A_87], %gather3A {add = true} : memref<48x256xf32, #tpu.memory_space<vmem>>[vector<16xi32>, vector<16xi32>], vector<16xf32>,
        %scan3A_88 = arith.constant 0 : i32
        scf.yield %scan3A_88 : i32
      }
      %scan3A_72 = arith.constant 125 : i32
      %scan3A_73 = arith.constant 0 : i32
      scf.yield %scan3A_73 : i32
    }
    %scan3A_48 = arith.constant 5 : i32
    "tpu.region"() ({
      %run_scoped3A = tpu.sem_alloc : memref<!tpu.dma_semaphore, #tpu.memory_space<semaphore_mem>>
      %dma_start3A = arith.constant 0 : i32
      %dma_start3A_62 = arith.constant 0 : i32
      %dma_start3A_63 = tpu.memref_slice %arg12[%arg1, %dma_start3A, %dma_start3A_62] : memref<16x48x256xf32, #tpu.memory_space<vmem_shared>> -> memref<1x48x256xf32, #tpu.memory_space<vmem_shared>>
      %dma_start3A_64 = tpu.memref_squeeze %dma_start3A_63 : memref<1x48x256xf32, #tpu.memory_space<vmem_shared>> -> memref<48x256xf32, #tpu.memory_space<vmem_shared>>
      %dma_start3A_65 = arith.constant 0 : i32
      %dma_start3A_66 = arith.constant 0 : i32
      %dma_start3A_67 = tpu.memref_slice %arg12[%arg1, %dma_start3A_65, %dma_start3A_66] : memref<16x48x256xf32, #tpu.memory_space<vmem_shared>> -> memref<1x48x256xf32, #tpu.memory_space<vmem_shared>>
      %dma_start3A_68 = tpu.memref_squeeze %dma_start3A_67 : memref<1x48x256xf32, #tpu.memory_space<vmem_shared>> -> memref<48x256xf32, #tpu.memory_space<vmem_shared>>
      tpu.enqueue_dma source(%arg6 : memref<48x256xf32, #tpu.memory_space<vmem>>) target(%dma_start3A_68 : memref<48x256xf32, #tpu.memory_space<vmem_shared>>) target_semaphore(%run_scoped3A : memref<!tpu.dma_semaphore, #tpu.memory_space<semaphore_mem>>)
      %dma_wait3A = arith.constant 0 : i32
      %dma_wait3A_69 = arith.constant 0 : i32
      %dma_wait3A_70 = tpu.memref_slice %arg12[%arg1, %dma_wait3A, %dma_wait3A_69] : memref<16x48x256xf32, #tpu.memory_space<vmem_shared>> -> memref<1x48x256xf32, #tpu.memory_space<vmem_shared>>
      %dma_wait3A_71 = tpu.memref_squeeze %dma_wait3A_70 : memref<1x48x256xf32, #tpu.memory_space<vmem_shared>> -> memref<48x256xf32, #tpu.memory_space<vmem_shared>>
      %dma_wait3A_72 = arith.constant 0 : i32
      %dma_wait3A_73 = arith.constant 0 : i32
      %dma_wait3A_74 = tpu.memref_slice %arg12[%arg1, %dma_wait3A_72, %dma_wait3A_73] : memref<16x48x256xf32, #tpu.memory_space<vmem_shared>> -> memref<1x48x256xf32, #tpu.memory_space<vmem_shared>>
      %dma_wait3A_75 = tpu.memref_squeeze %dma_wait3A_74 : memref<1x48x256xf32, #tpu.memory_space<vmem_shared>> -> memref<48x256xf32, #tpu.memory_space<vmem_shared>>
      tpu.wait_dma2 semaphore(%run_scoped3A : memref<!tpu.dma_semaphore, #tpu.memory_space<semaphore_mem>>) src(%arg6 : memref<48x256xf32, #tpu.memory_space<vmem>>) dst(%dma_wait3A_75 : memref<48x256xf32, #tpu.memory_space<vmem_shared>>)
      tpu.yield
    }) : () -> ()
    %barrier3A_49 = arith.constant 0 : index
    tpu.barrier barrier_id(%barrier3A_49)
    %lt3A_50 = arith.constant 6 : i32
    %lt3A_51 = arith.cmpi slt, %arg1, %lt3A_50 : i32
    %convert_element_type3A_52 = arith.extui %lt3A_51 : i1 to i32
    %cond3A_53 = arith.constant 0 : i32
    %cond3A_54 = arith.cmpi ne, %convert_element_type3A_52, %cond3A_53 : i32
    scf.if %cond3A_54 {
      %mul3A_62 = arith.constant 8 : i32
      %mul3A_63 = arith.muli %mul3A_62, %arg1 : i32
      %run_scoped3A = arith.constant 0 : i32
      "tpu.region"() ({
        %run_scoped3A_73 = tpu.sem_alloc : memref<!tpu.dma_semaphore, #tpu.memory_space<semaphore_mem>>
        %dma_start3A = arith.constant 0 : i32
        %dma_start3A_74 = arith.constant 0 : i32
        %dma_start3A_75 = tpu.memref_slice %arg12[%run_scoped3A, %dma_start3A, %dma_start3A_74] : memref<16x48x256xf32, #tpu.memory_space<vmem_shared>> -> memref<1x48x256xf32, #tpu.memory_space<vmem_shared>>
        %dma_start3A_76 = tpu.memref_squeeze %dma_start3A_75 : memref<1x48x256xf32, #tpu.memory_space<vmem_shared>> -> memref<48x256xf32, #tpu.memory_space<vmem_shared>>
        %dma_start3A_77 = arith.constant 0 : i32
        %dma_start3A_78 = tpu.memref_slice %dma_start3A_76[%mul3A_63, %dma_start3A_77] : memref<48x256xf32, #tpu.memory_space<vmem_shared>> -> memref<8x256xf32, #tpu.memory_space<vmem_shared>>
        %dma_start3A_79 = arith.constant 0 : i32
        %dma_start3A_80 = arith.constant 0 : i32
        %dma_start3A_81 = tpu.memref_slice %arg12[%run_scoped3A, %dma_start3A_79, %dma_start3A_80] : memref<16x48x256xf32, #tpu.memory_space<vmem_shared>> -> memref<1x48x256xf32, #tpu.memory_space<vmem_shared>>
        %dma_start3A_82 = tpu.memref_squeeze %dma_start3A_81 : memref<1x48x256xf32, #tpu.memory_space<vmem_shared>> -> memref<48x256xf32, #tpu.memory_space<vmem_shared>>
        %dma_start3A_83 = arith.constant 0 : i32
        %dma_start3A_84 = tpu.memref_slice %dma_start3A_82[%mul3A_63, %dma_start3A_83] : memref<48x256xf32, #tpu.memory_space<vmem_shared>> -> memref<8x256xf32, #tpu.memory_space<vmem_shared>>
        tpu.enqueue_dma source(%dma_start3A_84 : memref<8x256xf32, #tpu.memory_space<vmem_shared>>) target(%arg10 : memref<8x256xf32, #tpu.memory_space<vmem>>) target_semaphore(%run_scoped3A_73 : memref<!tpu.dma_semaphore, #tpu.memory_space<semaphore_mem>>)
        %dma_wait3A = arith.constant 0 : i32
        %dma_wait3A_85 = arith.constant 0 : i32
        %dma_wait3A_86 = tpu.memref_slice %arg12[%run_scoped3A, %dma_wait3A, %dma_wait3A_85] : memref<16x48x256xf32, #tpu.memory_space<vmem_shared>> -> memref<1x48x256xf32, #tpu.memory_space<vmem_shared>>
        %dma_wait3A_87 = tpu.memref_squeeze %dma_wait3A_86 : memref<1x48x256xf32, #tpu.memory_space<vmem_shared>> -> memref<48x256xf32, #tpu.memory_space<vmem_shared>>
        %dma_wait3A_88 = arith.constant 0 : i32
        %dma_wait3A_89 = tpu.memref_slice %dma_wait3A_87[%mul3A_63, %dma_wait3A_88] : memref<48x256xf32, #tpu.memory_space<vmem_shared>> -> memref<8x256xf32, #tpu.memory_space<vmem_shared>>
        %dma_wait3A_90 = arith.constant 0 : i32
        %dma_wait3A_91 = arith.constant 0 : i32
        %dma_wait3A_92 = tpu.memref_slice %arg12[%run_scoped3A, %dma_wait3A_90, %dma_wait3A_91] : memref<16x48x256xf32, #tpu.memory_space<vmem_shared>> -> memref<1x48x256xf32, #tpu.memory_space<vmem_shared>>
        %dma_wait3A_93 = tpu.memref_squeeze %dma_wait3A_92 : memref<1x48x256xf32, #tpu.memory_space<vmem_shared>> -> memref<48x256xf32, #tpu.memory_space<vmem_shared>>
        %dma_wait3A_94 = arith.constant 0 : i32
        %dma_wait3A_95 = tpu.memref_slice %dma_wait3A_93[%mul3A_63, %dma_wait3A_94] : memref<48x256xf32, #tpu.memory_space<vmem_shared>> -> memref<8x256xf32, #tpu.memory_space<vmem_shared>>
        tpu.wait_dma2 semaphore(%run_scoped3A_73 : memref<!tpu.dma_semaphore, #tpu.memory_space<semaphore_mem>>) src(%dma_wait3A_95 : memref<8x256xf32, #tpu.memory_space<vmem_shared>>) dst(%arg10 : memref<8x256xf32, #tpu.memory_space<vmem>>)
        tpu.yield
      }) : () -> ()
      %scan3A_64 = arith.constant 0 : i32
      %scan3A_65 = arith.constant 1 : i32
      %scan3A_66 = arith.constant 15 : i32
      %scan3A_67 = arith.addi %scan3A_65, %scan3A_66 : i32
      %scan3A_68 = arith.constant 1 : i32
      %scan3A_69 = scf.for %scan3A_73 = %scan3A_65 to %scan3A_67 step %scan3A_68 iter_args(%scan3A_74 = %scan3A_64) -> (i32)  : i32 {
        %mul3A_75 = arith.constant 8 : i32
        %mul3A_76 = arith.muli %mul3A_75, %arg1 : i32
        "tpu.region"() ({
          %run_scoped3A_85 = tpu.sem_alloc : memref<!tpu.dma_semaphore, #tpu.memory_space<semaphore_mem>>
          %dma_start3A = arith.constant 0 : i32
          %dma_start3A_86 = arith.constant 0 : i32
          %dma_start3A_87 = tpu.memref_slice %arg12[%scan3A_73, %dma_start3A, %dma_start3A_86] : memref<16x48x256xf32, #tpu.memory_space<vmem_shared>> -> memref<1x48x256xf32, #tpu.memory_space<vmem_shared>>
          %dma_start3A_88 = tpu.memref_squeeze %dma_start3A_87 : memref<1x48x256xf32, #tpu.memory_space<vmem_shared>> -> memref<48x256xf32, #tpu.memory_space<vmem_shared>>
          %dma_start3A_89 = arith.constant 0 : i32
          %dma_start3A_90 = tpu.memref_slice %dma_start3A_88[%mul3A_76, %dma_start3A_89] : memref<48x256xf32, #tpu.memory_space<vmem_shared>> -> memref<8x256xf32, #tpu.memory_space<vmem_shared>>
          %dma_start3A_91 = arith.constant 0 : i32
          %dma_start3A_92 = arith.constant 0 : i32
          %dma_start3A_93 = tpu.memref_slice %arg12[%scan3A_73, %dma_start3A_91, %dma_start3A_92] : memref<16x48x256xf32, #tpu.memory_space<vmem_shared>> -> memref<1x48x256xf32, #tpu.memory_space<vmem_shared>>
          %dma_start3A_94 = tpu.memref_squeeze %dma_start3A_93 : memref<1x48x256xf32, #tpu.memory_space<vmem_shared>> -> memref<48x256xf32, #tpu.memory_space<vmem_shared>>
          %dma_start3A_95 = arith.constant 0 : i32
          %dma_start3A_96 = tpu.memref_slice %dma_start3A_94[%mul3A_76, %dma_start3A_95] : memref<48x256xf32, #tpu.memory_space<vmem_shared>> -> memref<8x256xf32, #tpu.memory_space<vmem_shared>>
          tpu.enqueue_dma source(%dma_start3A_96 : memref<8x256xf32, #tpu.memory_space<vmem_shared>>) target(%arg11 : memref<8x256xf32, #tpu.memory_space<vmem>>) target_semaphore(%run_scoped3A_85 : memref<!tpu.dma_semaphore, #tpu.memory_space<semaphore_mem>>)
          %dma_wait3A = arith.constant 0 : i32
          %dma_wait3A_97 = arith.constant 0 : i32
          %dma_wait3A_98 = tpu.memref_slice %arg12[%scan3A_73, %dma_wait3A, %dma_wait3A_97] : memref<16x48x256xf32, #tpu.memory_space<vmem_shared>> -> memref<1x48x256xf32, #tpu.memory_space<vmem_shared>>
          %dma_wait3A_99 = tpu.memref_squeeze %dma_wait3A_98 : memref<1x48x256xf32, #tpu.memory_space<vmem_shared>> -> memref<48x256xf32, #tpu.memory_space<vmem_shared>>
          %dma_wait3A_100 = arith.constant 0 : i32
          %dma_wait3A_101 = tpu.memref_slice %dma_wait3A_99[%mul3A_76, %dma_wait3A_100] : memref<48x256xf32, #tpu.memory_space<vmem_shared>> -> memref<8x256xf32, #tpu.memory_space<vmem_shared>>
          %dma_wait3A_102 = arith.constant 0 : i32
          %dma_wait3A_103 = arith.constant 0 : i32
          %dma_wait3A_104 = tpu.memref_slice %arg12[%scan3A_73, %dma_wait3A_102, %dma_wait3A_103] : memref<16x48x256xf32, #tpu.memory_space<vmem_shared>> -> memref<1x48x256xf32, #tpu.memory_space<vmem_shared>>
          %dma_wait3A_105 = tpu.memref_squeeze %dma_wait3A_104 : memref<1x48x256xf32, #tpu.memory_space<vmem_shared>> -> memref<48x256xf32, #tpu.memory_space<vmem_shared>>
          %dma_wait3A_106 = arith.constant 0 : i32
          %dma_wait3A_107 = tpu.memref_slice %dma_wait3A_105[%mul3A_76, %dma_wait3A_106] : memref<48x256xf32, #tpu.memory_space<vmem_shared>> -> memref<8x256xf32, #tpu.memory_space<vmem_shared>>
          tpu.wait_dma2 semaphore(%run_scoped3A_85 : memref<!tpu.dma_semaphore, #tpu.memory_space<semaphore_mem>>) src(%dma_wait3A_107 : memref<8x256xf32, #tpu.memory_space<vmem_shared>>) dst(%arg11 : memref<8x256xf32, #tpu.memory_space<vmem>>)
          tpu.yield
        }) : () -> ()
        %scan3A_77 = arith.constant 0 : i32
        %scan3A_78 = arith.constant 0 : i32
        %scan3A_79 = arith.constant 8 : i32
        %scan3A_80 = arith.addi %scan3A_78, %scan3A_79 : i32
        %scan3A_81 = arith.constant 1 : i32
        %scan3A_82 = scf.for %scan3A_85 = %scan3A_78 to %scan3A_80 step %scan3A_81 iter_args(%scan3A_86 = %scan3A_77) -> (i32)  : i32 {
          %scan3A_87 = arith.constant 0 : i32
          %scan3A_88 = arith.constant 0 : i32
          %scan3A_89 = arith.constant 16 : i32
          %scan3A_90 = arith.addi %scan3A_88, %scan3A_89 : i32
          %scan3A_91 = arith.constant 1 : i32
          %scan3A_92 = scf.for %scan3A_95 = %scan3A_88 to %scan3A_90 step %scan3A_91 iter_args(%scan3A_96 = %scan3A_87) -> (i32)  : i32 {
            %mul3A_97 = arith.constant 16 : i32
            %mul3A_98 = arith.muli %scan3A_95, %mul3A_97 : i32
            %get3A = arith.index_cast %scan3A_85 : i32 to index
            %get3A_99 = arith.index_cast %mul3A_98 : i32 to index
            %get3A_100 = tpu.vector_load %arg10[%get3A, %get3A_99] {strides = array<i32>} : memref<8x256xf32, #tpu.memory_space<vmem>>, vector<16xf32>,
            %mul3A_101 = arith.constant 16 : i32
            %mul3A_102 = arith.muli %scan3A_95, %mul3A_101 : i32
            %get3A_103 = arith.index_cast %scan3A_85 : i32 to index
            %get3A_104 = arith.index_cast %mul3A_102 : i32 to index
            %get3A_105 = tpu.vector_load %arg11[%get3A_103, %get3A_104] {strides = array<i32>} : memref<8x256xf32, #tpu.memory_space<vmem>>, vector<16xf32>,
            %add3A = arith.addf %get3A_100, %get3A_105 : vector<16xf32>
            %mul3A_106 = arith.constant 16 : i32
            %mul3A_107 = arith.muli %scan3A_95, %mul3A_106 : i32
            %swap3A = arith.index_cast %scan3A_85 : i32 to index
            %swap3A_108 = arith.index_cast %mul3A_107 : i32 to index
            %swap3A_109 = tpu.vector_load %arg10[%swap3A, %swap3A_108] {strides = array<i32>} : memref<8x256xf32, #tpu.memory_space<vmem>>, vector<16xf32>,
            tpu.vector_store %arg10[%swap3A, %swap3A_108], %add3A {strides = array<i32>} : memref<8x256xf32, #tpu.memory_space<vmem>>, vector<16xf32>,
            %scan3A_110 = arith.constant 0 : i32
            scf.yield %scan3A_110 : i32
          }
          %scan3A_93 = arith.constant 16 : i32
          %scan3A_94 = arith.constant 0 : i32
          scf.yield %scan3A_94 : i32
        }
        %scan3A_83 = arith.constant 8 : i32
        %scan3A_84 = arith.constant 0 : i32
        scf.yield %scan3A_84 : i32
      }
      %scan3A_70 = arith.constant 15 : i32
      %mul3A_71 = arith.constant 8 : i32
      %mul3A_72 = arith.muli %mul3A_71, %arg1 : i32
      "tpu.region"() ({
        %run_scoped3A_73 = tpu.sem_alloc : memref<!tpu.dma_semaphore, #tpu.memory_space<semaphore_mem>>
        %dma_start3A = arith.constant 0 : i32
        %dma_start3A_74 = tpu.memref_slice %arg14[%mul3A_72, %dma_start3A] : memref<48x256xf32, #tpu.memory_space<vmem_shared>> -> memref<8x256xf32, #tpu.memory_space<vmem_shared>>
        %dma_start3A_75 = arith.constant 0 : i32
        %dma_start3A_76 = tpu.memref_slice %arg14[%mul3A_72, %dma_start3A_75] : memref<48x256xf32, #tpu.memory_space<vmem_shared>> -> memref<8x256xf32, #tpu.memory_space<vmem_shared>>
        tpu.enqueue_dma source(%arg10 : memref<8x256xf32, #tpu.memory_space<vmem>>) target(%dma_start3A_76 : memref<8x256xf32, #tpu.memory_space<vmem_shared>>) target_semaphore(%run_scoped3A_73 : memref<!tpu.dma_semaphore, #tpu.memory_space<semaphore_mem>>)
        %dma_wait3A = arith.constant 0 : i32
        %dma_wait3A_77 = tpu.memref_slice %arg14[%mul3A_72, %dma_wait3A] : memref<48x256xf32, #tpu.memory_space<vmem_shared>> -> memref<8x256xf32, #tpu.memory_space<vmem_shared>>
        %dma_wait3A_78 = arith.constant 0 : i32
        %dma_wait3A_79 = tpu.memref_slice %arg14[%mul3A_72, %dma_wait3A_78] : memref<48x256xf32, #tpu.memory_space<vmem_shared>> -> memref<8x256xf32, #tpu.memory_space<vmem_shared>>
        tpu.wait_dma2 semaphore(%run_scoped3A_73 : memref<!tpu.dma_semaphore, #tpu.memory_space<semaphore_mem>>) src(%arg10 : memref<8x256xf32, #tpu.memory_space<vmem>>) dst(%dma_wait3A_79 : memref<8x256xf32, #tpu.memory_space<vmem_shared>>)
        tpu.yield
      }) : () -> ()
    } else {
    }
    %barrier3A_55 = arith.constant 0 : index
    tpu.barrier barrier_id(%barrier3A_55)
    %eq3A_56 = arith.constant 0 : i32
    %eq3A_57 = arith.cmpi eq, %arg0, %eq3A_56 : i32
    %and3A_58 = arith.andi %eq3A_0, %eq3A_57 : i1
    %convert_element_type3A_59 = arith.extui %and3A_58 : i1 to i32
    %cond3A_60 = arith.constant 0 : i32
    %cond3A_61 = arith.cmpi ne, %convert_element_type3A_59, %cond3A_60 : i32
    scf.if %cond3A_61 {
      "tpu.region"() ({
        %run_scoped3A = tpu.sem_alloc : memref<!tpu.dma_semaphore, #tpu.memory_space<semaphore_mem>>
        tpu.enqueue_dma source(%arg14 : memref<48x256xf32, #tpu.memory_space<vmem_shared>>) target(%arg5 : memref<48x256xf32, #tpu.memory_space<hbm>>) target_semaphore(%run_scoped3A : memref<!tpu.dma_semaphore, #tpu.memory_space<semaphore_mem>>)
        tpu.wait_dma2 semaphore(%run_scoped3A : memref<!tpu.dma_semaphore, #tpu.memory_space<semaphore_mem>>) src(%arg14 : memref<48x256xf32, #tpu.memory_space<vmem_shared>>) dst(%arg5 : memref<48x256xf32, #tpu.memory_space<hbm>>)
        tpu.yield
      }) : () -> ()
    } else {
    }
    return
  }
}

module attributes {stable_mosaic.version = 14 : i64} {
  func.func @_gru_body(%arg0: memref<96x128x10xf32, #tpu.memory_space<vmem>>, %arg1: memref<10x192xf32, #tpu.memory_space<vmem>>, %arg2: memref<64x192xf32, #tpu.memory_space<vmem>>, %arg3: memref<1x192xf32, #tpu.memory_space<vmem>>, %arg4: memref<1x192xf32, #tpu.memory_space<vmem>>, %arg5: memref<128x64xf32, #tpu.memory_space<vmem>>) attributes {dimension_semantics = [], scalar_prefetch = 0 : i64, scratch_operands = 0 : i64, tpu.core_type = #tpu.core_type<tc>} {
    %get3A = arith.constant 0 : index
    %get3A_0 = arith.constant 0 : index
    %get3A_1 = vector.load %arg3[%get3A, %get3A_0] : memref<1x192xf32, #tpu.memory_space<vmem>>, vector<1x192xf32>
    %get3A_2 = arith.constant 0 : index
    %get3A_3 = arith.constant 0 : index
    %get3A_4 = vector.load %arg4[%get3A_2, %get3A_3] : memref<1x192xf32, #tpu.memory_space<vmem>>, vector<1x192xf32>
    %get3A_5 = arith.constant 0 : index
    %get3A_6 = arith.constant 0 : index
    %get3A_7 = vector.load %arg1[%get3A_5, %get3A_6] : memref<10x192xf32, #tpu.memory_space<vmem>>, vector<10x192xf32>
    %get3A_8 = arith.constant 0 : index
    %get3A_9 = arith.constant 0 : index
    %get3A_10 = vector.load %arg2[%get3A_8, %get3A_9] : memref<64x192xf32, #tpu.memory_space<vmem>>, vector<64x192xf32>
    %broadcast_in_dim3A = arith.constant 0.000000e+00 : f32
    %broadcast_in_dim3A_11 = vector.broadcast %broadcast_in_dim3A : f32 to vector<128x64xf32>
    %scan3A = arith.constant 0 : i32
    %scan3A_12 = arith.constant 96 : i32
    %scan3A_13 = arith.addi %scan3A, %scan3A_12 : i32
    %scan3A_14 = arith.constant 1 : i32
    %scan3A_15 = scf.for %scan3A_19 = %scan3A to %scan3A_13 step %scan3A_14 iter_args(%scan3A_20 = %broadcast_in_dim3A_11) -> (vector<128x64xf32>)  : i32 {
      %get3A_21 = arith.index_cast %scan3A_19 : i32 to index
      %get3A_22 = arith.constant 0 : index
      %get3A_23 = arith.constant 0 : index
      %get3A_24 = vector.load %arg0[%get3A_21, %get3A_22, %get3A_23] : memref<96x128x10xf32, #tpu.memory_space<vmem>>, vector<1x128x10xf32>
      %get3A_25 = vector.shape_cast %get3A_24 : vector<1x128x10xf32> to vector<128x10xf32>
      %dot_general3A = arith.constant dense<0.000000e+00> : vector<128x192xf32>
      %dot_general3A_26 = tpu.matmul %get3A_25, %get3A_7, %dot_general3A {dimension_numbers = #tpu.dot_dimension_numbers<[1], [0], [0], [1], [0, 0, 1, 1], [], []>, transpose_lhs_hint = false} : vector<128x10xf32>, vector<10x192xf32>, vector<128x192xf32> -> vector<128x192xf32>
      %add3A = vector.broadcast %get3A_1 : vector<1x192xf32> to vector<128x192xf32>
      %add3A_27 = arith.addf %dot_general3A_26, %add3A : vector<128x192xf32>
      %dot_general3A_28 = arith.constant dense<0.000000e+00> : vector<128x192xf32>
      %dot_general3A_29 = tpu.matmul %scan3A_20, %get3A_10, %dot_general3A_28 {dimension_numbers = #tpu.dot_dimension_numbers<[1], [0], [0], [1], [0, 0, 1, 1], [], []>, transpose_lhs_hint = false} : vector<128x64xf32>, vector<64x192xf32>, vector<128x192xf32> -> vector<128x192xf32>
      %add3A_30 = vector.broadcast %get3A_4 : vector<1x192xf32> to vector<128x192xf32>
      %add3A_31 = arith.addf %dot_general3A_29, %add3A_30 : vector<128x192xf32>
      %slice3A = vector.extract_strided_slice %add3A_27 {offsets = [0, 0], sizes = [128, 64], strides = [1, 1]} : vector<128x192xf32> to vector<128x64xf32>
      %slice3A_32 = vector.extract_strided_slice %add3A_27 {offsets = [0, 64], sizes = [128, 64], strides = [1, 1]} : vector<128x192xf32> to vector<128x64xf32>
      %slice3A_33 = vector.extract_strided_slice %add3A_27 {offsets = [0, 128], sizes = [128, 64], strides = [1, 1]} : vector<128x192xf32> to vector<128x64xf32>
      %slice3A_34 = vector.extract_strided_slice %add3A_31 {offsets = [0, 0], sizes = [128, 64], strides = [1, 1]} : vector<128x192xf32> to vector<128x64xf32>
      %slice3A_35 = vector.extract_strided_slice %add3A_31 {offsets = [0, 64], sizes = [128, 64], strides = [1, 1]} : vector<128x192xf32> to vector<128x64xf32>
      %slice3A_36 = vector.extract_strided_slice %add3A_31 {offsets = [0, 128], sizes = [128, 64], strides = [1, 1]} : vector<128x192xf32> to vector<128x64xf32>
      %add3A_37 = arith.addf %slice3A, %slice3A_34 : vector<128x64xf32>
      %logistic3A = arith.negf %add3A_37 : vector<128x64xf32>
      %logistic3A_38 = math.exp %logistic3A : vector<128x64xf32>
      %logistic3A_39 = arith.constant 1.000000e+00 : f32
      %logistic3A_40 = vector.broadcast %logistic3A_39 : f32 to vector<128x64xf32>
      %logistic3A_41 = arith.addf %logistic3A_40, %logistic3A_38 : vector<128x64xf32>
      %logistic3A_42 = arith.divf %logistic3A_40, %logistic3A_41 : vector<128x64xf32>
      %add3A_43 = arith.addf %slice3A_32, %slice3A_35 : vector<128x64xf32>
      %logistic3A_44 = arith.negf %add3A_43 : vector<128x64xf32>
      %logistic3A_45 = math.exp %logistic3A_44 : vector<128x64xf32>
      %logistic3A_46 = arith.constant 1.000000e+00 : f32
      %logistic3A_47 = vector.broadcast %logistic3A_46 : f32 to vector<128x64xf32>
      %logistic3A_48 = arith.addf %logistic3A_47, %logistic3A_45 : vector<128x64xf32>
      %logistic3A_49 = arith.divf %logistic3A_47, %logistic3A_48 : vector<128x64xf32>
      %mul3A = arith.mulf %logistic3A_42, %slice3A_36 : vector<128x64xf32>
      %add3A_50 = arith.addf %slice3A_33, %mul3A : vector<128x64xf32>
      %tanh3A = math.tanh %add3A_50 : vector<128x64xf32>
      %sub3A = arith.constant 1.000000e+00 : f32
      %sub3A_51 = vector.broadcast %sub3A : f32 to vector<128x64xf32>
      %sub3A_52 = arith.subf %sub3A_51, %logistic3A_49 : vector<128x64xf32>
      %mul3A_53 = arith.mulf %sub3A_52, %tanh3A : vector<128x64xf32>
      %mul3A_54 = arith.mulf %logistic3A_49, %scan3A_20 : vector<128x64xf32>
      %add3A_55 = arith.addf %mul3A_53, %mul3A_54 : vector<128x64xf32>
      scf.yield %add3A_55 : vector<128x64xf32>
    }
    %scan3A_16 = arith.constant 96 : i32
    %swap3A = arith.constant 0 : index
    %swap3A_17 = arith.constant 0 : index
    %swap3A_18 = vector.load %arg5[%swap3A, %swap3A_17] : memref<128x64xf32, #tpu.memory_space<vmem>>, vector<128x64xf32>
    tpu.vector_store %arg5[%swap3A, %swap3A_17], %scan3A_15 {strides = array<i32>} : memref<128x64xf32, #tpu.memory_space<vmem>>, vector<128x64xf32>,
    return
  }
}

</mosaic_0001>

<sc_bundles>
// kernel: gather_offload_async_start.1
scs
__scs_entry_jumppad:
0x0: {  	(pc) =	sbr.rel $0x88, $3  }
0x1: {  	(tag) =	ssettag $0x0;
	lr =	simm.s32 $0x1  }
0x2: {  	[smem:$0x3F8A] =	sst lr;
	_ =	strace $0xD0000000  }
0x3: {  	_ = 	snop  }
0x4: {  	_ = 	snop  }
0x5: {  	_ = 	snop  }
0x6: {  	_ = 	snop  }
0x7: {  	_ = 	snop  }
__scs_overlays_trampoline_lowered:
0x8: {  	[smem:$0x3F99] =	sst s0  }
0x9: {  	[smem:$0x3F9A] =	sst s1  }
0xa: {  	[smem:$0x3F9B] =	sst s2  }
0xb: {  	[smem:$0x3F9C] =	sst s3  }
0xc: {  	[smem:$0x3F9D] =	sst s4  }
0xd: {  	[smem:$0x3F9E] =	sst s5  }
0xe: {  	[smem:$0x3F9F] =	sst s6  }
0xf: {  	[smem:$0x3FA0] =	sst s7  }
0x10: {  	[smem:$0x3FA1] =	sst s8  }
0x11: {  	[smem:$0x3FA2] =	sst s9;
	s0 =	simm.s32 @!p0 $0x0  }
0x12: {  	s1 =	sld [smem:$0x3F88];
	s0 =	simm.s32 @p0 $0x1  }
0x13: {  	[smem:$0x3FA3] =	sst s0;
	s0 =	simm.s32 @!p1 $0x0  }
0x14: {  	s2 =	sld [smem:$0x3F87];
	s0 =	simm.s32 @p1 $0x1  }
0x15: {  	[smem:$0x3FA4] =	sst s0;
	s0 =	simm.s32 @!p2 $0x0  }
0x16: {  	s3 =	sld [smem:$0x3FDB];
	s0 =	simm.s32 @p2 $0x1  }
0x17: {  	s4 =	simm.s32 $0x1BF5;
	[smem:$0x3FA6] =	sst s0  }
0x18: {  	s0 =	sld [smem:$0x3F89];
	_ =	swait.ge [sflag:s4], $0x0  }
0x19: {  	s7 =	sld [smem:$0x3F8A]  }
0x1a: {  	s8 =	sadd.s32 $0xFFFFE003, lr  }
0x1b: {  	s9 =	sadd.s32 $0xFFFFFEF7, lr;
	s5 =	simm.s32 $0xFFFFFFFF;
	p2 =	slt.u32 s8, $0xFFFFF086  }
0x1c: {  	p1 =	slt.u32 s9, $0xF7A;
	s5 =	simm.s32 @!p2 $0x0  }
0x1d: {  	s5 =	simm.s32 @p1 $0x1;
	p0 =	seq.s32 s7, s2  }
0x1e: {  	s7 =	smul.u32 @!p0 $0xF7A, s2;
	p2 =	seq.s32 @!p0 s5, $0x0  }
0x1f: {  	s9 =	smul.u32 $0xF7A, s1;
	s8 =	simm.s32 @!p0 $0x1BF5;
	p2 =	por !p2, p0  }
0x20: {  	[sflag:s8] =	ssyncset.s32 @!p0 $0xFFFFF086;
	s6 =	sadd.s32 @!p0 s3, s7;
	s7 =	simm.s32 @!p0 $0x108  }
0x21: {  	s3 =	sadd.s32 s3, s9;
	s6 =	sadd.s32 @!p0 $0x88, s6;
	s7 =	simm.s32 @p2 $0x1082  }
0x22: {  	[simem:s7], [sflag:s8] =	dma.local @!p0 [hbm:s6], $0xF7A  }
0x23: {  	s9 =	sor.u32 $0xD0000000, s2;
	s6 =	simm.s32 $0x108;
	_ =	swait.ge @!p0 [sflag:s8], $0x0  }
0x24: {  	s3 =	sadd.s32 $0x88, s3;
	s6 =	simm.s32 @!p1 $0x1082;
	[sflag:s4] =	ssyncset.s32 $0xFFFFF086  }
0x25: {  	[simem:s6], [sflag:s4] =	dma.local [hbm:s3], $0xF7A  }
0x26: {  	[smem:$0x3F8A] =	sst s1;
	(tag) =	ssettag s2;
	_ =	strace s9  }
0x27: {  	s1 =	sld [smem:$0x3F9A]  }
0x28: {  	s2 =	sld [smem:$0x3F9B]  }
0x29: {  	s4 =	sld [smem:$0x3F9D]  }
0x2a: {  	p0 =	seq.s32 s5, $0x0;
	s5 =	sld [smem:$0x3F9E]  }
0x2b: {  	s6 =	sld [smem:$0x3F9F]  }
0x2c: {  	s7 =	sld [smem:$0x3FA0]  }
0x2d: {  	s3 =	simm.s32 $0x108;
	s8 =	sld [smem:$0x3FA1]  }
0x2e: {  	s3 =	simm.s32 @!p0 $0x1082;
	s9 =	sld [smem:$0x3FA2]  }
0x2f: {  	lr =	sadd.s32 s0, s3;
	s0 =	sld [smem:$0x3F99]  }
0x30: {  	s3 =	sld [smem:$0x3F9C]  }
0x31: {  	[smem:$0x3FA5] =	sst s10  }
0x32: {  	s10 =	sld [smem:$0x3FA3];
	_ =	sdelay $0x3  }
0x33: {  	p0 =	seq.s32 s10, $0x1;
	s10 =	sld [smem:$0x3FA5];
	_ =	sdelay $0x3  }
0x34: {  	[smem:$0x3FA5] =	sst s10  }
0x35: {  	s10 =	sld [smem:$0x3FA4];
	_ =	sdelay $0x3  }
0x36: {  	p1 =	seq.s32 s10, $0x1;
	s10 =	sld [smem:$0x3FA5];
	_ =	sdelay $0x3  }
0x37: {  	[smem:$0x3FA5] =	sst s10  }
0x38: {  	s10 =	sld [smem:$0x3FA6]  }
0x39: {  	_ = 	snop;
	(pc) =	sbr.ind lr, $3  }
0x3a: {  	_ = 	snop  }
0x3b: {  	_ = 	snop  }
0x3c: {  	p2 =	seq.s32 s10, $0x1;
	s10 =	sld [smem:$0x3FA5]  }
0x3d: {  	_ =	shalt  }
0x3e: {  	_ =	shalt  }
0x3f: {  	_ =	shalt  }
0x40: {  	_ =	shalt  }
0x41: {  	_ =	shalt  }
0x42: {  	_ =	shalt  }
0x43: {  	_ =	shalt  }
0x44: {  	_ =	shalt  }
0x45: {  	_ =	shalt  }
0x46: {  	_ =	shalt  }
0x47: {  	_ =	shalt  }
0x48: {  	_ =	shalt  }
0x49: {  	_ =	shalt  }
0x4a: {  	_ =	shalt  }
0x4b: {  	_ =	shalt  }
0x4c: {  	_ =	shalt  }
0x4d: {  	_ =	shalt  }
0x4e: {  	_ =	shalt  }
0x4f: {  	_ =	shalt  }
0x50: {  	_ =	shalt  }
0x51: {  	_ =	shalt  }
0x52: {  	_ =	shalt  }
0x53: {  	_ =	shalt  }
0x54: {  	_ =	shalt  }
0x55: {  	_ =	shalt  }
0x56: {  	_ =	shalt  }
0x57: {  	_ =	shalt  }
0x58: {  	_ =	shalt  }
0x59: {  	_ =	shalt  }
0x5a: {  	_ =	shalt  }
0x5b: {  	_ =	shalt  }
0x5c: {  	_ =	shalt  }
0x5d: {  	_ =	shalt  }
0x5e: {  	_ =	shalt  }
0x5f: {  	_ =	shalt  }
0x60: {  	_ =	shalt  }
0x61: {  	_ =	shalt  }
0x62: {  	_ =	shalt  }
0x63: {  	_ =	shalt  }
0x64: {  	_ =	shalt  }
0x65: {  	_ =	shalt  }
0x66: {  	_ =	shalt  }
0x67: {  	_ =	shalt  }
0x68: {  	_ =	shalt  }
0x69: {  	_ =	shalt  }
0x6a: {  	_ =	shalt  }
0x6b: {  	_ =	shalt  }
0x6c: {  	_ =	shalt  }
0x6d: {  	_ =	shalt  }
0x6e: {  	_ =	shalt  }
0x6f: {  	_ =	shalt  }
0x70: {  	_ =	shalt  }
0x71: {  	_ =	shalt  }
0x72: {  	_ =	shalt  }
0x73: {  	_ =	shalt  }
0x74: {  	_ =	shalt  }
0x75: {  	_ =	shalt  }
0x76: {  	_ =	shalt  }
0x77: {  	_ =	shalt  }
0x78: {  	_ =	shalt  }
0x79: {  	_ =	shalt  }
0x7a: {  	_ =	shalt  }
0x7b: {  	_ =	shalt  }
0x7c: {  	_ =	shalt  }
0x7d: {  	_ =	shalt  }
0x7e: {  	_ =	shalt  }
0x7f: {  	_ =	shalt  }
0x80: {  	_ =	shalt  }
0x81: {  	_ =	shalt  }
0x82: {  	_ =	shalt  }
0x83: {  	_ =	shalt  }
0x84: {  	_ =	shalt  }
0x85: {  	_ =	shalt  }
0x86: {  	_ =	shalt  }
0x87: {  	_ =	shalt  }
.Lfunc_end0:
.L_simem_size_0:
called_computation.4_lowered:
.L_overlay_start_0:
0x88: {  	s2 =	sld [smem:$0x3FD9]  }
0x89: {  	s3 =	sld [smem:$0x3FFE];
	_ =	sdelay $0x1  }
0x8a: {  	s1 =	srdreg.scid  }
0x8b: {  	s0 =	sand.u32 $0x1, s1  }
0x8c: {  	s17 =	sshll.u32 s0, $0xA;
	s2 =	sadd.s32 s3, s2  }
0x8d: {  	s2 =	sadd.s32 s2, s17  }
0x8e: {  	[smem:$0x3FB1] =	sst s2  }
0x8f: {  	_ = 	snop  }
0x90: {  	s18 =	sld [smem:$0x3FD0];
	(tm) =	ssettm $0x1  }
0x91: {  	s19 =	sld [smem:$0x3FFB];
	_ =	sdelay $0x3  }
0x92: {  	_ =	strace s19  }
0x93: {  	s2 =	sld [smem:$0x3FFC];
	_ =	sdelay $0x3  }
0x94: {  	_ =	strace s2  }
0x95: {  	s2 =	sld [smem:$0x3FFD];
	_ =	sdelay $0x3  }
0x96: {  	_ =	strace s2  }
0x97: {  	_ =	strace $0x8FFFFFFF  }
0x98: {  	s20 =	sld [smem:$0x3FDB];
	_ =	sdelay $0x1  }
0x99: {  	s4 =	simm.s32 $_scs_section_size  }
0x9a: {  	s5 =	simm.s32 $_size__tile_overlayer_lowered;
	s6 =	simm.s32 $_tile_overlayer_lowered  }
0x9b: {  	s7 =	simm.s32 $0x1BFF;
	s21 =	sshll.u32 s6, $0x1;
	s4 =	sadd.s32 s4, s20  }
0x9c: {  	s22 =	simm.s32 $0x0;
	s5 =	sshll.u32 s5, $0x1;
	s6 =	sadd.s32 s21, s4  }
0x9d: {  	[timem:s22], [sflag:s7] =	dma.local [hbm:s6], s5  }
0x9e: {  	_ =	swait.ge [sflag:s7], s5  }
0x9f: {  	s5 =	ssub.s32 $0x0, s5;
	[sflag:s7] =	ssyncset.done $0x0  }
0xa0: {  	[sflag:s7] =	ssyncadd.s32 s5;
	_ =	sdelay $0x1  }
0xa1: {  	s23 =	simm.s32 $0x1B8B  }
0xa2: {  	_ =	swait.ge [sflag:s23], $0x1  }
0xa3: {  	[sflag:s23] =	ssyncset.done $0x0  }
0xa4: {  	[sflag:s23] =	ssyncadd.s32 $0xFFFFFFFF  }
0xa5: {  	s5 =	sld [smem:$0x0]  }
0xa6: {  	s6 =	sand.u32 $0xFFFFFFFE, s1  }
0xa7: {  	p0 =	sne.s32 s1, s6  }
0xa8: {  	s6 =	sshll.u32 @p0 s6, $0xE  }
0xa9: {  	s6 =	sadd.s32 @p0 $0x11B8D, s6;
	s7 =	sshll.u32 @p0 s5, $0x11  }
0xaa: {  	s6 =	sor.u32 @p0 s7, s6  }
0xab: {  	[sflag:s6] =	ssyncadd.remote.s32 @p0 $0x1;
	_ =	sdelay $0x1  }
0xac: {  	s6 =	simm.s32 @p0 $0x1B8D  }
0xad: {  	_ =	swait.eq @p0 [sflag:s6], $0x1  }
0xae: {  	[sflag:s6] =	ssyncadd.s32 @p0 $0xFFFFFFFF  }
0xaf: {  	s7 =	sshll.u32 @!p0 s1, $0xE  }
0xb0: {  	s7 =	sor.u32 @!p0 $0x4000, s7;
	s6 =	simm.s32 @!p0 $0x1B8D  }
0xb1: {  	s5 =	sshll.u32 @!p0 s5, $0x11;
	s7 =	sadd.s32 @!p0 $0x11B8D, s7;
	_ =	swait.eq @!p0 [sflag:s6], $0x1  }
0xb2: {  	s5 =	sor.u32 @!p0 s5, s7;
	[sflag:s6] =	ssyncadd.s32 @!p0 $0xFFFFFFFF  }
0xb3: {  	s25 =	simm.s32 $0x1B8E;
	s24 =	sld [smem:$0x3FFE];
	[sflag:s5] =	ssyncadd.remote.s32 @!p0 $0x1  }
0xb4: {  	s26 =	simm.s32 $execute0_lowered;
	[smem:$0x3FD2] =	sst s25  }
0xb5: {  	s6 =	sshll.u32 s26, $0x1;
	_ =	strace $0x80000055;
	[dreg:$0x1] =	wrdreg $0xFFFFFFFF  }
0xb6: {  	s28 =	simm.s32 $_size_execute0_lowered;
	s4 =	sadd.s32 s4, s6;
	[dreg:$0x0] =	wrdreg $0x0  }
0xb7: {  	s6 =	sshll.u32 s28, $0x1;
	[dreg:$0x2] =	wrdreg s4  }
0xb8: {  	[dreg:$0x3] =	wrdreg s6  }
0xb9: {  	[dreg:$0x4] =	wrdreg $0xC0  }
0xba: {  	_ =	task [dreg:s22], $0x5FFFF  }
0xbb: {  	[dreg:$0x1] =	wrdreg $0xFFFFFFFF  }
0xbc: {  	[dreg:$0x0] =	wrdreg $0x60  }
0xbd: {  	[dreg:$0x2] =	wrdreg s24  }
0xbe: {  	[dreg:$0x3] =	wrdreg s18  }
0xbf: {  	[dreg:$0x4] =	wrdreg $0xA  }
0xc0: {  	_ =	task.clear_ibuf [dreg:s22], $0x5FFFF;
	_ =	strace $0x90000055  }
0xc1: {  	s29 =	simm.s32 $0xA;
	_ =	strace $0x80000057  }
0xc2: {  	_ =	swait.ge [sflag:s29], $0x1  }
0xc3: {  	[sflag:s29] =	ssyncadd.s32 $0xFFFFFFFF  }
0xc4: {  	_ =	strace $0x90000057  }
0xc5: {  	_ =	sfence  }
0xc6: {  	s30 =	sld [smem:$0x0];
	_ =	sdelay $0x2  }
0xc7: {  	s31 =	sshll.u32 s1, $0xD;
	s1 =	sshrl.u32 s1, $0x2  }
0xc8: {  	s4 =	sand.u32 $0x4000, s31;
	s1 =	sadd.s32 s1, s30  }
0xc9: {  	s0 =	sor.u32 s4, s0;
	s1 =	sshll.u32 s1, $0x11  }
0xca: {  	s0 =	sor.u32 s1, s0  }
0xcb: {  	s0 =	sadd.s32 $0x8F2B, s0  }
0xcc: {  	[sflag:s0] =	ssyncadd.remote.s32 $0x1  }
0xcd: {  	_ =	sfence.sel $0xFFFF  }
0xce: {  	[dreg:$0x0] =	wrdreg $0xFFFFFFFF;
	(pc) =	sbr.abs _section_cstart, $3  }
0xcf: {  	[dreg:$0x1] =	wrdreg $0xFFFFFFFF  }
0xd0: {  	_ =	task.clear_ibuf [dreg:s22], $0x2FFFF;
	_ =	strace $0x9FFFFFFF  }
0xd1: {  	(tm) =	ssettm $0x7FFFFFFF  }
tec
execute0_lowered:
.L_overlay_start_1:
0x0: {  	(tag) =	ssettag $0x1  }
0x1: {  	s0 =	srdreg.scid  }
0x2: {  	s1 =	sshll.u32 s0, $0x4  }
0x3: {  	s0 =	stileid.u32;
	s1 =	sand.u32 $0x10, s1  }
0x4: {  	s2 =	sor.u32 s0, s1  }
0x5: {  	s1 =	smul.u32 $0x3, s2  }
0x6: {  	s3 =	smin.u32 s2, $0x1D  }
0x7: {  	s1 =	sadd.s32 s3, s1  }
0x8: {  	p0 =	slt.u32 s2, $0x1D;
	s2 =	simm.s32 $0x180;
	s1 =	smul.u32 $0x60, s1  }
0x9: {  	s2 =	simm.s32 @!p0 $0x120  }
0xa: {  	s2 =	sadd.s32 s2, s1  }
0xb: {  	s3 =	smin.u32 s2, $0x2EE0  }
0xc: {  	s7 =	ssub.s32 s3, s1  }
0xd: {  	p0 =	sgt.s32 s7, $0x0  }
0xe: {  	s7 =	simm.s32 @!p0 $0x0  }
0xf: {  	s9 =	rddreg [dreg:$0x0];
	s31 =	smul.u32 $0xAAAB, s7  }
0x10: {  	s4 =	rddreg [dreg:$0x1];
	s6 =	simm.s32 $0x1  }
0x11: {  	s11 =	simm.s32 $0x3;
	s13 =	simm.s32 $0x0;
	s8 =	sshrl.u32 s31, $0x16  }
0x12: {  	s12 =	simm.s32 $0x0;
	s5 =	sadd.s32 $0x9E400, s9;
	s10 =	smul.u32 $0x60, s8  }
.Ltmp0:
0x13: {  	s9 =	sadd.s32 $0x1F6000, s9;
	s2 =	rddreg [dreg:$0x2];
	(pc) =	sbr.rel .LBB2_1-.Ltmp0, $4  }
0x14: {  	_ =	strace $0x80000056;
	p0 =	sne.s32 s7, s10;
	s10 =	simm.s32 $0x1  }
0x15: {  	[sflag:s6] =	ssyncpa.u1 $0x0;
	s7 =	simm.s32 $0x2;
	s10 =	simm.s32 @!p0 $0x0  }
0x16: {  	[sflag:s7] =	ssyncpa.u1 $0x0;
	p0 =	por $0x0, $0x0;
	s8 =	sadd.s32 s8, s10  }
0x17: {  	vm0 =	vmmov $0xffff;
	[sflag:s11] =	ssyncpa.u1 $0x0;
	s11 =	smov.u32 s1;
	s10 =	sadd.s32 $0x1, s8  }
.LBB2_6:
0x18: {  	[hbm:s17] =	stream.linear.scatter [tilespmem:s14], [sflag:$0x3], $0x200, $0x38;
	[tilespmem:$0x180C0] =	vst v63  }
.LBB2_7:
0x19: {  	s13 =	sadd.s32 $0x60, s11  }
0x1a: {  	s15 =	smov.u32 s1;
	p2 =	slt.s32 s13, s3  }
0x1b: {  	s15 =	smov.u32 @p2 s13;
	p2 =	sne.s32 s12, s10  }
.Ltmp1:
0x1c: {  	p1 =	slt.u32 s12, $0x2;
	(pc) =	sbr.rel @!p2 .LBB2_8-.Ltmp1, $4  }
0x1d: {  	s14 =	simm.s32 @!p1 $0x3  }
0x1e: {  	s16 =	sadd.s32 $0x1, s12;
	_ =	swait.ge @!p1 [sflag:s14], $0xC000  }
0x1f: {  	p0 =	por !p0, !p0;
	s13 =	smov.u32 s11;
	[sflag:s14] =	ssyncset.done @!p1 $0x0  }
0x20: {  	s12 =	smov.u32 s16;
	s11 =	smov.u32 s15;
	[sflag:s14] =	ssyncadd.s32 @!p1 $0xFFFF4000  }
.LBB2_1:
0x21: {  	p1 =	sge.u32 s12, s8  }
0x22: {  	s14 =	sxor.u32 @!p1 $0xFFFFFFFF, s12  }
0x23: {  	s14 =	sand.u32 @!p1 $0x1, s14  }
0x24: {  	s14 =	smul.u32 @!p1 $0x180, s14  }
0x25: {  	s31 =	sadd.s32 $0xFFFFFFFF, s12;
	s15 =	sshrl.u32 @!p1 s11, $0x3  }
0x26: {  	s16 =	sand.u32 @!p1 $0x7, s11;
	s15 =	sadd.s32 @!p1 s4, s15;
	s14 =	sshrl.u32 @!p1 s14, $0x2  }
0x27: {  	[tilespmem:s14], [sflag:$0x2] =	stream.linear.gather @!p1 [hbm4b:s15+s16], $0x60, $0x38;
	[tilespmem:$0x180C0] =	vst v63  }
0x28: {  	p1 =	sge.u32 s31, s8  }
.Ltmp2:
0x29: {  	_ = 	snop;
	(pc) =	sbr.rel @p1 .LBB2_7-.Ltmp2, $1  }
0x2a: {  	_ =	sdelay $0x3  }
0x2b: {  	s14 =	simm.s32 $0x1  }
0x2c: {  	s14 =	simm.s32 @!p0 $0x0  }
0x2d: {  	s15 =	smul.u32 $0x180, s14  }
0x2e: {  	_ =	swait.ge [sflag:s7], $0x60  }
0x2f: {  	[sflag:s7] =	ssyncset.done $0x0;
	s15 =	sshrl.u32 s15, $0x2  }
0x30: {  	[sflag:s7] =	ssyncadd.s32 $0xFFFFFFA0;
	s16 =	sadd.s32 $0x0, s15  }
0x31: {  	v0 =	vld.msk [tilespmem:s16+$0x0 ss:$0x1], $0xffff;
	_ =	sdelay $0x4  }
0x32: {  	vm1 =	vgt.s32 v0, $0x0  }
0x33: {  	v0 =	vnsel vm1, $0x0, v0  }
0x34: {  	v0 =	vmin.u32 v0, $0x270F  }
0x35: {  	v0 =	vshll.u32 v0, $0x6  }
0x36: {  	s14 =	smul.u32 $0x30000, s14;
	_ =	sdelay $0x1  }
0x37: {  	s14 =	sshrl.u32 s14, $0x2  }
0x38: {  	s14 =	sor.u32 $0xC0, s14;
	s31 =	sadd.s32 $0x10, s15  }
0x39: {  	[tilespmem:s14], [sflag:$0x1] =	stream.indirect_vreg.gather [hbm:s5], $0x200, v0, vm0, $0x38;
	[tilespmem:$0x180C0] =	vst v63  }
0x3a: {  	s17 =	simm.s32 $0x80;
	s16 =	smov.u32 s14;
	v0 =	vld.msk [tilespmem:s31+$0x0 ss:$0x1], $0xffff  }
.LBB2_3:
0x3b: {  	p1 =	sne.s32 s17, $0x140;
	_ =	sdelay $0x4  }
0x3c: {  	vm1 =	vgt.s32 v0, $0x0  }
0x3d: {  	v0 =	vnsel vm1, $0x0, v0  }
0x3e: {  	v0 =	vmin.u32 v0, $0x270F  }
0x3f: {  	v0 =	vshll.u32 v0, $0x6;
	_ =	sdelay $0x1  }
.Ltmp3:
0x40: {  	(pc) =	sbr.rel @p1 .LBB2_3-.Ltmp3, $4  }
0x41: {  	s18 =	sshra.s32 s17, $0x2  }
0x42: {  	s16 =	sadd.s32 $0x2000, s16;
	s18 =	sadd.s32 s18, s15  }
0x43: {  	[tilespmem:s16], [sflag:$0x1] =	stream.indirect_vreg.gather [hbm:s5], $0x200, v0, vm0, $0x38;
	[tilespmem:$0x180C0] =	vst v63  }
0x44: {  	s17 =	sadd.s32 $0x40, s17;
	v0 =	vld.msk [tilespmem:s18+$0x0 ss:$0x1], $0xffff  }
0x45: {  	_ =	sdelay $0x3  }
0x46: {  	vm1 =	vgt.s32 v0, $0x0  }
0x47: {  	v0 =	vnsel vm1, $0x0, v0  }
0x48: {  	v0 =	vmin.u32 v0, $0x270F  }
0x49: {  	v0 =	vshll.u32 v0, $0x6;
	_ =	sdelay $0x3  }
0x4a: {  	s15 =	sadd.s32 $0x2000, s16  }
0x4b: {  	[tilespmem:s15], [sflag:$0x1] =	stream.indirect_vreg.gather [hbm:s5], $0x200, v0, vm0, $0x38;
	[tilespmem:$0x180C0] =	vst v63  }
0x4c: {  	s13 =	sshll.u32 s13, $0x6;
	_ =	swait.ge [sflag:s6], $0xC000  }
0x4d: {  	s16 =	sadd.s32 $0x200, s14;
	s13 =	sadd.s32 s13, s9;
	[sflag:s6] =	ssyncset.done $0x0  }
0x4e: {  	s17 =	sadd.s32 $0x0, s13;
	s15 =	simm.s32 $0x40;
	[sflag:s6] =	ssyncadd.s32 $0xFFFF4000  }
.LBB2_5:
0x4f: {  	[hbm:s17] =	stream.linear.scatter [tilespmem:s14], [sflag:$0x3], $0x200, $0x38;
	[tilespmem:$0x180C0] =	vst v63  }
0x50: {  	s17 =	smov.u32 s15;
	s14 =	smov.u32 s16;
	p1 =	sne.s32 s15, $0x17C0  }
.Ltmp4:
0x51: {  	s15 =	sadd.s32 $0x40, s15;
	(pc) =	sbr.rel @p1 .LBB2_5-.Ltmp4, $2  }
0x52: {  	_ =	sdelay $0x2  }
0x53: {  	s16 =	sadd.s32 $0x200, s16;
	s17 =	sadd.s32 s17, s13  }
.Ltmp5:
0x54: {  	_ = 	snop;
	(pc) =	sbr.rel .LBB2_6-.Ltmp5, $1  }
0x55: {  	_ =	sdelay $0x3  }
.LBB2_8:
0x56: {  	_ =	sfence.sel $0x180000  }
0x57: {  	s1 =	simm.s32 $0x2;
	[bflag:$0x0] =	sbarrier.arrive $0xFFFF  }
0x58: {  	s30 =	simm.s32 $0x3;
	[sflag:s1] =	ssyncpa.u1 $0x1  }
0x59: {  	s31 =	simm.s32 $0x1;
	[sflag:s30] =	ssyncpa.u1 $0x1  }
0x5a: {  	[sflag:s31] =	ssyncpa.u1 $0x1  }
0x5b: {  	p0 =	sne.s32 s0, $0x0;
	_ =	strace $0x90000056  }
0x5c: {  	s0 =	sadd.s32 @!p0 $0x100000, s2;
	[bflag:$0x2] =	sbarrier.arrive $0xFFFF  }
0x5d: {  	[sflag:s0] =	ssyncadd.tile.s32 @!p0 $0x1;
	_ =	shalt  }
.Lfunc_end2:
_tile_overlayer_lowered:
.L_overlay_start_2:
0x5e: {  	(tag) =	ssettag $0x2  }
0x5f: {  	s0 =	rddreg [dreg:$0x0];
	s2 =	stileid.u32  }
0x60: {  	s1 =	rddreg [dreg:$0x1];
	p0 =	sne.s32 s2, $0x0  }
0x61: {  	s3 =	rddreg [dreg:$0x2];
	[bflag:$0x3] =	sbarrier.arrive $0xFFFF;
	s2 =	simm.s32 @!p0 $0x1C01  }
0x62: {  	[timem:s3], [sflag:s2] =	dma.local @!p0 [hbm:s0], s1  }
0x63: {  	s0 =	simm.s32 @!p0 $0x1  }
0x64: {  	_ =	swait.ge @!p0 [sflag:s0], s1  }
0x65: {  	s1 =	ssub.s32 @!p0 $0x0, s1;
	[sflag:s0] =	ssyncset.done @!p0 $0x0  }
0x66: {  	[sflag:s0] =	ssyncadd.s32 @!p0 s1  }
0x67: {  	[bflag:$0x3] =	sbarrier.arrive $0xFFFF  }
0x68: {  	_ =	shalt  }

// kernel: gather_offload_async_start
scs
__scs_entry_jumppad:
0x0: {  	(pc) =	sbr.rel $0x88, $3  }
0x1: {  	(tag) =	ssettag $0x0;
	lr =	simm.s32 $0x1  }
0x2: {  	[smem:$0x3F8A] =	sst lr;
	_ =	strace $0xD0000000  }
0x3: {  	_ = 	snop  }
0x4: {  	_ = 	snop  }
0x5: {  	_ = 	snop  }
0x6: {  	_ = 	snop  }
0x7: {  	_ = 	snop  }
__scs_overlays_trampoline_lowered:
0x8: {  	[smem:$0x3F99] =	sst s0  }
0x9: {  	[smem:$0x3F9A] =	sst s1  }
0xa: {  	[smem:$0x3F9B] =	sst s2  }
0xb: {  	[smem:$0x3F9C] =	sst s3  }
0xc: {  	[smem:$0x3F9D] =	sst s4  }
0xd: {  	[smem:$0x3F9E] =	sst s5  }
0xe: {  	[smem:$0x3F9F] =	sst s6  }
0xf: {  	[smem:$0x3FA0] =	sst s7  }
0x10: {  	[smem:$0x3FA1] =	sst s8  }
0x11: {  	[smem:$0x3FA2] =	sst s9;
	s0 =	simm.s32 @!p0 $0x0  }
0x12: {  	s1 =	sld [smem:$0x3F88];
	s0 =	simm.s32 @p0 $0x1  }
0x13: {  	[smem:$0x3FA3] =	sst s0;
	s0 =	simm.s32 @!p1 $0x0  }
0x14: {  	s2 =	sld [smem:$0x3F87];
	s0 =	simm.s32 @p1 $0x1  }
0x15: {  	[smem:$0x3FA4] =	sst s0;
	s0 =	simm.s32 @!p2 $0x0  }
0x16: {  	s3 =	sld [smem:$0x3FDB];
	s0 =	simm.s32 @p2 $0x1  }
0x17: {  	s4 =	simm.s32 $0x1BF5;
	[smem:$0x3FA6] =	sst s0  }
0x18: {  	s0 =	sld [smem:$0x3F89];
	_ =	swait.ge [sflag:s4], $0x0  }
0x19: {  	s7 =	sld [smem:$0x3F8A]  }
0x1a: {  	s8 =	sadd.s32 $0xFFFFE003, lr  }
0x1b: {  	s9 =	sadd.s32 $0xFFFFFEF7, lr;
	s5 =	simm.s32 $0xFFFFFFFF;
	p2 =	slt.u32 s8, $0xFFFFF086  }
0x1c: {  	p1 =	slt.u32 s9, $0xF7A;
	s5 =	simm.s32 @!p2 $0x0  }
0x1d: {  	s5 =	simm.s32 @p1 $0x1;
	p0 =	seq.s32 s7, s2  }
0x1e: {  	s7 =	smul.u32 @!p0 $0xF7A, s2;
	p2 =	seq.s32 @!p0 s5, $0x0  }
0x1f: {  	s9 =	smul.u32 $0xF7A, s1;
	s8 =	simm.s32 @!p0 $0x1BF5;
	p2 =	por !p2, p0  }
0x20: {  	[sflag:s8] =	ssyncset.s32 @!p0 $0xFFFFF086;
	s6 =	sadd.s32 @!p0 s3, s7;
	s7 =	simm.s32 @!p0 $0x108  }
0x21: {  	s3 =	sadd.s32 s3, s9;
	s6 =	sadd.s32 @!p0 $0x88, s6;
	s7 =	simm.s32 @p2 $0x1082  }
0x22: {  	[simem:s7], [sflag:s8] =	dma.local @!p0 [hbm:s6], $0xF7A  }
0x23: {  	s9 =	sor.u32 $0xD0000000, s2;
	s6 =	simm.s32 $0x108;
	_ =	swait.ge @!p0 [sflag:s8], $0x0  }
0x24: {  	s3 =	sadd.s32 $0x88, s3;
	s6 =	simm.s32 @!p1 $0x1082;
	[sflag:s4] =	ssyncset.s32 $0xFFFFF086  }
0x25: {  	[simem:s6], [sflag:s4] =	dma.local [hbm:s3], $0xF7A  }
0x26: {  	[smem:$0x3F8A] =	sst s1;
	(tag) =	ssettag s2;
	_ =	strace s9  }
0x27: {  	s1 =	sld [smem:$0x3F9A]  }
0x28: {  	s2 =	sld [smem:$0x3F9B]  }
0x29: {  	s4 =	sld [smem:$0x3F9D]  }
0x2a: {  	p0 =	seq.s32 s5, $0x0;
	s5 =	sld [smem:$0x3F9E]  }
0x2b: {  	s6 =	sld [smem:$0x3F9F]  }
0x2c: {  	s7 =	sld [smem:$0x3FA0]  }
0x2d: {  	s3 =	simm.s32 $0x108;
	s8 =	sld [smem:$0x3FA1]  }
0x2e: {  	s3 =	simm.s32 @!p0 $0x1082;
	s9 =	sld [smem:$0x3FA2]  }
0x2f: {  	lr =	sadd.s32 s0, s3;
	s0 =	sld [smem:$0x3F99]  }
0x30: {  	s3 =	sld [smem:$0x3F9C]  }
0x31: {  	[smem:$0x3FA5] =	sst s10  }
0x32: {  	s10 =	sld [smem:$0x3FA3];
	_ =	sdelay $0x3  }
0x33: {  	p0 =	seq.s32 s10, $0x1;
	s10 =	sld [smem:$0x3FA5];
	_ =	sdelay $0x3  }
0x34: {  	[smem:$0x3FA5] =	sst s10  }
0x35: {  	s10 =	sld [smem:$0x3FA4];
	_ =	sdelay $0x3  }
0x36: {  	p1 =	seq.s32 s10, $0x1;
	s10 =	sld [smem:$0x3FA5];
	_ =	sdelay $0x3  }
0x37: {  	[smem:$0x3FA5] =	sst s10  }
0x38: {  	s10 =	sld [smem:$0x3FA6]  }
0x39: {  	_ = 	snop;
	(pc) =	sbr.ind lr, $3  }
0x3a: {  	_ = 	snop  }
0x3b: {  	_ = 	snop  }
0x3c: {  	p2 =	seq.s32 s10, $0x1;
	s10 =	sld [smem:$0x3FA5]  }
0x3d: {  	_ =	shalt  }
0x3e: {  	_ =	shalt  }
0x3f: {  	_ =	shalt  }
0x40: {  	_ =	shalt  }
0x41: {  	_ =	shalt  }
0x42: {  	_ =	shalt  }
0x43: {  	_ =	shalt  }
0x44: {  	_ =	shalt  }
0x45: {  	_ =	shalt  }
0x46: {  	_ =	shalt  }
0x47: {  	_ =	shalt  }
0x48: {  	_ =	shalt  }
0x49: {  	_ =	shalt  }
0x4a: {  	_ =	shalt  }
0x4b: {  	_ =	shalt  }
0x4c: {  	_ =	shalt  }
0x4d: {  	_ =	shalt  }
0x4e: {  	_ =	shalt  }
0x4f: {  	_ =	shalt  }
0x50: {  	_ =	shalt  }
0x51: {  	_ =	shalt  }
0x52: {  	_ =	shalt  }
0x53: {  	_ =	shalt  }
0x54: {  	_ =	shalt  }
0x55: {  	_ =	shalt  }
0x56: {  	_ =	shalt  }
0x57: {  	_ =	shalt  }
0x58: {  	_ =	shalt  }
0x59: {  	_ =	shalt  }
0x5a: {  	_ =	shalt  }
0x5b: {  	_ =	shalt  }
0x5c: {  	_ =	shalt  }
0x5d: {  	_ =	shalt  }
0x5e: {  	_ =	shalt  }
0x5f: {  	_ =	shalt  }
0x60: {  	_ =	shalt  }
0x61: {  	_ =	shalt  }
0x62: {  	_ =	shalt  }
0x63: {  	_ =	shalt  }
0x64: {  	_ =	shalt  }
0x65: {  	_ =	shalt  }
0x66: {  	_ =	shalt  }
0x67: {  	_ =	shalt  }
0x68: {  	_ =	shalt  }
0x69: {  	_ =	shalt  }
0x6a: {  	_ =	shalt  }
0x6b: {  	_ =	shalt  }
0x6c: {  	_ =	shalt  }
0x6d: {  	_ =	shalt  }
0x6e: {  	_ =	shalt  }
0x6f: {  	_ =	shalt  }
0x70: {  	_ =	shalt  }
0x71: {  	_ =	shalt  }
0x72: {  	_ =	shalt  }
0x73: {  	_ =	shalt  }
0x74: {  	_ =	shalt  }
0x75: {  	_ =	shalt  }
0x76: {  	_ =	shalt  }
0x77: {  	_ =	shalt  }
0x78: {  	_ =	shalt  }
0x79: {  	_ =	shalt  }
0x7a: {  	_ =	shalt  }
0x7b: {  	_ =	shalt  }
0x7c: {  	_ =	shalt  }
0x7d: {  	_ =	shalt  }
0x7e: {  	_ =	shalt  }
0x7f: {  	_ =	shalt  }
0x80: {  	_ =	shalt  }
0x81: {  	_ =	shalt  }
0x82: {  	_ =	shalt  }
0x83: {  	_ =	shalt  }
0x84: {  	_ =	shalt  }
0x85: {  	_ =	shalt  }
0x86: {  	_ =	shalt  }
0x87: {  	_ =	shalt  }
.Lfunc_end0:
.L_simem_size_0:
called_computation.3_lowered:
.L_overlay_start_0:
0x88: {  	s2 =	sld [smem:$0x3FD9]  }
0x89: {  	s3 =	sld [smem:$0x3FFE];
	_ =	sdelay $0x1  }
0x8a: {  	s1 =	srdreg.scid  }
0x8b: {  	s0 =	sand.u32 $0x1, s1  }
0x8c: {  	s16 =	sshll.u32 s0, $0xA;
	s2 =	sadd.s32 s3, s2  }
0x8d: {  	s2 =	sadd.s32 s2, s16  }
0x8e: {  	[smem:$0x3FB1] =	sst s2  }
0x8f: {  	_ = 	snop  }
0x90: {  	(tm) =	ssettm $0x1  }
0x91: {  	s17 =	sld [smem:$0x3FFB];
	_ =	sdelay $0x3  }
0x92: {  	_ =	strace s17  }
0x93: {  	s2 =	sld [smem:$0x3FFC];
	_ =	sdelay $0x3  }
0x94: {  	_ =	strace s2  }
0x95: {  	s2 =	sld [smem:$0x3FFD];
	_ =	sdelay $0x3  }
0x96: {  	_ =	strace s2  }
0x97: {  	_ =	strace $0x8FFFFFFF  }
0x98: {  	s18 =	sld [smem:$0x3FDB];
	_ =	sdelay $0x1  }
0x99: {  	s19 =	simm.s32 $_scs_section_size  }
0x9a: {  	s4 =	simm.s32 $_size__tile_overlayer_lowered;
	s5 =	simm.s32 $_tile_overlayer_lowered  }
0x9b: {  	s22 =	simm.s32 $0x1BFF;
	s21 =	sshll.u32 s5, $0x1;
	s2 =	sadd.s32 s19, s18  }
0x9c: {  	s6 =	simm.s32 $0x0;
	s20 =	sshll.u32 s4, $0x1;
	s4 =	sadd.s32 s21, s2  }
0x9d: {  	[timem:s6], [sflag:s22] =	dma.local [hbm:s4], s20  }
0x9e: {  	_ =	swait.ge [sflag:s22], s20  }
0x9f: {  	s3 =	ssub.s32 $0x0, s20;
	[sflag:s22] =	ssyncset.done $0x0  }
0xa0: {  	[sflag:s22] =	ssyncadd.s32 s3;
	_ =	sdelay $0x1  }
0xa1: {  	s23 =	simm.s32 $0x1B8B  }
0xa2: {  	_ =	swait.ge [sflag:s23], $0x1  }
0xa3: {  	[sflag:s23] =	ssyncset.done $0x0  }
0xa4: {  	s25 =	simm.s32 $0x1B8E;
	s24 =	sld [smem:$0x3FFE];
	[sflag:s23] =	ssyncadd.s32 $0xFFFFFFFF  }
0xa5: {  	s26 =	simm.s32 $execute0_lowered;
	[smem:$0x3FD2] =	sst s25  }
0xa6: {  	s4 =	sshll.u32 s26, $0x1;
	_ =	strace $0x80000052;
	[dreg:$0x1] =	wrdreg $0xFFFFFFFF  }
0xa7: {  	s28 =	simm.s32 $_size_execute0_lowered;
	s2 =	sadd.s32 s2, s4;
	[dreg:$0x0] =	wrdreg $0x0  }
0xa8: {  	s4 =	sshll.u32 s28, $0x1;
	[dreg:$0x2] =	wrdreg s2  }
0xa9: {  	[dreg:$0x3] =	wrdreg s4  }
0xaa: {  	[dreg:$0x4] =	wrdreg $0xC0  }
0xab: {  	_ =	task [dreg:s6], $0x5FFFF  }
0xac: {  	[dreg:$0x1] =	wrdreg $0xFFFFFFFF  }
0xad: {  	[dreg:$0x0] =	wrdreg $0x60  }
0xae: {  	[dreg:$0x2] =	wrdreg s24  }
0xaf: {  	[dreg:$0x3] =	wrdreg $0x9  }
0xb0: {  	_ =	task.clear_ibuf [dreg:s6], $0x4FFFF;
	_ =	strace $0x90000052  }
0xb1: {  	s29 =	simm.s32 $0x9;
	_ =	strace $0x80000054  }
0xb2: {  	_ =	swait.ge [sflag:s29], $0x1  }
0xb3: {  	[sflag:s29] =	ssyncadd.s32 $0xFFFFFFFF  }
0xb4: {  	_ =	strace $0x90000054  }
0xb5: {  	_ =	sfence  }
0xb6: {  	s30 =	sld [smem:$0x0];
	_ =	sdelay $0x2  }
0xb7: {  	s31 =	sshll.u32 s1, $0xD;
	s1 =	sshrl.u32 s1, $0x2  }
0xb8: {  	s3 =	sand.u32 $0x4000, s31;
	s1 =	sadd.s32 s1, s30  }
0xb9: {  	s0 =	sor.u32 s3, s0;
	s1 =	sshll.u32 s1, $0x11  }
0xba: {  	s0 =	sor.u32 s1, s0  }
0xbb: {  	s0 =	sadd.s32 $0x8F2B, s0  }
0xbc: {  	[sflag:s0] =	ssyncadd.remote.s32 $0x1  }
0xbd: {  	_ =	sfence.sel $0xFFFF  }
0xbe: {  	[dreg:$0x0] =	wrdreg $0xFFFFFFFF;
	(pc) =	sbr.abs _section_cstart, $3  }
0xbf: {  	[dreg:$0x1] =	wrdreg $0xFFFFFFFF  }
0xc0: {  	_ =	task.clear_ibuf [dreg:s6], $0x2FFFF;
	_ =	strace $0x9FFFFFFF  }
0xc1: {  	(tm) =	ssettm $0x7FFFFFFF  }
tec
execute0_lowered:
.L_overlay_start_1:
0x0: {  	(tag) =	ssettag $0x1  }
0x1: {  	s0 =	srdreg.scid  }
0x2: {  	s1 =	sshll.u32 s0, $0x4  }
0x3: {  	s0 =	stileid.u32;
	s1 =	sand.u32 $0x10, s1  }
0x4: {  	s1 =	sor.u32 s0, s1  }
0x5: {  	s2 =	smul.u32 $0x3, s1  }
0x6: {  	s3 =	smin.u32 s1, $0x1D  }
0x7: {  	s2 =	sadd.s32 s3, s2  }
0x8: {  	p0 =	slt.u32 s1, $0x1D;
	s1 =	simm.s32 $0x180;
	s2 =	smul.u32 $0x60, s2  }
0x9: {  	s1 =	simm.s32 @!p0 $0x120  }
0xa: {  	s1 =	sadd.s32 s1, s2  }
0xb: {  	s3 =	smin.u32 s1, $0x2EE0  }
0xc: {  	s7 =	ssub.s32 s3, s2  }
0xd: {  	p0 =	sgt.s32 s7, $0x0  }
0xe: {  	s7 =	simm.s32 @!p0 $0x0  }
0xf: {  	s31 =	smul.u32 $0xAAAB, s7  }
0x10: {  	s9 =	rddreg [dreg:$0x0];
	s6 =	simm.s32 $0x1;
	s11 =	simm.s32 $0x3  }
0x11: {  	s13 =	simm.s32 $0x0;
	s12 =	simm.s32 $0x0;
	s8 =	sshrl.u32 s31, $0x16  }
0x12: {  	s4 =	sadd.s32 $0x9E400, s9;
	s5 =	sadd.s32 $0x9DE00, s9;
	s10 =	smul.u32 $0x60, s8  }
.Ltmp0:
0x13: {  	s9 =	sadd.s32 $0x13A800, s9;
	s1 =	rddreg [dreg:$0x1];
	(pc) =	sbr.rel .LBB2_1-.Ltmp0, $4  }
0x14: {  	_ =	strace $0x80000053;
	p0 =	sne.s32 s7, s10;
	s10 =	simm.s32 $0x1  }
0x15: {  	[sflag:s6] =	ssyncpa.u1 $0x0;
	s7 =	simm.s32 $0x2;
	s10 =	simm.s32 @!p0 $0x0  }
0x16: {  	[sflag:s7] =	ssyncpa.u1 $0x0;
	p0 =	por $0x0, $0x0;
	s8 =	sadd.s32 s8, s10  }
0x17: {  	vm0 =	vmmov $0xffff;
	[sflag:s11] =	ssyncpa.u1 $0x0;
	s11 =	smov.u32 s2;
	s10 =	sadd.s32 $0x1, s8  }
.LBB2_6:
0x18: {  	[hbm:s17] =	stream.linear.scatter [tilespmem:s14], [sflag:$0x3], $0x200, $0x38;
	[tilespmem:$0x180C0] =	vst v63  }
.LBB2_7:
0x19: {  	s13 =	sadd.s32 $0x60, s11  }
0x1a: {  	s15 =	smov.u32 s2;
	p2 =	slt.s32 s13, s3  }
0x1b: {  	s15 =	smov.u32 @p2 s13;
	p2 =	sne.s32 s12, s10  }
.Ltmp1:
0x1c: {  	p1 =	slt.u32 s12, $0x2;
	(pc) =	sbr.rel @!p2 .LBB2_8-.Ltmp1, $4  }
0x1d: {  	s14 =	simm.s32 @!p1 $0x3  }
0x1e: {  	s16 =	sadd.s32 $0x1, s12;
	_ =	swait.ge @!p1 [sflag:s14], $0xC000  }
0x1f: {  	p0 =	por !p0, !p0;
	s13 =	smov.u32 s11;
	[sflag:s14] =	ssyncset.done @!p1 $0x0  }
0x20: {  	s12 =	smov.u32 s16;
	s11 =	smov.u32 s15;
	[sflag:s14] =	ssyncadd.s32 @!p1 $0xFFFF4000  }
.LBB2_1:
0x21: {  	p1 =	sge.u32 s12, s8  }
0x22: {  	s14 =	sxor.u32 @!p1 $0xFFFFFFFF, s12  }
0x23: {  	s14 =	sand.u32 @!p1 $0x1, s14  }
0x24: {  	s14 =	smul.u32 @!p1 $0x180, s14  }
0x25: {  	s31 =	sadd.s32 $0xFFFFFFFF, s12;
	s15 =	sshrl.u32 @!p1 s11, $0x3  }
0x26: {  	s16 =	sand.u32 @!p1 $0x7, s11;
	s15 =	sadd.s32 @!p1 s5, s15;
	s14 =	sshrl.u32 @!p1 s14, $0x2  }
0x27: {  	[tilespmem:s14], [sflag:$0x2] =	stream.linear.gather @!p1 [hbm4b:s15+s16], $0x60, $0x38;
	[tilespmem:$0x180C0] =	vst v63  }
0x28: {  	p1 =	sge.u32 s31, s8  }
.Ltmp2:
0x29: {  	_ = 	snop;
	(pc) =	sbr.rel @p1 .LBB2_7-.Ltmp2, $1  }
0x2a: {  	_ =	sdelay $0x3  }
0x2b: {  	s14 =	simm.s32 $0x1  }
0x2c: {  	s14 =	simm.s32 @!p0 $0x0  }
0x2d: {  	s15 =	smul.u32 $0x180, s14  }
0x2e: {  	_ =	swait.ge [sflag:s7], $0x60  }
0x2f: {  	[sflag:s7] =	ssyncset.done $0x0;
	s15 =	sshrl.u32 s15, $0x2  }
0x30: {  	[sflag:s7] =	ssyncadd.s32 $0xFFFFFFA0;
	s16 =	sadd.s32 $0x0, s15  }
0x31: {  	v0 =	vld.msk [tilespmem:s16+$0x0 ss:$0x1], $0xffff;
	_ =	sdelay $0x4  }
0x32: {  	vm1 =	vgt.s32 v0, $0x0  }
0x33: {  	v0 =	vnsel vm1, $0x0, v0  }
0x34: {  	v0 =	vmin.u32 v0, $0x270F  }
0x35: {  	v0 =	vshll.u32 v0, $0x6  }
0x36: {  	s14 =	smul.u32 $0x30000, s14;
	_ =	sdelay $0x1  }
0x37: {  	s14 =	sshrl.u32 s14, $0x2  }
0x38: {  	s14 =	sor.u32 $0xC0, s14;
	s31 =	sadd.s32 $0x10, s15  }
0x39: {  	[tilespmem:s14], [sflag:$0x1] =	stream.indirect_vreg.gather [hbm:s4], $0x200, v0, vm0, $0x38;
	[tilespmem:$0x180C0] =	vst v63  }
0x3a: {  	s17 =	simm.s32 $0x80;
	s16 =	smov.u32 s14;
	v0 =	vld.msk [tilespmem:s31+$0x0 ss:$0x1], $0xffff  }
.LBB2_3:
0x3b: {  	p1 =	sne.s32 s17, $0x140;
	_ =	sdelay $0x4  }
0x3c: {  	vm1 =	vgt.s32 v0, $0x0  }
0x3d: {  	v0 =	vnsel vm1, $0x0, v0  }
0x3e: {  	v0 =	vmin.u32 v0, $0x270F  }
0x3f: {  	v0 =	vshll.u32 v0, $0x6;
	_ =	sdelay $0x1  }
.Ltmp3:
0x40: {  	(pc) =	sbr.rel @p1 .LBB2_3-.Ltmp3, $4  }
0x41: {  	s18 =	sshra.s32 s17, $0x2  }
0x42: {  	s16 =	sadd.s32 $0x2000, s16;
	s18 =	sadd.s32 s18, s15  }
0x43: {  	[tilespmem:s16], [sflag:$0x1] =	stream.indirect_vreg.gather [hbm:s4], $0x200, v0, vm0, $0x38;
	[tilespmem:$0x180C0] =	vst v63  }
0x44: {  	s17 =	sadd.s32 $0x40, s17;
	v0 =	vld.msk [tilespmem:s18+$0x0 ss:$0x1], $0xffff  }
0x45: {  	_ =	sdelay $0x3  }
0x46: {  	vm1 =	vgt.s32 v0, $0x0  }
0x47: {  	v0 =	vnsel vm1, $0x0, v0  }
0x48: {  	v0 =	vmin.u32 v0, $0x270F  }
0x49: {  	v0 =	vshll.u32 v0, $0x6;
	_ =	sdelay $0x3  }
0x4a: {  	s15 =	sadd.s32 $0x2000, s16  }
0x4b: {  	[tilespmem:s15], [sflag:$0x1] =	stream.indirect_vreg.gather [hbm:s4], $0x200, v0, vm0, $0x38;
	[tilespmem:$0x180C0] =	vst v63  }
0x4c: {  	s13 =	sshll.u32 s13, $0x6;
	_ =	swait.ge [sflag:s6], $0xC000  }
0x4d: {  	s16 =	sadd.s32 $0x200, s14;
	s13 =	sadd.s32 s13, s9;
	[sflag:s6] =	ssyncset.done $0x0  }
0x4e: {  	s17 =	sadd.s32 $0x0, s13;
	s15 =	simm.s32 $0x40;
	[sflag:s6] =	ssyncadd.s32 $0xFFFF4000  }
.LBB2_5:
0x4f: {  	[hbm:s17] =	stream.linear.scatter [tilespmem:s14], [sflag:$0x3], $0x200, $0x38;
	[tilespmem:$0x180C0] =	vst v63  }
0x50: {  	s17 =	smov.u32 s15;
	s14 =	smov.u32 s16;
	p1 =	sne.s32 s15, $0x17C0  }
.Ltmp4:
0x51: {  	s15 =	sadd.s32 $0x40, s15;
	(pc) =	sbr.rel @p1 .LBB2_5-.Ltmp4, $2  }
0x52: {  	_ =	sdelay $0x2  }
0x53: {  	s16 =	sadd.s32 $0x200, s16;
	s17 =	sadd.s32 s17, s13  }
.Ltmp5:
0x54: {  	_ = 	snop;
	(pc) =	sbr.rel .LBB2_6-.Ltmp5, $1  }
0x55: {  	_ =	sdelay $0x3  }
.LBB2_8:
0x56: {  	_ =	sfence.sel $0x180000  }
0x57: {  	s2 =	simm.s32 $0x2;
	[bflag:$0x0] =	sbarrier.arrive $0xFFFF  }
0x58: {  	s30 =	simm.s32 $0x3;
	[sflag:s2] =	ssyncpa.u1 $0x1  }
0x59: {  	s31 =	simm.s32 $0x1;
	[sflag:s30] =	ssyncpa.u1 $0x1  }
0x5a: {  	[sflag:s31] =	ssyncpa.u1 $0x1  }
0x5b: {  	p0 =	sne.s32 s0, $0x0;
	_ =	strace $0x90000053  }
0x5c: {  	s0 =	sadd.s32 @!p0 $0x100000, s1;
	[bflag:$0x2] =	sbarrier.arrive $0xFFFF  }
0x5d: {  	[sflag:s0] =	ssyncadd.tile.s32 @!p0 $0x1;
	_ =	shalt  }
.Lfunc_end2:
_tile_overlayer_lowered:
.L_overlay_start_2:
0x5e: {  	(tag) =	ssettag $0x2  }
0x5f: {  	s0 =	rddreg [dreg:$0x0];
	s2 =	stileid.u32  }
0x60: {  	s1 =	rddreg [dreg:$0x1];
	p0 =	sne.s32 s2, $0x0  }
0x61: {  	s3 =	rddreg [dreg:$0x2];
	[bflag:$0x3] =	sbarrier.arrive $0xFFFF;
	s2 =	simm.s32 @!p0 $0x1C01  }
0x62: {  	[timem:s3], [sflag:s2] =	dma.local @!p0 [hbm:s0], s1  }
0x63: {  	s0 =	simm.s32 @!p0 $0x1  }
0x64: {  	_ =	swait.ge @!p0 [sflag:s0], s1  }
0x65: {  	s1 =	ssub.s32 @!p0 $0x0, s1;
	[sflag:s0] =	ssyncset.done @!p0 $0x0  }
0x66: {  	[sflag:s0] =	ssyncadd.s32 @!p0 s1  }
0x67: {  	[bflag:$0x3] =	sbarrier.arrive $0xFFFF  }
0x68: {  	_ =	shalt  }

// kernel: kernel.4.cloned.1.call-start
scs
__scs_entry_jumppad:
0x0: {  	(pc) =	sbr.rel $0x88, $3  }
0x1: {  	(tag) =	ssettag $0x0;
	lr =	simm.s32 $0x1  }
0x2: {  	[smem:$0x3F8A] =	sst lr;
	_ =	strace $0xD0000000  }
0x3: {  	_ = 	snop  }
0x4: {  	_ = 	snop  }
0x5: {  	_ = 	snop  }
0x6: {  	_ = 	snop  }
0x7: {  	_ = 	snop  }
__scs_overlays_trampoline_lowered:
0x8: {  	[smem:$0x3F99] =	sst s0  }
0x9: {  	[smem:$0x3F9A] =	sst s1  }
0xa: {  	[smem:$0x3F9B] =	sst s2  }
0xb: {  	[smem:$0x3F9C] =	sst s3  }
0xc: {  	[smem:$0x3F9D] =	sst s4  }
0xd: {  	[smem:$0x3F9E] =	sst s5  }
0xe: {  	[smem:$0x3F9F] =	sst s6  }
0xf: {  	[smem:$0x3FA0] =	sst s7  }
0x10: {  	[smem:$0x3FA1] =	sst s8  }
0x11: {  	[smem:$0x3FA2] =	sst s9;
	s0 =	simm.s32 @!p0 $0x0  }
0x12: {  	s1 =	sld [smem:$0x3F88];
	s0 =	simm.s32 @p0 $0x1  }
0x13: {  	[smem:$0x3FA3] =	sst s0;
	s0 =	simm.s32 @!p1 $0x0  }
0x14: {  	s2 =	sld [smem:$0x3F87];
	s0 =	simm.s32 @p1 $0x1  }
0x15: {  	[smem:$0x3FA4] =	sst s0;
	s0 =	simm.s32 @!p2 $0x0  }
0x16: {  	s3 =	sld [smem:$0x3FDB];
	s0 =	simm.s32 @p2 $0x1  }
0x17: {  	s4 =	simm.s32 $0x1BF5;
	[smem:$0x3FA6] =	sst s0  }
0x18: {  	s0 =	sld [smem:$0x3F89];
	_ =	swait.ge [sflag:s4], $0x0  }
0x19: {  	s7 =	sld [smem:$0x3F8A]  }
0x1a: {  	s8 =	sadd.s32 $0xFFFFE003, lr  }
0x1b: {  	s9 =	sadd.s32 $0xFFFFFEF7, lr;
	s5 =	simm.s32 $0xFFFFFFFF;
	p2 =	slt.u32 s8, $0xFFFFF086  }
0x1c: {  	p1 =	slt.u32 s9, $0xF7A;
	s5 =	simm.s32 @!p2 $0x0  }
0x1d: {  	s5 =	simm.s32 @p1 $0x1;
	p0 =	seq.s32 s7, s2  }
0x1e: {  	s7 =	smul.u32 @!p0 $0xF7A, s2;
	p2 =	seq.s32 @!p0 s5, $0x0  }
0x1f: {  	s9 =	smul.u32 $0xF7A, s1;
	s8 =	simm.s32 @!p0 $0x1BF5;
	p2 =	por !p2, p0  }
0x20: {  	[sflag:s8] =	ssyncset.s32 @!p0 $0xFFFFF086;
	s6 =	sadd.s32 @!p0 s3, s7;
	s7 =	simm.s32 @!p0 $0x108  }
0x21: {  	s3 =	sadd.s32 s3, s9;
	s6 =	sadd.s32 @!p0 $0x88, s6;
	s7 =	simm.s32 @p2 $0x1082  }
0x22: {  	[simem:s7], [sflag:s8] =	dma.local @!p0 [hbm:s6], $0xF7A  }
0x23: {  	s9 =	sor.u32 $0xD0000000, s2;
	s6 =	simm.s32 $0x108;
	_ =	swait.ge @!p0 [sflag:s8], $0x0  }
0x24: {  	s3 =	sadd.s32 $0x88, s3;
	s6 =	simm.s32 @!p1 $0x1082;
	[sflag:s4] =	ssyncset.s32 $0xFFFFF086  }
0x25: {  	[simem:s6], [sflag:s4] =	dma.local [hbm:s3], $0xF7A  }
0x26: {  	[smem:$0x3F8A] =	sst s1;
	(tag) =	ssettag s2;
	_ =	strace s9  }
0x27: {  	s1 =	sld [smem:$0x3F9A]  }
0x28: {  	s2 =	sld [smem:$0x3F9B]  }
0x29: {  	s4 =	sld [smem:$0x3F9D]  }
0x2a: {  	p0 =	seq.s32 s5, $0x0;
	s5 =	sld [smem:$0x3F9E]  }
0x2b: {  	s6 =	sld [smem:$0x3F9F]  }
0x2c: {  	s7 =	sld [smem:$0x3FA0]  }
0x2d: {  	s3 =	simm.s32 $0x108;
	s8 =	sld [smem:$0x3FA1]  }
0x2e: {  	s3 =	simm.s32 @!p0 $0x1082;
	s9 =	sld [smem:$0x3FA2]  }
0x2f: {  	lr =	sadd.s32 s0, s3;
	s0 =	sld [smem:$0x3F99]  }
0x30: {  	s3 =	sld [smem:$0x3F9C]  }
0x31: {  	[smem:$0x3FA5] =	sst s10  }
0x32: {  	s10 =	sld [smem:$0x3FA3];
	_ =	sdelay $0x3  }
0x33: {  	p0 =	seq.s32 s10, $0x1;
	s10 =	sld [smem:$0x3FA5];
	_ =	sdelay $0x3  }
0x34: {  	[smem:$0x3FA5] =	sst s10  }
0x35: {  	s10 =	sld [smem:$0x3FA4];
	_ =	sdelay $0x3  }
0x36: {  	p1 =	seq.s32 s10, $0x1;
	s10 =	sld [smem:$0x3FA5];
	_ =	sdelay $0x3  }
0x37: {  	[smem:$0x3FA5] =	sst s10  }
0x38: {  	s10 =	sld [smem:$0x3FA6]  }
0x39: {  	_ = 	snop;
	(pc) =	sbr.ind lr, $3  }
0x3a: {  	_ = 	snop  }
0x3b: {  	_ = 	snop  }
0x3c: {  	p2 =	seq.s32 s10, $0x1;
	s10 =	sld [smem:$0x3FA5]  }
0x3d: {  	_ =	shalt  }
0x3e: {  	_ =	shalt  }
0x3f: {  	_ =	shalt  }
0x40: {  	_ =	shalt  }
0x41: {  	_ =	shalt  }
0x42: {  	_ =	shalt  }
0x43: {  	_ =	shalt  }
0x44: {  	_ =	shalt  }
0x45: {  	_ =	shalt  }
0x46: {  	_ =	shalt  }
0x47: {  	_ =	shalt  }
0x48: {  	_ =	shalt  }
0x49: {  	_ =	shalt  }
0x4a: {  	_ =	shalt  }
0x4b: {  	_ =	shalt  }
0x4c: {  	_ =	shalt  }
0x4d: {  	_ =	shalt  }
0x4e: {  	_ =	shalt  }
0x4f: {  	_ =	shalt  }
0x50: {  	_ =	shalt  }
0x51: {  	_ =	shalt  }
0x52: {  	_ =	shalt  }
0x53: {  	_ =	shalt  }
0x54: {  	_ =	shalt  }
0x55: {  	_ =	shalt  }
0x56: {  	_ =	shalt  }
0x57: {  	_ =	shalt  }
0x58: {  	_ =	shalt  }
0x59: {  	_ =	shalt  }
0x5a: {  	_ =	shalt  }
0x5b: {  	_ =	shalt  }
0x5c: {  	_ =	shalt  }
0x5d: {  	_ =	shalt  }
0x5e: {  	_ =	shalt  }
0x5f: {  	_ =	shalt  }
0x60: {  	_ =	shalt  }
0x61: {  	_ =	shalt  }
0x62: {  	_ =	shalt  }
0x63: {  	_ =	shalt  }
0x64: {  	_ =	shalt  }
0x65: {  	_ =	shalt  }
0x66: {  	_ =	shalt  }
0x67: {  	_ =	shalt  }
0x68: {  	_ =	shalt  }
0x69: {  	_ =	shalt  }
0x6a: {  	_ =	shalt  }
0x6b: {  	_ =	shalt  }
0x6c: {  	_ =	shalt  }
0x6d: {  	_ =	shalt  }
0x6e: {  	_ =	shalt  }
0x6f: {  	_ =	shalt  }
0x70: {  	_ =	shalt  }
0x71: {  	_ =	shalt  }
0x72: {  	_ =	shalt  }
0x73: {  	_ =	shalt  }
0x74: {  	_ =	shalt  }
0x75: {  	_ =	shalt  }
0x76: {  	_ =	shalt  }
0x77: {  	_ =	shalt  }
0x78: {  	_ =	shalt  }
0x79: {  	_ =	shalt  }
0x7a: {  	_ =	shalt  }
0x7b: {  	_ =	shalt  }
0x7c: {  	_ =	shalt  }
0x7d: {  	_ =	shalt  }
0x7e: {  	_ =	shalt  }
0x7f: {  	_ =	shalt  }
0x80: {  	_ =	shalt  }
0x81: {  	_ =	shalt  }
0x82: {  	_ =	shalt  }
0x83: {  	_ =	shalt  }
0x84: {  	_ =	shalt  }
0x85: {  	_ =	shalt  }
0x86: {  	_ =	shalt  }
0x87: {  	_ =	shalt  }
.Lfunc_end0:
.L_simem_size_0:
called_computation.5_lowered:
.L_overlay_start_0:
0x88: {  	s2 =	sld [smem:$0x3FD9]  }
0x89: {  	s3 =	sld [smem:$0x3FFE];
	_ =	sdelay $0x1  }
0x8a: {  	s1 =	srdreg.scid  }
0x8b: {  	s0 =	sand.u32 $0x1, s1  }
0x8c: {  	s17 =	sshll.u32 s0, $0xA;
	s2 =	sadd.s32 s3, s2  }
0x8d: {  	s2 =	sadd.s32 s2, s17  }
0x8e: {  	[smem:$0x3FB1] =	sst s2  }
0x8f: {  	_ = 	snop  }
0x90: {  	s2 =	sld [smem:$0x3FD0];
	(tm) =	ssettm $0x1  }
0x91: {  	s18 =	sld [smem:$0x3FFB];
	_ =	sdelay $0x3  }
0x92: {  	_ =	strace s18  }
0x93: {  	s3 =	sld [smem:$0x3FFC];
	_ =	sdelay $0x3  }
0x94: {  	_ =	strace s3  }
0x95: {  	s3 =	sld [smem:$0x3FFD];
	_ =	sdelay $0x3  }
0x96: {  	_ =	strace s3  }
0x97: {  	_ =	strace $0x8FFFFFFF  }
0x98: {  	s19 =	sld [smem:$0x3FDB];
	_ =	sdelay $0x1  }
0x99: {  	s4 =	simm.s32 $_scs_section_size  }
0x9a: {  	s5 =	simm.s32 $_size__tile_overlayer_lowered;
	s6 =	simm.s32 $_tile_overlayer_lowered  }
0x9b: {  	s22 =	simm.s32 $0x1BFF;
	s21 =	sshll.u32 s6, $0x1;
	s3 =	sadd.s32 s4, s19  }
0x9c: {  	s7 =	simm.s32 $0x0;
	s20 =	sshll.u32 s5, $0x1;
	s5 =	sadd.s32 s21, s3  }
0x9d: {  	[timem:s7], [sflag:s22] =	dma.local [hbm:s5], s20  }
0x9e: {  	_ =	swait.ge [sflag:s22], s20  }
0x9f: {  	s4 =	ssub.s32 $0x0, s20;
	[sflag:s22] =	ssyncset.done $0x0  }
0xa0: {  	[sflag:s22] =	ssyncadd.s32 s4;
	_ =	sdelay $0x1  }
0xa1: {  	s23 =	simm.s32 $0x1B8B  }
0xa2: {  	_ =	swait.ge [sflag:s23], $0x1  }
0xa3: {  	[sflag:s23] =	ssyncset.done $0x0  }
0xa4: {  	s25 =	simm.s32 $0x1B8E;
	s24 =	sld [smem:$0x3FFE];
	[sflag:s23] =	ssyncadd.s32 $0xFFFFFFFF  }
0xa5: {  	s26 =	simm.s32 $execute0_lowered;
	[smem:$0x3FD2] =	sst s25  }
0xa6: {  	s5 =	sshll.u32 s26, $0x1;
	_ =	strace $0x80000046;
	[dreg:$0x1] =	wrdreg $0xFFFFFFFF  }
0xa7: {  	s28 =	simm.s32 $_size_execute0_lowered;
	s3 =	sadd.s32 s3, s5;
	[dreg:$0x0] =	wrdreg $0x0  }
0xa8: {  	s5 =	sshll.u32 s28, $0x1;
	[dreg:$0x2] =	wrdreg s3  }
0xa9: {  	[dreg:$0x3] =	wrdreg s5  }
0xaa: {  	[dreg:$0x4] =	wrdreg $0xC0  }
0xab: {  	_ =	task [dreg:s7], $0x5FFFF  }
0xac: {  	[dreg:$0x1] =	wrdreg $0xFFFFFFFF  }
0xad: {  	[dreg:$0x0] =	wrdreg $0x60  }
0xae: {  	[dreg:$0x2] =	wrdreg s24  }
0xaf: {  	[dreg:$0x3] =	wrdreg s2  }
0xb0: {  	[dreg:$0x4] =	wrdreg $0x80000  }
0xb1: {  	[dreg:$0x5] =	wrdreg $0xB0000  }
0xb2: {  	[dreg:$0x6] =	wrdreg $0xB3000  }
0xb3: {  	[dreg:$0x7] =	wrdreg $0x9  }
0xb4: {  	_ =	task.clear_ibuf [dreg:s7], $0x8FFFF;
	_ =	strace $0x90000046  }
0xb5: {  	s29 =	simm.s32 $0x9;
	_ =	strace $0x80000048  }
0xb6: {  	_ =	swait.ge [sflag:s29], $0x1  }
0xb7: {  	[sflag:s29] =	ssyncadd.s32 $0xFFFFFFFF  }
0xb8: {  	_ =	strace $0x90000048  }
0xb9: {  	_ =	sfence  }
0xba: {  	s30 =	sld [smem:$0x0];
	_ =	sdelay $0x2  }
0xbb: {  	s31 =	sshll.u32 s1, $0xD;
	s1 =	sshrl.u32 s1, $0x2  }
0xbc: {  	s3 =	sand.u32 $0x4000, s31;
	s1 =	sadd.s32 s1, s30  }
0xbd: {  	s0 =	sor.u32 s3, s0;
	s1 =	sshll.u32 s1, $0x11  }
0xbe: {  	s0 =	sor.u32 s1, s0  }
0xbf: {  	s0 =	sadd.s32 $0x8F2B, s0  }
0xc0: {  	[sflag:s0] =	ssyncadd.remote.s32 $0x1  }
0xc1: {  	_ =	sfence.sel $0xFFFF  }
0xc2: {  	[dreg:$0x0] =	wrdreg $0xFFFFFFFF;
	(pc) =	sbr.abs _section_cstart, $3  }
0xc3: {  	[dreg:$0x1] =	wrdreg $0xFFFFFFFF  }
0xc4: {  	_ =	task.clear_ibuf [dreg:s7], $0x2FFFF;
	_ =	strace $0x9FFFFFFF  }
0xc5: {  	(tm) =	ssettm $0x7FFFFFFF  }
tec
execute0_lowered:
.L_overlay_start_1:
0x0: {  	(tag) =	ssettag $0x1  }
0x1: {  	s0 =	rddreg [dreg:$0x0]  }
0x2: {  	s1 =	rddreg [dreg:$0x2]  }
0x3: {  	s12 =	rddreg [dreg:$0x3]  }
0x4: {  	s14 =	rddreg [dreg:$0x4];
	s4 =	simm.s32 $0x0  }
0x5: {  	s2 =	srdreg.scid;
	s22 =	stileid.u32;
	s20 =	simm.s32 $0x6800  }
0x6: {  	s21 =	simm.s32 $0x1;
	s23 =	simm.s32 $0x7800;
	s24 =	simm.s32 $0x6000  }
0x7: {  	[smem:$0x7FF] =	sst s4;
	s6 =	sadd.s32 $0x7400, s0;
	s2 =	sand.u32 $0x1, s2  }
0x8: {  	s7 =	sadd.s32 $0x2400, s0;
	s5 =	smul.u32 $0xC000, s22;
	s8 =	sadd.s32 $0xC400, s0  }
0x9: {  	s9 =	smul.u32 $0x2710, s22;
	s28 =	sshll.u32 s22, $0xB;
	p0 =	sgt.u32 s22, $0x5  }
0xa: {  	_ =	strace $0x80000047;
	s3 =	ssub.s32 $0x2, s2;
	s11 =	sadd.s32 s28, s1  }
0xb: {  	s30 =	sadd.s32 s28, s12;
	s2 =	sor.u32 s2, s22;
	s31 =	sadd.s32 s28, s14  }
0xc: {  	s22 =	simm.s32 $0x7000;
	s25 =	sshrl.u32 s3, $0x1;
	s26 =	sshrl.u32 s5, $0x2  }
.Ltmp0:
0xd: {  	s29 =	sshrl.u32 s9, $0x3;
	[dreg:$0x6] =	wrdreg s30;
	(pc) =	sbr.rel .LBB2_1-.Ltmp0, $4  }
0xe: {  	[dreg:$0x7] =	wrdreg s31;
	p1 =	sne.s32 s2, $0x0;
	s0 =	ssub.s32 s3, s25  }
0xf: {  	s10 =	sadd.s32 s26, s1;
	s13 =	sadd.s32 s7, s29;
	s25 =	simm.s32 $0x3000  }
0x10: {  	s26 =	simm.s32 $0x0;
	s15 =	smax.u32 s0, $0x1;
	s16 =	sadd.s32 $0xFA, s13  }
0x11: {  	v0 =	vimm.f32 $0.0e+00;
	v1 =	vimm.f32 $1.000000000e+00;
	s17 =	sadd.s32 $0x1F4, s13;
	s18 =	sadd.s32 $0x2EE, s13;
	s19 =	sadd.s32 $0x3E8, s13  }
.LBB2_63:
0x12: {  	s0 =	stileid.u32;
	[bflag:$0x0] =	sbarrier.arrive $0xFFFF  }
0x13: {  	s26 =	sadd.s32 $0x1, s26;
	s0 =	sshll.u32 @!p1 s0, $0x6;
	s1 =	rddreg [dreg:$0x4]  }
0x14: {  	p2 =	sne.s32 s26, s15;
	s0 =	sor.u32 @!p1 $0x1C01, s0;
	s1 =	sshrl.u32 @!p1 s1, $0x3  }
0x15: {  	[hbm:s8], [sflag:s0] =	dma.local @!p1 [spmem:s1], $0x600  }
.Ltmp1:
0x16: {  	_ = 	snop;
	(pc) =	sbr.rel @!p2 .LBB2_64-.Ltmp1, $4  }
0x17: {  	s0 =	simm.s32 @!p1 $0x1  }
0x18: {  	_ =	swait.ge @!p1 [sflag:s0], $0x600  }
0x19: {  	[sflag:s0] =	ssyncset.done @!p1 $0x0  }
0x1a: {  	[sflag:s0] =	ssyncadd.s32 @!p1 $0xFFFFFA00  }
.LBB2_1:
0x1b: {  	s0 =	sand.u32 $0x3800, s4;
	s1 =	sand.u32 $0x380, s4  }
0x1c: {  	s0 =	sor.u32 s1, s0  }
0x1d: {  	[tilespmem:s0+$0x470] =	vst v0  }
0x1e: {  	[tilespmem:s0+$0x0] =	vst v0  }
0x1f: {  	[tilespmem:s0+$0x10] =	vst v0  }
0x20: {  	[tilespmem:s0+$0x20] =	vst v0  }
0x21: {  	[tilespmem:s0+$0x30] =	vst v0  }
0x22: {  	[tilespmem:s0+$0x40] =	vst v0  }
0x23: {  	[tilespmem:s0+$0x50] =	vst v0  }
0x24: {  	[tilespmem:s0+$0x60] =	vst v0  }
0x25: {  	[tilespmem:s0+$0x70] =	vst v0  }
0x26: {  	[tilespmem:s0+$0x400] =	vst v0  }
0x27: {  	[tilespmem:s0+$0x410] =	vst v0  }
0x28: {  	[tilespmem:s0+$0x420] =	vst v0  }
0x29: {  	[tilespmem:s0+$0x430] =	vst v0  }
0x2a: {  	s2 =	simm.s32 $0x100;
	s1 =	simm.s32 $0x80;
	[tilespmem:s0+$0x440] =	vst v0  }
0x2b: {  	s3 =	sand.u32 $0x3800, s2;
	s2 =	simm.s32 $0x200;
	s12 =	sand.u32 $0x380, s1;
	[tilespmem:s0+$0x450] =	vst v0  }
.LBB2_2:
0x2c: {  	p2 =	sne.s32 s2, $0x2F00;
	[tilespmem:s0+$0x460] =	vst v0;
	s0 =	sor.u32 s12, s3  }
0x2d: {  	[tilespmem:s0+$0x470] =	vst v0  }
0x2e: {  	[tilespmem:s0+$0x0] =	vst v0  }
0x2f: {  	[tilespmem:s0+$0x10] =	vst v0  }
0x30: {  	[tilespmem:s0+$0x20] =	vst v0  }
0x31: {  	[tilespmem:s0+$0x30] =	vst v0  }
0x32: {  	[tilespmem:s0+$0x40] =	vst v0  }
0x33: {  	[tilespmem:s0+$0x50] =	vst v0  }
0x34: {  	[tilespmem:s0+$0x60] =	vst v0  }
0x35: {  	[tilespmem:s0+$0x70] =	vst v0  }
0x36: {  	[tilespmem:s0+$0x400] =	vst v0  }
.Ltmp2:
0x37: {  	[tilespmem:s0+$0x410] =	vst v0;
	(pc) =	sbr.rel @p2 .LBB2_2-.Ltmp2, $4  }
0x38: {  	[tilespmem:s0+$0x420] =	vst v0  }
0x39: {  	[tilespmem:s0+$0x430] =	vst v0  }
0x3a: {  	s1 =	sadd.s32 $0x80, s1;
	[tilespmem:s0+$0x440] =	vst v0  }
0x3b: {  	s3 =	sand.u32 $0x3800, s2;
	s2 =	sadd.s32 $0x100, s2;
	s12 =	sand.u32 $0x380, s1;
	[tilespmem:s0+$0x450] =	vst v0  }
0x3c: {  	s1 =	sor.u32 s12, s3;
	[tilespmem:s0+$0x460] =	vst v0  }
0x3d: {  	[tilespmem:s1+$0x470] =	vst v0  }
0x3e: {  	[tilespmem:s1+$0x0] =	vst v0  }
0x3f: {  	[tilespmem:s1+$0x10] =	vst v0  }
0x40: {  	[tilespmem:s1+$0x20] =	vst v0  }
0x41: {  	[tilespmem:s1+$0x30] =	vst v0  }
0x42: {  	[tilespmem:s1+$0x40] =	vst v0  }
0x43: {  	[tilespmem:s1+$0x50] =	vst v0  }
0x44: {  	[tilespmem:s1+$0x60] =	vst v0  }
0x45: {  	[tilespmem:s1+$0x70] =	vst v0  }
0x46: {  	[tilespmem:s1+$0x400] =	vst v0  }
0x47: {  	[tilespmem:s1+$0x410] =	vst v0  }
0x48: {  	[tilespmem:s1+$0x420] =	vst v0  }
0x49: {  	[tilespmem:s1+$0x430] =	vst v0  }
0x4a: {  	[tilespmem:s1+$0x440] =	vst v0  }
0x4b: {  	[tilespmem:s1+$0x450] =	vst v0  }
0x4c: {  	s31 =	simm.s32 $0x0;
	[tilespmem:s1+$0x460] =	vst v0  }
0x4d: {  	[tilespmem:s20], [sflag:$0x1] =	stream.linear.gather [hbm4b:s13+s31], $0x7D0, $0x38;
	[tilespmem:$0xB600] =	vst v63  }
0x4e: {  	_ =	swait.ge [sflag:s21], $0x7D0  }
0x4f: {  	[sflag:s21] =	ssyncset.done $0x0  }
0x50: {  	s0 =	simm.s32 $0x40;
	s1 =	simm.s32 $0x0;
	[sflag:s21] =	ssyncadd.s32 $0xFFFFF830  }
.LBB2_4:
0x51: {  	p2 =	sne.s32 s0, $0x1F00;
	v2 =	vld [tilespmem:s1+$0x6800];
	_ =	sdelay $0x4  }
0x52: {  	v3 =	vshll.u32 v2, $0x3  }
0x53: {  	v4 =	vshrl.u32 v2, $0x1;
	v2 =	vand.u32 $0xFFFFF87F, v2;
	v3 =	vand.u32 $0x400, v3  }
0x54: {  	v4 =	vand.u32 $0x380, v4;
	v2 =	vor.u32 v3, v2  }
0x55: {  	v2 =	vor.u32 v4, v2  }
.Ltmp3:
0x56: {  	(pc) =	sbr.rel @p2 .LBB2_4-.Ltmp3, $2  }
0x57: {  	_ =	sdelay $0x2  }
0x58: {  	s1 =	sshra.s32 s0, $0x2;
	s0 =	sadd.s32 $0x40, s0;
	[tilespmem:v2+s4+$0x0] =	vst.idx.add.f32.msk $0xffff, v1  }
0x59: {  	v2 =	vld [tilespmem:s1+$0x6800];
	_ =	sdelay $0x4  }
0x5a: {  	v3 =	vshll.u32 v2, $0x3  }
0x5b: {  	v4 =	vshrl.u32 v2, $0x1;
	v2 =	vand.u32 $0xFFFFF87F, v2;
	v3 =	vand.u32 $0x400, v3  }
0x5c: {  	v4 =	vand.u32 $0x380, v4;
	v2 =	vor.u32 v3, v2  }
0x5d: {  	v2 =	vor.u32 v4, v2;
	_ =	sdelay $0x4  }
0x5e: {  	s0 =	simm.s32 $0x0;
	[tilespmem:v2+s4+$0x0] =	vst.idx.add.f32.msk $0xffff, v1  }
0x5f: {  	[tilespmem:s20], [sflag:$0x1] =	stream.linear.gather [hbm4b:s16+s0], $0x7D0, $0x38;
	[tilespmem:$0xB600] =	vst v63  }
0x60: {  	_ =	swait.ge [sflag:s21], $0x7D0  }
0x61: {  	[sflag:s21] =	ssyncset.done $0x0  }
0x62: {  	s1 =	simm.s32 $0x0;
	s0 =	simm.s32 $0x40;
	[sflag:s21] =	ssyncadd.s32 $0xFFFFF830  }
.LBB2_6:
0x63: {  	p2 =	sne.s32 s0, $0x1F00;
	v2 =	vld [tilespmem:s1+$0x6800];
	_ =	sdelay $0x4  }
0x64: {  	v3 =	vshll.u32 v2, $0x3  }
0x65: {  	v4 =	vshrl.u32 v2, $0x1;
	v2 =	vand.u32 $0xFFFFF87F, v2;
	v3 =	vand.u32 $0x400, v3  }
0x66: {  	v4 =	vand.u32 $0x380, v4;
	v2 =	vor.u32 v3, v2  }
0x67: {  	v2 =	vor.u32 v4, v2  }
.Ltmp4:
0x68: {  	(pc) =	sbr.rel @p2 .LBB2_6-.Ltmp4, $2  }
0x69: {  	_ =	sdelay $0x2  }
0x6a: {  	s1 =	sshra.s32 s0, $0x2;
	s0 =	sadd.s32 $0x40, s0;
	[tilespmem:v2+s4+$0x0] =	vst.idx.add.f32.msk $0xffff, v1  }
0x6b: {  	v2 =	vld [tilespmem:s1+$0x6800];
	_ =	sdelay $0x4  }
0x6c: {  	v3 =	vshll.u32 v2, $0x3  }
0x6d: {  	v4 =	vshrl.u32 v2, $0x1;
	v2 =	vand.u32 $0xFFFFF87F, v2;
	v3 =	vand.u32 $0x400, v3  }
0x6e: {  	v4 =	vand.u32 $0x380, v4;
	v2 =	vor.u32 v3, v2  }
0x6f: {  	v2 =	vor.u32 v4, v2;
	_ =	sdelay $0x4  }
0x70: {  	s0 =	simm.s32 $0x0;
	[tilespmem:v2+s4+$0x0] =	vst.idx.add.f32.msk $0xffff, v1  }
0x71: {  	[tilespmem:s20], [sflag:$0x1] =	stream.linear.gather [hbm4b:s17+s0], $0x7D0, $0x38;
	[tilespmem:$0xB600] =	vst v63  }
0x72: {  	_ =	swait.ge [sflag:s21], $0x7D0  }
0x73: {  	[sflag:s21] =	ssyncset.done $0x0  }
0x74: {  	s1 =	simm.s32 $0x0;
	s0 =	simm.s32 $0x40;
	[sflag:s21] =	ssyncadd.s32 $0xFFFFF830  }
.LBB2_8:
0x75: {  	p2 =	sne.s32 s0, $0x1F00;
	v2 =	vld [tilespmem:s1+$0x6800];
	_ =	sdelay $0x4  }
0x76: {  	v3 =	vshll.u32 v2, $0x3  }
0x77: {  	v4 =	vshrl.u32 v2, $0x1;
	v2 =	vand.u32 $0xFFFFF87F, v2;
	v3 =	vand.u32 $0x400, v3  }
0x78: {  	v4 =	vand.u32 $0x380, v4;
	v2 =	vor.u32 v3, v2  }
0x79: {  	v2 =	vor.u32 v4, v2  }
.Ltmp5:
0x7a: {  	(pc) =	sbr.rel @p2 .LBB2_8-.Ltmp5, $2  }
0x7b: {  	_ =	sdelay $0x2  }
0x7c: {  	s1 =	sshra.s32 s0, $0x2;
	s0 =	sadd.s32 $0x40, s0;
	[tilespmem:v2+s4+$0x0] =	vst.idx.add.f32.msk $0xffff, v1  }
0x7d: {  	v2 =	vld [tilespmem:s1+$0x6800];
	_ =	sdelay $0x4  }
0x7e: {  	v3 =	vshll.u32 v2, $0x3  }
0x7f: {  	v4 =	vshrl.u32 v2, $0x1;
	v2 =	vand.u32 $0xFFFFF87F, v2;
	v3 =	vand.u32 $0x400, v3  }
0x80: {  	v4 =	vand.u32 $0x380, v4;
	v2 =	vor.u32 v3, v2  }
0x81: {  	v2 =	vor.u32 v4, v2;
	_ =	sdelay $0x4  }
0x82: {  	s0 =	simm.s32 $0x0;
	[tilespmem:v2+s4+$0x0] =	vst.idx.add.f32.msk $0xffff, v1  }
0x83: {  	[tilespmem:s20], [sflag:$0x1] =	stream.linear.gather [hbm4b:s18+s0], $0x7D0, $0x38;
	[tilespmem:$0xB600] =	vst v63  }
0x84: {  	_ =	swait.ge [sflag:s21], $0x7D0  }
0x85: {  	[sflag:s21] =	ssyncset.done $0x0  }
0x86: {  	s1 =	simm.s32 $0x0;
	s0 =	simm.s32 $0x40;
	[sflag:s21] =	ssyncadd.s32 $0xFFFFF830  }
.LBB2_10:
0x87: {  	p2 =	sne.s32 s0, $0x1F00;
	v2 =	vld [tilespmem:s1+$0x6800];
	_ =	sdelay $0x4  }
0x88: {  	v3 =	vshll.u32 v2, $0x3  }
0x89: {  	v4 =	vshrl.u32 v2, $0x1;
	v2 =	vand.u32 $0xFFFFF87F, v2;
	v3 =	vand.u32 $0x400, v3  }
0x8a: {  	v4 =	vand.u32 $0x380, v4;
	v2 =	vor.u32 v3, v2  }
0x8b: {  	v2 =	vor.u32 v4, v2  }
.Ltmp6:
0x8c: {  	(pc) =	sbr.rel @p2 .LBB2_10-.Ltmp6, $2  }
0x8d: {  	_ =	sdelay $0x2  }
0x8e: {  	s1 =	sshra.s32 s0, $0x2;
	s0 =	sadd.s32 $0x40, s0;
	[tilespmem:v2+s4+$0x0] =	vst.idx.add.f32.msk $0xffff, v1  }
0x8f: {  	v2 =	vld [tilespmem:s1+$0x6800];
	_ =	sdelay $0x4  }
0x90: {  	v3 =	vshll.u32 v2, $0x3  }
0x91: {  	v4 =	vshrl.u32 v2, $0x1;
	v2 =	vand.u32 $0xFFFFF87F, v2;
	v3 =	vand.u32 $0x400, v3  }
0x92: {  	v4 =	vand.u32 $0x380, v4;
	v2 =	vor.u32 v3, v2  }
0x93: {  	v2 =	vor.u32 v4, v2;
	_ =	sdelay $0x4  }
0x94: {  	s0 =	simm.s32 $0x0;
	[tilespmem:v2+s4+$0x0] =	vst.idx.add.f32.msk $0xffff, v1  }
0x95: {  	[tilespmem:s20], [sflag:$0x1] =	stream.linear.gather [hbm4b:s19+s0], $0x7D0, $0x38;
	[tilespmem:$0xB600] =	vst v63  }
0x96: {  	_ =	swait.ge [sflag:s21], $0x7D0  }
0x97: {  	[sflag:s21] =	ssyncset.done $0x0  }
0x98: {  	s1 =	simm.s32 $0x0;
	s0 =	simm.s32 $0x40;
	[sflag:s21] =	ssyncadd.s32 $0xFFFFF830  }
.LBB2_12:
0x99: {  	p2 =	sne.s32 s0, $0x1F00;
	v2 =	vld [tilespmem:s1+$0x6800];
	_ =	sdelay $0x4  }
0x9a: {  	v3 =	vshll.u32 v2, $0x3  }
0x9b: {  	v4 =	vshrl.u32 v2, $0x1;
	v2 =	vand.u32 $0xFFFFF87F, v2;
	v3 =	vand.u32 $0x400, v3  }
0x9c: {  	v4 =	vand.u32 $0x380, v4;
	v2 =	vor.u32 v3, v2  }
0x9d: {  	v2 =	vor.u32 v4, v2  }
.Ltmp7:
0x9e: {  	(pc) =	sbr.rel @p2 .LBB2_12-.Ltmp7, $2  }
0x9f: {  	_ =	sdelay $0x2  }
0xa0: {  	s1 =	sshra.s32 s0, $0x2;
	s0 =	sadd.s32 $0x40, s0;
	[tilespmem:v2+s4+$0x0] =	vst.idx.add.f32.msk $0xffff, v1  }
0xa1: {  	v2 =	vld [tilespmem:s1+$0x6800];
	_ =	sdelay $0x4  }
0xa2: {  	v3 =	vshll.u32 v2, $0x3  }
0xa3: {  	v4 =	vshrl.u32 v2, $0x1;
	v2 =	vand.u32 $0xFFFFF87F, v2;
	v3 =	vand.u32 $0x400, v3  }
0xa4: {  	v4 =	vand.u32 $0x380, v4;
	v2 =	vor.u32 v3, v2  }
0xa5: {  	v2 =	vor.u32 v4, v2;
	_ =	sdelay $0x4  }
0xa6: {  	[tilespmem:v2+s4+$0x0] =	vst.idx.add.f32.msk $0xffff, v1  }
0xa7: {  	[spmem:s10] =	stream.linear.scatter [tilespmem:s4], [sflag:$0x1], $0x3000, $0x38;
	[tilespmem:$0xB600] =	vst v63  }
.Ltmp8:
0xa8: {  	_ =	swait.ge [sflag:s21], $0x3000;
	(pc) =	sbr.rel @p0 .LBB2_33-.Ltmp8, $3  }
0xa9: {  	[sflag:s21] =	ssyncset.done $0x0  }
0xaa: {  	[sflag:s21] =	ssyncadd.s32 $0xFFFFD000  }
0xab: {  	[bflag:$0x0] =	sbarrier.arrive $0xFFFF;
	_ =	sdelay $0x1  }
0xac: {  	[tilespmem:s22], [sflag:$0x1] =	stream.linear.gather [spmem:s11], $0x800, $0x38;
	[tilespmem:$0xB600] =	vst v63  }
0xad: {  	s28 =	simm.s32 $0x1  }
0xae: {  	_ =	swait.ge [sflag:s28], $0x800  }
0xaf: {  	[sflag:s28] =	ssyncset.done $0x0  }
0xb0: {  	[sflag:s28] =	ssyncadd.s32 $0xFFFFF800  }
.LBB2_15:
0xb1: {  	s0 =	smul.u32 $0xC000, s28;
	_ =	sdelay $0x1  }
0xb2: {  	s0 =	sshra.s32 s0, $0x2  }
0xb3: {  	s0 =	sadd.s32 s0, s11  }
0xb4: {  	[tilespmem:s23], [sflag:$0x1] =	stream.linear.gather [spmem:s0], $0x800, $0x38;
	[tilespmem:$0xB600] =	vst v63  }
0xb5: {  	s30 =	simm.s32 $0x0;
	_ =	swait.ge [sflag:s21], $0x800  }
0xb6: {  	s1 =	sand.u32 $0x70, s30;
	s0 =	sand.u32 $0x400, s30;
	[sflag:s21] =	ssyncset.done $0x0  }
0xb7: {  	s0 =	sor.u32 s1, s0;
	[sflag:s21] =	ssyncadd.s32 $0xFFFFF800  }
0xb8: {  	v2 =	vld [tilespmem:s0+$0x7800]  }
0xb9: {  	v3 =	vld [tilespmem:s0+$0x7000];
	_ =	sdelay $0x3  }
0xba: {  	s31 =	simm.s32 $0x80;
	s2 =	simm.s32 $0x10  }
0xbb: {  	s3 =	sand.u32 $0x70, s2;
	s1 =	sand.u32 $0x400, s31;
	v2 =	vadd.f32 v2, v3  }
0xbc: {  	s12 =	simm.s32 $0x100;
	s29 =	sor.u32 s3, s1;
	s3 =	smov.u32 s0  }
.LBB2_16:
0xbd: {  	p2 =	sne.s32 s12, $0x780;
	v3 =	vld [tilespmem:s29+$0x7800];
	[tilespmem:s3+$0x7000] =	vst v2;
	s3 =	smov.u32 s29  }
0xbe: {  	v2 =	vld [tilespmem:s3+$0x7000];
	_ =	sdelay $0x1  }
.Ltmp9:
0xbf: {  	(pc) =	sbr.rel @p2 .LBB2_16-.Ltmp9, $4  }
0xc0: {  	_ = 	snop  }
0xc1: {  	s2 =	sadd.s32 $0x10, s2  }
0xc2: {  	s14 =	sand.u32 $0x400, s12;
	s5 =	sand.u32 $0x70, s2;
	v2 =	vadd.f32 v3, v2  }
0xc3: {  	s12 =	sadd.s32 $0x80, s12;
	s29 =	sor.u32 s5, s14  }
0xc4: {  	v3 =	vld [tilespmem:s29+$0x7800];
	[tilespmem:s3+$0x7000] =	vst v2  }
0xc5: {  	v2 =	vld [tilespmem:s29+$0x7000];
	_ =	sdelay $0x4  }
0xc6: {  	v2 =	vadd.f32 v3, v2;
	_ =	sdelay $0x1  }
0xc7: {  	[tilespmem:s29+$0x7000] =	vst v2  }
0xc8: {  	v2 =	vld [tilespmem:s0+$0x7880]  }
0xc9: {  	v3 =	vld [tilespmem:s0+$0x7080];
	_ =	sdelay $0x3  }
0xca: {  	s2 =	simm.s32 $0x10  }
0xcb: {  	s31 =	sand.u32 $0x70, s2;
	v2 =	vadd.f32 v2, v3  }
0xcc: {  	s3 =	sor.u32 s31, s1;
	s1 =	simm.s32 $0x100  }
.LBB2_18:
0xcd: {  	p2 =	sne.s32 s1, $0x780;
	v3 =	vld [tilespmem:s3+$0x7880];
	[tilespmem:s0+$0x7080] =	vst v2;
	s0 =	smov.u32 s3  }
0xce: {  	v2 =	vld [tilespmem:s0+$0x7080];
	_ =	sdelay $0x1  }
.Ltmp10:
0xcf: {  	(pc) =	sbr.rel @p2 .LBB2_18-.Ltmp10, $4  }
0xd0: {  	_ = 	snop  }
0xd1: {  	s2 =	sadd.s32 $0x10, s2  }
0xd2: {  	s5 =	sand.u32 $0x400, s1;
	s3 =	sand.u32 $0x70, s2;
	v2 =	vadd.f32 v3, v2  }
0xd3: {  	s1 =	sadd.s32 $0x80, s1;
	s3 =	sor.u32 s3, s5  }
0xd4: {  	v3 =	vld [tilespmem:s3+$0x7880];
	[tilespmem:s0+$0x7080] =	vst v2  }
0xd5: {  	v2 =	vld [tilespmem:s3+$0x7080];
	_ =	sdelay $0x4  }
0xd6: {  	s14 =	simm.s32 $0x0;
	v2 =	vadd.f32 v3, v2  }
0xd7: {  	s1 =	sand.u32 $0x70, s14;
	s0 =	sand.u32 $0x400, s14  }
0xd8: {  	s0 =	sor.u32 s1, s0;
	[tilespmem:s3+$0x7080] =	vst v2  }
0xd9: {  	v2 =	vld [tilespmem:s0+$0x7900]  }
0xda: {  	v3 =	vld [tilespmem:s0+$0x7100];
	_ =	sdelay $0x3  }
0xdb: {  	s30 =	simm.s32 $0x80;
	s2 =	simm.s32 $0x10  }
0xdc: {  	s31 =	sand.u32 $0x70, s2;
	s1 =	sand.u32 $0x400, s30;
	v2 =	vadd.f32 v2, v3  }
0xdd: {  	s12 =	simm.s32 $0x100;
	s29 =	sor.u32 s31, s1;
	s3 =	smov.u32 s0  }
.LBB2_20:
0xde: {  	p2 =	sne.s32 s12, $0x780;
	v3 =	vld [tilespmem:s29+$0x7900];
	[tilespmem:s3+$0x7100] =	vst v2;
	s3 =	smov.u32 s29  }
0xdf: {  	v2 =	vld [tilespmem:s3+$0x7100];
	_ =	sdelay $0x1  }
.Ltmp11:
0xe0: {  	(pc) =	sbr.rel @p2 .LBB2_20-.Ltmp11, $4  }
0xe1: {  	_ = 	snop  }
0xe2: {  	s2 =	sadd.s32 $0x10, s2  }
0xe3: {  	s14 =	sand.u32 $0x400, s12;
	s5 =	sand.u32 $0x70, s2;
	v2 =	vadd.f32 v3, v2  }
0xe4: {  	s12 =	sadd.s32 $0x80, s12;
	s29 =	sor.u32 s5, s14  }
0xe5: {  	v3 =	vld [tilespmem:s29+$0x7900];
	[tilespmem:s3+$0x7100] =	vst v2  }
0xe6: {  	v2 =	vld [tilespmem:s29+$0x7100];
	_ =	sdelay $0x4  }
0xe7: {  	v2 =	vadd.f32 v3, v2;
	_ =	sdelay $0x1  }
0xe8: {  	[tilespmem:s29+$0x7100] =	vst v2  }
0xe9: {  	v2 =	vld [tilespmem:s0+$0x7980]  }
0xea: {  	v3 =	vld [tilespmem:s0+$0x7180];
	_ =	sdelay $0x3  }
0xeb: {  	s2 =	simm.s32 $0x10  }
0xec: {  	s31 =	sand.u32 $0x70, s2;
	v2 =	vadd.f32 v2, v3  }
0xed: {  	s3 =	sor.u32 s31, s1;
	s1 =	simm.s32 $0x100  }
.LBB2_22:
0xee: {  	p2 =	sne.s32 s1, $0x780;
	v3 =	vld [tilespmem:s3+$0x7980];
	[tilespmem:s0+$0x7180] =	vst v2;
	s0 =	smov.u32 s3  }
0xef: {  	v2 =	vld [tilespmem:s0+$0x7180];
	_ =	sdelay $0x1  }
.Ltmp12:
0xf0: {  	(pc) =	sbr.rel @p2 .LBB2_22-.Ltmp12, $4  }
0xf1: {  	_ = 	snop  }
0xf2: {  	s2 =	sadd.s32 $0x10, s2  }
0xf3: {  	s5 =	sand.u32 $0x400, s1;
	s3 =	sand.u32 $0x70, s2;
	v2 =	vadd.f32 v3, v2  }
0xf4: {  	s1 =	sadd.s32 $0x80, s1;
	s3 =	sor.u32 s3, s5  }
0xf5: {  	v3 =	vld [tilespmem:s3+$0x7980];
	[tilespmem:s0+$0x7180] =	vst v2  }
0xf6: {  	v2 =	vld [tilespmem:s3+$0x7180];
	_ =	sdelay $0x4  }
0xf7: {  	s14 =	simm.s32 $0x0;
	v2 =	vadd.f32 v3, v2  }
0xf8: {  	s1 =	sand.u32 $0x70, s14;
	s0 =	sand.u32 $0x400, s14  }
0xf9: {  	s0 =	sor.u32 s1, s0;
	[tilespmem:s3+$0x7180] =	vst v2  }
0xfa: {  	v2 =	vld [tilespmem:s0+$0x7A00]  }
0xfb: {  	v3 =	vld [tilespmem:s0+$0x7200];
	_ =	sdelay $0x3  }
0xfc: {  	s30 =	simm.s32 $0x80;
	s2 =	simm.s32 $0x10  }
0xfd: {  	s31 =	sand.u32 $0x70, s2;
	s1 =	sand.u32 $0x400, s30;
	v2 =	vadd.f32 v2, v3  }
0xfe: {  	s12 =	simm.s32 $0x100;
	s29 =	sor.u32 s31, s1;
	s3 =	smov.u32 s0  }
.LBB2_24:
0xff: {  	p2 =	sne.s32 s12, $0x780;
	v3 =	vld [tilespmem:s29+$0x7A00];
	[tilespmem:s3+$0x7200] =	vst v2;
	s3 =	smov.u32 s29  }
0x100: {  	v2 =	vld [tilespmem:s3+$0x7200];
	_ =	sdelay $0x1  }
.Ltmp13:
0x101: {  	(pc) =	sbr.rel @p2 .LBB2_24-.Ltmp13, $4  }
0x102: {  	_ = 	snop  }
0x103: {  	s2 =	sadd.s32 $0x10, s2  }
0x104: {  	s14 =	sand.u32 $0x400, s12;
	s5 =	sand.u32 $0x70, s2;
	v2 =	vadd.f32 v3, v2  }
0x105: {  	s12 =	sadd.s32 $0x80, s12;
	s29 =	sor.u32 s5, s14  }
0x106: {  	v3 =	vld [tilespmem:s29+$0x7A00];
	[tilespmem:s3+$0x7200] =	vst v2  }
0x107: {  	v2 =	vld [tilespmem:s29+$0x7200];
	_ =	sdelay $0x4  }
0x108: {  	v2 =	vadd.f32 v3, v2;
	_ =	sdelay $0x1  }
0x109: {  	[tilespmem:s29+$0x7200] =	vst v2  }
0x10a: {  	v2 =	vld [tilespmem:s0+$0x7A80]  }
0x10b: {  	v3 =	vld [tilespmem:s0+$0x7280];
	_ =	sdelay $0x3  }
0x10c: {  	s2 =	simm.s32 $0x10  }
0x10d: {  	s31 =	sand.u32 $0x70, s2;
	v2 =	vadd.f32 v2, v3  }
0x10e: {  	s3 =	sor.u32 s31, s1;
	s1 =	simm.s32 $0x100  }
.LBB2_26:
0x10f: {  	p2 =	sne.s32 s1, $0x780;
	v3 =	vld [tilespmem:s3+$0x7A80];
	[tilespmem:s0+$0x7280] =	vst v2;
	s0 =	smov.u32 s3  }
0x110: {  	v2 =	vld [tilespmem:s0+$0x7280];
	_ =	sdelay $0x1  }
.Ltmp14:
0x111: {  	(pc) =	sbr.rel @p2 .LBB2_26-.Ltmp14, $4  }
0x112: {  	_ = 	snop  }
0x113: {  	s2 =	sadd.s32 $0x10, s2  }
0x114: {  	s5 =	sand.u32 $0x400, s1;
	s3 =	sand.u32 $0x70, s2;
	v2 =	vadd.f32 v3, v2  }
0x115: {  	s1 =	sadd.s32 $0x80, s1;
	s3 =	sor.u32 s3, s5  }
0x116: {  	v3 =	vld [tilespmem:s3+$0x7A80];
	[tilespmem:s0+$0x7280] =	vst v2  }
0x117: {  	v2 =	vld [tilespmem:s3+$0x7280];
	_ =	sdelay $0x4  }
0x118: {  	s14 =	simm.s32 $0x0;
	v2 =	vadd.f32 v3, v2  }
0x119: {  	s1 =	sand.u32 $0x70, s14;
	s0 =	sand.u32 $0x400, s14  }
0x11a: {  	s0 =	sor.u32 s1, s0;
	[tilespmem:s3+$0x7280] =	vst v2  }
0x11b: {  	v2 =	vld [tilespmem:s0+$0x7B00]  }
0x11c: {  	v3 =	vld [tilespmem:s0+$0x7300];
	_ =	sdelay $0x3  }
0x11d: {  	s30 =	simm.s32 $0x80;
	s2 =	simm.s32 $0x10  }
0x11e: {  	s31 =	sand.u32 $0x70, s2;
	s1 =	sand.u32 $0x400, s30;
	v2 =	vadd.f32 v2, v3  }
0x11f: {  	s12 =	simm.s32 $0x100;
	s29 =	sor.u32 s31, s1;
	s3 =	smov.u32 s0  }
.LBB2_28:
0x120: {  	p2 =	sne.s32 s12, $0x780;
	v3 =	vld [tilespmem:s29+$0x7B00];
	[tilespmem:s3+$0x7300] =	vst v2;
	s3 =	smov.u32 s29  }
0x121: {  	v2 =	vld [tilespmem:s3+$0x7300];
	_ =	sdelay $0x1  }
.Ltmp15:
0x122: {  	(pc) =	sbr.rel @p2 .LBB2_28-.Ltmp15, $4  }
0x123: {  	_ = 	snop  }
0x124: {  	s2 =	sadd.s32 $0x10, s2  }
0x125: {  	s14 =	sand.u32 $0x400, s12;
	s5 =	sand.u32 $0x70, s2;
	v2 =	vadd.f32 v3, v2  }
0x126: {  	s12 =	sadd.s32 $0x80, s12;
	s29 =	sor.u32 s5, s14  }
0x127: {  	v3 =	vld [tilespmem:s29+$0x7B00];
	[tilespmem:s3+$0x7300] =	vst v2  }
0x128: {  	v2 =	vld [tilespmem:s29+$0x7300];
	_ =	sdelay $0x4  }
0x129: {  	v2 =	vadd.f32 v3, v2;
	_ =	sdelay $0x1  }
0x12a: {  	[tilespmem:s29+$0x7300] =	vst v2  }
0x12b: {  	v2 =	vld [tilespmem:s0+$0x7B80]  }
0x12c: {  	v3 =	vld [tilespmem:s0+$0x7380];
	_ =	sdelay $0x3  }
0x12d: {  	s2 =	simm.s32 $0x10  }
0x12e: {  	s31 =	sand.u32 $0x70, s2;
	v2 =	vadd.f32 v2, v3  }
0x12f: {  	s3 =	sor.u32 s31, s1;
	s1 =	simm.s32 $0x100  }
.LBB2_30:
0x130: {  	p2 =	sne.s32 s1, $0x780;
	v3 =	vld [tilespmem:s3+$0x7B80];
	[tilespmem:s0+$0x7380] =	vst v2;
	s0 =	smov.u32 s3  }
0x131: {  	v2 =	vld [tilespmem:s0+$0x7380];
	_ =	sdelay $0x1  }
.Ltmp16:
0x132: {  	(pc) =	sbr.rel @p2 .LBB2_30-.Ltmp16, $4  }
0x133: {  	_ = 	snop  }
0x134: {  	s2 =	sadd.s32 $0x10, s2  }
0x135: {  	s5 =	sand.u32 $0x400, s1;
	s3 =	sand.u32 $0x70, s2;
	v2 =	vadd.f32 v3, v2  }
0x136: {  	s1 =	sadd.s32 $0x80, s1;
	s3 =	sor.u32 s3, s5  }
0x137: {  	v3 =	vld [tilespmem:s3+$0x7B80];
	[tilespmem:s0+$0x7380] =	vst v2  }
0x138: {  	v2 =	vld [tilespmem:s3+$0x7380]  }
0x139: {  	s28 =	sadd.s32 $0x1, s28  }
0x13a: {  	p2 =	sne.s32 s28, $0x10  }
.Ltmp17:
0x13b: {  	_ = 	snop;
	(pc) =	sbr.rel @p2 .LBB2_15-.Ltmp17, $3  }
0x13c: {  	_ = 	snop  }
0x13d: {  	v2 =	vadd.f32 v3, v2;
	_ =	sdelay $0x1  }
0x13e: {  	[tilespmem:s3+$0x7380] =	vst v2  }
0x13f: {  	s0 =	rddreg [dreg:$0x6]  }
0x140: {  	[spmem:s0] =	stream.linear.scatter [tilespmem:s22], [sflag:$0x1], $0x800, $0x38;
	[tilespmem:$0xB600] =	vst v63  }
0x141: {  	_ =	swait.ge [sflag:s21], $0x800  }
0x142: {  	[sflag:s21] =	ssyncset.done $0x0  }
0x143: {  	[sflag:s21] =	ssyncadd.s32 $0xFFFFF800  }
.LBB2_33:
0x144: {  	[bflag:$0x0] =	sbarrier.arrive $0xFFFF  }
0x145: {  	s28 =	simm.s32 $0x0;
	s0 =	rddreg [dreg:$0x3]  }
0x146: {  	[tilespmem:s28], [sflag:$0x1] =	stream.linear.gather [spmem:s0], $0x3000, $0x38;
	[tilespmem:$0xB600] =	vst v63  }
0x147: {  	_ =	swait.ge [sflag:s21], $0x3000  }
0x148: {  	[sflag:s21] =	ssyncset.done $0x0  }
0x149: {  	s29 =	simm.s32 $0x0;
	[sflag:s21] =	ssyncadd.s32 $0xFFFFD000  }
.LBB2_34:
0x14a: {  	s1 =	sshll.u32 s29, $0x8;
	s0 =	sshll.u32 s29, $0x7  }
0x14b: {  	s2 =	sand.u32 $0x3800, s1;
	s0 =	sand.u32 $0x380, s0  }
0x14c: {  	s14 =	sand.u32 $0x400, s28;
	s31 =	sor.u32 s0, s2  }
0x14d: {  	s0 =	sand.u32 $0x70, s28;
	s2 =	sadd.s32 s14, s31  }
0x14e: {  	s2 =	sadd.s32 s0, s2  }
0x14f: {  	v2 =	vld [tilespmem:s2+$0x0];
	_ =	sdelay $0x4  }
0x150: {  	v2 =	vadd.f32 $1.000000000e+00, v2;
	_ =	sdelay $0x1  }
0x151: {  	v3 =	vshrl.u32 v2, $0x1;
	v2 =	vmul.f32 $5.000000000e-01, v2  }
0x152: {  	v3 =	vsub.s32 $0x5F3759DF, v3  }
0x153: {  	v4 =	vmul.f32 v3, v2;
	_ =	sdelay $0x1  }
0x154: {  	v4 =	vmul.f32 v3, v4;
	_ =	sdelay $0x1  }
0x155: {  	v4 =	vsub.f32 $1.500000000e+00, v4;
	_ =	sdelay $0x1  }
0x156: {  	v3 =	vmul.f32 v3, v4;
	_ =	sdelay $0x1  }
0x157: {  	v4 =	vmul.f32 v3, v2;
	_ =	sdelay $0x1  }
0x158: {  	v4 =	vmul.f32 v4, v3;
	_ =	sdelay $0x1  }
0x159: {  	v4 =	vsub.f32 $1.500000000e+00, v4;
	_ =	sdelay $0x1  }
0x15a: {  	v3 =	vmul.f32 v4, v3;
	_ =	sdelay $0x1  }
0x15b: {  	v2 =	vmul.f32 v3, v2;
	_ =	sdelay $0x1  }
0x15c: {  	v2 =	vmul.f32 v2, v3;
	_ =	sdelay $0x1  }
0x15d: {  	s5 =	sand.u32 $0x80, s28;
	s3 =	simm.s32 $0x20;
	s1 =	sand.u32 $0x3FFFFF00, s1;
	v2 =	vsub.f32 $1.500000000e+00, v2  }
0x15e: {  	s30 =	sadd.s32 $0x3000, s1;
	s1 =	simm.s32 $0x10;
	s2 =	simm.s32 $0x80  }
0x15f: {  	s12 =	sand.u32 $0x70, s1;
	s5 =	sadd.s32 s5, s30;
	s14 =	sand.u32 $0x400, s2;
	v2 =	vmul.f32 v2, v3  }
.LBB2_35:
0x160: {  	p2 =	sne.s32 s3, $0xF0;
	s14 =	sadd.s32 s14, s31;
	s0 =	sadd.s32 s0, s5  }
0x161: {  	s5 =	sadd.s32 s12, s14;
	[tilespmem:s0+$0x0] =	vst v2;
	s0 =	smov.u32 s12;
	s14 =	smov.u32 s1  }
0x162: {  	s1 =	smov.u32 s3;
	v2 =	vld [tilespmem:s5+$0x0];
	_ =	sdelay $0x4  }
0x163: {  	v2 =	vadd.f32 $1.000000000e+00, v2;
	_ =	sdelay $0x1  }
0x164: {  	v3 =	vshrl.u32 v2, $0x1;
	v2 =	vmul.f32 $5.000000000e-01, v2  }
0x165: {  	v3 =	vsub.s32 $0x5F3759DF, v3  }
0x166: {  	v4 =	vmul.f32 v3, v2;
	_ =	sdelay $0x1  }
0x167: {  	v4 =	vmul.f32 v3, v4;
	_ =	sdelay $0x1  }
0x168: {  	v4 =	vsub.f32 $1.500000000e+00, v4;
	_ =	sdelay $0x1  }
0x169: {  	v3 =	vmul.f32 v3, v4;
	_ =	sdelay $0x1  }
0x16a: {  	v4 =	vmul.f32 v3, v2;
	_ =	sdelay $0x1  }
0x16b: {  	v4 =	vmul.f32 v4, v3;
	_ =	sdelay $0x1  }
0x16c: {  	v4 =	vsub.f32 $1.500000000e+00, v4;
	_ =	sdelay $0x1  }
0x16d: {  	v3 =	vmul.f32 v4, v3;
	_ =	sdelay $0x1  }
0x16e: {  	v2 =	vmul.f32 v3, v2;
	_ =	sdelay $0x1  }
.Ltmp18:
0x16f: {  	v2 =	vmul.f32 v2, v3;
	(pc) =	sbr.rel @p2 .LBB2_35-.Ltmp18, $4  }
0x170: {  	_ = 	snop  }
0x171: {  	v2 =	vsub.f32 $1.500000000e+00, v2  }
0x172: {  	s2 =	sadd.s32 $0x80, s2;
	s12 =	sand.u32 $0x70, s3;
	s5 =	sand.u32 $0x80, s14  }
0x173: {  	s3 =	sadd.s32 $0x10, s3;
	s14 =	sand.u32 $0x400, s2;
	s5 =	sadd.s32 s5, s30;
	v2 =	vmul.f32 v2, v3  }
0x174: {  	s2 =	sadd.s32 s14, s31;
	s0 =	sadd.s32 s0, s5  }
0x175: {  	s2 =	sadd.s32 s12, s2;
	[tilespmem:s0+$0x0] =	vst v2  }
0x176: {  	v2 =	vld [tilespmem:s2+$0x0];
	_ =	sdelay $0x4  }
0x177: {  	v2 =	vadd.f32 $1.000000000e+00, v2;
	_ =	sdelay $0x1  }
0x178: {  	v3 =	vshrl.u32 v2, $0x1;
	v2 =	vmul.f32 $5.000000000e-01, v2  }
0x179: {  	v3 =	vsub.s32 $0x5F3759DF, v3  }
0x17a: {  	v4 =	vmul.f32 v3, v2;
	_ =	sdelay $0x1  }
0x17b: {  	v4 =	vmul.f32 v3, v4;
	_ =	sdelay $0x1  }
0x17c: {  	v4 =	vsub.f32 $1.500000000e+00, v4;
	_ =	sdelay $0x1  }
0x17d: {  	v3 =	vmul.f32 v3, v4;
	_ =	sdelay $0x1  }
0x17e: {  	v4 =	vmul.f32 v3, v2;
	_ =	sdelay $0x1  }
0x17f: {  	v4 =	vmul.f32 v4, v3;
	_ =	sdelay $0x1  }
0x180: {  	v4 =	vsub.f32 $1.500000000e+00, v4;
	_ =	sdelay $0x1  }
0x181: {  	v3 =	vmul.f32 v4, v3;
	_ =	sdelay $0x1  }
0x182: {  	v2 =	vmul.f32 v3, v2;
	_ =	sdelay $0x1  }
0x183: {  	s29 =	sadd.s32 $0x1, s29;
	v2 =	vmul.f32 v2, v3  }
0x184: {  	p2 =	sne.s32 s29, $0x30  }
.Ltmp19:
0x185: {  	v2 =	vsub.f32 $1.500000000e+00, v2;
	(pc) =	sbr.rel @p2 .LBB2_34-.Ltmp19, $4  }
0x186: {  	s31 =	sand.u32 $0x80, s1  }
0x187: {  	s0 =	sadd.s32 s31, s30;
	v2 =	vmul.f32 v2, v3  }
0x188: {  	s0 =	sadd.s32 s12, s0  }
0x189: {  	[tilespmem:s0+$0x0] =	vst v2  }
0x18a: {  	s0 =	simm.s32 @!p1 $0x0;
	s1 =	simm.s32 @!p1 $0x3000;
	s2 =	rddreg [dreg:$0x1]  }
0x18b: {  	[hbm4b:s2+s0] =	stream.linear.scatter @!p1 [tilespmem:s1], [sflag:$0x1], $0x3000, $0x38;
	[tilespmem:$0xB600] =	vst v63  }
0x18c: {  	s0 =	simm.s32 @!p1 $0x1  }
0x18d: {  	s28 =	simm.s32 $0x0;
	_ =	swait.ge @!p1 [sflag:s0], $0x3000  }
0x18e: {  	s29 =	sand.u32 $0x3800, s28;
	s30 =	sand.u32 $0x380, s28;
	[sflag:s0] =	ssyncset.done @!p1 $0x0  }
0x18f: {  	[sflag:s0] =	ssyncadd.s32 @!p1 $0xFFFFD000;
	s0 =	sor.u32 s30, s29  }
0x190: {  	[tilespmem:s0+$0x470] =	vst v0  }
0x191: {  	[tilespmem:s0+$0x0] =	vst v0  }
0x192: {  	[tilespmem:s0+$0x10] =	vst v0  }
0x193: {  	[tilespmem:s0+$0x20] =	vst v0  }
0x194: {  	[tilespmem:s0+$0x30] =	vst v0  }
0x195: {  	[tilespmem:s0+$0x40] =	vst v0  }
0x196: {  	[tilespmem:s0+$0x50] =	vst v0  }
0x197: {  	[tilespmem:s0+$0x60] =	vst v0  }
0x198: {  	[tilespmem:s0+$0x70] =	vst v0  }
0x199: {  	[tilespmem:s0+$0x400] =	vst v0  }
0x19a: {  	[tilespmem:s0+$0x410] =	vst v0  }
0x19b: {  	[tilespmem:s0+$0x420] =	vst v0  }
0x19c: {  	[tilespmem:s0+$0x430] =	vst v0  }
0x19d: {  	s31 =	simm.s32 $0x100;
	s1 =	simm.s32 $0x80;
	[tilespmem:s0+$0x440] =	vst v0  }
0x19e: {  	s3 =	sand.u32 $0x3800, s31;
	s2 =	simm.s32 $0x200;
	s12 =	sand.u32 $0x380, s1;
	[tilespmem:s0+$0x450] =	vst v0  }
.LBB2_38:
0x19f: {  	p2 =	sne.s32 s2, $0x2F00;
	[tilespmem:s0+$0x460] =	vst v0;
	s0 =	sor.u32 s12, s3  }
0x1a0: {  	[tilespmem:s0+$0x470] =	vst v0  }
0x1a1: {  	[tilespmem:s0+$0x0] =	vst v0  }
0x1a2: {  	[tilespmem:s0+$0x10] =	vst v0  }
0x1a3: {  	[tilespmem:s0+$0x20] =	vst v0  }
0x1a4: {  	[tilespmem:s0+$0x30] =	vst v0  }
0x1a5: {  	[tilespmem:s0+$0x40] =	vst v0  }
0x1a6: {  	[tilespmem:s0+$0x50] =	vst v0  }
0x1a7: {  	[tilespmem:s0+$0x60] =	vst v0  }
0x1a8: {  	[tilespmem:s0+$0x70] =	vst v0  }
0x1a9: {  	[tilespmem:s0+$0x400] =	vst v0  }
.Ltmp20:
0x1aa: {  	[tilespmem:s0+$0x410] =	vst v0;
	(pc) =	sbr.rel @p2 .LBB2_38-.Ltmp20, $4  }
0x1ab: {  	[tilespmem:s0+$0x420] =	vst v0  }
0x1ac: {  	[tilespmem:s0+$0x430] =	vst v0  }
0x1ad: {  	s1 =	sadd.s32 $0x80, s1;
	[tilespmem:s0+$0x440] =	vst v0  }
0x1ae: {  	s3 =	sand.u32 $0x3800, s2;
	s2 =	sadd.s32 $0x100, s2;
	s12 =	sand.u32 $0x380, s1;
	[tilespmem:s0+$0x450] =	vst v0  }
0x1af: {  	s1 =	sor.u32 s12, s3;
	[tilespmem:s0+$0x460] =	vst v0  }
0x1b0: {  	[tilespmem:s1+$0x470] =	vst v0  }
0x1b1: {  	[tilespmem:s1+$0x0] =	vst v0  }
0x1b2: {  	[tilespmem:s1+$0x10] =	vst v0  }
0x1b3: {  	[tilespmem:s1+$0x20] =	vst v0  }
0x1b4: {  	[tilespmem:s1+$0x30] =	vst v0  }
0x1b5: {  	[tilespmem:s1+$0x40] =	vst v0  }
0x1b6: {  	[tilespmem:s1+$0x50] =	vst v0  }
0x1b7: {  	[tilespmem:s1+$0x60] =	vst v0  }
0x1b8: {  	[tilespmem:s1+$0x70] =	vst v0  }
0x1b9: {  	[tilespmem:s1+$0x400] =	vst v0  }
0x1ba: {  	[tilespmem:s1+$0x410] =	vst v0  }
0x1bb: {  	[tilespmem:s1+$0x420] =	vst v0  }
0x1bc: {  	[tilespmem:s1+$0x430] =	vst v0  }
0x1bd: {  	[tilespmem:s1+$0x440] =	vst v0  }
0x1be: {  	[tilespmem:s1+$0x450] =	vst v0  }
0x1bf: {  	[tilespmem:s1+$0x460] =	vst v0  }
.LBB2_40:
0x1c0: {  	s0 =	smul.u32 $0x7D0, s28;
	_ =	sdelay $0x1  }
0x1c1: {  	s0 =	sadd.s32 s9, s0  }
0x1c2: {  	s0 =	sshrl.u32 s0, $0x3  }
0x1c3: {  	s2 =	simm.s32 $0x0;
	s1 =	sadd.s32 s6, s0  }
0x1c4: {  	[tilespmem:s24], [sflag:$0x1] =	stream.linear.gather [hbm4b:s1+s2], $0x7D0, $0x38;
	[tilespmem:$0xB600] =	vst v63  }
0x1c5: {  	_ =	swait.ge [sflag:s21], $0x7D0  }
0x1c6: {  	[sflag:s21] =	ssyncset.done $0x0  }
0x1c7: {  	s0 =	sadd.s32 s7, s0;
	[sflag:s21] =	ssyncadd.s32 $0xFFFFF830  }
0x1c8: {  	[tilespmem:s20], [sflag:$0x1] =	stream.linear.gather [hbm4b:s0+s2], $0x7D0, $0x38;
	[tilespmem:$0xB600] =	vst v63  }
0x1c9: {  	_ =	swait.ge [sflag:s21], $0x7D0  }
0x1ca: {  	[sflag:s21] =	ssyncset.done $0x0  }
0x1cb: {  	s1 =	simm.s32 $0x0;
	s0 =	simm.s32 $0x40;
	[sflag:s21] =	ssyncadd.s32 $0xFFFFF830  }
.LBB2_41:
0x1cc: {  	p2 =	sne.s32 s0, $0x1F00;
	v2 =	vld [tilespmem:s1+$0x6000]  }
0x1cd: {  	v3 =	vld [tilespmem:s1+$0x6800];
	_ =	sdelay $0x4  }
0x1ce: {  	v4 =	vshll.u32 v3, $0x3  }
0x1cf: {  	v5 =	vshrl.u32 v3, $0x1;
	v3 =	vand.u32 $0xFFFFF87F, v3;
	v4 =	vand.u32 $0x400, v4  }
0x1d0: {  	v5 =	vand.u32 $0x380, v5;
	v2 =	vld.idx.msk [tilespmem:v2+s25+$0x0], $0xffff;
	v3 =	vor.u32 v4, v3  }
0x1d1: {  	v3 =	vor.u32 v5, v3  }
.Ltmp21:
0x1d2: {  	(pc) =	sbr.rel @p2 .LBB2_41-.Ltmp21, $2  }
0x1d3: {  	_ =	sdelay $0x2  }
0x1d4: {  	s1 =	sshra.s32 s0, $0x2;
	s0 =	sadd.s32 $0x40, s0;
	[tilespmem:v3+s4+$0x0] =	vst.idx.add.f32.msk $0xffff, v2  }
0x1d5: {  	v2 =	vld [tilespmem:s1+$0x6000]  }
0x1d6: {  	v3 =	vld [tilespmem:s1+$0x6800];
	_ =	sdelay $0x4  }
0x1d7: {  	v4 =	vshll.u32 v3, $0x3  }
0x1d8: {  	v5 =	vshrl.u32 v3, $0x1;
	v3 =	vand.u32 $0xFFFFF87F, v3;
	v4 =	vand.u32 $0x400, v4  }
0x1d9: {  	s28 =	sadd.s32 $0x1, s28;
	v5 =	vand.u32 $0x380, v5;
	v3 =	vor.u32 v4, v3  }
0x1da: {  	p2 =	sne.s32 s28, $0x5;
	v2 =	vld.idx.msk [tilespmem:v2+s25+$0x0], $0xffff;
	v3 =	vor.u32 v5, v3  }
.Ltmp22:
0x1db: {  	_ = 	snop;
	(pc) =	sbr.rel @p2 .LBB2_40-.Ltmp22, $2  }
0x1dc: {  	_ =	sdelay $0x2  }
0x1dd: {  	[tilespmem:v3+s4+$0x0] =	vst.idx.add.f32.msk $0xffff, v2  }
0x1de: {  	[spmem:s10] =	stream.linear.scatter [tilespmem:s4], [sflag:$0x1], $0x3000, $0x38;
	[tilespmem:$0xB600] =	vst v63  }
.Ltmp23:
0x1df: {  	_ =	swait.ge [sflag:s21], $0x3000;
	(pc) =	sbr.rel @p0 .LBB2_63-.Ltmp23, $3  }
0x1e0: {  	[sflag:s21] =	ssyncset.done $0x0  }
0x1e1: {  	[sflag:s21] =	ssyncadd.s32 $0xFFFFD000  }
0x1e2: {  	[bflag:$0x0] =	sbarrier.arrive $0xFFFF;
	_ =	sdelay $0x1  }
0x1e3: {  	[tilespmem:s22], [sflag:$0x1] =	stream.linear.gather [spmem:s11], $0x800, $0x38;
	[tilespmem:$0xB600] =	vst v63  }
0x1e4: {  	s28 =	simm.s32 $0x1  }
0x1e5: {  	_ =	swait.ge [sflag:s28], $0x800  }
0x1e6: {  	[sflag:s28] =	ssyncset.done $0x0  }
0x1e7: {  	[sflag:s28] =	ssyncadd.s32 $0xFFFFF800  }
.LBB2_45:
0x1e8: {  	s0 =	smul.u32 $0xC000, s28;
	_ =	sdelay $0x1  }
0x1e9: {  	s0 =	sshra.s32 s0, $0x2  }
0x1ea: {  	s0 =	sadd.s32 s0, s11  }
0x1eb: {  	[tilespmem:s23], [sflag:$0x1] =	stream.linear.gather [spmem:s0], $0x800, $0x38;
	[tilespmem:$0xB600] =	vst v63  }
0x1ec: {  	s30 =	simm.s32 $0x0;
	_ =	swait.ge [sflag:s21], $0x800  }
0x1ed: {  	s1 =	sand.u32 $0x70, s30;
	s0 =	sand.u32 $0x400, s30;
	[sflag:s21] =	ssyncset.done $0x0  }
0x1ee: {  	s0 =	sor.u32 s1, s0;
	[sflag:s21] =	ssyncadd.s32 $0xFFFFF800  }
0x1ef: {  	v2 =	vld [tilespmem:s0+$0x7800]  }
0x1f0: {  	v3 =	vld [tilespmem:s0+$0x7000];
	_ =	sdelay $0x3  }
0x1f1: {  	s31 =	simm.s32 $0x80;
	s2 =	simm.s32 $0x10  }
0x1f2: {  	s3 =	sand.u32 $0x70, s2;
	s1 =	sand.u32 $0x400, s31;
	v2 =	vadd.f32 v2, v3  }
0x1f3: {  	s12 =	simm.s32 $0x100;
	s29 =	sor.u32 s3, s1;
	s3 =	smov.u32 s0  }
.LBB2_46:
0x1f4: {  	p2 =	sne.s32 s12, $0x780;
	v3 =	vld [tilespmem:s29+$0x7800];
	[tilespmem:s3+$0x7000] =	vst v2;
	s3 =	smov.u32 s29  }
0x1f5: {  	v2 =	vld [tilespmem:s3+$0x7000];
	_ =	sdelay $0x1  }
.Ltmp24:
0x1f6: {  	(pc) =	sbr.rel @p2 .LBB2_46-.Ltmp24, $4  }
0x1f7: {  	_ = 	snop  }
0x1f8: {  	s2 =	sadd.s32 $0x10, s2  }
0x1f9: {  	s14 =	sand.u32 $0x400, s12;
	s5 =	sand.u32 $0x70, s2;
	v2 =	vadd.f32 v3, v2  }
0x1fa: {  	s12 =	sadd.s32 $0x80, s12;
	s29 =	sor.u32 s5, s14  }
0x1fb: {  	v3 =	vld [tilespmem:s29+$0x7800];
	[tilespmem:s3+$0x7000] =	vst v2  }
0x1fc: {  	v2 =	vld [tilespmem:s29+$0x7000];
	_ =	sdelay $0x4  }
0x1fd: {  	v2 =	vadd.f32 v3, v2;
	_ =	sdelay $0x1  }
0x1fe: {  	[tilespmem:s29+$0x7000] =	vst v2  }
0x1ff: {  	v2 =	vld [tilespmem:s0+$0x7880]  }
0x200: {  	v3 =	vld [tilespmem:s0+$0x7080];
	_ =	sdelay $0x3  }
0x201: {  	s2 =	simm.s32 $0x10  }
0x202: {  	s31 =	sand.u32 $0x70, s2;
	v2 =	vadd.f32 v2, v3  }
0x203: {  	s3 =	sor.u32 s31, s1;
	s1 =	simm.s32 $0x100  }
.LBB2_48:
0x204: {  	p2 =	sne.s32 s1, $0x780;
	v3 =	vld [tilespmem:s3+$0x7880];
	[tilespmem:s0+$0x7080] =	vst v2;
	s0 =	smov.u32 s3  }
0x205: {  	v2 =	vld [tilespmem:s0+$0x7080];
	_ =	sdelay $0x1  }
.Ltmp25:
0x206: {  	(pc) =	sbr.rel @p2 .LBB2_48-.Ltmp25, $4  }
0x207: {  	_ = 	snop  }
0x208: {  	s2 =	sadd.s32 $0x10, s2  }
0x209: {  	s5 =	sand.u32 $0x400, s1;
	s3 =	sand.u32 $0x70, s2;
	v2 =	vadd.f32 v3, v2  }
0x20a: {  	s1 =	sadd.s32 $0x80, s1;
	s3 =	sor.u32 s3, s5  }
0x20b: {  	v3 =	vld [tilespmem:s3+$0x7880];
	[tilespmem:s0+$0x7080] =	vst v2  }
0x20c: {  	v2 =	vld [tilespmem:s3+$0x7080];
	_ =	sdelay $0x4  }
0x20d: {  	s14 =	simm.s32 $0x0;
	v2 =	vadd.f32 v3, v2  }
0x20e: {  	s1 =	sand.u32 $0x70, s14;
	s0 =	sand.u32 $0x400, s14  }
0x20f: {  	s0 =	sor.u32 s1, s0;
	[tilespmem:s3+$0x7080] =	vst v2  }
0x210: {  	v2 =	vld [tilespmem:s0+$0x7900]  }
0x211: {  	v3 =	vld [tilespmem:s0+$0x7100];
	_ =	sdelay $0x3  }
0x212: {  	s30 =	simm.s32 $0x80;
	s2 =	simm.s32 $0x10  }
0x213: {  	s31 =	sand.u32 $0x70, s2;
	s1 =	sand.u32 $0x400, s30;
	v2 =	vadd.f32 v2, v3  }
0x214: {  	s12 =	simm.s32 $0x100;
	s29 =	sor.u32 s31, s1;
	s3 =	smov.u32 s0  }
.LBB2_50:
0x215: {  	p2 =	sne.s32 s12, $0x780;
	v3 =	vld [tilespmem:s29+$0x7900];
	[tilespmem:s3+$0x7100] =	vst v2;
	s3 =	smov.u32 s29  }
0x216: {  	v2 =	vld [tilespmem:s3+$0x7100];
	_ =	sdelay $0x1  }
.Ltmp26:
0x217: {  	(pc) =	sbr.rel @p2 .LBB2_50-.Ltmp26, $4  }
0x218: {  	_ = 	snop  }
0x219: {  	s2 =	sadd.s32 $0x10, s2  }
0x21a: {  	s14 =	sand.u32 $0x400, s12;
	s5 =	sand.u32 $0x70, s2;
	v2 =	vadd.f32 v3, v2  }
0x21b: {  	s12 =	sadd.s32 $0x80, s12;
	s29 =	sor.u32 s5, s14  }
0x21c: {  	v3 =	vld [tilespmem:s29+$0x7900];
	[tilespmem:s3+$0x7100] =	vst v2  }
0x21d: {  	v2 =	vld [tilespmem:s29+$0x7100];
	_ =	sdelay $0x4  }
0x21e: {  	v2 =	vadd.f32 v3, v2;
	_ =	sdelay $0x1  }
0x21f: {  	[tilespmem:s29+$0x7100] =	vst v2  }
0x220: {  	v2 =	vld [tilespmem:s0+$0x7980]  }
0x221: {  	v3 =	vld [tilespmem:s0+$0x7180];
	_ =	sdelay $0x3  }
0x222: {  	s2 =	simm.s32 $0x10  }
0x223: {  	s31 =	sand.u32 $0x70, s2;
	v2 =	vadd.f32 v2, v3  }
0x224: {  	s3 =	sor.u32 s31, s1;
	s1 =	simm.s32 $0x100  }
.LBB2_52:
0x225: {  	p2 =	sne.s32 s1, $0x780;
	v3 =	vld [tilespmem:s3+$0x7980];
	[tilespmem:s0+$0x7180] =	vst v2;
	s0 =	smov.u32 s3  }
0x226: {  	v2 =	vld [tilespmem:s0+$0x7180];
	_ =	sdelay $0x1  }
.Ltmp27:
0x227: {  	(pc) =	sbr.rel @p2 .LBB2_52-.Ltmp27, $4  }
0x228: {  	_ = 	snop  }
0x229: {  	s2 =	sadd.s32 $0x10, s2  }
0x22a: {  	s5 =	sand.u32 $0x400, s1;
	s3 =	sand.u32 $0x70, s2;
	v2 =	vadd.f32 v3, v2  }
0x22b: {  	s1 =	sadd.s32 $0x80, s1;
	s3 =	sor.u32 s3, s5  }
0x22c: {  	v3 =	vld [tilespmem:s3+$0x7980];
	[tilespmem:s0+$0x7180] =	vst v2  }
0x22d: {  	v2 =	vld [tilespmem:s3+$0x7180];
	_ =	sdelay $0x4  }
0x22e: {  	s14 =	simm.s32 $0x0;
	v2 =	vadd.f32 v3, v2  }
0x22f: {  	s1 =	sand.u32 $0x70, s14;
	s0 =	sand.u32 $0x400, s14  }
0x230: {  	s0 =	sor.u32 s1, s0;
	[tilespmem:s3+$0x7180] =	vst v2  }
0x231: {  	v2 =	vld [tilespmem:s0+$0x7A00]  }
0x232: {  	v3 =	vld [tilespmem:s0+$0x7200];
	_ =	sdelay $0x3  }
0x233: {  	s30 =	simm.s32 $0x80;
	s2 =	simm.s32 $0x10  }
0x234: {  	s31 =	sand.u32 $0x70, s2;
	s1 =	sand.u32 $0x400, s30;
	v2 =	vadd.f32 v2, v3  }
0x235: {  	s12 =	simm.s32 $0x100;
	s29 =	sor.u32 s31, s1;
	s3 =	smov.u32 s0  }
.LBB2_54:
0x236: {  	p2 =	sne.s32 s12, $0x780;
	v3 =	vld [tilespmem:s29+$0x7A00];
	[tilespmem:s3+$0x7200] =	vst v2;
	s3 =	smov.u32 s29  }
0x237: {  	v2 =	vld [tilespmem:s3+$0x7200];
	_ =	sdelay $0x1  }
.Ltmp28:
0x238: {  	(pc) =	sbr.rel @p2 .LBB2_54-.Ltmp28, $4  }
0x239: {  	_ = 	snop  }
0x23a: {  	s2 =	sadd.s32 $0x10, s2  }
0x23b: {  	s14 =	sand.u32 $0x400, s12;
	s5 =	sand.u32 $0x70, s2;
	v2 =	vadd.f32 v3, v2  }
0x23c: {  	s12 =	sadd.s32 $0x80, s12;
	s29 =	sor.u32 s5, s14  }
0x23d: {  	v3 =	vld [tilespmem:s29+$0x7A00];
	[tilespmem:s3+$0x7200] =	vst v2  }
0x23e: {  	v2 =	vld [tilespmem:s29+$0x7200];
	_ =	sdelay $0x4  }
0x23f: {  	v2 =	vadd.f32 v3, v2;
	_ =	sdelay $0x1  }
0x240: {  	[tilespmem:s29+$0x7200] =	vst v2  }
0x241: {  	v2 =	vld [tilespmem:s0+$0x7A80]  }
0x242: {  	v3 =	vld [tilespmem:s0+$0x7280];
	_ =	sdelay $0x3  }
0x243: {  	s2 =	simm.s32 $0x10  }
0x244: {  	s31 =	sand.u32 $0x70, s2;
	v2 =	vadd.f32 v2, v3  }
0x245: {  	s3 =	sor.u32 s31, s1;
	s1 =	simm.s32 $0x100  }
.LBB2_56:
0x246: {  	p2 =	sne.s32 s1, $0x780;
	v3 =	vld [tilespmem:s3+$0x7A80];
	[tilespmem:s0+$0x7280] =	vst v2;
	s0 =	smov.u32 s3  }
0x247: {  	v2 =	vld [tilespmem:s0+$0x7280];
	_ =	sdelay $0x1  }
.Ltmp29:
0x248: {  	(pc) =	sbr.rel @p2 .LBB2_56-.Ltmp29, $4  }
0x249: {  	_ = 	snop  }
0x24a: {  	s2 =	sadd.s32 $0x10, s2  }
0x24b: {  	s5 =	sand.u32 $0x400, s1;
	s3 =	sand.u32 $0x70, s2;
	v2 =	vadd.f32 v3, v2  }
0x24c: {  	s1 =	sadd.s32 $0x80, s1;
	s3 =	sor.u32 s3, s5  }
0x24d: {  	v3 =	vld [tilespmem:s3+$0x7A80];
	[tilespmem:s0+$0x7280] =	vst v2  }
0x24e: {  	v2 =	vld [tilespmem:s3+$0x7280];
	_ =	sdelay $0x4  }
0x24f: {  	s14 =	simm.s32 $0x0;
	v2 =	vadd.f32 v3, v2  }
0x250: {  	s1 =	sand.u32 $0x70, s14;
	s0 =	sand.u32 $0x400, s14  }
0x251: {  	s0 =	sor.u32 s1, s0;
	[tilespmem:s3+$0x7280] =	vst v2  }
0x252: {  	v2 =	vld [tilespmem:s0+$0x7B00]  }
0x253: {  	v3 =	vld [tilespmem:s0+$0x7300];
	_ =	sdelay $0x3  }
0x254: {  	s30 =	simm.s32 $0x80;
	s2 =	simm.s32 $0x10  }
0x255: {  	s31 =	sand.u32 $0x70, s2;
	s1 =	sand.u32 $0x400, s30;
	v2 =	vadd.f32 v2, v3  }
0x256: {  	s12 =	simm.s32 $0x100;
	s29 =	sor.u32 s31, s1;
	s3 =	smov.u32 s0  }
.LBB2_58:
0x257: {  	p2 =	sne.s32 s12, $0x780;
	v3 =	vld [tilespmem:s29+$0x7B00];
	[tilespmem:s3+$0x7300] =	vst v2;
	s3 =	smov.u32 s29  }
0x258: {  	v2 =	vld [tilespmem:s3+$0x7300];
	_ =	sdelay $0x1  }
.Ltmp30:
0x259: {  	(pc) =	sbr.rel @p2 .LBB2_58-.Ltmp30, $4  }
0x25a: {  	_ = 	snop  }
0x25b: {  	s2 =	sadd.s32 $0x10, s2  }
0x25c: {  	s14 =	sand.u32 $0x400, s12;
	s5 =	sand.u32 $0x70, s2;
	v2 =	vadd.f32 v3, v2  }
0x25d: {  	s12 =	sadd.s32 $0x80, s12;
	s29 =	sor.u32 s5, s14  }
0x25e: {  	v3 =	vld [tilespmem:s29+$0x7B00];
	[tilespmem:s3+$0x7300] =	vst v2  }
0x25f: {  	v2 =	vld [tilespmem:s29+$0x7300];
	_ =	sdelay $0x4  }
0x260: {  	v2 =	vadd.f32 v3, v2;
	_ =	sdelay $0x1  }
0x261: {  	[tilespmem:s29+$0x7300] =	vst v2  }
0x262: {  	v2 =	vld [tilespmem:s0+$0x7B80]  }
0x263: {  	v3 =	vld [tilespmem:s0+$0x7380];
	_ =	sdelay $0x3  }
0x264: {  	s2 =	simm.s32 $0x10  }
0x265: {  	s31 =	sand.u32 $0x70, s2;
	v2 =	vadd.f32 v2, v3  }
0x266: {  	s3 =	sor.u32 s31, s1;
	s1 =	simm.s32 $0x100  }
.LBB2_60:
0x267: {  	p2 =	sne.s32 s1, $0x780;
	v3 =	vld [tilespmem:s3+$0x7B80];
	[tilespmem:s0+$0x7380] =	vst v2;
	s0 =	smov.u32 s3  }
0x268: {  	v2 =	vld [tilespmem:s0+$0x7380];
	_ =	sdelay $0x1  }
.Ltmp31:
0x269: {  	(pc) =	sbr.rel @p2 .LBB2_60-.Ltmp31, $4  }
0x26a: {  	_ = 	snop  }
0x26b: {  	s2 =	sadd.s32 $0x10, s2  }
0x26c: {  	s5 =	sand.u32 $0x400, s1;
	s3 =	sand.u32 $0x70, s2;
	v2 =	vadd.f32 v3, v2  }
0x26d: {  	s1 =	sadd.s32 $0x80, s1;
	s3 =	sor.u32 s3, s5  }
0x26e: {  	v3 =	vld [tilespmem:s3+$0x7B80];
	[tilespmem:s0+$0x7380] =	vst v2  }
0x26f: {  	v2 =	vld [tilespmem:s3+$0x7380]  }
0x270: {  	s28 =	sadd.s32 $0x1, s28  }
0x271: {  	p2 =	sne.s32 s28, $0x10  }
.Ltmp32:
0x272: {  	_ = 	snop;
	(pc) =	sbr.rel @p2 .LBB2_45-.Ltmp32, $3  }
0x273: {  	_ = 	snop  }
0x274: {  	v2 =	vadd.f32 v3, v2;
	_ =	sdelay $0x1  }
0x275: {  	[tilespmem:s3+$0x7380] =	vst v2  }
.Ltmp33:
0x276: {  	s0 =	rddreg [dreg:$0x7];
	(pc) =	sbr.rel .LBB2_63-.Ltmp33, $4  }
0x277: {  	[spmem:s0] =	stream.linear.scatter [tilespmem:s22], [sflag:$0x1], $0x800, $0x38;
	[tilespmem:$0xB600] =	vst v63  }
0x278: {  	_ =	swait.ge [sflag:s21], $0x800  }
0x279: {  	[sflag:s21] =	ssyncset.done $0x0  }
0x27a: {  	[sflag:s21] =	ssyncadd.s32 $0xFFFFF800  }
.LBB2_64:
0x27b: {  	_ =	sfence.sel $0x180000  }
0x27c: {  	[bflag:$0x0] =	sbarrier.arrive $0xFFFF  }
0x27d: {  	_ =	strace $0x90000047  }
0x27e: {  	s0 =	stileid.u32;
	[bflag:$0x2] =	sbarrier.arrive $0xFFFF  }
0x27f: {  	p0 =	sne.s32 s0, $0x0;
	s0 =	rddreg [dreg:$0x5]  }
0x280: {  	s0 =	sadd.s32 @!p0 $0x100000, s0  }
0x281: {  	[sflag:s0] =	ssyncadd.tile.s32 @!p0 $0x1;
	_ =	shalt  }
.Lfunc_end2:
_tile_overlayer_lowered:
.L_overlay_start_2:
0x282: {  	(tag) =	ssettag $0x2  }
0x283: {  	s0 =	rddreg [dreg:$0x0];
	s2 =	stileid.u32  }
0x284: {  	s1 =	rddreg [dreg:$0x1];
	p0 =	sne.s32 s2, $0x0  }
0x285: {  	s3 =	rddreg [dreg:$0x2];
	[bflag:$0x3] =	sbarrier.arrive $0xFFFF;
	s2 =	simm.s32 @!p0 $0x1C01  }
0x286: {  	[timem:s3], [sflag:s2] =	dma.local @!p0 [hbm:s0], s1  }
0x287: {  	s0 =	simm.s32 @!p0 $0x1  }
0x288: {  	_ =	swait.ge @!p0 [sflag:s0], s1  }
0x289: {  	s1 =	ssub.s32 @!p0 $0x0, s1;
	[sflag:s0] =	ssyncset.done @!p0 $0x0  }
0x28a: {  	[sflag:s0] =	ssyncadd.s32 @!p0 s1  }
0x28b: {  	[bflag:$0x3] =	sbarrier.arrive $0xFFFF  }
0x28c: {  	_ =	shalt  }

// kernel: scatter_offload_async_start.1
scs
__scs_entry_jumppad:
0x0: {  	(pc) =	sbr.rel $0x88, $3  }
0x1: {  	(tag) =	ssettag $0x0;
	lr =	simm.s32 $0x1  }
0x2: {  	[smem:$0x3F8A] =	sst lr;
	_ =	strace $0xD0000000  }
0x3: {  	_ = 	snop  }
0x4: {  	_ = 	snop  }
0x5: {  	_ = 	snop  }
0x6: {  	_ = 	snop  }
0x7: {  	_ = 	snop  }
__scs_overlays_trampoline_lowered:
0x8: {  	[smem:$0x3F99] =	sst s0  }
0x9: {  	[smem:$0x3F9A] =	sst s1  }
0xa: {  	[smem:$0x3F9B] =	sst s2  }
0xb: {  	[smem:$0x3F9C] =	sst s3  }
0xc: {  	[smem:$0x3F9D] =	sst s4  }
0xd: {  	[smem:$0x3F9E] =	sst s5  }
0xe: {  	[smem:$0x3F9F] =	sst s6  }
0xf: {  	[smem:$0x3FA0] =	sst s7  }
0x10: {  	[smem:$0x3FA1] =	sst s8  }
0x11: {  	[smem:$0x3FA2] =	sst s9;
	s0 =	simm.s32 @!p0 $0x0  }
0x12: {  	s1 =	sld [smem:$0x3F88];
	s0 =	simm.s32 @p0 $0x1  }
0x13: {  	[smem:$0x3FA3] =	sst s0;
	s0 =	simm.s32 @!p1 $0x0  }
0x14: {  	s2 =	sld [smem:$0x3F87];
	s0 =	simm.s32 @p1 $0x1  }
0x15: {  	[smem:$0x3FA4] =	sst s0;
	s0 =	simm.s32 @!p2 $0x0  }
0x16: {  	s3 =	sld [smem:$0x3FDB];
	s0 =	simm.s32 @p2 $0x1  }
0x17: {  	s4 =	simm.s32 $0x1BF5;
	[smem:$0x3FA6] =	sst s0  }
0x18: {  	s0 =	sld [smem:$0x3F89];
	_ =	swait.ge [sflag:s4], $0x0  }
0x19: {  	s7 =	sld [smem:$0x3F8A]  }
0x1a: {  	s8 =	sadd.s32 $0xFFFFE003, lr  }
0x1b: {  	s9 =	sadd.s32 $0xFFFFFEF7, lr;
	s5 =	simm.s32 $0xFFFFFFFF;
	p2 =	slt.u32 s8, $0xFFFFF086  }
0x1c: {  	p1 =	slt.u32 s9, $0xF7A;
	s5 =	simm.s32 @!p2 $0x0  }
0x1d: {  	s5 =	simm.s32 @p1 $0x1;
	p0 =	seq.s32 s7, s2  }
0x1e: {  	s7 =	smul.u32 @!p0 $0xF7A, s2;
	p2 =	seq.s32 @!p0 s5, $0x0  }
0x1f: {  	s9 =	smul.u32 $0xF7A, s1;
	s8 =	simm.s32 @!p0 $0x1BF5;
	p2 =	por !p2, p0  }
0x20: {  	[sflag:s8] =	ssyncset.s32 @!p0 $0xFFFFF086;
	s6 =	sadd.s32 @!p0 s3, s7;
	s7 =	simm.s32 @!p0 $0x108  }
0x21: {  	s3 =	sadd.s32 s3, s9;
	s6 =	sadd.s32 @!p0 $0x88, s6;
	s7 =	simm.s32 @p2 $0x1082  }
0x22: {  	[simem:s7], [sflag:s8] =	dma.local @!p0 [hbm:s6], $0xF7A  }
0x23: {  	s9 =	sor.u32 $0xD0000000, s2;
	s6 =	simm.s32 $0x108;
	_ =	swait.ge @!p0 [sflag:s8], $0x0  }
0x24: {  	s3 =	sadd.s32 $0x88, s3;
	s6 =	simm.s32 @!p1 $0x1082;
	[sflag:s4] =	ssyncset.s32 $0xFFFFF086  }
0x25: {  	[simem:s6], [sflag:s4] =	dma.local [hbm:s3], $0xF7A  }
0x26: {  	[smem:$0x3F8A] =	sst s1;
	(tag) =	ssettag s2;
	_ =	strace s9  }
0x27: {  	s1 =	sld [smem:$0x3F9A]  }
0x28: {  	s2 =	sld [smem:$0x3F9B]  }
0x29: {  	s4 =	sld [smem:$0x3F9D]  }
0x2a: {  	p0 =	seq.s32 s5, $0x0;
	s5 =	sld [smem:$0x3F9E]  }
0x2b: {  	s6 =	sld [smem:$0x3F9F]  }
0x2c: {  	s7 =	sld [smem:$0x3FA0]  }
0x2d: {  	s3 =	simm.s32 $0x108;
	s8 =	sld [smem:$0x3FA1]  }
0x2e: {  	s3 =	simm.s32 @!p0 $0x1082;
	s9 =	sld [smem:$0x3FA2]  }
0x2f: {  	lr =	sadd.s32 s0, s3;
	s0 =	sld [smem:$0x3F99]  }
0x30: {  	s3 =	sld [smem:$0x3F9C]  }
0x31: {  	[smem:$0x3FA5] =	sst s10  }
0x32: {  	s10 =	sld [smem:$0x3FA3];
	_ =	sdelay $0x3  }
0x33: {  	p0 =	seq.s32 s10, $0x1;
	s10 =	sld [smem:$0x3FA5];
	_ =	sdelay $0x3  }
0x34: {  	[smem:$0x3FA5] =	sst s10  }
0x35: {  	s10 =	sld [smem:$0x3FA4];
	_ =	sdelay $0x3  }
0x36: {  	p1 =	seq.s32 s10, $0x1;
	s10 =	sld [smem:$0x3FA5];
	_ =	sdelay $0x3  }
0x37: {  	[smem:$0x3FA5] =	sst s10  }
0x38: {  	s10 =	sld [smem:$0x3FA6]  }
0x39: {  	_ = 	snop;
	(pc) =	sbr.ind lr, $3  }
0x3a: {  	_ = 	snop  }
0x3b: {  	_ = 	snop  }
0x3c: {  	p2 =	seq.s32 s10, $0x1;
	s10 =	sld [smem:$0x3FA5]  }
0x3d: {  	_ =	shalt  }
0x3e: {  	_ =	shalt  }
0x3f: {  	_ =	shalt  }
0x40: {  	_ =	shalt  }
0x41: {  	_ =	shalt  }
0x42: {  	_ =	shalt  }
0x43: {  	_ =	shalt  }
0x44: {  	_ =	shalt  }
0x45: {  	_ =	shalt  }
0x46: {  	_ =	shalt  }
0x47: {  	_ =	shalt  }
0x48: {  	_ =	shalt  }
0x49: {  	_ =	shalt  }
0x4a: {  	_ =	shalt  }
0x4b: {  	_ =	shalt  }
0x4c: {  	_ =	shalt  }
0x4d: {  	_ =	shalt  }
0x4e: {  	_ =	shalt  }
0x4f: {  	_ =	shalt  }
0x50: {  	_ =	shalt  }
0x51: {  	_ =	shalt  }
0x52: {  	_ =	shalt  }
0x53: {  	_ =	shalt  }
0x54: {  	_ =	shalt  }
0x55: {  	_ =	shalt  }
0x56: {  	_ =	shalt  }
0x57: {  	_ =	shalt  }
0x58: {  	_ =	shalt  }
0x59: {  	_ =	shalt  }
0x5a: {  	_ =	shalt  }
0x5b: {  	_ =	shalt  }
0x5c: {  	_ =	shalt  }
0x5d: {  	_ =	shalt  }
0x5e: {  	_ =	shalt  }
0x5f: {  	_ =	shalt  }
0x60: {  	_ =	shalt  }
0x61: {  	_ =	shalt  }
0x62: {  	_ =	shalt  }
0x63: {  	_ =	shalt  }
0x64: {  	_ =	shalt  }
0x65: {  	_ =	shalt  }
0x66: {  	_ =	shalt  }
0x67: {  	_ =	shalt  }
0x68: {  	_ =	shalt  }
0x69: {  	_ =	shalt  }
0x6a: {  	_ =	shalt  }
0x6b: {  	_ =	shalt  }
0x6c: {  	_ =	shalt  }
0x6d: {  	_ =	shalt  }
0x6e: {  	_ =	shalt  }
0x6f: {  	_ =	shalt  }
0x70: {  	_ =	shalt  }
0x71: {  	_ =	shalt  }
0x72: {  	_ =	shalt  }
0x73: {  	_ =	shalt  }
0x74: {  	_ =	shalt  }
0x75: {  	_ =	shalt  }
0x76: {  	_ =	shalt  }
0x77: {  	_ =	shalt  }
0x78: {  	_ =	shalt  }
0x79: {  	_ =	shalt  }
0x7a: {  	_ =	shalt  }
0x7b: {  	_ =	shalt  }
0x7c: {  	_ =	shalt  }
0x7d: {  	_ =	shalt  }
0x7e: {  	_ =	shalt  }
0x7f: {  	_ =	shalt  }
0x80: {  	_ =	shalt  }
0x81: {  	_ =	shalt  }
0x82: {  	_ =	shalt  }
0x83: {  	_ =	shalt  }
0x84: {  	_ =	shalt  }
0x85: {  	_ =	shalt  }
0x86: {  	_ =	shalt  }
0x87: {  	_ =	shalt  }
.Lfunc_end0:
.L_simem_size_0:
called_computation.1_lowered:
.L_overlay_start_0:
0x88: {  	s0 =	sld [smem:$0x3FD9]  }
0x89: {  	s1 =	sld [smem:$0x3FFE];
	_ =	sdelay $0x3  }
0x8a: {  	s0 =	sadd.s32 s1, s0  }
0x8b: {  	[smem:$0x3FB1] =	sst s0  }
0x8c: {  	_ = 	snop  }
0x8d: {  	s0 =	sld [smem:$0x3FD0];
	(tm) =	ssettm $0x1  }
0x8e: {  	s16 =	sld [smem:$0x3FFB];
	_ =	sdelay $0x3  }
0x8f: {  	_ =	strace s16  }
0x90: {  	s1 =	sld [smem:$0x3FFC];
	_ =	sdelay $0x3  }
0x91: {  	_ =	strace s1  }
0x92: {  	s1 =	sld [smem:$0x3FFD];
	_ =	sdelay $0x3  }
0x93: {  	_ =	strace s1  }
0x94: {  	_ =	strace $0x8FFFFFFF  }
0x95: {  	s17 =	sld [smem:$0x3FDB];
	_ =	sdelay $0x1  }
0x96: {  	s2 =	simm.s32 $_scs_section_size  }
0x97: {  	s3 =	simm.s32 $_size__tile_overlayer_lowered;
	s4 =	simm.s32 $_tile_overlayer_lowered  }
0x98: {  	s20 =	simm.s32 $0x1BFF;
	s19 =	sshll.u32 s4, $0x1;
	s1 =	sadd.s32 s2, s17  }
0x99: {  	s5 =	simm.s32 $0x0;
	s18 =	sshll.u32 s3, $0x1;
	s3 =	sadd.s32 s19, s1  }
0x9a: {  	[timem:s5], [sflag:s20] =	dma.local [hbm:s3], s18  }
0x9b: {  	_ =	swait.ge [sflag:s20], s18  }
0x9c: {  	s2 =	ssub.s32 $0x0, s18;
	[sflag:s20] =	ssyncset.done $0x0  }
0x9d: {  	[sflag:s20] =	ssyncadd.s32 s2;
	_ =	sdelay $0x1  }
0x9e: {  	s21 =	simm.s32 $0x1B8B  }
0x9f: {  	_ =	swait.ge [sflag:s21], $0x1  }
0xa0: {  	[sflag:s21] =	ssyncset.done $0x0  }
0xa1: {  	s23 =	simm.s32 $0x1B8E;
	s22 =	sld [smem:$0x3FFE];
	[sflag:s21] =	ssyncadd.s32 $0xFFFFFFFF  }
0xa2: {  	s24 =	simm.s32 $execute0_lowered;
	[smem:$0x3FD2] =	sst s23  }
0xa3: {  	s3 =	sshll.u32 s24, $0x1;
	_ =	strace $0x8000004C;
	[dreg:$0x1] =	wrdreg $0xFFFFFFFF  }
0xa4: {  	s25 =	simm.s32 $_size_execute0_lowered;
	s1 =	sadd.s32 s1, s3;
	[dreg:$0x0] =	wrdreg $0x0  }
0xa5: {  	s3 =	sshll.u32 s25, $0x1;
	[dreg:$0x2] =	wrdreg s1  }
0xa6: {  	[dreg:$0x3] =	wrdreg s3  }
0xa7: {  	[dreg:$0x4] =	wrdreg $0xC0  }
0xa8: {  	_ =	task [dreg:s5], $0x5FFFF  }
0xa9: {  	[dreg:$0x1] =	wrdreg $0xFFFFFFFF  }
0xaa: {  	[dreg:$0x0] =	wrdreg $0x60  }
0xab: {  	[dreg:$0x2] =	wrdreg s22  }
0xac: {  	[dreg:$0x3] =	wrdreg s0  }
0xad: {  	[dreg:$0x4] =	wrdreg $0x9  }
0xae: {  	_ =	task.clear_ibuf [dreg:s5], $0x5FFFF;
	_ =	strace $0x9000004C  }
0xaf: {  	s26 =	simm.s32 $0x9;
	_ =	strace $0x8000004E  }
0xb0: {  	_ =	swait.ge [sflag:s26], $0x1  }
0xb1: {  	[sflag:s26] =	ssyncadd.s32 $0xFFFFFFFF  }
0xb2: {  	_ =	strace $0x9000004E  }
0xb3: {  	_ =	sfence  }
0xb4: {  	s28 =	sld [smem:$0x0];
	_ =	sdelay $0x1  }
0xb5: {  	s29 =	srdreg.scid  }
0xb6: {  	s30 =	sshll.u32 s29, $0xD;
	s31 =	sshrl.u32 s29, $0x2  }
0xb7: {  	s2 =	sand.u32 $0x4000, s30;
	s1 =	sand.u32 $0x1, s29;
	s0 =	sadd.s32 s31, s28  }
0xb8: {  	s1 =	sor.u32 s2, s1;
	s0 =	sshll.u32 s0, $0x11  }
0xb9: {  	s0 =	sor.u32 s0, s1  }
0xba: {  	s0 =	sadd.s32 $0x8F2B, s0  }
0xbb: {  	[sflag:s0] =	ssyncadd.remote.s32 $0x1  }
0xbc: {  	_ =	sfence.sel $0xFFFF  }
0xbd: {  	[dreg:$0x0] =	wrdreg $0xFFFFFFFF;
	(pc) =	sbr.abs _section_cstart, $3  }
0xbe: {  	[dreg:$0x1] =	wrdreg $0xFFFFFFFF  }
0xbf: {  	_ =	task.clear_ibuf [dreg:s5], $0x2FFFF;
	_ =	strace $0x9FFFFFFF  }
0xc0: {  	(tm) =	ssettm $0x7FFFFFFF  }
0xc1: {  	_ =	shalt  }
tec
execute0_lowered:
.L_overlay_start_1:
0x0: {  	(tag) =	ssettag $0x1  }
0x1: {  	s5 =	rddreg [dreg:$0x0]  }
0x2: {  	s3 =	rddreg [dreg:$0x1];
	_ =	strace $0x8000004D;
	s1 =	simm.s32 $0x1  }
0x3: {  	v1 =	vimm.s32 $0xFFFFFFFF;
	[sflag:s1] =	ssyncpa.u1 $0x0  }
0x4: {  	[tilespmem:$0x10] =	vst v1  }
0x5: {  	v0 =	vimm.f32 $0.0e+00;
	[tilespmem:$0x20] =	vst v1  }
0x6: {  	s0 =	stileid.u32;
	[tilespmem:$0x30] =	vst v0  }
0x7: {  	s6 =	simm.s32 $0x10;
	s7 =	simm.s32 $0x2;
	s8 =	simm.s32 $0x8;
	[tilespmem:$0x40] =	vst v0  }
0x8: {  	s10 =	simm.s32 $0x9;
	s17 =	simm.s32 $0x100;
	s18 =	simm.s32 $0xFFFFFFFE;
	[tilespmem:$0x50] =	vst v0  }
0x9: {  	s19 =	simm.s32 $0x0;
	s20 =	simm.s32 $0xFFFFFFFF;
	s21 =	simm.s32 $0xF;
	[tilespmem:$0x60] =	vst v1  }
0xa: {  	s22 =	simm.s32 $0x30;
	s23 =	simm.s32 $0x0;
	s26 =	simm.s32 $0x0;
	[tilespmem:$0x70] =	vst v1  }
0xb: {  	s24 =	simm.s32 $0x0;
	s31 =	smin.u32 s0, $0x2;
	p0 =	slt.u32 s0, $0x2;
	[tilespmem:$0x80] =	vst v1  }
0xc: {  	s1 =	sadd.s32 $0x3600, s5;
	v1 =	vimm.s32 $0x0;
	s4 =	sshll.u32 s31, $0x4;
	s6 =	simm.s32 @!p0 $0x0;
	[tilespmem:$0xB0] =	vst v0  }
0xd: {  	s5 =	sadd.s32 $0x16A00, s5;
	s13 =	sshllo.u32 s0, $0x1;
	[tilespmem:$0x90] =	vst v1;
	s6 =	sadd.s32 s6, s4  }
0xe: {  	[tilespmem:$0xA0] =	vst v1;
	[sflag:s7] =	ssyncpa.u1 $0x0;
	s7 =	simm.s32 $0x7;
	s6 =	smin.u32 s6, $0x20  }
.Ltmp0:
0xf: {  	[sflag:s7] =	ssyncpa.u1 $0x0;
	s9 =	ssub.s32 s6, s4;
	(pc) =	sbr.rel .LBB2_1-.Ltmp0, $4  }
0x10: {  	s25 =	smov.u32 s4;
	[sflag:s8] =	ssyncpa.u1 $0x0;
	p0 =	sgt.s32 s9, $0x0  }
0x11: {  	[sflag:s10] =	ssyncpa.u1 $0x0;
	s10 =	sshll.u32 s0, $0x1;
	s9 =	simm.s32 @!p0 $0x0  }
0x12: {  	vm0 =	vmmov $0xffff;
	s12 =	sor.u32 $0x81, s10;
	s14 =	sor.u32 $0x80, s10;
	s9 =	sshrl.u32 s9, $0x4  }
0x13: {  	v2 =	vlaneseq.u32;
	vm1 =	vmxor vm1, vm1;
	vm2 =	vmmov $0x1;
	s11 =	sadd.s32 $0x2, s9;
	s15 =	sadd.s32 $0x3, s9;
	s16 =	sadd.s32 $0x1, s9  }
.LBB2_5:
0x14: {  	p0 =	slt.u32 s24, $0x3  }
0x15: {  	s0 =	simm.s32 @!p0 $0x2  }
0x16: {  	_ =	swait.ge @!p0 [sflag:s0], $0x10  }
0x17: {  	[sflag:s0] =	ssyncset.done @!p0 $0x0  }
0x18: {  	[sflag:s0] =	ssyncadd.s32 @!p0 $0xFFFFFFF0;
	s0 =	simm.s32 @!p0 $0x9  }
0x19: {  	_ =	swait.ge @!p0 [sflag:s0], $0x10  }
0x1a: {  	s2 =	sadd.s32 $0x10, s25;
	s24 =	sadd.s32 $0x1, s24;
	[sflag:s0] =	ssyncset.done @!p0 $0x0  }
0x1b: {  	[sflag:s0] =	ssyncadd.s32 @!p0 $0xFFFFFFF0;
	p0 =	slt.s32 s2, s6;
	s0 =	smov.u32 s4  }
0x1c: {  	s0 =	smov.u32 @p0 s2;
	p0 =	sne.s32 s15, s24  }
.Ltmp1:
0x1d: {  	_ = 	snop;
	(pc) =	sbr.rel @!p0 .LBB2_6-.Ltmp1, $3  }
0x1e: {  	_ =	sdelay $0x1  }
0x1f: {  	s17 =	sadd.s32 $0x10, s17;
	s26 =	smov.u32 s25;
	s18 =	sadd.s32 $0x1, s18  }
0x20: {  	s23 =	sadd.s32 $0x10, s23;
	s20 =	sadd.s32 $0x1, s20;
	s25 =	smov.u32 s0  }
.LBB2_1:
0x21: {  	s28 =	smulhi.u32 $0xAAAAAAAB, s24;
	_ =	sdelay $0x1  }
0x22: {  	s28 =	sshrl.u32 s28, $0x1  }
0x23: {  	s28 =	smul.u32 $0xFFFFFF40, s28  }
0x24: {  	p0 =	sge.u32 s24, s9  }
0x25: {  	s31 =	sadd.s32 $0xFFFFFFFF, s24;
	s29 =	sshrl.u32 @!p0 s25, $0x3;
	s28 =	sshra.s32 @!p0 s28, $0x2  }
0x26: {  	s30 =	sand.u32 @!p0 $0x7, s25;
	s29 =	sadd.s32 @!p0 s3, s29;
	s28 =	sadd.s32 @!p0 s28, s17  }
0x27: {  	[tilespmem:s28], [sflag:$0x7] =	stream.linear.gather @!p0 [hbm4b:s29+s30], $0x10, $0x38;
	[tilespmem:$0x1B0] =	vst v63  }
0x28: {  	p0 =	sge.u32 s31, s9  }
.Ltmp2:
0x29: {  	_ = 	snop;
	(pc) =	sbr.rel @p0 .LBB2_3-.Ltmp2, $1  }
0x2a: {  	_ =	sdelay $0x3  }
0x2b: {  	s28 =	smulhi.u32 $0xAAAAAAAB, s20;
	_ =	sdelay $0x1  }
0x2c: {  	s28 =	sshrl.u32 s28, $0x1  }
0x2d: {  	s28 =	smul.u32 $0xFFFFFF40, s28;
	_ =	sdelay $0x1  }
0x2e: {  	_ =	swait.ge [sflag:s7], $0x10;
	s28 =	sshra.s32 s28, $0x2  }
0x2f: {  	[sflag:s7] =	ssyncset.done $0x0;
	s28 =	sadd.s32 s28, s17  }
0x30: {  	[sflag:s7] =	ssyncadd.s32 $0xFFFFFFF0;
	(ifvalue) =	ssetifvalue $0xFFFFFFFF;
	v3 =	vld.msk [tilespmem:s28+$0xFFFFFFF0 ss:$0x1], $0xffff;
	_ =	sdelay $0x4  }
0x31: {  	v4 =	vshrl.u32 v3, $0xE  }
0x32: {  	vm3 =	veq.s32 v3, $0x80000000;
	v4 =	vand.u32 $0x1F, v4  }
0x33: {  	v3 =	vand.u32 $0x3FFF, v3;
	v4 =	vsel vm3, $0xFFFFFFFF, v4  }
0x34: {  	v3 =	vsel vm3, $0xFFFFFFFF, v3;
	v5 =	vshrl.u32 v4, $0x3  }
0x35: {  	v6 =	vshll.u32 v3, $0x3;
	v4 =	vshll.u32 v4, $0x7;
	v5 =	vmul.u32 $0x13C00, v5  }
0x36: {  	v3 =	vand.u32 $0x7F, v3;
	v6 =	vand.u32 $0xFFFFFC00, v6;
	v4 =	vand.u32 $0x380, v4  }
0x37: {  	p0 =	sne.s32 s24, $0x1;
	v3 =	vor.u32 v3, v4;
	v5 =	vadd.s32 v6, v5  }
0x38: {  	v4 =	vimm.s32 @!p0 $0x0;
	v3 =	vor.u32 v5, v3  }
0x39: {  	v4 =	vperm.xlane @!p0 v3, v4  }
0x3a: {  	vm3 =	vlt.u32 v5, $0x4F000  }
0x3b: {  	s29 =	sand.u32 $0x10, s23;
	v3 =	vnsel vm3, $0xFFFFFFFE, v3;
	vm3 =	vlt.u32 @!p0 v4, $0x4F000  }
0x3c: {  	[tilespmem:s29+$0x60] =	vst v3;
	v3 =	vnsel @!p0 vm3, $0xFFFFFFFE, v4  }
0x3d: {  	s2 =	sadd.s32 $0xFFFFFFF0, s28;
	[tilespmem:$0x80] =	vst @!p0 v3  }
0x3e: {  	v3 =	vld.msk [tilespmem:s2+$0x0 ss:$0x1], $0xffff;
	_ =	sdelay $0x4  }
0x3f: {  	v60 =	vshrl.u32 v3, $0xE  }
0x40: {  	vm3 =	veq.s32 v3, $0x80000000;
	v4 =	vand.u32 $0x1F, v60  }
0x41: {  	v3 =	vand.u32 $0x3FFF, v3;
	v4 =	vsel vm3, $0xFFFFFFFF, v4  }
0x42: {  	v3 =	vsel vm3, $0xFFFFFFFF, v3;
	v61 =	vshrl.u32 v4, $0x3  }
0x43: {  	v62 =	vshll.u32 v3, $0x3;
	v4 =	vshll.u32 v4, $0x7;
	v5 =	vmul.u32 $0x13C00, v61  }
0x44: {  	v3 =	vand.u32 $0x7F, v3;
	v6 =	vand.u32 $0xFFFFFC00, v62;
	v4 =	vand.u32 $0x380, v4  }
0x45: {  	v3 =	vor.u32 v3, v4;
	v5 =	vadd.s32 v6, v5  }
0x46: {  	v3 =	vor.u32 v5, v3  }
0x47: {  	(xrf1) =	vunique.msk.u32 $0xffff, v3;
	_ =	sdelay $0xd  }
0x48: {  	v63, _, _ =	vpop (xrf1)  }
0x49: {  	vm4 =	vne.s32 v3, $0xFFFFFFFF;
	vm3 =	veq.s32 v63, v2  }
0x4a: {  	vm5 =	vlt.u32 v5, $0x4F000;
	vm3 =	vmand vm4, vm3  }
0x4b: {  	vm3 =	vmand vm5, vm3  }
0x4c: {  	v3 =	vnsel vm3, $0xFFFFFFFF, v3;
	_ =	sdelay $0x1  }
0x4d: {  	s30 =	sadd.s32 $0xFFFFFFF0, s23  }
0x4e: {  	s29 =	sand.u32 $0x10, s30  }
0x4f: {  	s26 =	sshrl.u32 s26, $0x3;
	s30 =	sadd.s32 $0x130, s29;
	(ifvalue) =	ssetifvalue $0xFFFFFFFF  }
0x50: {  	[tilespmem:s30], [sflag:$0x8] =	stream.indirect_vreg.gather [hbm4b:s1+s19], $0x1, v3, vm0, $0x4038;
	v3 =	vnsel vm5, $0xFFFFFFFE, v3;
	[tilespmem:$0x1B0] =	vst v63  }
0x51: {  	s26 =	sadd.s32 s5, s26;
	s31 =	sadd.s32 $0x150, s29;
	[tilespmem:s28+$0xFFFFFFF0] =	vst v3  }
0x52: {  	[tilespmem:s31], [sflag:$0x8] =	stream.linear.gather [hbm:s26], $0x10, $0x38;
	[tilespmem:$0x1B0] =	vst v63  }
.LBB2_3:
0x53: {  	p0 =	slt.u32 s24, $0x2  }
0x54: {  	p1 =	sge.u32 @!p0 s24, s11  }
0x55: {  	p0 =	por p0, p1  }
.Ltmp3:
0x56: {  	_ = 	snop;
	(pc) =	sbr.rel @p0 .LBB2_5-.Ltmp3, $1  }
0x57: {  	_ =	sdelay $0x3  }
0x58: {  	s26 =	smulhi.u32 $0xAAAAAAAB, s18;
	_ =	sdelay $0x1  }
0x59: {  	s26 =	sshrl.u32 s26, $0x1  }
0x5a: {  	s26 =	smul.u32 $0xC0, s26;
	_ =	sdelay $0x1  }
0x5b: {  	p0 =	sne.s32 s16, s24;
	s30 =	ssub.s32 $0xFFFFFF80, s26  }
0x5c: {  	_ =	swait.ge [sflag:s8], $0x20;
	s26 =	sshra.s32 @!p0 s30, $0x2  }
0x5d: {  	[sflag:s8] =	ssyncset.done $0x0;
	s26 =	sadd.s32 @!p0 s26, s17  }
0x5e: {  	s28 =	simm.s32 @!p0 $0x1;
	[sflag:s8] =	ssyncadd.s32 $0xFFFFFFE0;
	s26 =	sadd.s32 @!p0 $0xF, s26  }
0x5f: {  	[spmem:s12] =	stream.linear.scatter @!p0 [tilespmem:s26], [sflag:$0x1], $0x1, $0x38;
	[tilespmem:$0x1B0] =	vst v63  }
0x60: {  	_ =	swait.ge @!p0 [sflag:s28], $0x1  }
0x61: {  	[sflag:s28] =	ssyncset.done @!p0 $0x0  }
0x62: {  	s26 =	sand.u32 $0x10, s23;
	[sflag:s28] =	ssyncadd.s32 @!p0 $0xFFFFFFFF  }
0x63: {  	s31 =	sxor.u32 $0x10, s26;
	v3 =	vld [tilespmem:s26+$0x10]  }
0x64: {  	v4 =	vld [tilespmem:s31+$0x60]  }
0x65: {  	v5 =	vld [tilespmem:$0x80];
	_ =	sdelay $0x2  }
0x66: {  	(v2sf) =	vpush v3, $0x0  }
0x67: {  	(v2sf) =	vpush v4, $0x0  }
0x68: {  	(v2sf) =	vpush v5, $0x0;
	_ =	sdelay $0xc  }
0x69: {  	s0 =	spop (v2sf)  }
0x6a: {  	s2 =	spop (v2sf)  }
0x6b: {  	s29 =	spop (v2sf)  }
0x6c: {  	p1 =	seq.s32 s0, s2;
	p2 =	seq.s32 s29, s0  }
0x6d: {  	p2 =	por p1, p2  }
0x6e: {  	v3 =	vpsel p2, $0xFFFFFFFF, v3  }
0x6f: {  	v56 =	vld [tilespmem:s26+$0x150];
	[tilespmem:s26+$0x10] =	vst.msk $0x1, v3  }
0x70: {  	v3 =	vld [tilespmem:$0x30]  }
0x71: {  	v6 =	vld [tilespmem:s26+$0x40];
	_ =	sdelay $0x3  }
0x72: {  	vm3 =	vmmov vm1;
	v4 =	vadd.f32 v56, v3  }
0x73: {  	vm4 =	vmmov vm2;
	vm3 =	vmmov @p1 vm2;
	v3 =	vadd.f32 v6, v3  }
0x74: {  	vm4 =	vmmov @p2 vm1;
	[tilespmem:s26+$0x150] =	vst.msk vm3, v4  }
0x75: {  	[tilespmem:s26+$0x190] =	vst.msk vm4, v3  }
0x76: {  	v3 =	vld [tilespmem:s26+$0x130];
	_ =	sdelay $0x4  }
0x77: {  	v3 =	vshift.insert v3, v0, s21  }
0x78: {  	s2 =	sor.u32 $0x40, s31  }
0x79: {  	[tilespmem:s2+$0x0] =	vst.msk $0x1, v3;
	s2 =	sshra.s32 s30, $0x2  }
0x7a: {  	[tilespmem:s26+$0x13F] =	vst.msk $0x1, v0;
	s0 =	sadd.s32 s2, s17  }
0x7b: {  	v3 =	vld [tilespmem:s0+$0x0];
	_ =	sdelay $0x4  }
0x7c: {  	v3 =	vshift.insert v3, v1, s21;
	_ =	sdelay $0x1  }
0x7d: {  	[tilespmem:s31+$0x10] =	vst.msk $0x1, v3  }
0x7e: {  	v4 =	vld [tilespmem:s26+$0x150]  }
0x7f: {  	v57 =	vld [tilespmem:s0+$0x0];
	_ =	sdelay $0x3  }
0x80: {  	v4 =	vadd.f32 $0.0e+00, v4  }
0x81: {  	vm3 =	vne.s32 v57, $0xFFFFFFFF  }
0x82: {  	(xrf2) =	vadd.seg.scan.f32 vm3, v4;
	_ =	sdelay $0x3  }
0x83: {  	v58 =	vperm.xlane v3, v1  }
0x84: {  	v7 =	vld [tilespmem:s26+$0x130]  }
0x85: {  	vm14 =	veq.s32 v57, v58;
	vm3 =	veq.s32 v57, v5  }
0x86: {  	vm5 =	vgt.u32 v57, $0xFFFFFFFD;
	vm4 =	vmor vm14, vm3  }
0x87: {  	vm4 =	vmor vm4, vm5  }
0x88: {  	v59 =	vsel vm4, $0xFFFFFFFF, v57  }
0x89: {  	v61 =	vsel vm3, $0x0, v7;
	v60, _, _ =	vpop (xrf2)  }
0x8a: {  	v6 =	vadd.f32 v60, v61  }
0x8b: {  	v62 =	vld [tilespmem:$0xA0]  }
0x8c: {  	s30 =	sadd.s32 $0x170, s26;
	v8 =	vld [tilespmem:$0x90];
	[tilespmem:s26+$0x170] =	vst v6;
	(ifvalue) =	ssetifvalue $0xFFFFFFFF  }
0x8d: {  	[hbm4b:s1+s19] =	stream.indirect_vreg.scatter [tilespmem:s30], [sflag:$0x2], $0x1, v59, vm0, $0x4038;
	[tilespmem:$0x1B0] =	vst v63  }
0x8e: {  	v4 =	vld [tilespmem:s26+$0x170];
	_ =	sdelay $0x4  }
0x8f: {  	v4 =	vshift.insert v4, v0, s21  }
0x90: {  	vm15 =	veq.s32 v62, $0x1  }
0x91: {  	vm4 =	vmor vm15, vm3;
	v5 =	vsel vm3, v60, v8;
	[tilespmem:s22+$0x0] =	vst.msk $0x1, v4  }
0x92: {  	v63 =	vsel vm4, $0x1, v1;
	[tilespmem:$0x90] =	vst v5  }
0x93: {  	s0 =	sadd.s32 @!p0 $0x17F, s26;
	[tilespmem:$0xA0] =	vst v63  }
0x94: {  	[spmem:s13] =	stream.linear.scatter @!p0 [tilespmem:s0], [sflag:$0x1], $0x1, $0x38;
	[tilespmem:$0x1B0] =	vst v63  }
0x95: {  	v4 =	vmctz.xlane @!p0 vm4;
	_ =	swait.ge @!p0 [sflag:s28], $0x1  }
0x96: {  	(v2sf) =	vpush @!p0 v3, $0x0  }
0x97: {  	(v2sf) =	vpush @!p0 v4, $0x0;
	_ =	sdelay $0xd  }
0x98: {  	s0 =	spop @!p0 (v2sf)  }
0x99: {  	s2 =	spop @!p0 (v2sf)  }
0x9a: {  	p1 =	sne.s32 @!p0 s29, s0;
	p2 =	slt.s32 @!p0 s2, $0xF  }
0x9b: {  	[sflag:s28] =	ssyncset.done @!p0 $0x0;
	p1 =	por p1, p0;
	p2 =	por !p2, p0  }
0x9c: {  	[sflag:s28] =	ssyncadd.s32 @!p0 $0xFFFFFFFF;
	v3 =	vimm.s32 @!p1 $0xFFFFFFFF;
	s2 =	simm.s32 @p2 $0xF  }
0x9d: {  	[tilespmem:$0x80] =	vst @!p1 v3;
	s0 =	sadd.s32 @!p0 $0x90, s2  }
0x9e: {  	[spmem:s10] =	stream.linear.scatter @!p0 [tilespmem:s0], [sflag:$0x1], $0x1, $0x38;
	[tilespmem:$0x1B0] =	vst v63  }
0x9f: {  	_ =	swait.ge @!p0 [sflag:s28], $0x1  }
0xa0: {  	[sflag:s28] =	ssyncset.done @!p0 $0x0  }
0xa1: {  	s0 =	simm.s32 @!p0 $0x80;
	[sflag:s28] =	ssyncadd.s32 @!p0 $0xFFFFFFFF  }
0xa2: {  	[spmem:s14] =	stream.linear.scatter @!p0 [tilespmem:s0], [sflag:$0x1], $0x1, $0x38;
	[tilespmem:$0x1B0] =	vst v63  }
0xa3: {  	_ =	swait.ge @!p0 [sflag:s28], $0x1  }
0xa4: {  	[sflag:s28] =	ssyncset.done @!p0 $0x0  }
0xa5: {  	[sflag:s28] =	ssyncadd.s32 @!p0 $0xFFFFFFFF;
	(ifvalue) =	ssetifvalue $0xFFFFFFFF;
	v3 =	vld [tilespmem:s26+$0x10];
	_ =	sdelay $0x3  }
.Ltmp4:
0xa6: {  	_ = 	snop;
	(pc) =	sbr.rel .LBB2_5-.Ltmp4, $3  }
0xa7: {  	_ =	sdelay $0x1  }
0xa8: {  	s31 =	sadd.s32 $0x190, s26;
	(ifvalue) =	ssetifvalue $0xFFFFFFFF  }
0xa9: {  	[hbm4b:s1+s19] =	stream.indirect_vreg.scatter [tilespmem:s31], [sflag:$0x9], $0x1, v3, vm0, $0x4038;
	[tilespmem:$0x1B0] =	vst v63  }
.LBB2_6:
0xaa: {  	_ =	sfence.sel $0x180000  }
0xab: {  	s0 =	simm.s32 $0x7;
	[bflag:$0x0] =	sbarrier.arrive $0xFFFF  }
0xac: {  	s26 =	simm.s32 $0x8;
	[sflag:s0] =	ssyncpa.u1 $0x1  }
0xad: {  	s28 =	simm.s32 $0x9;
	[sflag:s26] =	ssyncpa.u1 $0x1  }
0xae: {  	[sflag:s28] =	ssyncpa.u1 $0x1  }
0xaf: {  	_ =	sfence.stream.spmem  }
0xb0: {  	s29 =	simm.s32 $0x3;
	[bflag:$0x0] =	sbarrier.arrive $0xFFFF  }
0xb1: {  	s30 =	simm.s32 $0x4;
	[sflag:s29] =	ssyncpa.u1 $0x1  }
0xb2: {  	s31 =	simm.s32 $0x3C;
	s2 =	stileid.u32;
	[sflag:s30] =	ssyncpa.u1 $0x1  }
0xb3: {  	p0 =	sne.s32 s2, $0x0;
	[sflag:s31] =	ssyncpa.u1 $0x1  }
0xb4: {  	s0 =	simm.s32 @p0 $0x1;
	_ =	sfence @p0  }
0xb5: {  	[sflag:s0] =	ssyncpa.u1 @p0 $0x1;
	s0 =	simm.s32 @p0 $0x2  }
0xb6: {  	[sflag:s0] =	ssyncpa.u1 @p0 $0x1  }
0xb7: {  	_ =	strace @p0 $0x9000004D  }
0xb8: {  	[bflag:$0x2] =	sbarrier.arrive @p0 $0xFFFF  }
0xb9: {  	_ =	shalt @p0  }
.LBB2_7:
0xba: {  	_ =	sfence.stream.spmem;
	s0 =	simm.s32 $0x5  }
0xbb: {  	s2 =	simm.s32 $0x80;
	s3 =	simm.s32 $0xC0;
	[sflag:s0] =	ssyncpa.u1 $0x0  }
0xbc: {  	[tilespmem:s3], [sflag:$0x5] =	stream.linear.gather [spmem:s2], $0x4, $0x38;
	[tilespmem:$0x1B0] =	vst v63  }
0xbd: {  	s2 =	simm.s32 $0x0;
	s3 =	simm.s32 $0xE0  }
0xbe: {  	[tilespmem:s3], [sflag:$0x5] =	stream.linear.gather [spmem:s2], $0x4, $0x38;
	[tilespmem:$0x1B0] =	vst v63  }
.Ltmp5:
0xbf: {  	_ = 	snop;
	(pc) =	sbr.rel .LBB2_8-.Ltmp5, $4  }
0xc0: {  	_ =	swait.ge [sflag:s0], $0x8  }
0xc1: {  	[sflag:s0] =	ssyncset.done $0x0  }
0xc2: {  	s31 =	simm.s32 $0x6;
	[sflag:s0] =	ssyncadd.s32 $0xFFFFFFF8  }
0xc3: {  	s4 =	simm.s32 $0x0;
	[sflag:s31] =	ssyncpa.u1 $0x0  }
.LBB2_13:
0xc4: {  	p0 =	sgt.u32 s5, $0x4EFFF  }
0xc5: {  	s0 =	sshrl.u32 @!p0 s5, $0x3  }
0xc6: {  	s5 =	sand.u32 @!p0 $0x7, s5;
	s6 =	simm.s32 @!p0 $0xB0;
	s0 =	sadd.s32 @!p0 s1, s0  }
0xc7: {  	[tilespmem:s6], [sflag:$0x6] =	stream.linear.gather @!p0 [hbm4b:s0+s5], $0x1, $0x38;
	[tilespmem:$0x1B0] =	vst v63  }
0xc8: {  	s0 =	simm.s32 @!p0 $0x6  }
0xc9: {  	_ =	swait.ge @!p0 [sflag:s0], $0x1  }
0xca: {  	[sflag:s0] =	ssyncset.done @!p0 $0x0  }
0xcb: {  	[sflag:s0] =	ssyncadd.s32 @!p0 $0xFFFFFFFF  }
0xcc: {  	v2 =	vmov @!p0 s4;
	v1 =	vld.msk @!p0 [tilespmem:$0xB0], $0x1;
	_ =	sdelay $0x3  }
0xcd: {  	s0 =	simm.s32 @!p0 $0xE0  }
0xce: {  	[tilespmem:v2+s0+$0x0], v1 =	vst.idx.ret.add.f32.msk @!p0 $0x1, v1  }
0xcf: {  	[tilespmem:s2+$0xC0] =	vst.msk $0x1, v0  }
0xd0: {  	v0 =	vld.msk [tilespmem:s4+$0xE0], $0x1;
	_ =	sdelay $0x4  }
0xd1: {  	[tilespmem:s2+$0xE0] =	vst.msk $0x1, v0;
	s2 =	sadd.s32 $0x1, s2  }
.LBB2_15:
0xd2: {  	s4 =	sadd.s32 $0x1, s4  }
0xd3: {  	p0 =	sne.s32 s4, $0x4  }
.Ltmp6:
0xd4: {  	_ = 	snop;
	(pc) =	sbr.rel @!p0 .LBB2_16-.Ltmp6, $1  }
0xd5: {  	_ =	sdelay $0x3  }
.LBB2_8:
0xd6: {  	v0 =	vld.msk [tilespmem:s4+$0xC0], $0x1;
	_ =	sdelay $0x4  }
0xd7: {  	(v2sf) =	vpush v0, $0x0;
	_ =	sdelay $0xe  }
0xd8: {  	s5 =	spop (v2sf)  }
0xd9: {  	p0 =	seq.s32 s5, $0xFFFFFFFF  }
.Ltmp7:
0xda: {  	_ = 	snop;
	(pc) =	sbr.rel @p0 .LBB2_15-.Ltmp7, $1  }
0xdb: {  	_ =	sdelay $0x3  }
0xdc: {  	p0 =	slt.s32 s2, $0x1  }
.Ltmp8:
0xdd: {  	_ = 	snop;
	(pc) =	sbr.rel @p0 .LBB2_13-.Ltmp8, $1  }
0xde: {  	_ =	sdelay $0x3  }
0xdf: {  	s6 =	simm.s32 $0xC0;
	p0 =	por $0x0, $0x0  }
0xe0: {  	v1 =	vld.msk @!p0 [tilespmem:s6+$0x0], $0x1;
	_ =	sdelay $0x4  }
0xe1: {  	(v2sf) =	vpush @!p0 v1, $0x0;
	_ =	sdelay $0xd  }
0xe2: {  	p2 =	sne.s32 s2, $0x1  }
.Ltmp9:
0xe3: {  	s0 =	spop @!p0 (v2sf);
	(pc) =	sbr.rel @!p2 .LBB2_12-.Ltmp9, $4  }
0xe4: {  	p1 =	seq.s32 @!p0 s5, s0  }
0xe5: {  	s7 =	simm.s32 $0x0;
	p1 =	por !p1, p0  }
0xe6: {  	s0 =	simm.s32 $0xFFFFFFFF;
	s7 =	simm.s32 @p1 $0xFFFFFFFF  }
0xe7: {  	s8 =	simm.s32 $0x1;
	s7 =	smov.u32 @p0 s0  }
.LBB2_11:
0xe8: {  	s0 =	smov.u32 s7;
	p0 =	sne.s32 s7, $0xFFFFFFFF  }
0xe9: {  	s6 =	sadd.s32 $0x1, s6;
	s7 =	smov.u32 s8;
	s8 =	sadd.s32 $0x1, s8  }
0xea: {  	p1 =	sne.s32 s2, s8;
	v1 =	vld.msk @!p0 [tilespmem:s6+$0x0], $0x1;
	_ =	sdelay $0x4  }
0xeb: {  	(v2sf) =	vpush @!p0 v1, $0x0;
	_ =	sdelay $0xe  }
.Ltmp10:
0xec: {  	s9 =	spop @!p0 (v2sf);
	(pc) =	sbr.rel @p1 .LBB2_11-.Ltmp10, $4  }
0xed: {  	p2 =	seq.s32 @!p0 s5, s9  }
0xee: {  	p2 =	por !p2, p0  }
0xef: {  	s7 =	simm.s32 @p2 $0xFFFFFFFF  }
0xf0: {  	s7 =	smov.u32 @p0 s0  }
.LBB2_12:
0xf1: {  	p0 =	sne.s32 s7, $0xFFFFFFFF  }
.Ltmp11:
0xf2: {  	_ = 	snop;
	(pc) =	sbr.rel @!p0 .LBB2_13-.Ltmp11, $1  }
0xf3: {  	_ =	sdelay $0x3  }
0xf4: {  	v0 =	vld.msk [tilespmem:s4+$0xE0], $0x1;
	v1 =	vmov s7  }
.Ltmp12:
0xf5: {  	_ = 	snop;
	(pc) =	sbr.rel .LBB2_15-.Ltmp12, $2  }
0xf6: {  	_ =	sdelay $0x2  }
0xf7: {  	[tilespmem:v1+s3+$0x0], v0 =	vst.idx.ret.add.f32.msk $0x1, v0  }
.LBB2_16:
0xf8: {  	p0 =	slt.s32 s2, $0x1  }
.Ltmp13:
0xf9: {  	_ = 	snop;
	(pc) =	sbr.rel @p0 .LBB2_20-.Ltmp13, $3  }
0xfa: {  	_ =	sdelay $0x1  }
0xfb: {  	s0 =	simm.s32 $0x6  }
0xfc: {  	s3 =	simm.s32 $0x0;
	[sflag:s0] =	ssyncpa.u1 $0x1  }
0xfd: {  	s0 =	simm.s32 $0xC0  }
0xfe: {  	v0 =	vld.msk [tilespmem:s0+$0x0], $0x1;
	_ =	sdelay $0x4  }
0xff: {  	(v2sf) =	vpush v0, $0x0;
	_ =	sdelay $0xd  }
0x100: {  	s2 =	sadd.s32 $0xFFFFFFFF, s2  }
0x101: {  	p1 =	sne.s32 s2, $0x0;
	s0 =	spop (v2sf)  }
.Ltmp14:
0x102: {  	p0 =	sgt.u32 s0, $0x4EFFF;
	(pc) =	sbr.rel @!p1 .LBB2_19-.Ltmp14, $4  }
0x103: {  	s4 =	simm.s32 $0xE0;
	s5 =	sshrl.u32 @!p0 s0, $0x3  }
0x104: {  	s6 =	simm.s32 $0x0;
	s0 =	sand.u32 @!p0 $0x7, s0;
	s5 =	sadd.s32 @!p0 s1, s5  }
0x105: {  	[hbm4b:s5+s0] =	stream.linear.scatter @!p0 [tilespmem:s4], [sflag:$0x5], $0x1, $0x38;
	[tilespmem:$0x1B0] =	vst v63  }
0x106: {  	s6 =	simm.s32 @!p0 $0x4;
	s5 =	simm.s32 $0xC1  }
.LBB2_18:
0x107: {  	v0 =	vld.msk [tilespmem:s5+$0x0], $0x1;
	s2 =	sadd.s32 $0xFFFFFFFF, s2;
	s3 =	sadd.s32 s3, s6  }
0x108: {  	p0 =	sne.s32 s2, $0x0;
	_ =	sdelay $0x3  }
0x109: {  	(v2sf) =	vpush v0, $0x0;
	_ =	sdelay $0xe  }
.Ltmp15:
0x10a: {  	s0 =	spop (v2sf);
	(pc) =	sbr.rel @p0 .LBB2_18-.Ltmp15, $4  }
0x10b: {  	s6 =	simm.s32 $0x0;
	p1 =	sgt.u32 s0, $0x4EFFF  }
0x10c: {  	s4 =	sadd.s32 $0x1, s4;
	s6 =	simm.s32 @!p1 $0x4;
	s7 =	sshrl.u32 @!p1 s0, $0x3  }
0x10d: {  	s5 =	sadd.s32 $0x1, s5;
	s0 =	sand.u32 @!p1 $0x7, s0;
	s7 =	sadd.s32 @!p1 s1, s7  }
0x10e: {  	[hbm4b:s7+s0] =	stream.linear.scatter @!p1 [tilespmem:s4], [sflag:$0x5], $0x1, $0x38;
	[tilespmem:$0x1B0] =	vst v63  }
.LBB2_19:
0x10f: {  	s0 =	sadd.s32 s3, s6  }
0x110: {  	s3 =	sshrl.u32 s0, $0x2  }
.LBB2_20:
0x111: {  	s0 =	simm.s32 $0x5  }
0x112: {  	_ =	swait.ge [sflag:s0], s3  }
0x113: {  	s1 =	ssub.s32 $0x0, s3;
	[sflag:s0] =	ssyncset.done $0x0  }
0x114: {  	[sflag:s0] =	ssyncadd.s32 s1  }
0x115: {  	[sflag:s0] =	ssyncpa.u1 $0x1  }
0x116: {  	s29 =	simm.s32 $0x1;
	_ =	sfence  }
0x117: {  	s30 =	simm.s32 $0x2;
	[sflag:s29] =	ssyncpa.u1 $0x1  }
0x118: {  	[sflag:s30] =	ssyncpa.u1 $0x1  }
0x119: {  	_ =	strace $0x9000004D  }
0x11a: {  	[bflag:$0x2] =	sbarrier.arrive $0xFFFF  }
0x11b: {  	s31 =	rddreg [dreg:$0x2]  }
0x11c: {  	s0 =	sadd.s32 $0x100000, s31  }
0x11d: {  	[sflag:s0] =	ssyncadd.tile.s32 $0x1;
	_ =	shalt  }
.Lfunc_end2:
_tile_overlayer_lowered:
.L_overlay_start_2:
0x11e: {  	(tag) =	ssettag $0x2  }
0x11f: {  	s0 =	rddreg [dreg:$0x0];
	s2 =	stileid.u32  }
0x120: {  	s1 =	rddreg [dreg:$0x1];
	p0 =	sne.s32 s2, $0x0  }
0x121: {  	s3 =	rddreg [dreg:$0x2];
	[bflag:$0x3] =	sbarrier.arrive $0xFFFF;
	s2 =	simm.s32 @!p0 $0x1C01  }
0x122: {  	[timem:s3], [sflag:s2] =	dma.local @!p0 [hbm:s0], s1  }
0x123: {  	s0 =	simm.s32 @!p0 $0x1  }
0x124: {  	_ =	swait.ge @!p0 [sflag:s0], s1  }
0x125: {  	s1 =	ssub.s32 @!p0 $0x0, s1;
	[sflag:s0] =	ssyncset.done @!p0 $0x0  }
0x126: {  	[sflag:s0] =	ssyncadd.s32 @!p0 s1  }
0x127: {  	[bflag:$0x3] =	sbarrier.arrive $0xFFFF  }
0x128: {  	_ =	shalt  }

// kernel: scatter_offload_async_start.2
scs
__scs_entry_jumppad:
0x0: {  	(pc) =	sbr.rel $0x88, $3  }
0x1: {  	(tag) =	ssettag $0x0;
	lr =	simm.s32 $0x1  }
0x2: {  	[smem:$0x3F8A] =	sst lr;
	_ =	strace $0xD0000000  }
0x3: {  	_ = 	snop  }
0x4: {  	_ = 	snop  }
0x5: {  	_ = 	snop  }
0x6: {  	_ = 	snop  }
0x7: {  	_ = 	snop  }
__scs_overlays_trampoline_lowered:
0x8: {  	[smem:$0x3F99] =	sst s0  }
0x9: {  	[smem:$0x3F9A] =	sst s1  }
0xa: {  	[smem:$0x3F9B] =	sst s2  }
0xb: {  	[smem:$0x3F9C] =	sst s3  }
0xc: {  	[smem:$0x3F9D] =	sst s4  }
0xd: {  	[smem:$0x3F9E] =	sst s5  }
0xe: {  	[smem:$0x3F9F] =	sst s6  }
0xf: {  	[smem:$0x3FA0] =	sst s7  }
0x10: {  	[smem:$0x3FA1] =	sst s8  }
0x11: {  	[smem:$0x3FA2] =	sst s9;
	s0 =	simm.s32 @!p0 $0x0  }
0x12: {  	s1 =	sld [smem:$0x3F88];
	s0 =	simm.s32 @p0 $0x1  }
0x13: {  	[smem:$0x3FA3] =	sst s0;
	s0 =	simm.s32 @!p1 $0x0  }
0x14: {  	s2 =	sld [smem:$0x3F87];
	s0 =	simm.s32 @p1 $0x1  }
0x15: {  	[smem:$0x3FA4] =	sst s0;
	s0 =	simm.s32 @!p2 $0x0  }
0x16: {  	s3 =	sld [smem:$0x3FDB];
	s0 =	simm.s32 @p2 $0x1  }
0x17: {  	s4 =	simm.s32 $0x1BF5;
	[smem:$0x3FA6] =	sst s0  }
0x18: {  	s0 =	sld [smem:$0x3F89];
	_ =	swait.ge [sflag:s4], $0x0  }
0x19: {  	s7 =	sld [smem:$0x3F8A]  }
0x1a: {  	s8 =	sadd.s32 $0xFFFFE003, lr  }
0x1b: {  	s9 =	sadd.s32 $0xFFFFFEF7, lr;
	s5 =	simm.s32 $0xFFFFFFFF;
	p2 =	slt.u32 s8, $0xFFFFF086  }
0x1c: {  	p1 =	slt.u32 s9, $0xF7A;
	s5 =	simm.s32 @!p2 $0x0  }
0x1d: {  	s5 =	simm.s32 @p1 $0x1;
	p0 =	seq.s32 s7, s2  }
0x1e: {  	s7 =	smul.u32 @!p0 $0xF7A, s2;
	p2 =	seq.s32 @!p0 s5, $0x0  }
0x1f: {  	s9 =	smul.u32 $0xF7A, s1;
	s8 =	simm.s32 @!p0 $0x1BF5;
	p2 =	por !p2, p0  }
0x20: {  	[sflag:s8] =	ssyncset.s32 @!p0 $0xFFFFF086;
	s6 =	sadd.s32 @!p0 s3, s7;
	s7 =	simm.s32 @!p0 $0x108  }
0x21: {  	s3 =	sadd.s32 s3, s9;
	s6 =	sadd.s32 @!p0 $0x88, s6;
	s7 =	simm.s32 @p2 $0x1082  }
0x22: {  	[simem:s7], [sflag:s8] =	dma.local @!p0 [hbm:s6], $0xF7A  }
0x23: {  	s9 =	sor.u32 $0xD0000000, s2;
	s6 =	simm.s32 $0x108;
	_ =	swait.ge @!p0 [sflag:s8], $0x0  }
0x24: {  	s3 =	sadd.s32 $0x88, s3;
	s6 =	simm.s32 @!p1 $0x1082;
	[sflag:s4] =	ssyncset.s32 $0xFFFFF086  }
0x25: {  	[simem:s6], [sflag:s4] =	dma.local [hbm:s3], $0xF7A  }
0x26: {  	[smem:$0x3F8A] =	sst s1;
	(tag) =	ssettag s2;
	_ =	strace s9  }
0x27: {  	s1 =	sld [smem:$0x3F9A]  }
0x28: {  	s2 =	sld [smem:$0x3F9B]  }
0x29: {  	s4 =	sld [smem:$0x3F9D]  }
0x2a: {  	p0 =	seq.s32 s5, $0x0;
	s5 =	sld [smem:$0x3F9E]  }
0x2b: {  	s6 =	sld [smem:$0x3F9F]  }
0x2c: {  	s7 =	sld [smem:$0x3FA0]  }
0x2d: {  	s3 =	simm.s32 $0x108;
	s8 =	sld [smem:$0x3FA1]  }
0x2e: {  	s3 =	simm.s32 @!p0 $0x1082;
	s9 =	sld [smem:$0x3FA2]  }
0x2f: {  	lr =	sadd.s32 s0, s3;
	s0 =	sld [smem:$0x3F99]  }
0x30: {  	s3 =	sld [smem:$0x3F9C]  }
0x31: {  	[smem:$0x3FA5] =	sst s10  }
0x32: {  	s10 =	sld [smem:$0x3FA3];
	_ =	sdelay $0x3  }
0x33: {  	p0 =	seq.s32 s10, $0x1;
	s10 =	sld [smem:$0x3FA5];
	_ =	sdelay $0x3  }
0x34: {  	[smem:$0x3FA5] =	sst s10  }
0x35: {  	s10 =	sld [smem:$0x3FA4];
	_ =	sdelay $0x3  }
0x36: {  	p1 =	seq.s32 s10, $0x1;
	s10 =	sld [smem:$0x3FA5];
	_ =	sdelay $0x3  }
0x37: {  	[smem:$0x3FA5] =	sst s10  }
0x38: {  	s10 =	sld [smem:$0x3FA6]  }
0x39: {  	_ = 	snop;
	(pc) =	sbr.ind lr, $3  }
0x3a: {  	_ = 	snop  }
0x3b: {  	_ = 	snop  }
0x3c: {  	p2 =	seq.s32 s10, $0x1;
	s10 =	sld [smem:$0x3FA5]  }
0x3d: {  	_ =	shalt  }
0x3e: {  	_ =	shalt  }
0x3f: {  	_ =	shalt  }
0x40: {  	_ =	shalt  }
0x41: {  	_ =	shalt  }
0x42: {  	_ =	shalt  }
0x43: {  	_ =	shalt  }
0x44: {  	_ =	shalt  }
0x45: {  	_ =	shalt  }
0x46: {  	_ =	shalt  }
0x47: {  	_ =	shalt  }
0x48: {  	_ =	shalt  }
0x49: {  	_ =	shalt  }
0x4a: {  	_ =	shalt  }
0x4b: {  	_ =	shalt  }
0x4c: {  	_ =	shalt  }
0x4d: {  	_ =	shalt  }
0x4e: {  	_ =	shalt  }
0x4f: {  	_ =	shalt  }
0x50: {  	_ =	shalt  }
0x51: {  	_ =	shalt  }
0x52: {  	_ =	shalt  }
0x53: {  	_ =	shalt  }
0x54: {  	_ =	shalt  }
0x55: {  	_ =	shalt  }
0x56: {  	_ =	shalt  }
0x57: {  	_ =	shalt  }
0x58: {  	_ =	shalt  }
0x59: {  	_ =	shalt  }
0x5a: {  	_ =	shalt  }
0x5b: {  	_ =	shalt  }
0x5c: {  	_ =	shalt  }
0x5d: {  	_ =	shalt  }
0x5e: {  	_ =	shalt  }
0x5f: {  	_ =	shalt  }
0x60: {  	_ =	shalt  }
0x61: {  	_ =	shalt  }
0x62: {  	_ =	shalt  }
0x63: {  	_ =	shalt  }
0x64: {  	_ =	shalt  }
0x65: {  	_ =	shalt  }
0x66: {  	_ =	shalt  }
0x67: {  	_ =	shalt  }
0x68: {  	_ =	shalt  }
0x69: {  	_ =	shalt  }
0x6a: {  	_ =	shalt  }
0x6b: {  	_ =	shalt  }
0x6c: {  	_ =	shalt  }
0x6d: {  	_ =	shalt  }
0x6e: {  	_ =	shalt  }
0x6f: {  	_ =	shalt  }
0x70: {  	_ =	shalt  }
0x71: {  	_ =	shalt  }
0x72: {  	_ =	shalt  }
0x73: {  	_ =	shalt  }
0x74: {  	_ =	shalt  }
0x75: {  	_ =	shalt  }
0x76: {  	_ =	shalt  }
0x77: {  	_ =	shalt  }
0x78: {  	_ =	shalt  }
0x79: {  	_ =	shalt  }
0x7a: {  	_ =	shalt  }
0x7b: {  	_ =	shalt  }
0x7c: {  	_ =	shalt  }
0x7d: {  	_ =	shalt  }
0x7e: {  	_ =	shalt  }
0x7f: {  	_ =	shalt  }
0x80: {  	_ =	shalt  }
0x81: {  	_ =	shalt  }
0x82: {  	_ =	shalt  }
0x83: {  	_ =	shalt  }
0x84: {  	_ =	shalt  }
0x85: {  	_ =	shalt  }
0x86: {  	_ =	shalt  }
0x87: {  	_ =	shalt  }
.Lfunc_end0:
.L_simem_size_0:
called_computation.2_lowered:
.L_overlay_start_0:
0x88: {  	s2 =	sld [smem:$0x3FD9]  }
0x89: {  	s3 =	sld [smem:$0x3FFE];
	_ =	sdelay $0x1  }
0x8a: {  	s1 =	srdreg.scid  }
0x8b: {  	s0 =	sand.u32 $0x1, s1  }
0x8c: {  	s15 =	sshll.u32 s0, $0xA;
	s2 =	sadd.s32 s3, s2  }
0x8d: {  	s2 =	sadd.s32 s2, s15  }
0x8e: {  	[smem:$0x3FB1] =	sst s2  }
0x8f: {  	_ = 	snop  }
0x90: {  	(tm) =	ssettm $0x1  }
0x91: {  	s16 =	sld [smem:$0x3FFB];
	_ =	sdelay $0x3  }
0x92: {  	_ =	strace s16  }
0x93: {  	s2 =	sld [smem:$0x3FFC];
	_ =	sdelay $0x3  }
0x94: {  	_ =	strace s2  }
0x95: {  	s2 =	sld [smem:$0x3FFD];
	_ =	sdelay $0x3  }
0x96: {  	_ =	strace s2  }
0x97: {  	_ =	strace $0x8FFFFFFF  }
0x98: {  	s17 =	sld [smem:$0x3FDB];
	_ =	sdelay $0x1  }
0x99: {  	s18 =	simm.s32 $_scs_section_size  }
0x9a: {  	s4 =	simm.s32 $_size__tile_overlayer_lowered;
	s5 =	simm.s32 $_tile_overlayer_lowered  }
0x9b: {  	s21 =	simm.s32 $0x1BFF;
	s20 =	sshll.u32 s5, $0x1;
	s2 =	sadd.s32 s18, s17  }
0x9c: {  	s6 =	simm.s32 $0x0;
	s19 =	sshll.u32 s4, $0x1;
	s4 =	sadd.s32 s20, s2  }
0x9d: {  	[timem:s6], [sflag:s21] =	dma.local [hbm:s4], s19  }
0x9e: {  	_ =	swait.ge [sflag:s21], s19  }
0x9f: {  	s3 =	ssub.s32 $0x0, s19;
	[sflag:s21] =	ssyncset.done $0x0  }
0xa0: {  	[sflag:s21] =	ssyncadd.s32 s3;
	_ =	sdelay $0x1  }
0xa1: {  	s22 =	simm.s32 $0x1B8B  }
0xa2: {  	_ =	swait.ge [sflag:s22], $0x1  }
0xa3: {  	[sflag:s22] =	ssyncset.done $0x0  }
0xa4: {  	s23 =	sld [smem:$0x3FFE];
	[sflag:s22] =	ssyncadd.s32 $0xFFFFFFFF  }
0xa5: {  	s25 =	simm.s32 $0x1B8E;
	s24 =	sld [smem:$0x0]  }
0xa6: {  	s26 =	simm.s32 $execute0_lowered;
	[smem:$0x3FD2] =	sst s25  }
0xa7: {  	s5 =	sshll.u32 s26, $0x1;
	_ =	strace $0x8000004F;
	[dreg:$0x1] =	wrdreg $0xFFFFFFFF  }
0xa8: {  	s28 =	simm.s32 $_size_execute0_lowered;
	s2 =	sadd.s32 s2, s5;
	[dreg:$0x0] =	wrdreg $0x0  }
0xa9: {  	s5 =	sshll.u32 s28, $0x1;
	[dreg:$0x2] =	wrdreg s2  }
0xaa: {  	[dreg:$0x3] =	wrdreg s5  }
0xab: {  	[dreg:$0x4] =	wrdreg $0xC0  }
0xac: {  	_ =	task [dreg:s6], $0x5FFFF  }
0xad: {  	[dreg:$0x1] =	wrdreg $0xFFFFFFFF  }
0xae: {  	[dreg:$0x0] =	wrdreg $0x60  }
0xaf: {  	[dreg:$0x2] =	wrdreg s23  }
0xb0: {  	[dreg:$0x3] =	wrdreg s1  }
0xb1: {  	[dreg:$0x4] =	wrdreg s24  }
0xb2: {  	[dreg:$0x5] =	wrdreg $0x9  }
0xb3: {  	_ =	task.clear_ibuf [dreg:s6], $0x6FFFF;
	_ =	strace $0x9000004F  }
0xb4: {  	s29 =	simm.s32 $0x9;
	_ =	strace $0x80000051  }
0xb5: {  	_ =	swait.ge [sflag:s29], $0x1  }
0xb6: {  	[sflag:s29] =	ssyncadd.s32 $0xFFFFFFFF  }
0xb7: {  	_ =	strace $0x90000051  }
0xb8: {  	_ =	sfence  }
0xb9: {  	s30 =	sld [smem:$0x0];
	_ =	sdelay $0x2  }
0xba: {  	s31 =	sshll.u32 s1, $0xD;
	s1 =	sshrl.u32 s1, $0x2  }
0xbb: {  	s3 =	sand.u32 $0x4000, s31;
	s1 =	sadd.s32 s1, s30  }
0xbc: {  	s0 =	sor.u32 s3, s0;
	s1 =	sshll.u32 s1, $0x11  }
0xbd: {  	s0 =	sor.u32 s1, s0  }
0xbe: {  	s0 =	sadd.s32 $0x8F2B, s0  }
0xbf: {  	[sflag:s0] =	ssyncadd.remote.s32 $0x1  }
0xc0: {  	_ =	sfence.sel $0xFFFF  }
0xc1: {  	[dreg:$0x0] =	wrdreg $0xFFFFFFFF;
	(pc) =	sbr.abs _section_cstart, $3  }
0xc2: {  	[dreg:$0x1] =	wrdreg $0xFFFFFFFF  }
0xc3: {  	_ =	task.clear_ibuf [dreg:s6], $0x2FFFF;
	_ =	strace $0x9FFFFFFF  }
0xc4: {  	(tm) =	ssettm $0x7FFFFFFF  }
0xc5: {  	_ =	shalt  }
tec
execute0_lowered:
.L_overlay_start_1:
0x0: {  	(tag) =	ssettag $0x1  }
0x1: {  	s2 =	rddreg [dreg:$0x0]  }
0x2: {  	s4 =	rddreg [dreg:$0x1];
	_ =	strace $0x80000050;
	s0 =	simm.s32 $0x1  }
0x3: {  	s3 =	simm.s32 $0x88;
	v0 =	vimm.s32 $0x0;
	[sflag:s0] =	ssyncpa.u1 $0x0  }
0x4: {  	s1 =	sadd.s32 $0xAC9A00, s2;
	[tilespmem:s3+$0x30] =	vst v0  }
0x5: {  	s0 =	sadd.s32 $0x8A400, s2;
	s6 =	sadd.s32 $0x105A00, s2;
	[tilespmem:s3+$0x20] =	vst v0  }
0x6: {  	s2 =	sadd.s32 $0xA3000, s2;
	s7 =	sand.u32 $0x1, s4;
	s4 =	simm.s32 $0x40;
	[tilespmem:s3+$0x10] =	vst v0  }
.LBB2_1:
0x7: {  	s4 =	sadd.s32 $0x40, s4  }
0x8: {  	[tilespmem:s3+$0x0] =	vst v0;
	s3 =	sadd.s32 $0x40, s3;
	p0 =	slt.u32 s4, $0x5040  }
.Ltmp0:
0x9: {  	(pc) =	sbr.rel @p0 .LBB2_1-.Ltmp0, $4  }
0xa: {  	_ = 	snop  }
0xb: {  	[tilespmem:s3+$0x30] =	vst v0  }
0xc: {  	[tilespmem:s3+$0x20] =	vst v0  }
0xd: {  	[tilespmem:s3+$0x10] =	vst v0  }
0xe: {  	s8 =	stileid.u32  }
0xf: {  	s4 =	smul.u32 $0x3E, s8  }
0x10: {  	s5 =	smin.u32 s8, $0x8  }
0x11: {  	s4 =	sadd.s32 s5, s4  }
0x12: {  	p0 =	slt.u32 s8, $0x8;
	s12 =	smul.u32 $0x140, s4;
	s4 =	simm.s32 $0x4EC0  }
0x13: {  	s4 =	simm.s32 @!p0 $0x4D80  }
0x14: {  	s25 =	simm.s32 $0x2;
	s4 =	sadd.s32 s4, s12  }
0x15: {  	s28 =	simm.s32 $0x9;
	s9 =	simm.s32 $0xA;
	s14 =	smin.u32 s4, $0x4E200  }
0x16: {  	s30 =	simm.s32 $0xB;
	[dreg:$0x4] =	wrdreg s7;
	s4 =	ssub.s32 s14, s12  }
0x17: {  	s31 =	smul.u32 $0x9C40, s7;
	s13 =	simm.s32 $0x1;
	p0 =	sgt.s32 s4, $0x0  }
0x18: {  	s19 =	simm.s32 $0x0;
	s20 =	simm.s32 $0xA808;
	s4 =	simm.s32 @!p0 $0x0  }
0x19: {  	s21 =	simm.s32 $0xFFFFFFFF;
	p1 =	por $0x0, $0x0;
	s26 =	smulhi.u32 $0x66666667, s4  }
0x1a: {  	[tilespmem:s3+$0x0] =	vst v0;
	s23 =	simm.s32 $0x0;
	[sflag:s25] =	ssyncpa.u1 $0x0;
	s18 =	sshll.u32 s8, $0x7  }
0x1b: {  	s0 =	sadd.s32 s31, s0;
	[dreg:$0xa] =	wrdreg s18;
	s3 =	sshrl.u32 s26, $0x7  }
0x1c: {  	v0 =	vimm.s32 $0xFFFFFFFF;
	s17 =	sadd.s32 s31, s2;
	[dreg:$0x9] =	wrdreg s0;
	s29 =	smul.u32 $0x140, s3  }
0x1d: {  	s25 =	simm.s32 $0x0;
	[tilespmem:$0xA108] =	vst v0;
	[sflag:s28] =	ssyncpa.u1 $0x0;
	[dreg:$0x8] =	wrdreg s17  }
.Ltmp1:
0x1e: {  	p0 =	sne.s32 s4, s29;
	s4 =	simm.s32 $0x1;
	(pc) =	sbr.rel .LBB2_3-.Ltmp1, $4  }
0x1f: {  	[sflag:s9] =	ssyncpa.u1 $0x0;
	[dreg:$0x5] =	wrdreg s12;
	s4 =	simm.s32 @!p0 $0x0  }
0x20: {  	[sflag:s30] =	ssyncpa.u1 $0x0;
	[dreg:$0x6] =	wrdreg s14;
	s15 =	sadd.s32 s4, s3  }
0x21: {  	s24 =	smov.u32 s12;
	s22 =	sadd.s32 $0x1, s15;
	[dreg:$0x7] =	wrdreg s15  }
0x22: {  	v0 =	vlaneseq.u32;
	s26 =	simm.s32 $0x0;
	p0 =	por $0x1, $0x1;
	[dreg:$0xb] =	wrdreg s22  }
.LBB2_22:
0x23: {  	s0 =	sshrl.u32 s3, $0x2  }
.LBB2_24:
0x24: {  	s3 =	simm.s32 $0xC  }
0x25: {  	_ =	swait.ge [sflag:s3], s0  }
0x26: {  	s31 =	ssub.s32 $0x0, s0;
	v1 =	vmov s4;
	vm0 =	veq.s32 v0, $0x0;
	[sflag:s3] =	ssyncset.done $0x0  }
0x27: {  	vm15 =	veq.s32 v0, $0x2;
	v1 =	vsel vm0, s2, v1;
	[sflag:s3] =	ssyncadd.s32 s31  }
0x28: {  	v1 =	vsel vm15, s26, v1;
	[sflag:s3] =	ssyncpa.u1 $0x1  }
0x29: {  	[tilespmem:$0xA108] =	vst v1  }
.LBB2_25:
0x2a: {  	s0 =	sadd.s32 $0x140, s24  }
0x2b: {  	s2 =	smov.u32 s12;
	p2 =	slt.s32 s0, s14  }
0x2c: {  	s2 =	smov.u32 @p2 s0;
	p2 =	sne.s32 s25, s22  }
.Ltmp2:
0x2d: {  	_ = 	snop;
	(pc) =	sbr.rel @!p2 .LBB2_26-.Ltmp2, $4  }
0x2e: {  	_ = 	snop  }
0x2f: {  	s26 =	smov.u32 s23;
	s31 =	sadd.s32 $0x1, s25;
	p0 =	por !p0, !p0  }
0x30: {  	s23 =	smov.u32 s24;
	s20 =	sadd.s32 $0x140, s20;
	s21 =	sadd.s32 $0x1, s21  }
0x31: {  	p1 =	por !p1, !p1;
	s25 =	smov.u32 s31;
	s24 =	smov.u32 s2  }
.LBB2_3:
0x32: {  	p2 =	sge.u32 s25, s15  }
0x33: {  	s0 =	smulhi.u32 @!p2 $0xAAAAAAAB, s25  }
0x34: {  	s2 =	smov.u32 s24;
	p3 =	sgt.s32 @!p2 s24, $0x4E0C0  }
0x35: {  	s3 =	sshra.s32 @!p2 s24, $0x1F;
	p3 =	por !p3, p2;
	s0 =	sshrl.u32 @!p2 s0, $0x1  }
0x36: {  	s3 =	sand.u32 @!p2 s3, s24;
	s2 =	simm.s32 @p3 $0x4E0C0;
	s0 =	smul.u32 @!p2 $0x3, s0  }
0x37: {  	s2 =	ssub.s32 @!p2 s2, s3  }
0x38: {  	s2 =	sadd.s32 @!p2 $0xFFFB1F40, s2;
	s0 =	ssub.s32 @!p2 s25, s0  }
0x39: {  	s3 =	sshll.u32 @!p2 s2, $0x2;
	p3 =	sgt.s32 @!p2 s2, $0x13F;
	s0 =	smul.u32 @!p2 $0x500, s0  }
0x3a: {  	s4 =	sand.u32 @!p2 $0x7, s24;
	s2 =	ssub.s32 @!p2 $0x500, s3;
	p3 =	por !p3, p2  }
0x3b: {  	s3 =	sshrl.u32 @!p2 s24, $0x3;
	s2 =	sshrl.u32 @!p2 s2, $0x2;
	s0 =	sshrl.u32 @!p2 s0, $0x2  }
0x3c: {  	s3 =	sadd.s32 @!p2 s3, s17;
	s2 =	simm.s32 @!p3 $0x0;
	s0 =	sadd.s32 @!p2 $0xA948, s0  }
0x3d: {  	[tilespmem:s0], [sflag:$0xA] =	stream.linear.gather @!p2 [hbm4b:s3+s4], s2, $0x38;
	[tilespmem:$0x1EF88] =	vst v63  }
0x3e: {  	s0 =	sadd.s32 $0xFFFFFFFF, s25  }
0x3f: {  	p2 =	sge.u32 s0, s15  }
.Ltmp3:
0x40: {  	_ = 	snop;
	(pc) =	sbr.rel @p2 .LBB2_7-.Ltmp3, $1  }
0x41: {  	_ =	sdelay $0x3  }
0x42: {  	p2 =	sgt.s32 s23, $0x4E0C0;
	s2 =	smov.u32 s23;
	s3 =	sshra.s32 s23, $0x1F  }
0x43: {  	s2 =	simm.s32 @!p2 $0x4E0C0;
	s3 =	sand.u32 s3, s23  }
0x44: {  	s17 =	smulhi.u32 $0xAAAAAAAB, s21;
	s2 =	ssub.s32 s2, s3  }
0x45: {  	s0 =	sand.u32 $0x1, s0;
	s2 =	sadd.s32 $0xFFFB1F40, s2  }
0x46: {  	s5 =	simm.s32 $0xA;
	s3 =	sshrl.u32 s17, $0x1;
	s4 =	sshll.u32 s2, $0x2  }
0x47: {  	s7 =	sshrl.u32 s23, $0x3;
	s3 =	smul.u32 $0xFFFFF100, s3;
	s4 =	ssub.s32 $0x500, s4  }
0x48: {  	s18 =	smul.u32 $0x500, s0;
	p2 =	sgt.s32 s2, $0x13F;
	s2 =	sshrl.u32 s4, $0x2  }
0x49: {  	s9 =	sand.u32 $0x7, s23;
	s3 =	sshra.s32 s3, $0x2;
	s2 =	simm.s32 @p2 $0x0  }
0x4a: {  	s0 =	sadd.s32 s3, s20;
	s4 =	sshrl.u32 s18, $0x2;
	_ =	swait.ge [sflag:s5], s2  }
0x4b: {  	s22 =	ssub.s32 $0x0, s2;
	[sflag:s5] =	ssyncset.done $0x0;
	s8 =	rddreg [dreg:$0x9]  }
0x4c: {  	s4 =	sadd.s32 $0xAD08, s4;
	[sflag:s5] =	ssyncadd.s32 s22;
	s3 =	sadd.s32 s7, s8  }
0x4d: {  	[tilespmem:s4], [sflag:$0xB] =	stream.linear.gather [hbm4b:s3+s9], s2, $0x38;
	[tilespmem:$0x1EF88] =	vst v63  }
0x4e: {  	v1 =	vld.msk [tilespmem:s0+$0x0], $0xffff;
	_ =	sdelay $0x4  }
0x4f: {  	v1 =	vshll.u32 v1, $0x4  }
0x50: {  	(v2sf) =	vpush v1, $0x0  }
0x51: {  	(v2sf) =	vpush v1, $0x1  }
0x52: {  	(v2sf) =	vpush v1, $0x2;
	_ =	sdelay $0x3  }
0x53: {  	(v2sf) =	vpush v1, $0x3;
	_ =	sdelay $0x1  }
0x54: {  	(v2sf) =	vpush v1, $0x4  }
0x55: {  	s2 =	simm.s32 $0x1;
	(v2sf) =	vpush v1, $0x5  }
0x56: {  	s2 =	simm.s32 @!p0 $0x0  }
0x57: {  	s2 =	smul.u32 $0x28000, s2;
	(v2sf) =	vpush v1, $0x6;
	_ =	sdelay $0x1  }
0x58: {  	s2 =	sshrl.u32 s2, $0x2  }
0x59: {  	s28 =	sadd.s32 $0xB708, s2  }
0x5a: {  	s12 =	sadd.s32 $0xFFFFF880, s28;
	s17 =	sadd.s32 $0xFFFFF900, s28;
	s10 =	spop (v2sf);
	(v2sf) =	vpush v1, $0x7  }
0x5b: {  	s18 =	sadd.s32 $0xFFFFF980, s28;
	s11 =	sand.u32 $0x1FFFFFF0, s10;
	s14 =	spop (v2sf)  }
0x5c: {  	(v2sf) =	vpush v1, $0x8;
	s2 =	sadd.s32 s6, s11;
	s15 =	sand.u32 $0x1FFFFFF0, s14;
	s16 =	spop (v2sf)  }
0x5d: {  	[tilespmem:s12], [sflag:$0x9] =	stream.linear.gather [hbm4b:s2+s19], $0x40, $0x38;
	[tilespmem:$0x1EF88] =	vst v63  }
0x5e: {  	s5 =	sadd.s32 $0xFFFFFA00, s28;
	s2 =	sadd.s32 s6, s15;
	s3 =	sand.u32 $0x1FFFFFF0, s16  }
0x5f: {  	(v2sf) =	vpush v1, $0x9;
	[tilespmem:s17], [sflag:$0x9] =	stream.linear.gather [hbm4b:s2+s19], $0x40, $0x38;
	[tilespmem:$0x1EF88] =	vst v63  }
0x60: {  	s7 =	sadd.s32 $0xFFFFFA80, s28;
	s22 =	spop (v2sf);
	s3 =	sadd.s32 s6, s3  }
0x61: {  	(v2sf) =	vpush v1, $0xA;
	[tilespmem:s18], [sflag:$0x9] =	stream.linear.gather [hbm4b:s3+s19], $0x40, $0x38;
	[tilespmem:$0x1EF88] =	vst v63  }
0x62: {  	s11 =	sadd.s32 $0xFFFFFB00, s28;
	s4 =	spop (v2sf);
	(v2sf) =	vpush v1, $0xB;
	s3 =	sand.u32 $0x1FFFFFF0, s22  }
0x63: {  	s8 =	spop (v2sf);
	s2 =	sadd.s32 s6, s3;
	s3 =	sand.u32 $0x1FFFFFF0, s4  }
0x64: {  	(v2sf) =	vpush v1, $0xC;
	[tilespmem:s5], [sflag:$0x9] =	stream.linear.gather [hbm4b:s2+s19], $0x40, $0x38;
	[tilespmem:$0x1EF88] =	vst v63  }
0x65: {  	s9 =	sand.u32 $0x1FFFFFF0, s8;
	s10 =	spop (v2sf);
	s3 =	sadd.s32 s6, s3  }
0x66: {  	(v2sf) =	vpush v1, $0xD;
	[tilespmem:s7], [sflag:$0x9] =	stream.linear.gather [hbm4b:s3+s19], $0x40, $0x38;
	[tilespmem:$0x1EF88] =	vst v63  }
0x67: {  	s12 =	sadd.s32 $0xFFFFFB80, s28;
	s2 =	sadd.s32 s6, s9;
	s3 =	sand.u32 $0x1FFFFFF0, s10  }
0x68: {  	[tilespmem:s11], [sflag:$0x9] =	stream.linear.gather [hbm4b:s2+s19], $0x40, $0x38;
	[tilespmem:$0x1EF88] =	vst v63  }
0x69: {  	s17 =	sadd.s32 $0xFFFFFC00, s28;
	s3 =	sadd.s32 s6, s3;
	s14 =	spop (v2sf)  }
0x6a: {  	[tilespmem:s12], [sflag:$0x9] =	stream.linear.gather [hbm4b:s3+s19], $0x40, $0x38;
	(v2sf) =	vpush v1, $0xE;
	[tilespmem:$0x1EF88] =	vst v63  }
0x6b: {  	s18 =	sadd.s32 $0xFFFFFC80, s28;
	s15 =	sand.u32 $0x1FFFFFF0, s14;
	s16 =	spop (v2sf)  }
0x6c: {  	s5 =	sadd.s32 $0xFFFFFD00, s28;
	(v2sf) =	vpush v1, $0xF;
	s2 =	sadd.s32 s6, s15;
	s3 =	sand.u32 $0x1FFFFFF0, s16  }
0x6d: {  	[tilespmem:s17], [sflag:$0x9] =	stream.linear.gather [hbm4b:s2+s19], $0x40, $0x38;
	[tilespmem:$0x1EF88] =	vst v63  }
0x6e: {  	s7 =	sadd.s32 $0xFFFFFD80, s28;
	s22 =	spop (v2sf);
	s3 =	sadd.s32 s6, s3  }
0x6f: {  	[tilespmem:s18], [sflag:$0x9] =	stream.linear.gather [hbm4b:s3+s19], $0x40, $0x38;
	[tilespmem:$0x1EF88] =	vst v63  }
0x70: {  	s11 =	sadd.s32 $0xFFFFFE00, s28;
	s4 =	spop (v2sf);
	s3 =	sand.u32 $0x1FFFFFF0, s22  }
0x71: {  	s8 =	spop (v2sf);
	s2 =	sadd.s32 s6, s3;
	s3 =	sand.u32 $0x1FFFFFF0, s4  }
0x72: {  	[tilespmem:s5], [sflag:$0x9] =	stream.linear.gather [hbm4b:s2+s19], $0x40, $0x38;
	[tilespmem:$0x1EF88] =	vst v63  }
0x73: {  	s9 =	sand.u32 $0x1FFFFFF0, s8;
	s10 =	spop (v2sf);
	s3 =	sadd.s32 s6, s3  }
0x74: {  	[tilespmem:s7], [sflag:$0x9] =	stream.linear.gather [hbm4b:s3+s19], $0x40, $0x38;
	[tilespmem:$0x1EF88] =	vst v63  }
0x75: {  	s14 =	spop (v2sf);
	s2 =	sadd.s32 s6, s9;
	s3 =	sand.u32 $0x1FFFFFF0, s10  }
0x76: {  	[tilespmem:s11], [sflag:$0x9] =	stream.linear.gather [hbm4b:s2+s19], $0x40, $0x38;
	[tilespmem:$0x1EF88] =	vst v63  }
0x77: {  	s12 =	sadd.s32 $0xFFFFFE80, s28;
	s15 =	sand.u32 $0x1FFFFFF0, s14;
	s3 =	sadd.s32 s6, s3  }
0x78: {  	[tilespmem:s12], [sflag:$0x9] =	stream.linear.gather [hbm4b:s3+s19], $0x40, $0x38;
	[tilespmem:$0x1EF88] =	vst v63  }
0x79: {  	s17 =	sadd.s32 $0xFFFFFF00, s28;
	s2 =	sadd.s32 s6, s15;
	s16 =	spop (v2sf)  }
0x7a: {  	[tilespmem:s17], [sflag:$0x9] =	stream.linear.gather [hbm4b:s2+s19], $0x40, $0x38;
	[tilespmem:$0x1EF88] =	vst v63  }
0x7b: {  	s29 =	simm.s32 $0x0;
	s3 =	sand.u32 $0x1FFFFFF0, s16;
	s18 =	spop (v2sf)  }
0x7c: {  	s22 =	sadd.s32 $0xFFFFFF80, s28;
	s3 =	sadd.s32 s6, s3;
	s2 =	sand.u32 $0x1FFFFFF0, s18  }
0x7d: {  	[tilespmem:s22], [sflag:$0x9] =	stream.linear.gather [hbm4b:s3+s19], $0x40, $0x38;
	[tilespmem:$0x1EF88] =	vst v63  }
0x7e: {  	s31 =	sadd.s32 $0x10, s0;
	s30 =	sadd.s32 $0x800, s28;
	s2 =	sadd.s32 s6, s2  }
.LBB2_5:
0x7f: {  	[tilespmem:s28], [sflag:$0x9] =	stream.linear.gather [hbm4b:s2+s19], $0x40, $0x38;
	[tilespmem:$0x1EF88] =	vst v63  }
0x80: {  	s29 =	sadd.s32 $0x10, s29;
	s28 =	smov.u32 s30  }
0x81: {  	p2 =	slt.u32 s29, $0x130;
	v1 =	vld.msk [tilespmem:s31+$0x0], $0xffff;
	_ =	sdelay $0x4  }
0x82: {  	v1 =	vshll.u32 v1, $0x4  }
0x83: {  	(v2sf) =	vpush v1, $0x0  }
0x84: {  	(v2sf) =	vpush v1, $0x1  }
0x85: {  	(v2sf) =	vpush v1, $0x2;
	_ =	sdelay $0x1  }
0x86: {  	(v2sf) =	vpush v1, $0x3;
	_ =	sdelay $0x1  }
0x87: {  	(v2sf) =	vpush v1, $0x4;
	_ =	sdelay $0x1  }
0x88: {  	(v2sf) =	vpush v1, $0x5;
	_ =	sdelay $0x1  }
0x89: {  	(v2sf) =	vpush v1, $0x6  }
0x8a: {  	s4 =	sadd.s32 $0xFFFFFE80, s30;
	s0 =	sadd.s32 $0xFFFFFF00, s30  }
0x8b: {  	s3 =	sadd.s32 $0xFFFFFD00, s30;
	s2 =	sadd.s32 $0xFFFFFD80, s30;
	s5 =	sadd.s32 $0xFFFFFE00, s30;
	(v2sf) =	vpush v1, $0x7  }
0x8c: {  	s10 =	sadd.s32 $0xFFFFFB80, s30;
	s9 =	sadd.s32 $0xFFFFFC00, s30;
	s16 =	sadd.s32 $0xFFFFFC80, s30  }
0x8d: {  	s11 =	sadd.s32 $0xFFFFFA00, s30;
	s12 =	sadd.s32 $0xFFFFFA80, s30;
	s15 =	sadd.s32 $0xFFFFFB00, s30;
	(v2sf) =	vpush v1, $0x8  }
0x8e: {  	s18 =	sadd.s32 $0xFFFFF900, s30;
	s7 =	sadd.s32 $0xFFFFF980, s30;
	s22 =	spop (v2sf)  }
0x8f: {  	s8 =	sadd.s32 $0xFFFFF880, s30;
	s22 =	sand.u32 $0x1FFFFFF0, s22;
	s14 =	spop (v2sf);
	(v2sf) =	vpush v1, $0x9  }
0x90: {  	s22 =	sadd.s32 s6, s22;
	s14 =	sand.u32 $0x1FFFFFF0, s14;
	s17 =	spop (v2sf)  }
0x91: {  	[tilespmem:s8], [sflag:$0x9] =	stream.linear.gather [hbm4b:s22+s19], $0x40, $0x38;
	(v2sf) =	vpush v1, $0xA;
	[tilespmem:$0x1EF88] =	vst v63  }
0x92: {  	s8 =	sadd.s32 s6, s14;
	s14 =	sand.u32 $0x1FFFFFF0, s17;
	s17 =	spop (v2sf)  }
0x93: {  	[tilespmem:s18], [sflag:$0x9] =	stream.linear.gather [hbm4b:s8+s19], $0x40, $0x38;
	(v2sf) =	vpush v1, $0xB;
	[tilespmem:$0x1EF88] =	vst v63  }
0x94: {  	s8 =	sadd.s32 s6, s14;
	s14 =	sand.u32 $0x1FFFFFF0, s17;
	s17 =	spop (v2sf)  }
0x95: {  	[tilespmem:s7], [sflag:$0x9] =	stream.linear.gather [hbm4b:s8+s19], $0x40, $0x38;
	(v2sf) =	vpush v1, $0xC;
	[tilespmem:$0x1EF88] =	vst v63  }
0x96: {  	s7 =	sadd.s32 s6, s14;
	s8 =	sand.u32 $0x1FFFFFF0, s17;
	s14 =	spop (v2sf)  }
0x97: {  	[tilespmem:s11], [sflag:$0x9] =	stream.linear.gather [hbm4b:s7+s19], $0x40, $0x38;
	(v2sf) =	vpush v1, $0xD;
	[tilespmem:$0x1EF88] =	vst v63  }
0x98: {  	s7 =	sadd.s32 s6, s8;
	s8 =	sand.u32 $0x1FFFFFF0, s14;
	s11 =	spop (v2sf)  }
0x99: {  	[tilespmem:s12], [sflag:$0x9] =	stream.linear.gather [hbm4b:s7+s19], $0x40, $0x38;
	(v2sf) =	vpush v1, $0xE;
	[tilespmem:$0x1EF88] =	vst v63  }
0x9a: {  	s7 =	sadd.s32 s6, s8;
	s8 =	sand.u32 $0x1FFFFFF0, s11;
	s11 =	spop (v2sf)  }
0x9b: {  	[tilespmem:s15], [sflag:$0x9] =	stream.linear.gather [hbm4b:s7+s19], $0x40, $0x38;
	(v2sf) =	vpush v1, $0xF;
	[tilespmem:$0x1EF88] =	vst v63  }
0x9c: {  	s7 =	sadd.s32 s6, s8;
	s8 =	sand.u32 $0x1FFFFFF0, s11;
	s11 =	spop (v2sf)  }
0x9d: {  	[tilespmem:s10], [sflag:$0x9] =	stream.linear.gather [hbm4b:s7+s19], $0x40, $0x38;
	[tilespmem:$0x1EF88] =	vst v63  }
0x9e: {  	s7 =	sadd.s32 s6, s8;
	s8 =	sand.u32 $0x1FFFFFF0, s11;
	s10 =	spop (v2sf)  }
0x9f: {  	[tilespmem:s9], [sflag:$0x9] =	stream.linear.gather [hbm4b:s7+s19], $0x40, $0x38;
	[tilespmem:$0x1EF88] =	vst v63  }
0xa0: {  	s7 =	sadd.s32 s6, s8;
	s8 =	sand.u32 $0x1FFFFFF0, s10;
	s9 =	spop (v2sf)  }
0xa1: {  	[tilespmem:s16], [sflag:$0x9] =	stream.linear.gather [hbm4b:s7+s19], $0x40, $0x38;
	[tilespmem:$0x1EF88] =	vst v63  }
0xa2: {  	s7 =	sadd.s32 s6, s8;
	s8 =	sand.u32 $0x1FFFFFF0, s9;
	s9 =	spop (v2sf)  }
0xa3: {  	[tilespmem:s3], [sflag:$0x9] =	stream.linear.gather [hbm4b:s7+s19], $0x40, $0x38;
	[tilespmem:$0x1EF88] =	vst v63  }
0xa4: {  	s3 =	sadd.s32 s6, s8;
	s7 =	sand.u32 $0x1FFFFFF0, s9;
	s8 =	spop (v2sf)  }
0xa5: {  	[tilespmem:s2], [sflag:$0x9] =	stream.linear.gather [hbm4b:s3+s19], $0x40, $0x38;
	[tilespmem:$0x1EF88] =	vst v63  }
0xa6: {  	s2 =	sadd.s32 s6, s7;
	s3 =	sand.u32 $0x1FFFFFF0, s8;
	s7 =	spop (v2sf)  }
0xa7: {  	[tilespmem:s5], [sflag:$0x9] =	stream.linear.gather [hbm4b:s2+s19], $0x40, $0x38;
	[tilespmem:$0x1EF88] =	vst v63  }
0xa8: {  	s2 =	sadd.s32 s6, s3;
	s3 =	sand.u32 $0x1FFFFFF0, s7;
	s5 =	spop (v2sf)  }
0xa9: {  	[tilespmem:s4], [sflag:$0x9] =	stream.linear.gather [hbm4b:s2+s19], $0x40, $0x38;
	[tilespmem:$0x1EF88] =	vst v63  }
0xaa: {  	s2 =	sadd.s32 s6, s3  }
.Ltmp4:
0xab: {  	s3 =	sand.u32 $0x1FFFFFF0, s5;
	s4 =	spop (v2sf);
	(pc) =	sbr.rel @p2 .LBB2_5-.Ltmp4, $4  }
0xac: {  	[tilespmem:s0], [sflag:$0x9] =	stream.linear.gather [hbm4b:s2+s19], $0x40, $0x38;
	[tilespmem:$0x1EF88] =	vst v63  }
0xad: {  	s0 =	sadd.s32 s6, s3;
	s2 =	sadd.s32 $0xFFFFFF80, s30;
	s3 =	sand.u32 $0x1FFFFFF0, s4  }
0xae: {  	[tilespmem:s2], [sflag:$0x9] =	stream.linear.gather [hbm4b:s0+s19], $0x40, $0x38;
	[tilespmem:$0x1EF88] =	vst v63  }
0xaf: {  	s31 =	sadd.s32 $0x10, s31;
	s30 =	sadd.s32 $0x800, s30;
	s2 =	sadd.s32 s6, s3  }
0xb0: {  	[tilespmem:s28], [sflag:$0x9] =	stream.linear.gather [hbm4b:s2+s19], $0x40, $0x38;
	[tilespmem:$0x1EF88] =	vst v63  }
0xb1: {  	s12 =	rddreg [dreg:$0x5]  }
0xb2: {  	s14 =	rddreg [dreg:$0x6]  }
0xb3: {  	s15 =	rddreg [dreg:$0x7]  }
0xb4: {  	s17 =	rddreg [dreg:$0x8]  }
0xb5: {  	s18 =	rddreg [dreg:$0xa]  }
0xb6: {  	s22 =	rddreg [dreg:$0xb]  }
.LBB2_7:
0xb7: {  	p2 =	slt.u32 s25, $0x2  }
.Ltmp5:
0xb8: {  	_ = 	snop;
	(pc) =	sbr.rel @p2 .LBB2_25-.Ltmp5, $1  }
0xb9: {  	_ =	sdelay $0x3  }
0xba: {  	p2 =	sgt.s32 s26, $0x4E0C0;
	s0 =	smov.u32 s26;
	s2 =	sshra.s32 s26, $0x1F  }
0xbb: {  	s0 =	simm.s32 @!p2 $0x4E0C0;
	s2 =	sand.u32 s2, s26  }
0xbc: {  	s0 =	ssub.s32 s0, s2  }
0xbd: {  	s0 =	sadd.s32 $0xFFFB1F40, s0  }
0xbe: {  	s3 =	simm.s32 $0x9;
	s29 =	sshll.u32 s0, $0x2  }
0xbf: {  	_ =	swait.ge [sflag:s3], $0x5000;
	s2 =	ssub.s32 $0x500, s29  }
0xc0: {  	[sflag:s3] =	ssyncset.done $0x0;
	p2 =	sgt.s32 s0, $0x13F;
	s0 =	sshrl.u32 s2, $0x2  }
0xc1: {  	s30 =	simm.s32 $0xB;
	[sflag:s3] =	ssyncadd.s32 $0xFFFFB000;
	s0 =	simm.s32 @p2 $0x0  }
0xc2: {  	_ =	swait.ge [sflag:s30], s0  }
0xc3: {  	s0 =	ssub.s32 $0x0, s0;
	[sflag:s30] =	ssyncset.done $0x0  }
0xc4: {  	[sflag:s30] =	ssyncadd.s32 s0  }
0xc5: {  	v1 =	vld [tilespmem:$0xA108];
	_ =	sdelay $0x4  }
0xc6: {  	(v2sf) =	vpush v1, $0x0  }
0xc7: {  	(v2sf) =	vpush v1, $0x1  }
0xc8: {  	(v2sf) =	vpush v1, $0x2;
	_ =	sdelay $0x3  }
0xc9: {  	s0 =	sadd.s32 $0x140, s26  }
0xca: {  	s4 =	ssub.s32 $0x9C400, s26;
	p2 =	slt.s32 s14, s0  }
0xcb: {  	s0 =	smov.u32 @p2 s14;
	p2 =	sgt.s32 s4, $0x0  }
0xcc: {  	s0 =	ssub.s32 s0, s26;
	s4 =	simm.s32 @!p2 $0x0  }
0xcd: {  	p2 =	slt.s32 s4, s0  }
0xce: {  	s0 =	smov.u32 @p2 s4  }
0xcf: {  	s2 =	simm.s32 $0x1;
	p2 =	slt.s32 s0, $0x1  }
.Ltmp6:
0xd0: {  	s2 =	simm.s32 @!p1 $0x0;
	(pc) =	sbr.rel @p2 .LBB2_12-.Ltmp6, $4  }
0xd1: {  	s7 =	smul.u32 $0x500, s2  }
0xd2: {  	s3 =	spop (v2sf)  }
0xd3: {  	s31 =	sshrl.u32 s7, $0x2;
	s5 =	spop (v2sf)  }
0xd4: {  	s28 =	sadd.s32 $0xAD08, s31;
	s26 =	spop (v2sf)  }
0xd5: {  	s4 =	smin.u32 s0, $0x10  }
0xd6: {  	v1 =	vmov s4  }
0xd7: {  	p3 =	sgt.s32 s0, $0x10;
	vm1 =	vgt.u32 v1, v0  }
.Ltmp7:
0xd8: {  	_ = 	snop;
	(pc) =	sbr.rel @!p3 .LBB2_11-.Ltmp7, $2  }
0xd9: {  	_ =	sdelay $0x2  }
0xda: {  	s9 =	simm.s32 $0x10;
	s10 =	sadd.s32 $0xFFFFFFF0, s0;
	s4 =	smov.u32 s28;
	vm0 =	vmmov vm1  }
.LBB2_10:
0xdb: {  	s7 =	smin.u32 s10, $0x10;
	s9 =	sadd.s32 $0x10, s9;
	v1 =	vld.msk [tilespmem:s4+$0x0 ss:$0x1], vm1  }
0xdc: {  	v2 =	vmov s7;
	p3 =	slt.s32 s9, s0  }
0xdd: {  	vm1 =	vgt.u32 v2, v0  }
.Ltmp8:
0xde: {  	(pc) =	sbr.rel @p3 .LBB2_10-.Ltmp8, $3  }
0xdf: {  	_ =	sdelay $0x1  }
0xe0: {  	v1 =	vshll.u32 v1, $0x4  }
0xe1: {  	s10 =	sadd.s32 $0xFFFFFFF0, s10;
	[tilespmem:s4+$0x0] =	vst.msk vm0, v1;
	s4 =	sadd.s32 $0x10, s4;
	vm0 =	vmmov vm1  }
.LBB2_11:
0xe2: {  	_ =	sdelay $0x4  }
0xe3: {  	v1 =	vld.msk [tilespmem:s4+$0x0 ss:$0x1], vm1;
	_ =	sdelay $0x4  }
0xe4: {  	v1 =	vshll.u32 v1, $0x4  }
0xe5: {  	[tilespmem:s4+$0x0] =	vst.msk vm0, v1  }
.LBB2_12:
0xe6: {  	s4 =	sand.u32 $0x1, s25  }
0xe7: {  	s4 =	smul.u32 $0x140, s4  }
0xe8: {  	p3 =	sne.s32 s5, $0xFFFFFFFF  }
0xe9: {  	v1 =	vld.msk @!p3 [tilespmem:s4+$0xAD08], $0x1;
	_ =	sdelay $0x4  }
0xea: {  	(v2sf) =	vpush @!p3 v1, $0x0;
	_ =	sdelay $0xc  }
.Ltmp9:
0xeb: {  	_ = 	snop;
	(pc) =	sbr.rel @p2 .LBB2_23-.Ltmp9, $4  }
0xec: {  	_ = 	snop  }
0xed: {  	s29 =	spop @!p3 (v2sf)  }
0xee: {  	s31 =	simm.s32 $0xC;
	s26 =	simm.s32 @!p3 $0x0;
	s4 =	smov.u32 s29  }
0xef: {  	[sflag:s31] =	ssyncpa.u1 $0x0;
	s29 =	smov.u32 @p3 s3;
	s4 =	smov.u32 @p3 s5  }
0xf0: {  	v1 =	vld.msk [tilespmem:s28+$0x0], $0x1;
	_ =	sdelay $0x4  }
0xf1: {  	(v2sf) =	vpush v1, $0x0;
	_ =	sdelay $0xe  }
0xf2: {  	s2 =	smul.u32 $0x28000, s2;
	s5 =	spop (v2sf)  }
0xf3: {  	s31 =	ssub.s32 $0x0, s0;
	p2 =	seq.s32 s29, s5  }
0xf4: {  	s3 =	smov.u32 s29;
	s2 =	sshrl.u32 s2, $0x2;
	p3 =	sgt.s32 @!p2 s29, $0x0  }
0xf5: {  	s30 =	sadd.s32 $0xAFA8, s2;
	s2 =	sadd.s32 $0x1, s31;
	p3 =	por !p3, p2  }
0xf6: {  	s3 =	simm.s32 @p3 $0x0;
	p3 =	seq.s32 s2, $0x0  }
.Ltmp10:
0xf7: {  	_ = 	snop;
	(pc) =	sbr.rel @p3 .LBB2_15-.Ltmp10, $4  }
0xf8: {  	_ = 	snop  }
0xf9: {  	s0 =	simm.s32 $0x0;
	s9 =	simm.s32 @!p2 $0x1;
	s3 =	smin.u32 @!p2 s3, $0x9C3F8  }
0xfa: {  	s10 =	simm.s32 @!p2 $0x50C8;
	s9 =	smov.u32 @p2 s0;
	s7 =	sand.u32 @!p2 $0xFFFF8, s3  }
0xfb: {  	s16 =	sand.u32 @!p2 $0x7, s3;
	s3 =	sadd.s32 $0x1, s28;
	s11 =	sadd.s32 @!p2 s1, s7  }
.LBB2_14:
0xfc: {  	s7 =	smov.u32 s9  }
0xfd: {  	[tilespmem:s10], [sflag:$0x2] =	stream.linear.gather @!p2 [hbm4b:s11+s16], $0x40, $0x38;
	[tilespmem:$0x1EF88] =	vst v63  }
0xfe: {  	s2 =	sadd.s32 $0x1, s2;
	s8 =	smov.u32 s5;
	v1 =	vld.msk [tilespmem:s3+$0x0], $0x1  }
0xff: {  	p3 =	seq.s32 s2, $0x0;
	_ =	sdelay $0x3  }
0x100: {  	(v2sf) =	vpush v1, $0x0;
	_ =	sdelay $0xe  }
0x101: {  	s5 =	spop (v2sf)  }
0x102: {  	p2 =	seq.s32 s8, s5  }
0x103: {  	p4 =	sgt.s32 @!p2 s8, $0x0;
	s10 =	sshll.u32 @!p2 s9, $0x8;
	s9 =	sadd.s32 @!p2 $0x1, s9  }
.Ltmp11:
0x104: {  	p4 =	por !p4, p2;
	s10 =	sshra.s32 @!p2 s10, $0x2;
	(pc) =	sbr.rel @!p3 .LBB2_14-.Ltmp11, $4  }
0x105: {  	s9 =	smov.u32 @p2 s7;
	s8 =	simm.s32 @p4 $0x0;
	s10 =	sadd.s32 @!p2 $0x50C8, s10  }
0x106: {  	s7 =	smin.u32 @!p2 s8, $0x9C3F8  }
0x107: {  	s8 =	sand.u32 @!p2 $0xFFFF8, s7;
	s16 =	sand.u32 @!p2 $0x7, s7  }
0x108: {  	s3 =	sadd.s32 $0x1, s3;
	s11 =	sadd.s32 @!p2 s1, s8  }
.LBB2_15:
0x109: {  	[tilespmem:s10], [sflag:$0x2] =	stream.linear.gather @!p2 [hbm4b:s11+s16], $0x40, $0x38;
	[tilespmem:$0x1EF88] =	vst v63  }
.Ltmp12:
0x10a: {  	s2 =	sshll.u32 s9, $0x6;
	(pc) =	sbr.rel .LBB2_16-.Ltmp12, $4  }
0x10b: {  	s3 =	simm.s32 $0x2;
	s2 =	sand.u32 $0x3FFFFFC0, s2  }
0x10c: {  	_ =	swait.ge [sflag:s3], s2  }
0x10d: {  	s2 =	ssub.s32 $0x0, s2;
	[sflag:s3] =	ssyncset.done $0x0  }
0x10e: {  	[sflag:s3] =	ssyncadd.s32 s2;
	s3 =	simm.s32 $0x0  }
.LBB2_17:
0x10f: {  	v1 =	vld [tilespmem:s30+$0xFFFFFFE0];
	_ =	sdelay $0x4  }
0x110: {  	[tilespmem:s5+$0x88] =	vst.add.f32.msk $0xffff, v1  }
0x111: {  	v1 =	vld [tilespmem:s30+$0xFFFFFFF0];
	_ =	sdelay $0x4  }
0x112: {  	[tilespmem:s5+$0x98] =	vst.add.f32.msk $0xffff, v1  }
0x113: {  	v1 =	vld [tilespmem:s30+$0x0];
	_ =	sdelay $0x4  }
0x114: {  	[tilespmem:s5+$0xA8] =	vst.add.f32.msk $0xffff, v1  }
0x115: {  	v1 =	vld [tilespmem:s30+$0x10];
	_ =	sdelay $0x4  }
0x116: {  	[tilespmem:s5+$0xB8] =	vst.add.f32.msk $0xffff, v1  }
.LBB2_21:
0x117: {  	s31 =	sadd.s32 $0x1, s31  }
0x118: {  	p2 =	seq.s32 s31, $0x0  }
.Ltmp13:
0x119: {  	_ = 	snop;
	(pc) =	sbr.rel @p2 .LBB2_22-.Ltmp13, $2  }
0x11a: {  	_ =	sdelay $0x2  }
0x11b: {  	s30 =	sadd.s32 $0x80, s30;
	s28 =	sadd.s32 $0x1, s28;
	s29 =	smov.u32 s2  }
.LBB2_16:
0x11c: {  	v1 =	vld.msk [tilespmem:s28+$0x0], $0x1;
	_ =	sdelay $0x4  }
0x11d: {  	(v2sf) =	vpush v1, $0x0;
	_ =	sdelay $0xe  }
0x11e: {  	s2 =	spop (v2sf)  }
0x11f: {  	p2 =	sne.s32 s29, s2  }
.Ltmp14:
0x120: {  	_ = 	snop;
	(pc) =	sbr.rel @!p2 .LBB2_17-.Ltmp14, $3  }
0x121: {  	_ =	sdelay $0x1  }
0x122: {  	s5 =	sshll.u32 s26, $0x8  }
0x123: {  	s5 =	sshra.s32 s5, $0x2  }
0x124: {  	p2 =	seq.s32 s29, s4  }
.Ltmp15:
0x125: {  	_ = 	snop;
	(pc) =	sbr.rel @!p2 .LBB2_19-.Ltmp15, $1  }
0x126: {  	_ =	sdelay $0x3  }
.Ltmp16:
0x127: {  	s5 =	sadd.s32 $0x88, s5;
	(pc) =	sbr.rel .LBB2_20-.Ltmp16, $4  }
0x128: {  	[spmem:s18] =	stream.linear.scatter [tilespmem:s5], [sflag:$0x1], $0x40, $0x38;
	[tilespmem:$0x1EF88] =	vst v63  }
0x129: {  	_ =	swait.ge [sflag:s13], $0x40  }
0x12a: {  	[sflag:s13] =	ssyncset.done $0x0  }
0x12b: {  	[sflag:s13] =	ssyncadd.s32 $0xFFFFFFC0  }
.LBB2_19:
0x12c: {  	s7 =	sshll.u32 s0, $0x8  }
0x12d: {  	s7 =	sshra.s32 s7, $0x2  }
0x12e: {  	v1 =	vld [tilespmem:s7+$0x50C8];
	_ =	sdelay $0x4  }
0x12f: {  	[tilespmem:s5+$0x88] =	vst.add.f32.msk $0xffff, v1  }
0x130: {  	v1 =	vld [tilespmem:s7+$0x50D8];
	_ =	sdelay $0x4  }
0x131: {  	[tilespmem:s5+$0x98] =	vst.add.f32.msk $0xffff, v1  }
0x132: {  	v1 =	vld [tilespmem:s7+$0x50E8];
	_ =	sdelay $0x4  }
0x133: {  	[tilespmem:s5+$0xA8] =	vst.add.f32.msk $0xffff, v1  }
0x134: {  	v1 =	vld [tilespmem:s7+$0x50F8];
	_ =	sdelay $0x2  }
0x135: {  	p2 =	sgt.u32 s29, $0x9C3F8  }
0x136: {  	s7 =	sand.u32 @!p2 $0xFFFF8, s29  }
0x137: {  	s8 =	sadd.s32 $0x88, s5;
	[tilespmem:s5+$0xB8] =	vst.add.f32.msk $0xffff, v1;
	s5 =	sadd.s32 @!p2 s1, s7;
	s7 =	sand.u32 @!p2 $0x7, s29  }
0x138: {  	[hbm4b:s5+s7] =	stream.linear.scatter @!p2 [tilespmem:s8], [sflag:$0xC], $0x40, $0x38;
	[tilespmem:$0x1EF88] =	vst v63  }
0x139: {  	s5 =	simm.s32 $0x0  }
0x13a: {  	s5 =	simm.s32 @!p2 $0x100  }
0x13b: {  	s3 =	sadd.s32 s5, s3  }
.LBB2_20:
0x13c: {  	s5 =	sadd.s32 $0x1, s26  }
0x13d: {  	s7 =	smulhi.u32 $0xCCCCCCCD, s5;
	_ =	sdelay $0x1  }
0x13e: {  	v1 =	vld [tilespmem:s30+$0xFFFFFFE0];
	s7 =	sshrl.u32 s7, $0x8  }
0x13f: {  	s7 =	smul.u32 $0x140, s7;
	_ =	sdelay $0x1  }
0x140: {  	s26 =	ssub.s32 s5, s7  }
0x141: {  	s5 =	sshll.u32 s26, $0x6  }
0x142: {  	[tilespmem:s5+$0x88] =	vst v1  }
0x143: {  	v1 =	vld [tilespmem:s30+$0xFFFFFFF0];
	_ =	sdelay $0x4  }
0x144: {  	[tilespmem:s5+$0x98] =	vst v1  }
0x145: {  	v1 =	vld [tilespmem:s30+$0x0];
	_ =	sdelay $0x4  }
0x146: {  	[tilespmem:s5+$0xA8] =	vst v1  }
0x147: {  	v1 =	vld [tilespmem:s30+$0x10]  }
.Ltmp17:
0x148: {  	_ = 	snop;
	(pc) =	sbr.rel .LBB2_21-.Ltmp17, $2  }
0x149: {  	_ =	sdelay $0x2  }
0x14a: {  	s0 =	sadd.s32 $0x1, s0;
	[tilespmem:s5+$0xB8] =	vst v1  }
.LBB2_23:
.Ltmp18:
0x14b: {  	(pc) =	sbr.rel .LBB2_24-.Ltmp18, $4  }
0x14c: {  	_ = 	snop  }
0x14d: {  	s0 =	simm.s32 $0x2  }
0x14e: {  	_ =	swait.ge [sflag:s0], $0x0  }
0x14f: {  	s2 =	smov.u32 s29;
	[sflag:s0] =	ssyncset.done $0x0;
	s0 =	simm.s32 $0x0  }
.LBB2_26:
0x150: {  	_ =	sfence.sel $0x180000  }
0x151: {  	s0 =	simm.s32 $0x9;
	[bflag:$0x0] =	sbarrier.arrive $0xFFFF  }
0x152: {  	s24 =	simm.s32 $0xA;
	[sflag:s0] =	ssyncpa.u1 $0x1  }
0x153: {  	s25 =	simm.s32 $0xB;
	[sflag:s24] =	ssyncpa.u1 $0x1  }
0x154: {  	s26 =	simm.s32 $0x2;
	[sflag:s25] =	ssyncpa.u1 $0x1  }
0x155: {  	[sflag:s26] =	ssyncpa.u1 $0x1  }
0x156: {  	v0 =	vld [tilespmem:$0xA108];
	_ =	sdelay $0x4  }
0x157: {  	(v2sf) =	vpush v0, $0x0  }
0x158: {  	(v2sf) =	vpush v0, $0x1;
	_ =	sdelay $0x1  }
0x159: {  	(v2sf) =	vpush v0, $0x2;
	_ =	sdelay $0xb  }
0x15a: {  	s0 =	spop (v2sf)  }
0x15b: {  	s2 =	spop (v2sf)  }
0x15c: {  	s3 =	smov.u32 s0;
	p0 =	sne.s32 s0, s2  }
0x15d: {  	s4 =	spop (v2sf);
	s3 =	simm.s32 @!p0 $0xFFFFFFFF  }
0x15e: {  	v2 =	vimm.s32 $0x1;
	v3 =	vlaneseq.u32;
	p0 =	seq.s32 s4, $0xFFFFFFFF;
	v1 =	vmov s3  }
0x15f: {  	s14 =	stileid.u32;
	v0 =	vperm.xlane v0, v2;
	p1 =	sne.s32 @!p0 s0, s2;
	v1 =	vperm.xlane v1, v3  }
0x160: {  	vm0 =	vcmask $0x3F04;
	s6 =	simm.s32 $0xA108;
	s0 =	simm.s32 @!p0 $0x1;
	p1 =	por !p1, p0  }
0x161: {  	s3 =	sshll.u32 s14, $0x1;
	s2 =	sshll.u32 @!p0 s4, $0x8;
	s0 =	simm.s32 @p1 $0x0;
	v0 =	vsel vm0, v1, v0  }
0x162: {  	s5 =	sor.u32 $0x800, s3;
	s2 =	sshra.s32 @!p0 s2, $0x2;
	s0 =	sor.u32 @!p0 s0, s3;
	[tilespmem:$0xA108] =	vst v0  }
0x163: {  	[spmem:s5] =	stream.linear.scatter [tilespmem:s6], [sflag:$0x1], $0x2, $0x38;
	[tilespmem:$0x1EF88] =	vst v63  }
0x164: {  	s2 =	sadd.s32 @!p0 $0x88, s2;
	s0 =	sshll.u32 @!p0 s0, $0x6  }
0x165: {  	[spmem:s0] =	stream.linear.scatter @!p0 [tilespmem:s2], [sflag:$0x1], $0x40, $0x38;
	[tilespmem:$0x1EF88] =	vst v63  }
0x166: {  	s0 =	simm.s32 @!p0 $0x42  }
0x167: {  	s28 =	simm.s32 $0x1;
	s0 =	simm.s32 @p0 $0x2  }
0x168: {  	_ =	swait.ge [sflag:s28], s0  }
0x169: {  	s0 =	ssub.s32 $0x0, s0;
	[sflag:s28] =	ssyncset.done $0x0  }
0x16a: {  	p0 =	sne.s32 s14, $0x0;
	[sflag:s28] =	ssyncadd.s32 s0  }
.Ltmp19:
0x16b: {  	_ =	sfence.stream.spmem;
	(pc) =	sbr.rel @p0 .LBB2_43-.Ltmp19, $4  }
0x16c: {  	s29 =	simm.s32 $0x3;
	[bflag:$0x0] =	sbarrier.arrive $0xFFFF  }
0x16d: {  	s30 =	simm.s32 $0x4;
	[sflag:s29] =	ssyncpa.u1 $0x1  }
0x16e: {  	s31 =	simm.s32 $0x3C;
	[sflag:s30] =	ssyncpa.u1 $0x1  }
0x16f: {  	s13 =	rddreg [dreg:$0x4];
	[sflag:s31] =	ssyncpa.u1 $0x1  }
0x170: {  	_ =	sfence.stream.spmem;
	s0 =	simm.s32 $0x5  }
0x171: {  	s2 =	simm.s32 $0x800;
	s3 =	simm.s32 $0xA118;
	[sflag:s0] =	ssyncpa.u1 $0x0  }
0x172: {  	[tilespmem:s3], [sflag:$0x5] =	stream.linear.gather [spmem:s2], $0x20, $0x38;
	[tilespmem:$0x1EF88] =	vst v63  }
0x173: {  	s26 =	simm.s32 $0x0;
	s28 =	simm.s32 $0xA138  }
0x174: {  	[tilespmem:s28], [sflag:$0x5] =	stream.linear.gather [spmem:s26], $0x800, $0x38;
	[tilespmem:$0x1EF88] =	vst v63  }
0x175: {  	_ =	swait.ge [sflag:s0], $0x820  }
0x176: {  	[sflag:s0] =	ssyncset.done $0x0  }
0x177: {  	s29 =	simm.s32 $0x0;
	[sflag:s0] =	ssyncadd.s32 $0xFFFFF7E0  }
0x178: {  	v0 =	vld.msk [tilespmem:s29+$0xA118], $0x1;
	_ =	sdelay $0x1  }
0x179: {  	s30 =	simm.s32 $0x1  }
0x17a: {  	v1 =	vld.msk [tilespmem:s30+$0xA118], $0x1;
	_ =	sdelay $0x1  }
0x17b: {  	(v2sf) =	vpush v0, $0x0;
	_ =	sdelay $0x2  }
0x17c: {  	(v2sf) =	vpush v1, $0x0;
	_ =	sdelay $0x2  }
0x17d: {  	s31 =	simm.s32 $0x2  }
0x17e: {  	v0 =	vld.msk [tilespmem:s31+$0xA118], $0x1;
	_ =	sdelay $0x2  }
0x17f: {  	s2 =	simm.s32 $0xFFFFFFFF;
	s3 =	simm.s32 $0xFFFFFFFF;
	s0 =	simm.s32 $0xC  }
.LBB2_28:
0x180: {  	s4 =	smov.u32 s3;
	s5 =	smov.u32 s2  }
0x181: {  	s2 =	sshra.s32 s0, $0x2;
	p1 =	sne.s32 s0, $0x7C;
	s0 =	sadd.s32 $0x4, s0;
	(v2sf) =	vpush v0, $0x0  }
0x182: {  	v0 =	vld.msk [tilespmem:s2+$0xA118], $0x1  }
.Ltmp20:
0x183: {  	(pc) =	sbr.rel @p1 .LBB2_28-.Ltmp20, $4  }
0x184: {  	s3 =	spop (v2sf)  }
0x185: {  	p2 =	sne.s32 s5, $0xFFFFFFFF;
	s2 =	smov.u32 s3  }
0x186: {  	p3 =	seq.s32 s3, $0xFFFFFFFF;
	s2 =	smov.u32 @p2 s5  }
0x187: {  	s3 =	smov.u32 @p3 s4;
	s2 =	smov.u32 @p3 s5  }
0x188: {  	(v2sf) =	vpush v0, $0x0;
	_ =	sdelay $0x8  }
0x189: {  	s0 =	spop (v2sf)  }
0x18a: {  	p1 =	sne.s32 s2, $0xFFFFFFFF;
	s4 =	smov.u32 s0  }
0x18b: {  	s6 =	simm.s32 $0x0;
	p2 =	seq.s32 s0, $0xFFFFFFFF;
	s4 =	smov.u32 @p1 s2  }
0x18c: {  	s9 =	simm.s32 $0xA0C8;
	s4 =	smov.u32 @p2 s2;
	s2 =	spop (v2sf)  }
0x18d: {  	s0 =	smov.u32 @p2 s3;
	p1 =	sne.s32 s4, $0xFFFFFFFF;
	s5 =	smov.u32 s2  }
.Ltmp21:
0x18e: {  	p2 =	seq.s32 s2, $0xFFFFFFFF;
	s5 =	smov.u32 @p1 s4;
	(pc) =	sbr.rel .LBB2_30-.Ltmp21, $4  }
0x18f: {  	s10 =	simm.s32 $0x0;
	s5 =	smov.u32 @p2 s4;
	s7 =	spop (v2sf)  }
0x190: {  	s2 =	smov.u32 @p2 s0;
	p1 =	sne.s32 s5, $0xFFFFFFFF;
	s8 =	smov.u32 s7  }
0x191: {  	s0 =	simm.s32 $0x6;
	p2 =	seq.s32 s7, $0xFFFFFFFF;
	s8 =	smov.u32 @p1 s5  }
0x192: {  	[sflag:s0] =	ssyncpa.u1 $0x0;
	s7 =	smov.u32 @p2 s2;
	s8 =	smov.u32 @p2 s5  }
.LBB2_36:
0x193: {  	p1 =	sgt.u32 s2, $0x9C3F8  }
0x194: {  	p2 =	seq.s32 @!p1 s2, s8  }
0x195: {  	p1 =	por p1, p2  }
0x196: {  	p2 =	sne.s32 @!p1 s2, s7  }
0x197: {  	p1 =	por p1, !p2  }
0x198: {  	s2 =	sshll.u32 @p1 s10, $0x8  }
0x199: {  	s3 =	sand.u32 @!p1 $0xFFFF8, s2  }
0x19a: {  	s2 =	sand.u32 @!p1 $0x7, s2;
	s3 =	sadd.s32 @!p1 s1, s3  }
0x19b: {  	[tilespmem:s9], [sflag:$0x6] =	stream.linear.gather @!p1 [hbm4b:s3+s2], $0x40, $0x38;
	[tilespmem:$0x1EF88] =	vst v63  }
0x19c: {  	_ =	swait.ge @!p1 [sflag:s0], $0x40  }
0x19d: {  	[sflag:s0] =	ssyncset.done @!p1 $0x0  }
0x19e: {  	[sflag:s0] =	ssyncadd.s32 @!p1 $0xFFFFFFC0  }
0x19f: {  	v1 =	vld @!p1 [tilespmem:$0xA0C8];
	_ =	sdelay $0x2  }
0x1a0: {  	s2 =	sshll.u32 @!p1 s10, $0x8  }
0x1a1: {  	s3 =	sshrl.u32 @!p1 s2, $0x2  }
0x1a2: {  	[tilespmem:s3+$0xA138] =	vst.add.f32.msk @!p1 $0xffff, v1  }
0x1a3: {  	v1 =	vld @!p1 [tilespmem:$0xA0D8];
	_ =	sdelay $0x4  }
0x1a4: {  	[tilespmem:s3+$0xA148] =	vst.add.f32.msk @!p1 $0xffff, v1  }
0x1a5: {  	v1 =	vld @!p1 [tilespmem:$0xA0E8];
	_ =	sdelay $0x4  }
0x1a6: {  	[tilespmem:s3+$0xA158] =	vst.add.f32.msk @!p1 $0xffff, v1  }
0x1a7: {  	v1 =	vld @!p1 [tilespmem:$0xA0F8];
	_ =	sdelay $0x4  }
0x1a8: {  	[tilespmem:s3+$0xA168] =	vst.add.f32.msk @!p1 $0xffff, v1  }
0x1a9: {  	s2 =	sshrl.u32 s2, $0x2;
	[tilespmem:s6+$0xA118] =	vst.msk $0x1, v0  }
0x1aa: {  	v0 =	vld [tilespmem:s2+$0xA138];
	_ =	sdelay $0x2  }
0x1ab: {  	s31 =	sshll.u32 s6, $0x8  }
0x1ac: {  	s3 =	sshra.s32 s31, $0x2  }
0x1ad: {  	[tilespmem:s3+$0xA138] =	vst v0  }
0x1ae: {  	v0 =	vld [tilespmem:s2+$0xA148];
	_ =	sdelay $0x4  }
0x1af: {  	[tilespmem:s3+$0xA148] =	vst v0  }
0x1b0: {  	v0 =	vld [tilespmem:s2+$0xA158];
	_ =	sdelay $0x4  }
0x1b1: {  	[tilespmem:s3+$0xA158] =	vst v0  }
0x1b2: {  	v0 =	vld [tilespmem:s2+$0xA168];
	_ =	sdelay $0x4  }
0x1b3: {  	s6 =	sadd.s32 $0x1, s6;
	[tilespmem:s3+$0xA168] =	vst v0  }
.LBB2_37:
0x1b4: {  	s10 =	sadd.s32 $0x1, s10  }
0x1b5: {  	p1 =	sne.s32 s10, $0x20  }
.Ltmp22:
0x1b6: {  	_ = 	snop;
	(pc) =	sbr.rel @!p1 .LBB2_38-.Ltmp22, $1  }
0x1b7: {  	_ =	sdelay $0x3  }
.LBB2_30:
0x1b8: {  	v0 =	vld.msk [tilespmem:s10+$0xA118], $0x1;
	_ =	sdelay $0x4  }
0x1b9: {  	(v2sf) =	vpush v0, $0x0;
	_ =	sdelay $0xe  }
0x1ba: {  	s2 =	spop (v2sf)  }
0x1bb: {  	p1 =	seq.s32 s2, $0xFFFFFFFF  }
.Ltmp23:
0x1bc: {  	_ = 	snop;
	(pc) =	sbr.rel @p1 .LBB2_37-.Ltmp23, $1  }
0x1bd: {  	_ =	sdelay $0x3  }
0x1be: {  	p1 =	slt.s32 s6, $0x1  }
.Ltmp24:
0x1bf: {  	_ = 	snop;
	(pc) =	sbr.rel @p1 .LBB2_36-.Ltmp24, $1  }
0x1c0: {  	_ =	sdelay $0x3  }
0x1c1: {  	s3 =	simm.s32 $0xA118;
	p1 =	por $0x0, $0x0  }
0x1c2: {  	v1 =	vld.msk @!p1 [tilespmem:s3+$0x0], $0x1;
	_ =	sdelay $0x4  }
0x1c3: {  	(v2sf) =	vpush @!p1 v1, $0x0;
	_ =	sdelay $0xd  }
0x1c4: {  	p3 =	sne.s32 s6, $0x1  }
.Ltmp25:
0x1c5: {  	s4 =	spop @!p1 (v2sf);
	(pc) =	sbr.rel @!p3 .LBB2_34-.Ltmp25, $4  }
0x1c6: {  	p2 =	seq.s32 @!p1 s2, s4  }
0x1c7: {  	s4 =	simm.s32 $0x0;
	p2 =	por !p2, p1  }
0x1c8: {  	s11 =	simm.s32 $0xFFFFFFFF;
	s4 =	simm.s32 @p2 $0xFFFFFFFF  }
0x1c9: {  	s5 =	simm.s32 $0x1;
	s4 =	smov.u32 @p1 s11  }
.LBB2_33:
0x1ca: {  	s11 =	smov.u32 s4;
	p1 =	sne.s32 s4, $0xFFFFFFFF  }
0x1cb: {  	s3 =	sadd.s32 $0x1, s3;
	s4 =	smov.u32 s5;
	s5 =	sadd.s32 $0x1, s5  }
0x1cc: {  	p2 =	sne.s32 s6, s5;
	v1 =	vld.msk @!p1 [tilespmem:s3+$0x0], $0x1;
	_ =	sdelay $0x4  }
0x1cd: {  	(v2sf) =	vpush @!p1 v1, $0x0;
	_ =	sdelay $0xe  }
.Ltmp26:
0x1ce: {  	s12 =	spop @!p1 (v2sf);
	(pc) =	sbr.rel @p2 .LBB2_33-.Ltmp26, $4  }
0x1cf: {  	p3 =	seq.s32 @!p1 s2, s12  }
0x1d0: {  	p3 =	por !p3, p1  }
0x1d1: {  	s4 =	simm.s32 @p3 $0xFFFFFFFF  }
0x1d2: {  	s4 =	smov.u32 @p1 s11  }
.LBB2_34:
0x1d3: {  	p1 =	seq.s32 s4, $0xFFFFFFFF  }
.Ltmp27:
0x1d4: {  	_ = 	snop;
	(pc) =	sbr.rel @p1 .LBB2_36-.Ltmp27, $1  }
0x1d5: {  	_ =	sdelay $0x3  }
0x1d6: {  	s2 =	sshll.u32 s10, $0x6  }
0x1d7: {  	s2 =	sand.u32 $0x3FFFFFC0, s2  }
0x1d8: {  	v0 =	vld [tilespmem:s2+$0xA138];
	_ =	sdelay $0x2  }
0x1d9: {  	s3 =	sshll.u32 s4, $0x8  }
0x1da: {  	s3 =	sshra.s32 s3, $0x2  }
0x1db: {  	[tilespmem:s3+$0xA138] =	vst.add.f32.msk $0xffff, v0  }
0x1dc: {  	v0 =	vld [tilespmem:s2+$0xA148];
	_ =	sdelay $0x4  }
0x1dd: {  	[tilespmem:s3+$0xA148] =	vst.add.f32.msk $0xffff, v0  }
0x1de: {  	v0 =	vld [tilespmem:s2+$0xA158];
	_ =	sdelay $0x4  }
0x1df: {  	[tilespmem:s3+$0xA158] =	vst.add.f32.msk $0xffff, v0  }
0x1e0: {  	v0 =	vld [tilespmem:s2+$0xA168]  }
.Ltmp28:
0x1e1: {  	_ = 	snop;
	(pc) =	sbr.rel .LBB2_37-.Ltmp28, $2  }
0x1e2: {  	_ =	sdelay $0x2  }
0x1e3: {  	[tilespmem:s3+$0xA168] =	vst.add.f32.msk $0xffff, v0  }
.LBB2_38:
0x1e4: {  	s0 =	simm.s32 $0x6;
	p1 =	seq.s32 s6, $0x0  }
0x1e5: {  	[sflag:s0] =	ssyncpa.u1 $0x1;
	v0 =	vimm.s32 @p1 $0xFFFFFFFF  }
0x1e6: {  	s0 =	sadd.s32 $0xFFFFFFFF, s6;
	[tilespmem:$0xA938] =	vst @p1 v0  }
0x1e7: {  	v0 =	vld.msk @!p1 [tilespmem:s0+$0xA118], $0x1;
	_ =	sdelay $0x1  }
0x1e8: {  	v1 =	vld.msk @!p1 [tilespmem:$0xA118], $0x1;
	_ =	sdelay $0x2  }
0x1e9: {  	p2 =	seq.s32 @!p1 s0, $0x0;
	v0 =	vbroadcast @!p1 v0, $0x0  }
0x1ea: {  	vm0 =	vmmov @!p1 $0x1;
	p2 =	por !p2, p1  }
0x1eb: {  	v1 =	vnsel @!p1 vm0, $0xFFFFFFFF, v1;
	vm0 =	vcmask @!p1 $0x308;
	v0 =	vpsel !p2, $0xFFFFFFFF, v0  }
0x1ec: {  	p2 =	sne.s32 @!p1 s8, s7;
	v0 =	vsel @!p1 vm0, v1, v0  }
0x1ed: {  	s2 =	simm.s32 @!p1 $0xA138;
	s3 =	simm.s32 @!p1 $0x0;
	p3 =	por !p2, p1;
	[tilespmem:$0xA938] =	vst @!p1 v0  }
0x1ee: {  	[spmem:s3] =	stream.linear.scatter @!p1 [tilespmem:s2], [sflag:$0x1], $0x40, $0x38;
	[tilespmem:$0x1EF88] =	vst v63  }
0x1ef: {  	s2 =	sshll.u32 @!p3 s0, $0x8  }
0x1f0: {  	s2 =	sshra.s32 @!p3 s2, $0x2  }
0x1f1: {  	s3 =	simm.s32 @!p3 $0x40;
	s2 =	sadd.s32 @!p3 $0xA138, s2  }
0x1f2: {  	[spmem:s3] =	stream.linear.scatter @!p3 [tilespmem:s2], [sflag:$0x1], $0x40, $0x38;
	[tilespmem:$0x1EF88] =	vst v63  }
0x1f3: {  	s2 =	simm.s32 @!p3 $0x1  }
0x1f4: {  	_ =	swait.ge @!p3 [sflag:s2], $0x80  }
0x1f5: {  	p1 =	por p2, p1;
	[sflag:s2] =	ssyncset.done @!p3 $0x0  }
0x1f6: {  	[sflag:s2] =	ssyncadd.s32 @!p3 $0xFFFFFF80;
	s2 =	simm.s32 @!p1 $0x1  }
0x1f7: {  	_ =	swait.ge @!p1 [sflag:s2], $0x40  }
0x1f8: {  	s29 =	simm.s32 $0xA938;
	[sflag:s2] =	ssyncset.done @!p1 $0x0  }
0x1f9: {  	s30 =	simm.s32 $0x800;
	s31 =	simm.s32 $0x1;
	[sflag:s2] =	ssyncadd.s32 @!p1 $0xFFFFFFC0  }
0x1fa: {  	[spmem:s30] =	stream.linear.scatter [tilespmem:s29], [sflag:$0x1], $0x10, $0x38;
	[tilespmem:$0x1EF88] =	vst v63  }
0x1fb: {  	_ =	swait.ge [sflag:s31], $0x10  }
0x1fc: {  	[sflag:s31] =	ssyncset.done $0x0  }
0x1fd: {  	p1 =	seq.s32 s13, $0x0;
	s9 =	rddreg [dreg:$0x1];
	[sflag:s31] =	ssyncadd.s32 $0xFFFFFFF0  }
0x1fe: {  	s3 =	sshll.u32 @p1 s9, $0xE;
	s8 =	rddreg [dreg:$0x2]  }
0x1ff: {  	s2 =	sadd.s32 @p1 $0x15C3C, s3;
	s3 =	sshll.u32 @p1 s8, $0x11  }
0x200: {  	_ =	sfence.stream.spmem;
	s2 =	sor.u32 @p1 s3, s2  }
0x201: {  	[sflag:s2] =	ssyncadd.remote.s32 @p1 $0x1;
	s2 =	simm.s32 @p1 $0x4  }
0x202: {  	s4 =	simm.s32 @!p1 $0x3C;
	s3 =	sand.u32 $0xFFFFFFFE, s9;
	_ =	swait.ge @p1 [sflag:s2], $0x12  }
0x203: {  	s5 =	simm.s32 @!p1 $0x0;
	s3 =	sadd.s32 @!p1 $0x4, s3;
	[sflag:s2] =	ssyncset.done @p1 $0x0  }
0x204: {  	s7 =	simm.s32 @!p1 $0x80;
	[sflag:s2] =	ssyncadd.s32 @p1 $0xFFFFFFEE;
	s2 =	sshll.u32 @!p1 s3, $0x1A  }
0x205: {  	s3 =	sshll.u32 @!p1 s3, $0xD;
	s2 =	sor.u32 @!p1 s2, s8;
	_ =	swait.eq @!p1 [sflag:s4], $0x1  }
0x206: {  	s3 =	sor.u32 @!p1 $0x1C04, s3;
	s4 =	simm.s32 @!p1 $0x1C03;
	s2 =	sor.u32 @!p1 $0x80004000, s2  }
0x207: {  	[spmem:s7], [sflag:s3] =	dma.general @!p1 [spmem:s5], [sflag:s4], length:$0x10, [dreg:$0x0], stride_count:$0x0, ici_dest:s2, dma_misc:DstOpCode:WRITE  }
0x208: {  	p2 =	slt.s32 s0, $0x2;
	s5 =	simm.s32 @!p1 $0x100;
	s7 =	simm.s32 @!p1 $0x102  }
0x209: {  	[spmem:s7], [sflag:s3] =	dma.general @!p1 [spmem:s5], [sflag:s4], length:$0x2, [dreg:$0x0], stride_count:$0x0, ici_dest:s2, dma_misc:DstOpCode:WRITE  }
.Ltmp29:
0x20a: {  	s2 =	simm.s32 @!p1 $0x3;
	(pc) =	sbr.rel @p2 .LBB2_42-.Ltmp29, $4  }
0x20b: {  	s3 =	sshll.u32 @!p1 s9, $0xE;
	_ =	swait.ge @!p1 [sflag:s2], $0x12  }
0x20c: {  	s4 =	sshll.u32 @!p1 s8, $0x11;
	s3 =	sadd.s32 @!p1 $0x11C3C, s3;
	[sflag:s2] =	ssyncset.done @!p1 $0x0  }
0x20d: {  	[sflag:s2] =	ssyncadd.s32 @!p1 $0xFFFFFFEE;
	s2 =	sor.u32 @!p1 s4, s3  }
0x20e: {  	s0 =	simm.s32 $0x0;
	[sflag:s2] =	ssyncadd.remote.s32 @!p1 $0xFFFFFFFF  }
0x20f: {  	s0 =	simm.s32 $0xA119  }
0x210: {  	v0 =	vld.msk [tilespmem:s0+$0x0], $0x1;
	_ =	sdelay $0x4  }
0x211: {  	(v2sf) =	vpush v0, $0x0;
	_ =	sdelay $0xc  }
0x212: {  	s2 =	sadd.s32 $0xFFFFFFFE, s6  }
0x213: {  	s2 =	sadd.s32 $0xFFFFFFFF, s2  }
0x214: {  	p2 =	sne.s32 s2, $0x0;
	s3 =	spop (v2sf)  }
.Ltmp30:
0x215: {  	p1 =	sgt.u32 s3, $0x9C3F8;
	(pc) =	sbr.rel @!p2 .LBB2_41-.Ltmp30, $4  }
0x216: {  	s5 =	simm.s32 $0x0;
	s4 =	sand.u32 @!p1 $0xFFFF8, s3  }
0x217: {  	s0 =	simm.s32 $0xA178;
	s3 =	sand.u32 @!p1 $0x7, s3;
	s4 =	sadd.s32 @!p1 s1, s4  }
0x218: {  	[hbm4b:s4+s3] =	stream.linear.scatter @!p1 [tilespmem:s0], [sflag:$0x5], $0x40, $0x38;
	[tilespmem:$0x1EF88] =	vst v63  }
0x219: {  	s5 =	simm.s32 @!p1 $0x100;
	s3 =	simm.s32 $0x0;
	s4 =	simm.s32 $0xA11A  }
.LBB2_40:
0x21a: {  	v0 =	vld.msk [tilespmem:s4+$0x0], $0x1;
	s2 =	sadd.s32 $0xFFFFFFFF, s2;
	s3 =	sadd.s32 s3, s5  }
0x21b: {  	p1 =	sne.s32 s2, $0x0;
	_ =	sdelay $0x3  }
0x21c: {  	(v2sf) =	vpush v0, $0x0;
	_ =	sdelay $0xe  }
.Ltmp31:
0x21d: {  	s6 =	spop (v2sf);
	(pc) =	sbr.rel @p1 .LBB2_40-.Ltmp31, $4  }
0x21e: {  	s5 =	simm.s32 $0x0;
	p2 =	sgt.u32 s6, $0x9C3F8  }
0x21f: {  	s0 =	sadd.s32 $0x40, s0;
	s5 =	simm.s32 @!p2 $0x100;
	s7 =	sand.u32 @!p2 $0xFFFF8, s6  }
0x220: {  	s4 =	sadd.s32 $0x1, s4;
	s6 =	sand.u32 @!p2 $0x7, s6;
	s7 =	sadd.s32 @!p2 s1, s7  }
0x221: {  	[hbm4b:s7+s6] =	stream.linear.scatter @!p2 [tilespmem:s0], [sflag:$0x5], $0x40, $0x38;
	[tilespmem:$0x1EF88] =	vst v63  }
.LBB2_41:
0x222: {  	s0 =	sadd.s32 s3, s5  }
0x223: {  	s0 =	sshrl.u32 s0, $0x2  }
.LBB2_42:
0x224: {  	s2 =	simm.s32 $0x5  }
0x225: {  	_ =	swait.ge [sflag:s2], s0  }
0x226: {  	s31 =	ssub.s32 $0x0, s0;
	[sflag:s2] =	ssyncset.done $0x0  }
0x227: {  	[sflag:s2] =	ssyncadd.s32 s31  }
0x228: {  	[sflag:s2] =	ssyncpa.u1 $0x1  }
.LBB2_43:
0x229: {  	s0 =	sor.u32 s13, s14  }
0x22a: {  	p1 =	sne.s32 s0, $0x0  }
.Ltmp32:
0x22b: {  	_ = 	snop;
	(pc) =	sbr.rel @p1 .LBB2_58-.Ltmp32, $3  }
0x22c: {  	_ =	sdelay $0x1  }
0x22d: {  	[bflag:$0x0] =	sbarrier.arrive $0xFFFF  }
0x22e: {  	_ =	sfence  }
0x22f: {  	s2 =	simm.s32 $0x7  }
0x230: {  	s0 =	simm.s32 $0x800;
	s3 =	simm.s32 $0xA118;
	[sflag:s2] =	ssyncpa.u1 $0x0  }
0x231: {  	[tilespmem:s3], [sflag:$0x7] =	stream.linear.gather [spmem:s0], $0x20, $0x38;
	[tilespmem:$0x1EF88] =	vst v63  }
0x232: {  	s30 =	simm.s32 $0xA138;
	s0 =	simm.s32 $0x0  }
0x233: {  	[tilespmem:s30], [sflag:$0x7] =	stream.linear.gather [spmem:s0], $0x800, $0x38;
	[tilespmem:$0x1EF88] =	vst v63  }
.Ltmp33:
0x234: {  	_ = 	snop;
	(pc) =	sbr.rel .LBB2_45-.Ltmp33, $4  }
0x235: {  	_ =	swait.ge [sflag:s2], $0x820  }
0x236: {  	[sflag:s2] =	ssyncset.done $0x0  }
0x237: {  	s31 =	simm.s32 $0x8;
	[sflag:s2] =	ssyncadd.s32 $0xFFFFF7E0  }
0x238: {  	s2 =	simm.s32 $0x0;
	[sflag:s31] =	ssyncpa.u1 $0x0  }
.LBB2_51:
0x239: {  	p1 =	slt.u32 s3, $0x9C3F9  }
0x23a: {  	s4 =	sand.u32 @p1 $0xFFFF8, s3  }
0x23b: {  	s3 =	sand.u32 @p1 $0x7, s3;
	s5 =	simm.s32 @p1 $0xA0C8;
	s4 =	sadd.s32 @p1 s1, s4  }
0x23c: {  	[tilespmem:s5], [sflag:$0x8] =	stream.linear.gather @p1 [hbm4b:s4+s3], $0x40, $0x38;
	[tilespmem:$0x1EF88] =	vst v63  }
0x23d: {  	s3 =	simm.s32 @p1 $0x8  }
0x23e: {  	_ =	swait.ge @p1 [sflag:s3], $0x40  }
0x23f: {  	[sflag:s3] =	ssyncset.done @p1 $0x0  }
0x240: {  	[sflag:s3] =	ssyncadd.s32 @p1 $0xFFFFFFC0  }
0x241: {  	v1 =	vld @p1 [tilespmem:$0xA0C8];
	_ =	sdelay $0x2  }
0x242: {  	s3 =	sshll.u32 @p1 s2, $0x8  }
0x243: {  	s4 =	sshrl.u32 @p1 s3, $0x2  }
0x244: {  	[tilespmem:s4+$0xA138] =	vst.add.f32.msk @p1 $0xffff, v1  }
0x245: {  	v1 =	vld @p1 [tilespmem:$0xA0D8];
	_ =	sdelay $0x4  }
0x246: {  	[tilespmem:s4+$0xA148] =	vst.add.f32.msk @p1 $0xffff, v1  }
0x247: {  	v1 =	vld @p1 [tilespmem:$0xA0E8];
	_ =	sdelay $0x4  }
0x248: {  	[tilespmem:s4+$0xA158] =	vst.add.f32.msk @p1 $0xffff, v1  }
0x249: {  	v1 =	vld @p1 [tilespmem:$0xA0F8];
	_ =	sdelay $0x3  }
0x24a: {  	s5 =	sshll.u32 @!p1 s2, $0x8  }
0x24b: {  	s5 =	smov.u32 @p1 s3;
	[tilespmem:s4+$0xA168] =	vst.add.f32.msk @p1 $0xffff, v1  }
0x24c: {  	s3 =	sshrl.u32 s5, $0x2;
	[tilespmem:s0+$0xA118] =	vst.msk $0x1, v0  }
0x24d: {  	v0 =	vld [tilespmem:s3+$0xA138];
	_ =	sdelay $0x2  }
0x24e: {  	s31 =	sshll.u32 s0, $0x8  }
0x24f: {  	s4 =	sshra.s32 s31, $0x2  }
0x250: {  	[tilespmem:s4+$0xA138] =	vst v0  }
0x251: {  	v0 =	vld [tilespmem:s3+$0xA148];
	_ =	sdelay $0x4  }
0x252: {  	[tilespmem:s4+$0xA148] =	vst v0  }
0x253: {  	v0 =	vld [tilespmem:s3+$0xA158];
	_ =	sdelay $0x4  }
0x254: {  	[tilespmem:s4+$0xA158] =	vst v0  }
0x255: {  	v0 =	vld [tilespmem:s3+$0xA168];
	_ =	sdelay $0x4  }
0x256: {  	s0 =	sadd.s32 $0x1, s0;
	[tilespmem:s4+$0xA168] =	vst v0  }
.LBB2_52:
0x257: {  	s2 =	sadd.s32 $0x1, s2  }
0x258: {  	p1 =	sne.s32 s2, $0x20  }
.Ltmp34:
0x259: {  	_ = 	snop;
	(pc) =	sbr.rel @!p1 .LBB2_53-.Ltmp34, $1  }
0x25a: {  	_ =	sdelay $0x3  }
.LBB2_45:
0x25b: {  	v0 =	vld.msk [tilespmem:s2+$0xA118], $0x1;
	_ =	sdelay $0x4  }
0x25c: {  	(v2sf) =	vpush v0, $0x0;
	_ =	sdelay $0xe  }
0x25d: {  	s3 =	spop (v2sf)  }
0x25e: {  	p1 =	seq.s32 s3, $0xFFFFFFFF  }
.Ltmp35:
0x25f: {  	_ = 	snop;
	(pc) =	sbr.rel @p1 .LBB2_52-.Ltmp35, $1  }
0x260: {  	_ =	sdelay $0x3  }
0x261: {  	p1 =	slt.s32 s0, $0x1  }
.Ltmp36:
0x262: {  	_ = 	snop;
	(pc) =	sbr.rel @p1 .LBB2_51-.Ltmp36, $1  }
0x263: {  	_ =	sdelay $0x3  }
0x264: {  	s4 =	simm.s32 $0xA118;
	p1 =	por $0x0, $0x0  }
0x265: {  	v1 =	vld.msk @!p1 [tilespmem:s4+$0x0], $0x1;
	_ =	sdelay $0x4  }
0x266: {  	(v2sf) =	vpush @!p1 v1, $0x0;
	_ =	sdelay $0xd  }
0x267: {  	p3 =	sne.s32 s0, $0x1  }
.Ltmp37:
0x268: {  	s5 =	spop @!p1 (v2sf);
	(pc) =	sbr.rel @!p3 .LBB2_49-.Ltmp37, $4  }
0x269: {  	p2 =	seq.s32 @!p1 s3, s5  }
0x26a: {  	s5 =	simm.s32 $0x0;
	p2 =	por !p2, p1  }
0x26b: {  	s7 =	simm.s32 $0xFFFFFFFF;
	s5 =	simm.s32 @p2 $0xFFFFFFFF  }
0x26c: {  	s6 =	simm.s32 $0x1;
	s5 =	smov.u32 @p1 s7  }
.LBB2_48:
0x26d: {  	s7 =	smov.u32 s5;
	p1 =	sne.s32 s5, $0xFFFFFFFF  }
0x26e: {  	s4 =	sadd.s32 $0x1, s4;
	s5 =	smov.u32 s6;
	s6 =	sadd.s32 $0x1, s6  }
0x26f: {  	p2 =	sne.s32 s0, s6;
	v1 =	vld.msk @!p1 [tilespmem:s4+$0x0], $0x1;
	_ =	sdelay $0x4  }
0x270: {  	(v2sf) =	vpush @!p1 v1, $0x0;
	_ =	sdelay $0xe  }
.Ltmp38:
0x271: {  	s8 =	spop @!p1 (v2sf);
	(pc) =	sbr.rel @p2 .LBB2_48-.Ltmp38, $4  }
0x272: {  	p3 =	seq.s32 @!p1 s3, s8  }
0x273: {  	p3 =	por !p3, p1  }
0x274: {  	s5 =	simm.s32 @p3 $0xFFFFFFFF  }
0x275: {  	s5 =	smov.u32 @p1 s7  }
.LBB2_49:
0x276: {  	p1 =	seq.s32 s5, $0xFFFFFFFF  }
.Ltmp39:
0x277: {  	_ = 	snop;
	(pc) =	sbr.rel @p1 .LBB2_51-.Ltmp39, $1  }
0x278: {  	_ =	sdelay $0x3  }
0x279: {  	s3 =	sshll.u32 s2, $0x6  }
0x27a: {  	s3 =	sand.u32 $0x3FFFFFC0, s3  }
0x27b: {  	v0 =	vld [tilespmem:s3+$0xA138];
	_ =	sdelay $0x2  }
0x27c: {  	s4 =	sshll.u32 s5, $0x8  }
0x27d: {  	s4 =	sshra.s32 s4, $0x2  }
0x27e: {  	[tilespmem:s4+$0xA138] =	vst.add.f32.msk $0xffff, v0  }
0x27f: {  	v0 =	vld [tilespmem:s3+$0xA148];
	_ =	sdelay $0x4  }
0x280: {  	[tilespmem:s4+$0xA148] =	vst.add.f32.msk $0xffff, v0  }
0x281: {  	v0 =	vld [tilespmem:s3+$0xA158];
	_ =	sdelay $0x4  }
0x282: {  	[tilespmem:s4+$0xA158] =	vst.add.f32.msk $0xffff, v0  }
0x283: {  	v0 =	vld [tilespmem:s3+$0xA168]  }
.Ltmp40:
0x284: {  	_ = 	snop;
	(pc) =	sbr.rel .LBB2_52-.Ltmp40, $2  }
0x285: {  	_ =	sdelay $0x2  }
0x286: {  	[tilespmem:s4+$0xA168] =	vst.add.f32.msk $0xffff, v0  }
.LBB2_53:
0x287: {  	p1 =	slt.s32 s0, $0x1  }
.Ltmp41:
0x288: {  	_ = 	snop;
	(pc) =	sbr.rel @p1 .LBB2_57-.Ltmp41, $3  }
0x289: {  	_ =	sdelay $0x1  }
0x28a: {  	s2 =	simm.s32 $0x8  }
0x28b: {  	[sflag:s2] =	ssyncpa.u1 $0x1;
	s2 =	simm.s32 $0x0  }
0x28c: {  	s3 =	simm.s32 $0xA118  }
0x28d: {  	v0 =	vld.msk [tilespmem:s3+$0x0], $0x1;
	_ =	sdelay $0x4  }
0x28e: {  	(v2sf) =	vpush v0, $0x0;
	_ =	sdelay $0xe  }
0x28f: {  	s0 =	sadd.s32 $0xFFFFFFFF, s0;
	s4 =	spop (v2sf)  }
0x290: {  	p2 =	sne.s32 s0, $0x0;
	p1 =	sgt.u32 s4, $0x9C3F8  }
.Ltmp42:
0x291: {  	s5 =	sand.u32 @!p1 $0xFFFF8, s4;
	(pc) =	sbr.rel @!p2 .LBB2_56-.Ltmp42, $4  }
0x292: {  	s3 =	simm.s32 $0xA138;
	s4 =	sand.u32 @!p1 $0x7, s4;
	s5 =	sadd.s32 @!p1 s1, s5  }
0x293: {  	[hbm4b:s5+s4] =	stream.linear.scatter @!p1 [tilespmem:s3], [sflag:$0x7], $0x40, $0x38;
	[tilespmem:$0x1EF88] =	vst v63  }
0x294: {  	s5 =	simm.s32 $0x0  }
0x295: {  	s4 =	simm.s32 $0xA119;
	s5 =	simm.s32 @!p1 $0x100  }
.LBB2_55:
0x296: {  	v0 =	vld.msk [tilespmem:s4+$0x0], $0x1;
	s0 =	sadd.s32 $0xFFFFFFFF, s0;
	s2 =	sadd.s32 s2, s5  }
0x297: {  	p1 =	sne.s32 s0, $0x0;
	_ =	sdelay $0x3  }
0x298: {  	(v2sf) =	vpush v0, $0x0;
	_ =	sdelay $0xe  }
.Ltmp43:
0x299: {  	s6 =	spop (v2sf);
	(pc) =	sbr.rel @p1 .LBB2_55-.Ltmp43, $4  }
0x29a: {  	s5 =	simm.s32 $0x0;
	p2 =	sgt.u32 s6, $0x9C3F8  }
0x29b: {  	s3 =	sadd.s32 $0x40, s3;
	s5 =	simm.s32 @!p2 $0x100;
	s7 =	sand.u32 @!p2 $0xFFFF8, s6  }
0x29c: {  	s4 =	sadd.s32 $0x1, s4;
	s6 =	sand.u32 @!p2 $0x7, s6;
	s7 =	sadd.s32 @!p2 s1, s7  }
0x29d: {  	[hbm4b:s7+s6] =	stream.linear.scatter @!p2 [tilespmem:s3], [sflag:$0x7], $0x40, $0x38;
	[tilespmem:$0x1EF88] =	vst v63  }
.LBB2_56:
0x29e: {  	s0 =	sadd.s32 s2, s5  }
0x29f: {  	s2 =	sshrl.u32 s0, $0x2  }
.LBB2_57:
0x2a0: {  	s0 =	simm.s32 $0x7  }
0x2a1: {  	_ =	swait.ge [sflag:s0], s2  }
0x2a2: {  	s1 =	ssub.s32 $0x0, s2;
	[sflag:s0] =	ssyncset.done $0x0  }
0x2a3: {  	[sflag:s0] =	ssyncadd.s32 s1  }
0x2a4: {  	[sflag:s0] =	ssyncpa.u1 $0x1  }
.LBB2_58:
0x2a5: {  	_ =	sfence;
	s0 =	simm.s32 $0x1  }
0x2a6: {  	[sflag:s0] =	ssyncpa.u1 $0x1  }
0x2a7: {  	_ =	strace $0x90000050  }
0x2a8: {  	[bflag:$0x2] =	sbarrier.arrive $0xFFFF  }
0x2a9: {  	s0 =	rddreg [dreg:$0x3]  }
0x2aa: {  	s0 =	sadd.s32 @!p0 $0x100000, s0  }
0x2ab: {  	[sflag:s0] =	ssyncadd.tile.s32 @!p0 $0x1;
	_ =	shalt  }
.Lfunc_end2:
_tile_overlayer_lowered:
.L_overlay_start_2:
0x2ac: {  	(tag) =	ssettag $0x2  }
0x2ad: {  	s0 =	rddreg [dreg:$0x0];
	s2 =	stileid.u32  }
0x2ae: {  	s1 =	rddreg [dreg:$0x1];
	p0 =	sne.s32 s2, $0x0  }
0x2af: {  	s3 =	rddreg [dreg:$0x2];
	[bflag:$0x3] =	sbarrier.arrive $0xFFFF;
	s2 =	simm.s32 @!p0 $0x1C01  }
0x2b0: {  	[timem:s3], [sflag:s2] =	dma.local @!p0 [hbm:s0], s1  }
0x2b1: {  	s0 =	simm.s32 @!p0 $0x1  }
0x2b2: {  	_ =	swait.ge @!p0 [sflag:s0], s1  }
0x2b3: {  	s1 =	ssub.s32 @!p0 $0x0, s1;
	[sflag:s0] =	ssyncset.done @!p0 $0x0  }
0x2b4: {  	[sflag:s0] =	ssyncadd.s32 @!p0 s1  }
0x2b5: {  	[bflag:$0x3] =	sbarrier.arrive $0xFFFF  }
0x2b6: {  	_ =	shalt  }

// kernel: scatter_offload_async_start
scs
__scs_entry_jumppad:
0x0: {  	(pc) =	sbr.rel $0x88, $3  }
0x1: {  	(tag) =	ssettag $0x0;
	lr =	simm.s32 $0x1  }
0x2: {  	[smem:$0x3F8A] =	sst lr;
	_ =	strace $0xD0000000  }
0x3: {  	_ = 	snop  }
0x4: {  	_ = 	snop  }
0x5: {  	_ = 	snop  }
0x6: {  	_ = 	snop  }
0x7: {  	_ = 	snop  }
__scs_overlays_trampoline_lowered:
0x8: {  	[smem:$0x3F99] =	sst s0  }
0x9: {  	[smem:$0x3F9A] =	sst s1  }
0xa: {  	[smem:$0x3F9B] =	sst s2  }
0xb: {  	[smem:$0x3F9C] =	sst s3  }
0xc: {  	[smem:$0x3F9D] =	sst s4  }
0xd: {  	[smem:$0x3F9E] =	sst s5  }
0xe: {  	[smem:$0x3F9F] =	sst s6  }
0xf: {  	[smem:$0x3FA0] =	sst s7  }
0x10: {  	[smem:$0x3FA1] =	sst s8  }
0x11: {  	[smem:$0x3FA2] =	sst s9;
	s0 =	simm.s32 @!p0 $0x0  }
0x12: {  	s1 =	sld [smem:$0x3F88];
	s0 =	simm.s32 @p0 $0x1  }
0x13: {  	[smem:$0x3FA3] =	sst s0;
	s0 =	simm.s32 @!p1 $0x0  }
0x14: {  	s2 =	sld [smem:$0x3F87];
	s0 =	simm.s32 @p1 $0x1  }
0x15: {  	[smem:$0x3FA4] =	sst s0;
	s0 =	simm.s32 @!p2 $0x0  }
0x16: {  	s3 =	sld [smem:$0x3FDB];
	s0 =	simm.s32 @p2 $0x1  }
0x17: {  	s4 =	simm.s32 $0x1BF5;
	[smem:$0x3FA6] =	sst s0  }
0x18: {  	s0 =	sld [smem:$0x3F89];
	_ =	swait.ge [sflag:s4], $0x0  }
0x19: {  	s7 =	sld [smem:$0x3F8A]  }
0x1a: {  	s8 =	sadd.s32 $0xFFFFE003, lr  }
0x1b: {  	s9 =	sadd.s32 $0xFFFFFEF7, lr;
	s5 =	simm.s32 $0xFFFFFFFF;
	p2 =	slt.u32 s8, $0xFFFFF086  }
0x1c: {  	p1 =	slt.u32 s9, $0xF7A;
	s5 =	simm.s32 @!p2 $0x0  }
0x1d: {  	s5 =	simm.s32 @p1 $0x1;
	p0 =	seq.s32 s7, s2  }
0x1e: {  	s7 =	smul.u32 @!p0 $0xF7A, s2;
	p2 =	seq.s32 @!p0 s5, $0x0  }
0x1f: {  	s9 =	smul.u32 $0xF7A, s1;
	s8 =	simm.s32 @!p0 $0x1BF5;
	p2 =	por !p2, p0  }
0x20: {  	[sflag:s8] =	ssyncset.s32 @!p0 $0xFFFFF086;
	s6 =	sadd.s32 @!p0 s3, s7;
	s7 =	simm.s32 @!p0 $0x108  }
0x21: {  	s3 =	sadd.s32 s3, s9;
	s6 =	sadd.s32 @!p0 $0x88, s6;
	s7 =	simm.s32 @p2 $0x1082  }
0x22: {  	[simem:s7], [sflag:s8] =	dma.local @!p0 [hbm:s6], $0xF7A  }
0x23: {  	s9 =	sor.u32 $0xD0000000, s2;
	s6 =	simm.s32 $0x108;
	_ =	swait.ge @!p0 [sflag:s8], $0x0  }
0x24: {  	s3 =	sadd.s32 $0x88, s3;
	s6 =	simm.s32 @!p1 $0x1082;
	[sflag:s4] =	ssyncset.s32 $0xFFFFF086  }
0x25: {  	[simem:s6], [sflag:s4] =	dma.local [hbm:s3], $0xF7A  }
0x26: {  	[smem:$0x3F8A] =	sst s1;
	(tag) =	ssettag s2;
	_ =	strace s9  }
0x27: {  	s1 =	sld [smem:$0x3F9A]  }
0x28: {  	s2 =	sld [smem:$0x3F9B]  }
0x29: {  	s4 =	sld [smem:$0x3F9D]  }
0x2a: {  	p0 =	seq.s32 s5, $0x0;
	s5 =	sld [smem:$0x3F9E]  }
0x2b: {  	s6 =	sld [smem:$0x3F9F]  }
0x2c: {  	s7 =	sld [smem:$0x3FA0]  }
0x2d: {  	s3 =	simm.s32 $0x108;
	s8 =	sld [smem:$0x3FA1]  }
0x2e: {  	s3 =	simm.s32 @!p0 $0x1082;
	s9 =	sld [smem:$0x3FA2]  }
0x2f: {  	lr =	sadd.s32 s0, s3;
	s0 =	sld [smem:$0x3F99]  }
0x30: {  	s3 =	sld [smem:$0x3F9C]  }
0x31: {  	[smem:$0x3FA5] =	sst s10  }
0x32: {  	s10 =	sld [smem:$0x3FA3];
	_ =	sdelay $0x3  }
0x33: {  	p0 =	seq.s32 s10, $0x1;
	s10 =	sld [smem:$0x3FA5];
	_ =	sdelay $0x3  }
0x34: {  	[smem:$0x3FA5] =	sst s10  }
0x35: {  	s10 =	sld [smem:$0x3FA4];
	_ =	sdelay $0x3  }
0x36: {  	p1 =	seq.s32 s10, $0x1;
	s10 =	sld [smem:$0x3FA5];
	_ =	sdelay $0x3  }
0x37: {  	[smem:$0x3FA5] =	sst s10  }
0x38: {  	s10 =	sld [smem:$0x3FA6]  }
0x39: {  	_ = 	snop;
	(pc) =	sbr.ind lr, $3  }
0x3a: {  	_ = 	snop  }
0x3b: {  	_ = 	snop  }
0x3c: {  	p2 =	seq.s32 s10, $0x1;
	s10 =	sld [smem:$0x3FA5]  }
0x3d: {  	_ =	shalt  }
0x3e: {  	_ =	shalt  }
0x3f: {  	_ =	shalt  }
0x40: {  	_ =	shalt  }
0x41: {  	_ =	shalt  }
0x42: {  	_ =	shalt  }
0x43: {  	_ =	shalt  }
0x44: {  	_ =	shalt  }
0x45: {  	_ =	shalt  }
0x46: {  	_ =	shalt  }
0x47: {  	_ =	shalt  }
0x48: {  	_ =	shalt  }
0x49: {  	_ =	shalt  }
0x4a: {  	_ =	shalt  }
0x4b: {  	_ =	shalt  }
0x4c: {  	_ =	shalt  }
0x4d: {  	_ =	shalt  }
0x4e: {  	_ =	shalt  }
0x4f: {  	_ =	shalt  }
0x50: {  	_ =	shalt  }
0x51: {  	_ =	shalt  }
0x52: {  	_ =	shalt  }
0x53: {  	_ =	shalt  }
0x54: {  	_ =	shalt  }
0x55: {  	_ =	shalt  }
0x56: {  	_ =	shalt  }
0x57: {  	_ =	shalt  }
0x58: {  	_ =	shalt  }
0x59: {  	_ =	shalt  }
0x5a: {  	_ =	shalt  }
0x5b: {  	_ =	shalt  }
0x5c: {  	_ =	shalt  }
0x5d: {  	_ =	shalt  }
0x5e: {  	_ =	shalt  }
0x5f: {  	_ =	shalt  }
0x60: {  	_ =	shalt  }
0x61: {  	_ =	shalt  }
0x62: {  	_ =	shalt  }
0x63: {  	_ =	shalt  }
0x64: {  	_ =	shalt  }
0x65: {  	_ =	shalt  }
0x66: {  	_ =	shalt  }
0x67: {  	_ =	shalt  }
0x68: {  	_ =	shalt  }
0x69: {  	_ =	shalt  }
0x6a: {  	_ =	shalt  }
0x6b: {  	_ =	shalt  }
0x6c: {  	_ =	shalt  }
0x6d: {  	_ =	shalt  }
0x6e: {  	_ =	shalt  }
0x6f: {  	_ =	shalt  }
0x70: {  	_ =	shalt  }
0x71: {  	_ =	shalt  }
0x72: {  	_ =	shalt  }
0x73: {  	_ =	shalt  }
0x74: {  	_ =	shalt  }
0x75: {  	_ =	shalt  }
0x76: {  	_ =	shalt  }
0x77: {  	_ =	shalt  }
0x78: {  	_ =	shalt  }
0x79: {  	_ =	shalt  }
0x7a: {  	_ =	shalt  }
0x7b: {  	_ =	shalt  }
0x7c: {  	_ =	shalt  }
0x7d: {  	_ =	shalt  }
0x7e: {  	_ =	shalt  }
0x7f: {  	_ =	shalt  }
0x80: {  	_ =	shalt  }
0x81: {  	_ =	shalt  }
0x82: {  	_ =	shalt  }
0x83: {  	_ =	shalt  }
0x84: {  	_ =	shalt  }
0x85: {  	_ =	shalt  }
0x86: {  	_ =	shalt  }
0x87: {  	_ =	shalt  }
.Lfunc_end0:
.L_simem_size_0:
called_computation_lowered:
.L_overlay_start_0:
0x88: {  	s2 =	sld [smem:$0x3FD9]  }
0x89: {  	s3 =	sld [smem:$0x3FFE];
	_ =	sdelay $0x1  }
0x8a: {  	s1 =	srdreg.scid  }
0x8b: {  	s0 =	sand.u32 $0x1, s1  }
0x8c: {  	s15 =	sshll.u32 s0, $0xA;
	s2 =	sadd.s32 s3, s2  }
0x8d: {  	s2 =	sadd.s32 s2, s15  }
0x8e: {  	[smem:$0x3FB1] =	sst s2  }
0x8f: {  	_ = 	snop  }
0x90: {  	(tm) =	ssettm $0x1  }
0x91: {  	s16 =	sld [smem:$0x3FFB];
	_ =	sdelay $0x3  }
0x92: {  	_ =	strace s16  }
0x93: {  	s2 =	sld [smem:$0x3FFC];
	_ =	sdelay $0x3  }
0x94: {  	_ =	strace s2  }
0x95: {  	s2 =	sld [smem:$0x3FFD];
	_ =	sdelay $0x3  }
0x96: {  	_ =	strace s2  }
0x97: {  	_ =	strace $0x8FFFFFFF  }
0x98: {  	s17 =	sld [smem:$0x3FDB];
	_ =	sdelay $0x1  }
0x99: {  	s18 =	simm.s32 $_scs_section_size  }
0x9a: {  	s4 =	simm.s32 $_size__tile_overlayer_lowered;
	s5 =	simm.s32 $_tile_overlayer_lowered  }
0x9b: {  	s21 =	simm.s32 $0x1BFF;
	s20 =	sshll.u32 s5, $0x1;
	s2 =	sadd.s32 s18, s17  }
0x9c: {  	s6 =	simm.s32 $0x0;
	s19 =	sshll.u32 s4, $0x1;
	s4 =	sadd.s32 s20, s2  }
0x9d: {  	[timem:s6], [sflag:s21] =	dma.local [hbm:s4], s19  }
0x9e: {  	_ =	swait.ge [sflag:s21], s19  }
0x9f: {  	s3 =	ssub.s32 $0x0, s19;
	[sflag:s21] =	ssyncset.done $0x0  }
0xa0: {  	[sflag:s21] =	ssyncadd.s32 s3;
	_ =	sdelay $0x1  }
0xa1: {  	s22 =	simm.s32 $0x1B8B  }
0xa2: {  	_ =	swait.ge [sflag:s22], $0x1  }
0xa3: {  	[sflag:s22] =	ssyncset.done $0x0  }
0xa4: {  	s23 =	sld [smem:$0x3FFE];
	[sflag:s22] =	ssyncadd.s32 $0xFFFFFFFF  }
0xa5: {  	s25 =	simm.s32 $0x1B8E;
	s24 =	sld [smem:$0x0]  }
0xa6: {  	s26 =	simm.s32 $execute0_lowered;
	[smem:$0x3FD2] =	sst s25  }
0xa7: {  	s5 =	sshll.u32 s26, $0x1;
	_ =	strace $0x80000049;
	[dreg:$0x1] =	wrdreg $0xFFFFFFFF  }
0xa8: {  	s28 =	simm.s32 $_size_execute0_lowered;
	s2 =	sadd.s32 s2, s5;
	[dreg:$0x0] =	wrdreg $0x0  }
0xa9: {  	s5 =	sshll.u32 s28, $0x1;
	[dreg:$0x2] =	wrdreg s2  }
0xaa: {  	[dreg:$0x3] =	wrdreg s5  }
0xab: {  	[dreg:$0x4] =	wrdreg $0xC0  }
0xac: {  	_ =	task [dreg:s6], $0x5FFFF  }
0xad: {  	[dreg:$0x1] =	wrdreg $0xFFFFFFFF  }
0xae: {  	[dreg:$0x0] =	wrdreg $0x60  }
0xaf: {  	[dreg:$0x2] =	wrdreg s23  }
0xb0: {  	[dreg:$0x3] =	wrdreg s1  }
0xb1: {  	[dreg:$0x4] =	wrdreg s24  }
0xb2: {  	[dreg:$0x5] =	wrdreg $0x9  }
0xb3: {  	_ =	task.clear_ibuf [dreg:s6], $0x6FFFF;
	_ =	strace $0x90000049  }
0xb4: {  	s29 =	simm.s32 $0x9;
	_ =	strace $0x8000004B  }
0xb5: {  	_ =	swait.ge [sflag:s29], $0x1  }
0xb6: {  	[sflag:s29] =	ssyncadd.s32 $0xFFFFFFFF  }
0xb7: {  	_ =	strace $0x9000004B  }
0xb8: {  	_ =	sfence  }
0xb9: {  	s30 =	sld [smem:$0x0];
	_ =	sdelay $0x2  }
0xba: {  	s31 =	sshll.u32 s1, $0xD;
	s1 =	sshrl.u32 s1, $0x2  }
0xbb: {  	s3 =	sand.u32 $0x4000, s31;
	s1 =	sadd.s32 s1, s30  }
0xbc: {  	s0 =	sor.u32 s3, s0;
	s1 =	sshll.u32 s1, $0x11  }
0xbd: {  	s0 =	sor.u32 s1, s0  }
0xbe: {  	s0 =	sadd.s32 $0x8F2B, s0  }
0xbf: {  	[sflag:s0] =	ssyncadd.remote.s32 $0x1  }
0xc0: {  	_ =	sfence.sel $0xFFFF  }
0xc1: {  	[dreg:$0x0] =	wrdreg $0xFFFFFFFF;
	(pc) =	sbr.abs _section_cstart, $3  }
0xc2: {  	[dreg:$0x1] =	wrdreg $0xFFFFFFFF  }
0xc3: {  	_ =	task.clear_ibuf [dreg:s6], $0x2FFFF;
	_ =	strace $0x9FFFFFFF  }
0xc4: {  	(tm) =	ssettm $0x7FFFFFFF  }
0xc5: {  	_ =	shalt  }
tec
execute0_lowered:
.L_overlay_start_1:
0x0: {  	(tag) =	ssettag $0x1  }
0x1: {  	s7 =	rddreg [dreg:$0x0]  }
0x2: {  	s2 =	rddreg [dreg:$0x1];
	_ =	strace $0x8000004A;
	s3 =	simm.s32 $0x1  }
0x3: {  	v0 =	vimm.s32 $0x0;
	[sflag:s3] =	ssyncpa.u1 $0x0  }
0x4: {  	[tilespmem:$0x48] =	vst v0  }
0x5: {  	[tilespmem:$0x58] =	vst v0  }
0x6: {  	[tilespmem:$0x68] =	vst v0  }
0x7: {  	[tilespmem:$0x78] =	vst v0  }
0x8: {  	[tilespmem:$0x88] =	vst v0  }
0x9: {  	[tilespmem:$0x98] =	vst v0  }
0xa: {  	[tilespmem:$0xA8] =	vst v0  }
0xb: {  	[tilespmem:$0xB8] =	vst v0  }
0xc: {  	[tilespmem:$0xC8] =	vst v0  }
0xd: {  	[tilespmem:$0xD8] =	vst v0  }
0xe: {  	[tilespmem:$0xE8] =	vst v0  }
0xf: {  	[tilespmem:$0xF8] =	vst v0  }
0x10: {  	[tilespmem:$0x108] =	vst v0  }
0x11: {  	[tilespmem:$0x118] =	vst v0  }
0x12: {  	[tilespmem:$0x128] =	vst v0  }
0x13: {  	[tilespmem:$0x138] =	vst v0  }
0x14: {  	[tilespmem:$0x148] =	vst v0  }
0x15: {  	[tilespmem:$0x158] =	vst v0  }
0x16: {  	[tilespmem:$0x168] =	vst v0  }
0x17: {  	[tilespmem:$0x178] =	vst v0  }
0x18: {  	[tilespmem:$0x188] =	vst v0  }
0x19: {  	[tilespmem:$0x198] =	vst v0  }
0x1a: {  	[tilespmem:$0x1A8] =	vst v0  }
0x1b: {  	[tilespmem:$0x1B8] =	vst v0  }
0x1c: {  	[tilespmem:$0x1C8] =	vst v0  }
0x1d: {  	[tilespmem:$0x1D8] =	vst v0  }
0x1e: {  	[tilespmem:$0x1E8] =	vst v0  }
0x1f: {  	[tilespmem:$0x1F8] =	vst v0  }
0x20: {  	[tilespmem:$0x208] =	vst v0  }
0x21: {  	[tilespmem:$0x218] =	vst v0  }
0x22: {  	[tilespmem:$0x228] =	vst v0  }
0x23: {  	[tilespmem:$0x238] =	vst v0  }
0x24: {  	[tilespmem:$0x248] =	vst v0  }
0x25: {  	[tilespmem:$0x258] =	vst v0  }
0x26: {  	[tilespmem:$0x268] =	vst v0  }
0x27: {  	[tilespmem:$0x278] =	vst v0  }
0x28: {  	[tilespmem:$0x288] =	vst v0  }
0x29: {  	[tilespmem:$0x298] =	vst v0  }
0x2a: {  	[tilespmem:$0x2A8] =	vst v0  }
0x2b: {  	[tilespmem:$0x2B8] =	vst v0  }
0x2c: {  	[tilespmem:$0x2C8] =	vst v0  }
0x2d: {  	[tilespmem:$0x2D8] =	vst v0  }
0x2e: {  	[tilespmem:$0x2E8] =	vst v0  }
0x2f: {  	[tilespmem:$0x2F8] =	vst v0  }
0x30: {  	[tilespmem:$0x308] =	vst v0  }
0x31: {  	[tilespmem:$0x318] =	vst v0  }
0x32: {  	[tilespmem:$0x328] =	vst v0  }
0x33: {  	[tilespmem:$0x338] =	vst v0  }
0x34: {  	[tilespmem:$0x348] =	vst v0  }
0x35: {  	[tilespmem:$0x358] =	vst v0  }
0x36: {  	[tilespmem:$0x368] =	vst v0  }
0x37: {  	[tilespmem:$0x378] =	vst v0  }
0x38: {  	[tilespmem:$0x388] =	vst v0  }
0x39: {  	[tilespmem:$0x398] =	vst v0  }
0x3a: {  	[tilespmem:$0x3A8] =	vst v0  }
0x3b: {  	[tilespmem:$0x3B8] =	vst v0  }
0x3c: {  	[tilespmem:$0x3C8] =	vst v0  }
0x3d: {  	[tilespmem:$0x3D8] =	vst v0  }
0x3e: {  	[tilespmem:$0x3E8] =	vst v0  }
0x3f: {  	[tilespmem:$0x3F8] =	vst v0  }
0x40: {  	[tilespmem:$0x408] =	vst v0  }
0x41: {  	[tilespmem:$0x418] =	vst v0  }
0x42: {  	[tilespmem:$0x428] =	vst v0  }
0x43: {  	[tilespmem:$0x438] =	vst v0  }
0x44: {  	[tilespmem:$0x448] =	vst v0  }
0x45: {  	[tilespmem:$0x458] =	vst v0  }
0x46: {  	[tilespmem:$0x468] =	vst v0  }
0x47: {  	[tilespmem:$0x478] =	vst v0  }
0x48: {  	[tilespmem:$0x488] =	vst v0  }
0x49: {  	[tilespmem:$0x498] =	vst v0  }
0x4a: {  	[tilespmem:$0x4A8] =	vst v0  }
0x4b: {  	[tilespmem:$0x4B8] =	vst v0  }
0x4c: {  	[tilespmem:$0x4C8] =	vst v0  }
0x4d: {  	[tilespmem:$0x4D8] =	vst v0  }
0x4e: {  	[tilespmem:$0x4E8] =	vst v0  }
0x4f: {  	[tilespmem:$0x4F8] =	vst v0  }
0x50: {  	[tilespmem:$0x508] =	vst v0  }
0x51: {  	[tilespmem:$0x518] =	vst v0  }
0x52: {  	[tilespmem:$0x528] =	vst v0  }
0x53: {  	[tilespmem:$0x538] =	vst v0  }
0x54: {  	[tilespmem:$0x548] =	vst v0  }
0x55: {  	[tilespmem:$0x558] =	vst v0  }
0x56: {  	[tilespmem:$0x568] =	vst v0  }
0x57: {  	[tilespmem:$0x578] =	vst v0  }
0x58: {  	[tilespmem:$0x588] =	vst v0  }
0x59: {  	[tilespmem:$0x598] =	vst v0  }
0x5a: {  	[tilespmem:$0x5A8] =	vst v0  }
0x5b: {  	[tilespmem:$0x5B8] =	vst v0  }
0x5c: {  	[tilespmem:$0x5C8] =	vst v0  }
0x5d: {  	[tilespmem:$0x5D8] =	vst v0  }
0x5e: {  	[tilespmem:$0x5E8] =	vst v0  }
0x5f: {  	[tilespmem:$0x5F8] =	vst v0  }
0x60: {  	[tilespmem:$0x608] =	vst v0  }
0x61: {  	[tilespmem:$0x618] =	vst v0  }
0x62: {  	[tilespmem:$0x628] =	vst v0  }
0x63: {  	[tilespmem:$0x638] =	vst v0  }
0x64: {  	[tilespmem:$0x648] =	vst v0  }
0x65: {  	[tilespmem:$0x658] =	vst v0  }
0x66: {  	[tilespmem:$0x668] =	vst v0  }
0x67: {  	[tilespmem:$0x678] =	vst v0  }
0x68: {  	[tilespmem:$0x688] =	vst v0  }
0x69: {  	[tilespmem:$0x698] =	vst v0  }
0x6a: {  	[tilespmem:$0x6A8] =	vst v0  }
0x6b: {  	[tilespmem:$0x6B8] =	vst v0  }
0x6c: {  	[tilespmem:$0x6C8] =	vst v0  }
0x6d: {  	[tilespmem:$0x6D8] =	vst v0  }
0x6e: {  	[tilespmem:$0x6E8] =	vst v0  }
0x6f: {  	[tilespmem:$0x6F8] =	vst v0  }
0x70: {  	[tilespmem:$0x708] =	vst v0  }
0x71: {  	[tilespmem:$0x718] =	vst v0  }
0x72: {  	[tilespmem:$0x728] =	vst v0  }
0x73: {  	[tilespmem:$0x738] =	vst v0  }
0x74: {  	[tilespmem:$0x748] =	vst v0  }
0x75: {  	[tilespmem:$0x758] =	vst v0  }
0x76: {  	[tilespmem:$0x768] =	vst v0  }
0x77: {  	[tilespmem:$0x778] =	vst v0  }
0x78: {  	[tilespmem:$0x788] =	vst v0  }
0x79: {  	[tilespmem:$0x798] =	vst v0  }
0x7a: {  	[tilespmem:$0x7A8] =	vst v0  }
0x7b: {  	[tilespmem:$0x7B8] =	vst v0  }
0x7c: {  	[tilespmem:$0x7C8] =	vst v0  }
0x7d: {  	[tilespmem:$0x7D8] =	vst v0  }
0x7e: {  	[tilespmem:$0x7E8] =	vst v0  }
0x7f: {  	[tilespmem:$0x7F8] =	vst v0  }
0x80: {  	[tilespmem:$0x808] =	vst v0  }
0x81: {  	[tilespmem:$0x818] =	vst v0  }
0x82: {  	[tilespmem:$0x828] =	vst v0  }
0x83: {  	[tilespmem:$0x838] =	vst v0  }
0x84: {  	[tilespmem:$0x848] =	vst v0  }
0x85: {  	[tilespmem:$0x858] =	vst v0  }
0x86: {  	[tilespmem:$0x868] =	vst v0  }
0x87: {  	[tilespmem:$0x878] =	vst v0  }
0x88: {  	[tilespmem:$0x888] =	vst v0  }
0x89: {  	[tilespmem:$0x898] =	vst v0  }
0x8a: {  	[tilespmem:$0x8A8] =	vst v0  }
0x8b: {  	[tilespmem:$0x8B8] =	vst v0  }
0x8c: {  	[tilespmem:$0x8C8] =	vst v0  }
0x8d: {  	[tilespmem:$0x8D8] =	vst v0  }
0x8e: {  	[tilespmem:$0x8E8] =	vst v0  }
0x8f: {  	[tilespmem:$0x8F8] =	vst v0  }
0x90: {  	[tilespmem:$0x908] =	vst v0  }
0x91: {  	[tilespmem:$0x918] =	vst v0  }
0x92: {  	[tilespmem:$0x928] =	vst v0  }
0x93: {  	[tilespmem:$0x938] =	vst v0  }
0x94: {  	[tilespmem:$0x948] =	vst v0  }
0x95: {  	[tilespmem:$0x958] =	vst v0  }
0x96: {  	[tilespmem:$0x968] =	vst v0  }
0x97: {  	[tilespmem:$0x978] =	vst v0  }
0x98: {  	[tilespmem:$0x988] =	vst v0  }
0x99: {  	[tilespmem:$0x998] =	vst v0  }
0x9a: {  	[tilespmem:$0x9A8] =	vst v0  }
0x9b: {  	[tilespmem:$0x9B8] =	vst v0  }
0x9c: {  	[tilespmem:$0x9C8] =	vst v0  }
0x9d: {  	[tilespmem:$0x9D8] =	vst v0  }
0x9e: {  	[tilespmem:$0x9E8] =	vst v0  }
0x9f: {  	[tilespmem:$0x9F8] =	vst v0  }
0xa0: {  	[tilespmem:$0xA08] =	vst v0  }
0xa1: {  	[tilespmem:$0xA18] =	vst v0  }
0xa2: {  	[tilespmem:$0xA28] =	vst v0  }
0xa3: {  	[tilespmem:$0xA38] =	vst v0  }
0xa4: {  	[tilespmem:$0xA48] =	vst v0  }
0xa5: {  	[tilespmem:$0xA58] =	vst v0  }
0xa6: {  	[tilespmem:$0xA68] =	vst v0  }
0xa7: {  	[tilespmem:$0xA78] =	vst v0  }
0xa8: {  	[tilespmem:$0xA88] =	vst v0  }
0xa9: {  	[tilespmem:$0xA98] =	vst v0  }
0xaa: {  	[tilespmem:$0xAA8] =	vst v0  }
0xab: {  	[tilespmem:$0xAB8] =	vst v0  }
0xac: {  	[tilespmem:$0xAC8] =	vst v0  }
0xad: {  	[tilespmem:$0xAD8] =	vst v0  }
0xae: {  	[tilespmem:$0xAE8] =	vst v0  }
0xaf: {  	[tilespmem:$0xAF8] =	vst v0  }
0xb0: {  	[tilespmem:$0xB08] =	vst v0  }
0xb1: {  	[tilespmem:$0xB18] =	vst v0  }
0xb2: {  	[tilespmem:$0xB28] =	vst v0  }
0xb3: {  	[tilespmem:$0xB38] =	vst v0  }
0xb4: {  	[tilespmem:$0xB48] =	vst v0  }
0xb5: {  	[tilespmem:$0xB58] =	vst v0  }
0xb6: {  	[tilespmem:$0xB68] =	vst v0  }
0xb7: {  	[tilespmem:$0xB78] =	vst v0  }
0xb8: {  	[tilespmem:$0xB88] =	vst v0  }
0xb9: {  	[tilespmem:$0xB98] =	vst v0  }
0xba: {  	[tilespmem:$0xBA8] =	vst v0  }
0xbb: {  	[tilespmem:$0xBB8] =	vst v0  }
0xbc: {  	[tilespmem:$0xBC8] =	vst v0  }
0xbd: {  	[tilespmem:$0xBD8] =	vst v0  }
0xbe: {  	[tilespmem:$0xBE8] =	vst v0  }
0xbf: {  	[tilespmem:$0xBF8] =	vst v0  }
0xc0: {  	[tilespmem:$0xC08] =	vst v0  }
0xc1: {  	[tilespmem:$0xC18] =	vst v0  }
0xc2: {  	[tilespmem:$0xC28] =	vst v0  }
0xc3: {  	[tilespmem:$0xC38] =	vst v0  }
0xc4: {  	[tilespmem:$0xC48] =	vst v0  }
0xc5: {  	[tilespmem:$0xC58] =	vst v0  }
0xc6: {  	[tilespmem:$0xC68] =	vst v0  }
0xc7: {  	[tilespmem:$0xC78] =	vst v0  }
0xc8: {  	[tilespmem:$0xC88] =	vst v0  }
0xc9: {  	[tilespmem:$0xC98] =	vst v0  }
0xca: {  	[tilespmem:$0xCA8] =	vst v0  }
0xcb: {  	[tilespmem:$0xCB8] =	vst v0  }
0xcc: {  	[tilespmem:$0xCC8] =	vst v0  }
0xcd: {  	[tilespmem:$0xCD8] =	vst v0  }
0xce: {  	[tilespmem:$0xCE8] =	vst v0  }
0xcf: {  	[tilespmem:$0xCF8] =	vst v0  }
0xd0: {  	[tilespmem:$0xD08] =	vst v0  }
0xd1: {  	[tilespmem:$0xD18] =	vst v0  }
0xd2: {  	[tilespmem:$0xD28] =	vst v0  }
0xd3: {  	[tilespmem:$0xD38] =	vst v0  }
0xd4: {  	[tilespmem:$0xD48] =	vst v0  }
0xd5: {  	[tilespmem:$0xD58] =	vst v0  }
0xd6: {  	[tilespmem:$0xD68] =	vst v0  }
0xd7: {  	[tilespmem:$0xD78] =	vst v0  }
0xd8: {  	[tilespmem:$0xD88] =	vst v0  }
0xd9: {  	[tilespmem:$0xD98] =	vst v0  }
0xda: {  	[tilespmem:$0xDA8] =	vst v0  }
0xdb: {  	[tilespmem:$0xDB8] =	vst v0  }
0xdc: {  	[tilespmem:$0xDC8] =	vst v0  }
0xdd: {  	[tilespmem:$0xDD8] =	vst v0  }
0xde: {  	[tilespmem:$0xDE8] =	vst v0  }
0xdf: {  	[tilespmem:$0xDF8] =	vst v0  }
0xe0: {  	[tilespmem:$0xE08] =	vst v0  }
0xe1: {  	[tilespmem:$0xE18] =	vst v0  }
0xe2: {  	[tilespmem:$0xE28] =	vst v0  }
0xe3: {  	[tilespmem:$0xE38] =	vst v0  }
0xe4: {  	[tilespmem:$0xE48] =	vst v0  }
0xe5: {  	[tilespmem:$0xE58] =	vst v0  }
0xe6: {  	[tilespmem:$0xE68] =	vst v0  }
0xe7: {  	[tilespmem:$0xE78] =	vst v0  }
0xe8: {  	[tilespmem:$0xE88] =	vst v0  }
0xe9: {  	[tilespmem:$0xE98] =	vst v0  }
0xea: {  	[tilespmem:$0xEA8] =	vst v0  }
0xeb: {  	[tilespmem:$0xEB8] =	vst v0  }
0xec: {  	[tilespmem:$0xEC8] =	vst v0  }
0xed: {  	[tilespmem:$0xED8] =	vst v0  }
0xee: {  	[tilespmem:$0xEE8] =	vst v0  }
0xef: {  	[tilespmem:$0xEF8] =	vst v0  }
0xf0: {  	[tilespmem:$0xF08] =	vst v0  }
0xf1: {  	[tilespmem:$0xF18] =	vst v0  }
0xf2: {  	[tilespmem:$0xF28] =	vst v0  }
0xf3: {  	[tilespmem:$0xF38] =	vst v0  }
0xf4: {  	[tilespmem:$0xF48] =	vst v0  }
0xf5: {  	[tilespmem:$0xF58] =	vst v0  }
0xf6: {  	[tilespmem:$0xF68] =	vst v0  }
0xf7: {  	[tilespmem:$0xF78] =	vst v0  }
0xf8: {  	[tilespmem:$0xF88] =	vst v0  }
0xf9: {  	[tilespmem:$0xF98] =	vst v0  }
0xfa: {  	[tilespmem:$0xFA8] =	vst v0  }
0xfb: {  	[tilespmem:$0xFB8] =	vst v0  }
0xfc: {  	[tilespmem:$0xFC8] =	vst v0  }
0xfd: {  	[tilespmem:$0xFD8] =	vst v0  }
0xfe: {  	[tilespmem:$0xFE8] =	vst v0  }
0xff: {  	[tilespmem:$0xFF8] =	vst v0  }
0x100: {  	[tilespmem:$0x1008] =	vst v0  }
0x101: {  	[tilespmem:$0x1018] =	vst v0  }
0x102: {  	[tilespmem:$0x1028] =	vst v0  }
0x103: {  	[tilespmem:$0x1168] =	vst v0  }
0x104: {  	[tilespmem:$0x1038] =	vst v0  }
0x105: {  	[tilespmem:$0x1048] =	vst v0  }
0x106: {  	[tilespmem:$0x1058] =	vst v0  }
0x107: {  	[tilespmem:$0x1068] =	vst v0  }
0x108: {  	[tilespmem:$0x1078] =	vst v0  }
0x109: {  	[tilespmem:$0x1088] =	vst v0  }
0x10a: {  	[tilespmem:$0x1098] =	vst v0  }
0x10b: {  	[tilespmem:$0x10A8] =	vst v0  }
0x10c: {  	[tilespmem:$0x10B8] =	vst v0  }
0x10d: {  	[tilespmem:$0x10C8] =	vst v0  }
0x10e: {  	[tilespmem:$0x10D8] =	vst v0  }
0x10f: {  	[tilespmem:$0x10E8] =	vst v0  }
0x110: {  	[tilespmem:$0x10F8] =	vst v0  }
0x111: {  	[tilespmem:$0x1108] =	vst v0  }
0x112: {  	[tilespmem:$0x1118] =	vst v0  }
0x113: {  	[tilespmem:$0x1128] =	vst v0  }
0x114: {  	[tilespmem:$0x1138] =	vst v0  }
0x115: {  	[tilespmem:$0x1148] =	vst v0  }
0x116: {  	[tilespmem:$0x1158] =	vst v0  }
0x117: {  	[tilespmem:$0x1178] =	vst v0  }
0x118: {  	[tilespmem:$0x1188] =	vst v0  }
0x119: {  	[tilespmem:$0x1198] =	vst v0  }
0x11a: {  	[tilespmem:$0x11A8] =	vst v0  }
0x11b: {  	[tilespmem:$0x11B8] =	vst v0  }
0x11c: {  	[tilespmem:$0x11C8] =	vst v0  }
0x11d: {  	[tilespmem:$0x11D8] =	vst v0  }
0x11e: {  	[tilespmem:$0x11E8] =	vst v0  }
0x11f: {  	[tilespmem:$0x11F8] =	vst v0  }
0x120: {  	[tilespmem:$0x1208] =	vst v0  }
0x121: {  	[tilespmem:$0x1218] =	vst v0  }
0x122: {  	[tilespmem:$0x1228] =	vst v0  }
0x123: {  	[tilespmem:$0x1238] =	vst v0  }
0x124: {  	[tilespmem:$0x1248] =	vst v0  }
0x125: {  	[tilespmem:$0x1258] =	vst v0  }
0x126: {  	[tilespmem:$0x1268] =	vst v0  }
0x127: {  	[tilespmem:$0x1278] =	vst v0  }
0x128: {  	[tilespmem:$0x1288] =	vst v0  }
0x129: {  	[tilespmem:$0x1298] =	vst v0  }
0x12a: {  	[tilespmem:$0x12A8] =	vst v0  }
0x12b: {  	[tilespmem:$0x12B8] =	vst v0  }
0x12c: {  	[tilespmem:$0x12C8] =	vst v0  }
0x12d: {  	[tilespmem:$0x12D8] =	vst v0  }
0x12e: {  	[tilespmem:$0x12E8] =	vst v0  }
0x12f: {  	[tilespmem:$0x12F8] =	vst v0  }
0x130: {  	[tilespmem:$0x1308] =	vst v0  }
0x131: {  	[tilespmem:$0x1318] =	vst v0  }
0x132: {  	[tilespmem:$0x1328] =	vst v0  }
0x133: {  	[tilespmem:$0x1338] =	vst v0  }
0x134: {  	[tilespmem:$0x1348] =	vst v0  }
0x135: {  	[tilespmem:$0x1358] =	vst v0  }
0x136: {  	[tilespmem:$0x1368] =	vst v0  }
0x137: {  	[tilespmem:$0x1378] =	vst v0  }
0x138: {  	[tilespmem:$0x1388] =	vst v0  }
0x139: {  	[tilespmem:$0x1398] =	vst v0  }
0x13a: {  	[tilespmem:$0x13A8] =	vst v0  }
0x13b: {  	[tilespmem:$0x13B8] =	vst v0  }
0x13c: {  	[tilespmem:$0x13C8] =	vst v0  }
0x13d: {  	[tilespmem:$0x13D8] =	vst v0  }
0x13e: {  	[tilespmem:$0x13E8] =	vst v0  }
0x13f: {  	[tilespmem:$0x13F8] =	vst v0  }
0x140: {  	[tilespmem:$0x1408] =	vst v0  }
0x141: {  	[tilespmem:$0x1418] =	vst v0  }
0x142: {  	[tilespmem:$0x1428] =	vst v0  }
0x143: {  	[tilespmem:$0x1438] =	vst v0  }
0x144: {  	[tilespmem:$0x1448] =	vst v0  }
0x145: {  	[tilespmem:$0x1458] =	vst v0  }
0x146: {  	[tilespmem:$0x1468] =	vst v0  }
0x147: {  	[tilespmem:$0x1478] =	vst v0  }
0x148: {  	[tilespmem:$0x1488] =	vst v0  }
0x149: {  	[tilespmem:$0x1498] =	vst v0  }
0x14a: {  	[tilespmem:$0x14A8] =	vst v0  }
0x14b: {  	[tilespmem:$0x14B8] =	vst v0  }
0x14c: {  	[tilespmem:$0x14C8] =	vst v0  }
0x14d: {  	[tilespmem:$0x14D8] =	vst v0  }
0x14e: {  	[tilespmem:$0x14E8] =	vst v0  }
0x14f: {  	[tilespmem:$0x14F8] =	vst v0  }
0x150: {  	[tilespmem:$0x1508] =	vst v0  }
0x151: {  	[tilespmem:$0x1518] =	vst v0  }
0x152: {  	[tilespmem:$0x1528] =	vst v0  }
0x153: {  	[tilespmem:$0x1538] =	vst v0  }
0x154: {  	[tilespmem:$0x1548] =	vst v0  }
0x155: {  	[tilespmem:$0x1558] =	vst v0  }
0x156: {  	[tilespmem:$0x1568] =	vst v0  }
0x157: {  	[tilespmem:$0x1578] =	vst v0  }
0x158: {  	[tilespmem:$0x1588] =	vst v0  }
0x159: {  	[tilespmem:$0x1598] =	vst v0  }
0x15a: {  	[tilespmem:$0x15A8] =	vst v0  }
0x15b: {  	[tilespmem:$0x15B8] =	vst v0  }
0x15c: {  	[tilespmem:$0x15C8] =	vst v0  }
0x15d: {  	[tilespmem:$0x15D8] =	vst v0  }
0x15e: {  	[tilespmem:$0x15E8] =	vst v0  }
0x15f: {  	[tilespmem:$0x15F8] =	vst v0  }
0x160: {  	[tilespmem:$0x1608] =	vst v0  }
0x161: {  	[tilespmem:$0x1618] =	vst v0  }
0x162: {  	[tilespmem:$0x1628] =	vst v0  }
0x163: {  	[tilespmem:$0x1638] =	vst v0  }
0x164: {  	[tilespmem:$0x1648] =	vst v0  }
0x165: {  	[tilespmem:$0x1658] =	vst v0  }
0x166: {  	[tilespmem:$0x1668] =	vst v0  }
0x167: {  	[tilespmem:$0x1678] =	vst v0  }
0x168: {  	[tilespmem:$0x1688] =	vst v0  }
0x169: {  	[tilespmem:$0x1698] =	vst v0  }
0x16a: {  	[tilespmem:$0x16A8] =	vst v0  }
0x16b: {  	[tilespmem:$0x16B8] =	vst v0  }
0x16c: {  	[tilespmem:$0x16C8] =	vst v0  }
0x16d: {  	[tilespmem:$0x16D8] =	vst v0  }
0x16e: {  	[tilespmem:$0x16E8] =	vst v0  }
0x16f: {  	[tilespmem:$0x16F8] =	vst v0  }
0x170: {  	[tilespmem:$0x1708] =	vst v0  }
0x171: {  	[tilespmem:$0x1718] =	vst v0  }
0x172: {  	[tilespmem:$0x1728] =	vst v0  }
0x173: {  	[tilespmem:$0x1738] =	vst v0  }
0x174: {  	[tilespmem:$0x1748] =	vst v0  }
0x175: {  	[tilespmem:$0x1758] =	vst v0  }
0x176: {  	[tilespmem:$0x1768] =	vst v0  }
0x177: {  	[tilespmem:$0x1778] =	vst v0  }
0x178: {  	[tilespmem:$0x1788] =	vst v0  }
0x179: {  	[tilespmem:$0x1798] =	vst v0  }
0x17a: {  	[tilespmem:$0x17A8] =	vst v0  }
0x17b: {  	[tilespmem:$0x17B8] =	vst v0  }
0x17c: {  	[tilespmem:$0x17C8] =	vst v0  }
0x17d: {  	[tilespmem:$0x17D8] =	vst v0  }
0x17e: {  	[tilespmem:$0x17E8] =	vst v0  }
0x17f: {  	[tilespmem:$0x17F8] =	vst v0  }
0x180: {  	[tilespmem:$0x1808] =	vst v0  }
0x181: {  	[tilespmem:$0x1818] =	vst v0  }
0x182: {  	[tilespmem:$0x1828] =	vst v0  }
0x183: {  	[tilespmem:$0x1838] =	vst v0  }
0x184: {  	[tilespmem:$0x1848] =	vst v0  }
0x185: {  	[tilespmem:$0x1858] =	vst v0  }
0x186: {  	[tilespmem:$0x1868] =	vst v0  }
0x187: {  	[tilespmem:$0x1878] =	vst v0  }
0x188: {  	[tilespmem:$0x1888] =	vst v0  }
0x189: {  	[tilespmem:$0x1898] =	vst v0  }
0x18a: {  	[tilespmem:$0x18A8] =	vst v0  }
0x18b: {  	[tilespmem:$0x18B8] =	vst v0  }
0x18c: {  	[tilespmem:$0x18C8] =	vst v0  }
0x18d: {  	[tilespmem:$0x18D8] =	vst v0  }
0x18e: {  	[tilespmem:$0x18E8] =	vst v0  }
0x18f: {  	[tilespmem:$0x18F8] =	vst v0  }
0x190: {  	[tilespmem:$0x1908] =	vst v0  }
0x191: {  	[tilespmem:$0x1918] =	vst v0  }
0x192: {  	[tilespmem:$0x1928] =	vst v0  }
0x193: {  	[tilespmem:$0x1938] =	vst v0  }
0x194: {  	[tilespmem:$0x1948] =	vst v0  }
0x195: {  	[tilespmem:$0x1958] =	vst v0  }
0x196: {  	[tilespmem:$0x1968] =	vst v0  }
0x197: {  	[tilespmem:$0x1978] =	vst v0  }
0x198: {  	[tilespmem:$0x1988] =	vst v0  }
0x199: {  	[tilespmem:$0x1998] =	vst v0  }
0x19a: {  	[tilespmem:$0x19A8] =	vst v0  }
0x19b: {  	[tilespmem:$0x19B8] =	vst v0  }
0x19c: {  	[tilespmem:$0x19C8] =	vst v0  }
0x19d: {  	[tilespmem:$0x19D8] =	vst v0  }
0x19e: {  	[tilespmem:$0x19E8] =	vst v0  }
0x19f: {  	[tilespmem:$0x19F8] =	vst v0  }
0x1a0: {  	[tilespmem:$0x1A08] =	vst v0  }
0x1a1: {  	[tilespmem:$0x1A18] =	vst v0  }
0x1a2: {  	[tilespmem:$0x1A28] =	vst v0  }
0x1a3: {  	[tilespmem:$0x1A38] =	vst v0  }
0x1a4: {  	[tilespmem:$0x1A48] =	vst v0  }
0x1a5: {  	[tilespmem:$0x1A58] =	vst v0  }
0x1a6: {  	[tilespmem:$0x1A68] =	vst v0  }
0x1a7: {  	[tilespmem:$0x1A78] =	vst v0  }
0x1a8: {  	[tilespmem:$0x1A88] =	vst v0  }
0x1a9: {  	[tilespmem:$0x1A98] =	vst v0  }
0x1aa: {  	[tilespmem:$0x1AA8] =	vst v0  }
0x1ab: {  	[tilespmem:$0x1AB8] =	vst v0  }
0x1ac: {  	[tilespmem:$0x1AC8] =	vst v0  }
0x1ad: {  	[tilespmem:$0x1AD8] =	vst v0  }
0x1ae: {  	[tilespmem:$0x1AE8] =	vst v0  }
0x1af: {  	[tilespmem:$0x1AF8] =	vst v0  }
0x1b0: {  	[tilespmem:$0x1B08] =	vst v0  }
0x1b1: {  	[tilespmem:$0x1B18] =	vst v0  }
0x1b2: {  	[tilespmem:$0x1B28] =	vst v0  }
0x1b3: {  	[tilespmem:$0x1B38] =	vst v0  }
0x1b4: {  	[tilespmem:$0x1B48] =	vst v0  }
0x1b5: {  	[tilespmem:$0x1B58] =	vst v0  }
0x1b6: {  	[tilespmem:$0x1B68] =	vst v0  }
0x1b7: {  	[tilespmem:$0x1B78] =	vst v0  }
0x1b8: {  	[tilespmem:$0x1B88] =	vst v0  }
0x1b9: {  	[tilespmem:$0x1B98] =	vst v0  }
0x1ba: {  	[tilespmem:$0x1BA8] =	vst v0  }
0x1bb: {  	[tilespmem:$0x1BB8] =	vst v0  }
0x1bc: {  	[tilespmem:$0x1BC8] =	vst v0  }
0x1bd: {  	[tilespmem:$0x1BD8] =	vst v0  }
0x1be: {  	[tilespmem:$0x1BE8] =	vst v0  }
0x1bf: {  	[tilespmem:$0x1BF8] =	vst v0  }
0x1c0: {  	[tilespmem:$0x1C08] =	vst v0  }
0x1c1: {  	[tilespmem:$0x1C18] =	vst v0  }
0x1c2: {  	[tilespmem:$0x1C28] =	vst v0  }
0x1c3: {  	[tilespmem:$0x1C38] =	vst v0  }
0x1c4: {  	[tilespmem:$0x1C48] =	vst v0  }
0x1c5: {  	[tilespmem:$0x1C58] =	vst v0  }
0x1c6: {  	[tilespmem:$0x1C68] =	vst v0  }
0x1c7: {  	[tilespmem:$0x1C78] =	vst v0  }
0x1c8: {  	[tilespmem:$0x1C88] =	vst v0  }
0x1c9: {  	[tilespmem:$0x1C98] =	vst v0  }
0x1ca: {  	[tilespmem:$0x1CA8] =	vst v0  }
0x1cb: {  	[tilespmem:$0x1CB8] =	vst v0  }
0x1cc: {  	[tilespmem:$0x1CC8] =	vst v0  }
0x1cd: {  	[tilespmem:$0x1CD8] =	vst v0  }
0x1ce: {  	[tilespmem:$0x1CE8] =	vst v0  }
0x1cf: {  	[tilespmem:$0x1CF8] =	vst v0  }
0x1d0: {  	[tilespmem:$0x1D08] =	vst v0  }
0x1d1: {  	[tilespmem:$0x1D18] =	vst v0  }
0x1d2: {  	[tilespmem:$0x1D28] =	vst v0  }
0x1d3: {  	[tilespmem:$0x1D38] =	vst v0  }
0x1d4: {  	[tilespmem:$0x1D48] =	vst v0  }
0x1d5: {  	[tilespmem:$0x1D58] =	vst v0  }
0x1d6: {  	[tilespmem:$0x1D68] =	vst v0  }
0x1d7: {  	[tilespmem:$0x1D78] =	vst v0  }
0x1d8: {  	[tilespmem:$0x1D88] =	vst v0  }
0x1d9: {  	[tilespmem:$0x1D98] =	vst v0  }
0x1da: {  	[tilespmem:$0x1DA8] =	vst v0  }
0x1db: {  	[tilespmem:$0x1DB8] =	vst v0  }
0x1dc: {  	[tilespmem:$0x1DC8] =	vst v0  }
0x1dd: {  	[tilespmem:$0x1DD8] =	vst v0  }
0x1de: {  	[tilespmem:$0x1DE8] =	vst v0  }
0x1df: {  	[tilespmem:$0x1DF8] =	vst v0  }
0x1e0: {  	[tilespmem:$0x1E08] =	vst v0  }
0x1e1: {  	[tilespmem:$0x1E18] =	vst v0  }
0x1e2: {  	[tilespmem:$0x1E28] =	vst v0  }
0x1e3: {  	[tilespmem:$0x1E38] =	vst v0  }
0x1e4: {  	[tilespmem:$0x1E48] =	vst v0  }
0x1e5: {  	[tilespmem:$0x1E58] =	vst v0  }
0x1e6: {  	[tilespmem:$0x1E68] =	vst v0  }
0x1e7: {  	[tilespmem:$0x1E78] =	vst v0  }
0x1e8: {  	[tilespmem:$0x1E88] =	vst v0  }
0x1e9: {  	[tilespmem:$0x1E98] =	vst v0  }
0x1ea: {  	[tilespmem:$0x1EA8] =	vst v0  }
0x1eb: {  	[tilespmem:$0x1EB8] =	vst v0  }
0x1ec: {  	[tilespmem:$0x1EC8] =	vst v0  }
0x1ed: {  	[tilespmem:$0x1ED8] =	vst v0  }
0x1ee: {  	[tilespmem:$0x1EE8] =	vst v0  }
0x1ef: {  	[tilespmem:$0x1EF8] =	vst v0  }
0x1f0: {  	[tilespmem:$0x1F08] =	vst v0  }
0x1f1: {  	[tilespmem:$0x1F18] =	vst v0  }
0x1f2: {  	[tilespmem:$0x1F28] =	vst v0  }
0x1f3: {  	[tilespmem:$0x1F38] =	vst v0  }
0x1f4: {  	[tilespmem:$0x1F48] =	vst v0  }
0x1f5: {  	[tilespmem:$0x1F58] =	vst v0  }
0x1f6: {  	[tilespmem:$0x1F68] =	vst v0  }
0x1f7: {  	[tilespmem:$0x1F78] =	vst v0  }
0x1f8: {  	[tilespmem:$0x1F88] =	vst v0  }
0x1f9: {  	[tilespmem:$0x1F98] =	vst v0  }
0x1fa: {  	[tilespmem:$0x1FA8] =	vst v0  }
0x1fb: {  	[tilespmem:$0x1FB8] =	vst v0  }
0x1fc: {  	[tilespmem:$0x1FC8] =	vst v0  }
0x1fd: {  	[tilespmem:$0x1FD8] =	vst v0  }
0x1fe: {  	[tilespmem:$0x1FE8] =	vst v0  }
0x1ff: {  	[tilespmem:$0x1FF8] =	vst v0  }
0x200: {  	[tilespmem:$0x2008] =	vst v0  }
0x201: {  	[tilespmem:$0x2018] =	vst v0  }
0x202: {  	[tilespmem:$0x2028] =	vst v0  }
0x203: {  	[tilespmem:$0x2038] =	vst v0  }
0x204: {  	[tilespmem:$0x2048] =	vst v0  }
0x205: {  	[tilespmem:$0x2058] =	vst v0  }
0x206: {  	[tilespmem:$0x2068] =	vst v0  }
0x207: {  	[tilespmem:$0x2078] =	vst v0  }
0x208: {  	[tilespmem:$0x2088] =	vst v0  }
0x209: {  	[tilespmem:$0x2098] =	vst v0  }
0x20a: {  	[tilespmem:$0x20A8] =	vst v0  }
0x20b: {  	[tilespmem:$0x20B8] =	vst v0  }
0x20c: {  	[tilespmem:$0x20C8] =	vst v0  }
0x20d: {  	[tilespmem:$0x20D8] =	vst v0  }
0x20e: {  	[tilespmem:$0x20E8] =	vst v0  }
0x20f: {  	[tilespmem:$0x20F8] =	vst v0  }
0x210: {  	[tilespmem:$0x2108] =	vst v0  }
0x211: {  	[tilespmem:$0x2118] =	vst v0  }
0x212: {  	[tilespmem:$0x2128] =	vst v0  }
0x213: {  	[tilespmem:$0x2138] =	vst v0  }
0x214: {  	[tilespmem:$0x2148] =	vst v0  }
0x215: {  	[tilespmem:$0x2158] =	vst v0  }
0x216: {  	[tilespmem:$0x2168] =	vst v0  }
0x217: {  	[tilespmem:$0x2218] =	vst v0  }
0x218: {  	[tilespmem:$0x3058] =	vst v0  }
0x219: {  	[tilespmem:$0x3048] =	vst v0  }
0x21a: {  	[tilespmem:$0x3038] =	vst v0  }
0x21b: {  	[tilespmem:$0x3028] =	vst v0  }
0x21c: {  	[tilespmem:$0x3018] =	vst v0  }
0x21d: {  	[tilespmem:$0x3008] =	vst v0  }
0x21e: {  	[tilespmem:$0x2FF8] =	vst v0  }
0x21f: {  	[tilespmem:$0x2FE8] =	vst v0  }
0x220: {  	[tilespmem:$0x2FD8] =	vst v0  }
0x221: {  	[tilespmem:$0x2FC8] =	vst v0  }
0x222: {  	[tilespmem:$0x2FB8] =	vst v0  }
0x223: {  	[tilespmem:$0x2FA8] =	vst v0  }
0x224: {  	[tilespmem:$0x2F98] =	vst v0  }
0x225: {  	[tilespmem:$0x2F88] =	vst v0  }
0x226: {  	[tilespmem:$0x2F78] =	vst v0  }
0x227: {  	[tilespmem:$0x2F68] =	vst v0  }
0x228: {  	[tilespmem:$0x2F58] =	vst v0  }
0x229: {  	[tilespmem:$0x2F48] =	vst v0  }
0x22a: {  	[tilespmem:$0x2F38] =	vst v0  }
0x22b: {  	[tilespmem:$0x2F28] =	vst v0  }
0x22c: {  	[tilespmem:$0x2F18] =	vst v0  }
0x22d: {  	[tilespmem:$0x2F08] =	vst v0  }
0x22e: {  	[tilespmem:$0x2EF8] =	vst v0  }
0x22f: {  	[tilespmem:$0x2EE8] =	vst v0  }
0x230: {  	[tilespmem:$0x2ED8] =	vst v0  }
0x231: {  	[tilespmem:$0x2EC8] =	vst v0  }
0x232: {  	[tilespmem:$0x2EB8] =	vst v0  }
0x233: {  	[tilespmem:$0x2EA8] =	vst v0  }
0x234: {  	[tilespmem:$0x2E98] =	vst v0  }
0x235: {  	[tilespmem:$0x2E88] =	vst v0  }
0x236: {  	[tilespmem:$0x2E78] =	vst v0  }
0x237: {  	[tilespmem:$0x2E68] =	vst v0  }
0x238: {  	[tilespmem:$0x2E58] =	vst v0  }
0x239: {  	[tilespmem:$0x2E48] =	vst v0  }
0x23a: {  	[tilespmem:$0x2E38] =	vst v0  }
0x23b: {  	[tilespmem:$0x2E28] =	vst v0  }
0x23c: {  	[tilespmem:$0x2E18] =	vst v0  }
0x23d: {  	[tilespmem:$0x2E08] =	vst v0  }
0x23e: {  	[tilespmem:$0x2DF8] =	vst v0  }
0x23f: {  	[tilespmem:$0x2DE8] =	vst v0  }
0x240: {  	[tilespmem:$0x2DD8] =	vst v0  }
0x241: {  	[tilespmem:$0x2DC8] =	vst v0  }
0x242: {  	[tilespmem:$0x2DB8] =	vst v0  }
0x243: {  	[tilespmem:$0x2DA8] =	vst v0  }
0x244: {  	[tilespmem:$0x2D98] =	vst v0  }
0x245: {  	[tilespmem:$0x2D88] =	vst v0  }
0x246: {  	[tilespmem:$0x2D78] =	vst v0  }
0x247: {  	[tilespmem:$0x2D68] =	vst v0  }
0x248: {  	[tilespmem:$0x2D58] =	vst v0  }
0x249: {  	[tilespmem:$0x2D48] =	vst v0  }
0x24a: {  	[tilespmem:$0x2D38] =	vst v0  }
0x24b: {  	[tilespmem:$0x2D28] =	vst v0  }
0x24c: {  	[tilespmem:$0x2D18] =	vst v0  }
0x24d: {  	[tilespmem:$0x2D08] =	vst v0  }
0x24e: {  	[tilespmem:$0x2CF8] =	vst v0  }
0x24f: {  	[tilespmem:$0x2CE8] =	vst v0  }
0x250: {  	[tilespmem:$0x2CD8] =	vst v0  }
0x251: {  	[tilespmem:$0x2CC8] =	vst v0  }
0x252: {  	[tilespmem:$0x2CB8] =	vst v0  }
0x253: {  	[tilespmem:$0x2CA8] =	vst v0  }
0x254: {  	[tilespmem:$0x2C98] =	vst v0  }
0x255: {  	[tilespmem:$0x2C88] =	vst v0  }
0x256: {  	[tilespmem:$0x2C78] =	vst v0  }
0x257: {  	[tilespmem:$0x2C68] =	vst v0  }
0x258: {  	[tilespmem:$0x2C58] =	vst v0  }
0x259: {  	[tilespmem:$0x2C48] =	vst v0  }
0x25a: {  	[tilespmem:$0x2C38] =	vst v0  }
0x25b: {  	[tilespmem:$0x2C28] =	vst v0  }
0x25c: {  	[tilespmem:$0x2C18] =	vst v0  }
0x25d: {  	[tilespmem:$0x2C08] =	vst v0  }
0x25e: {  	[tilespmem:$0x2BF8] =	vst v0  }
0x25f: {  	[tilespmem:$0x2BE8] =	vst v0  }
0x260: {  	[tilespmem:$0x2BD8] =	vst v0  }
0x261: {  	[tilespmem:$0x2BC8] =	vst v0  }
0x262: {  	[tilespmem:$0x2BB8] =	vst v0  }
0x263: {  	[tilespmem:$0x2BA8] =	vst v0  }
0x264: {  	[tilespmem:$0x2B98] =	vst v0  }
0x265: {  	[tilespmem:$0x2B88] =	vst v0  }
0x266: {  	[tilespmem:$0x2B78] =	vst v0  }
0x267: {  	[tilespmem:$0x2B68] =	vst v0  }
0x268: {  	[tilespmem:$0x2B58] =	vst v0  }
0x269: {  	[tilespmem:$0x2B48] =	vst v0  }
0x26a: {  	[tilespmem:$0x2B38] =	vst v0  }
0x26b: {  	[tilespmem:$0x2B28] =	vst v0  }
0x26c: {  	[tilespmem:$0x2B18] =	vst v0  }
0x26d: {  	[tilespmem:$0x2B08] =	vst v0  }
0x26e: {  	[tilespmem:$0x2AF8] =	vst v0  }
0x26f: {  	[tilespmem:$0x2AE8] =	vst v0  }
0x270: {  	[tilespmem:$0x2AD8] =	vst v0  }
0x271: {  	[tilespmem:$0x2AC8] =	vst v0  }
0x272: {  	[tilespmem:$0x2AB8] =	vst v0  }
0x273: {  	[tilespmem:$0x2AA8] =	vst v0  }
0x274: {  	[tilespmem:$0x2A98] =	vst v0  }
0x275: {  	[tilespmem:$0x2A88] =	vst v0  }
0x276: {  	[tilespmem:$0x2A78] =	vst v0  }
0x277: {  	[tilespmem:$0x2A68] =	vst v0  }
0x278: {  	[tilespmem:$0x2A58] =	vst v0  }
0x279: {  	[tilespmem:$0x2A48] =	vst v0  }
0x27a: {  	[tilespmem:$0x2A38] =	vst v0  }
0x27b: {  	[tilespmem:$0x2A28] =	vst v0  }
0x27c: {  	[tilespmem:$0x2A18] =	vst v0  }
0x27d: {  	[tilespmem:$0x2A08] =	vst v0  }
0x27e: {  	[tilespmem:$0x29F8] =	vst v0  }
0x27f: {  	[tilespmem:$0x29E8] =	vst v0  }
0x280: {  	[tilespmem:$0x29D8] =	vst v0  }
0x281: {  	[tilespmem:$0x29C8] =	vst v0  }
0x282: {  	[tilespmem:$0x29B8] =	vst v0  }
0x283: {  	[tilespmem:$0x29A8] =	vst v0  }
0x284: {  	[tilespmem:$0x2998] =	vst v0  }
0x285: {  	[tilespmem:$0x2988] =	vst v0  }
0x286: {  	[tilespmem:$0x2978] =	vst v0  }
0x287: {  	[tilespmem:$0x2968] =	vst v0  }
0x288: {  	[tilespmem:$0x2958] =	vst v0  }
0x289: {  	[tilespmem:$0x2948] =	vst v0  }
0x28a: {  	[tilespmem:$0x2938] =	vst v0  }
0x28b: {  	[tilespmem:$0x2928] =	vst v0  }
0x28c: {  	[tilespmem:$0x2918] =	vst v0  }
0x28d: {  	[tilespmem:$0x2908] =	vst v0  }
0x28e: {  	[tilespmem:$0x28F8] =	vst v0  }
0x28f: {  	[tilespmem:$0x28E8] =	vst v0  }
0x290: {  	[tilespmem:$0x28D8] =	vst v0  }
0x291: {  	[tilespmem:$0x28C8] =	vst v0  }
0x292: {  	[tilespmem:$0x28B8] =	vst v0  }
0x293: {  	[tilespmem:$0x28A8] =	vst v0  }
0x294: {  	[tilespmem:$0x2898] =	vst v0  }
0x295: {  	[tilespmem:$0x2888] =	vst v0  }
0x296: {  	[tilespmem:$0x2878] =	vst v0  }
0x297: {  	[tilespmem:$0x2868] =	vst v0  }
0x298: {  	[tilespmem:$0x2858] =	vst v0  }
0x299: {  	[tilespmem:$0x2848] =	vst v0  }
0x29a: {  	[tilespmem:$0x2838] =	vst v0  }
0x29b: {  	[tilespmem:$0x2828] =	vst v0  }
0x29c: {  	[tilespmem:$0x2818] =	vst v0  }
0x29d: {  	[tilespmem:$0x2808] =	vst v0  }
0x29e: {  	[tilespmem:$0x27F8] =	vst v0  }
0x29f: {  	[tilespmem:$0x27E8] =	vst v0  }
0x2a0: {  	[tilespmem:$0x27D8] =	vst v0  }
0x2a1: {  	[tilespmem:$0x27C8] =	vst v0  }
0x2a2: {  	[tilespmem:$0x27B8] =	vst v0  }
0x2a3: {  	[tilespmem:$0x27A8] =	vst v0  }
0x2a4: {  	[tilespmem:$0x2798] =	vst v0  }
0x2a5: {  	[tilespmem:$0x2788] =	vst v0  }
0x2a6: {  	[tilespmem:$0x2778] =	vst v0  }
0x2a7: {  	[tilespmem:$0x2768] =	vst v0  }
0x2a8: {  	[tilespmem:$0x2758] =	vst v0  }
0x2a9: {  	[tilespmem:$0x2748] =	vst v0  }
0x2aa: {  	[tilespmem:$0x2738] =	vst v0  }
0x2ab: {  	[tilespmem:$0x2728] =	vst v0  }
0x2ac: {  	[tilespmem:$0x2718] =	vst v0  }
0x2ad: {  	[tilespmem:$0x2708] =	vst v0  }
0x2ae: {  	[tilespmem:$0x26F8] =	vst v0  }
0x2af: {  	[tilespmem:$0x26E8] =	vst v0  }
0x2b0: {  	[tilespmem:$0x26D8] =	vst v0  }
0x2b1: {  	[tilespmem:$0x26C8] =	vst v0  }
0x2b2: {  	[tilespmem:$0x26B8] =	vst v0  }
0x2b3: {  	[tilespmem:$0x26A8] =	vst v0  }
0x2b4: {  	[tilespmem:$0x2698] =	vst v0  }
0x2b5: {  	[tilespmem:$0x2688] =	vst v0  }
0x2b6: {  	[tilespmem:$0x2678] =	vst v0  }
0x2b7: {  	[tilespmem:$0x2668] =	vst v0  }
0x2b8: {  	[tilespmem:$0x2658] =	vst v0  }
0x2b9: {  	[tilespmem:$0x2648] =	vst v0  }
0x2ba: {  	[tilespmem:$0x2638] =	vst v0  }
0x2bb: {  	[tilespmem:$0x2628] =	vst v0  }
0x2bc: {  	[tilespmem:$0x2618] =	vst v0  }
0x2bd: {  	[tilespmem:$0x2608] =	vst v0  }
0x2be: {  	[tilespmem:$0x25F8] =	vst v0  }
0x2bf: {  	[tilespmem:$0x25E8] =	vst v0  }
0x2c0: {  	[tilespmem:$0x25D8] =	vst v0  }
0x2c1: {  	[tilespmem:$0x25C8] =	vst v0  }
0x2c2: {  	[tilespmem:$0x25B8] =	vst v0  }
0x2c3: {  	[tilespmem:$0x25A8] =	vst v0  }
0x2c4: {  	[tilespmem:$0x2598] =	vst v0  }
0x2c5: {  	[tilespmem:$0x2588] =	vst v0  }
0x2c6: {  	[tilespmem:$0x2578] =	vst v0  }
0x2c7: {  	[tilespmem:$0x2568] =	vst v0  }
0x2c8: {  	[tilespmem:$0x2558] =	vst v0  }
0x2c9: {  	[tilespmem:$0x2548] =	vst v0  }
0x2ca: {  	[tilespmem:$0x2538] =	vst v0  }
0x2cb: {  	[tilespmem:$0x2528] =	vst v0  }
0x2cc: {  	[tilespmem:$0x2518] =	vst v0  }
0x2cd: {  	[tilespmem:$0x2508] =	vst v0  }
0x2ce: {  	[tilespmem:$0x24F8] =	vst v0  }
0x2cf: {  	[tilespmem:$0x24E8] =	vst v0  }
0x2d0: {  	[tilespmem:$0x24D8] =	vst v0  }
0x2d1: {  	[tilespmem:$0x24C8] =	vst v0  }
0x2d2: {  	[tilespmem:$0x24B8] =	vst v0  }
0x2d3: {  	[tilespmem:$0x24A8] =	vst v0  }
0x2d4: {  	[tilespmem:$0x2498] =	vst v0  }
0x2d5: {  	[tilespmem:$0x2488] =	vst v0  }
0x2d6: {  	[tilespmem:$0x2478] =	vst v0  }
0x2d7: {  	[tilespmem:$0x2468] =	vst v0  }
0x2d8: {  	[tilespmem:$0x2458] =	vst v0  }
0x2d9: {  	[tilespmem:$0x2448] =	vst v0  }
0x2da: {  	[tilespmem:$0x2438] =	vst v0  }
0x2db: {  	[tilespmem:$0x2428] =	vst v0  }
0x2dc: {  	[tilespmem:$0x2418] =	vst v0  }
0x2dd: {  	[tilespmem:$0x2408] =	vst v0  }
0x2de: {  	[tilespmem:$0x23F8] =	vst v0  }
0x2df: {  	[tilespmem:$0x23E8] =	vst v0  }
0x2e0: {  	[tilespmem:$0x23D8] =	vst v0  }
0x2e1: {  	[tilespmem:$0x23C8] =	vst v0  }
0x2e2: {  	[tilespmem:$0x23B8] =	vst v0  }
0x2e3: {  	[tilespmem:$0x23A8] =	vst v0  }
0x2e4: {  	[tilespmem:$0x2398] =	vst v0  }
0x2e5: {  	[tilespmem:$0x2388] =	vst v0  }
0x2e6: {  	[tilespmem:$0x2378] =	vst v0  }
0x2e7: {  	[tilespmem:$0x2368] =	vst v0  }
0x2e8: {  	[tilespmem:$0x2358] =	vst v0  }
0x2e9: {  	[tilespmem:$0x2348] =	vst v0  }
0x2ea: {  	[tilespmem:$0x2338] =	vst v0  }
0x2eb: {  	[tilespmem:$0x2328] =	vst v0  }
0x2ec: {  	[tilespmem:$0x2318] =	vst v0  }
0x2ed: {  	[tilespmem:$0x2308] =	vst v0  }
0x2ee: {  	[tilespmem:$0x22F8] =	vst v0  }
0x2ef: {  	[tilespmem:$0x22E8] =	vst v0  }
0x2f0: {  	[tilespmem:$0x22D8] =	vst v0  }
0x2f1: {  	[tilespmem:$0x22C8] =	vst v0  }
0x2f2: {  	[tilespmem:$0x22B8] =	vst v0  }
0x2f3: {  	[tilespmem:$0x22A8] =	vst v0  }
0x2f4: {  	[tilespmem:$0x2298] =	vst v0  }
0x2f5: {  	[tilespmem:$0x2288] =	vst v0  }
0x2f6: {  	[tilespmem:$0x2278] =	vst v0  }
0x2f7: {  	s10 =	stileid.u32;
	[tilespmem:$0x2268] =	vst v0  }
0x2f8: {  	s0 =	simm.s32 $0x1;
	p0 =	sne.s32 s10, $0x0;
	s1 =	smul.u32 $0xD, s10;
	[tilespmem:$0x2258] =	vst v0  }
0x2f9: {  	s0 =	simm.s32 @!p0 $0x0;
	[tilespmem:$0x2248] =	vst v0  }
0x2fa: {  	[tilespmem:$0x2238] =	vst v0;
	s0 =	sadd.s32 s0, s1  }
0x2fb: {  	p1 =	seq.s32 s10, $0x0;
	[tilespmem:$0x2228] =	vst v0;
	s1 =	simm.s32 $0x1500;
	s8 =	smul.u32 $0x180, s0  }
0x2fc: {  	s1 =	simm.s32 @!p1 $0x1380;
	[tilespmem:$0x21F8] =	vst v0  }
0x2fd: {  	[tilespmem:$0x2208] =	vst v0;
	s0 =	sadd.s32 s1, s8  }
0x2fe: {  	s4 =	simm.s32 $0x2;
	[tilespmem:$0x21E8] =	vst v0;
	s9 =	smin.u32 s0, $0x13880  }
0x2ff: {  	s31 =	simm.s32 $0x9;
	s5 =	simm.s32 $0xA;
	[tilespmem:$0x2188] =	vst v0;
	s0 =	ssub.s32 s9, s8  }
0x300: {  	s12 =	simm.s32 $0xB;
	s18 =	simm.s32 $0x0;
	[tilespmem:$0x21D8] =	vst v0;
	p1 =	sgt.s32 s0, $0x0  }
0x301: {  	p2 =	por $0x0, $0x0;
	s19 =	simm.s32 $0xC;
	[tilespmem:$0x21C8] =	vst v0;
	s0 =	simm.s32 @!p1 $0x0  }
0x302: {  	s23 =	simm.s32 $0x0;
	s20 =	simm.s32 $0x0;
	[tilespmem:$0x21B8] =	vst v0;
	s30 =	smulhi.u32 $0x2AAAAAAB, s0  }
0x303: {  	s22 =	simm.s32 $0x0;
	s2 =	sand.u32 $0x1, s2;
	s16 =	sshll.u32 s10, $0x6;
	[tilespmem:$0x21A8] =	vst v0  }
0x304: {  	s1 =	sshrl.u32 s30, $0x6;
	[tilespmem:$0x2198] =	vst v0;
	[dreg:$0x4] =	wrdreg s2;
	s2 =	smul.u32 $0x2710, s2  }
0x305: {  	[tilespmem:$0x2178] =	vst v0;
	[sflag:s4] =	ssyncpa.u1 $0x0;
	v0 =	vimm.s32 $0xFFFFFFFF;
	s4 =	sadd.s32 $0x17200, s7;
	s6 =	smul.u32 $0x180, s1  }
.Ltmp0:
0x306: {  	[tilespmem:$0x6088] =	vst v0;
	[sflag:s31] =	ssyncpa.u1 $0x0;
	s2 =	sadd.s32 s2, s7;
	(pc) =	sbr.rel .LBB2_1-.Ltmp0, $4  }
0x307: {  	[sflag:s5] =	ssyncpa.u1 $0x0;
	p1 =	sne.s32 s0, s6;
	s0 =	simm.s32 $0x1  }
0x308: {  	s7 =	sadd.s32 $0xB6A00, s7;
	[sflag:s12] =	ssyncpa.u1 $0x0;
	s0 =	simm.s32 @!p1 $0x0  }
0x309: {  	s14 =	sadd.s32 $0x11A00, s2;
	s15 =	sadd.s32 $0xCA00, s2;
	s13 =	sadd.s32 s0, s1  }
0x30a: {  	v0 =	vlaneseq.u32;
	s21 =	smov.u32 s8;
	p1 =	por $0x1, $0x1;
	s17 =	sadd.s32 $0x1, s13  }
.LBB2_22:
0x30b: {  	s0 =	sshrl.u32 s0, $0x2  }
.LBB2_24:
0x30c: {  	_ =	swait.ge [sflag:s19], s0  }
0x30d: {  	s30 =	ssub.s32 $0x0, s0;
	v1 =	vmov s25;
	vm0 =	veq.s32 v0, $0x0;
	[sflag:s19] =	ssyncset.done $0x0  }
0x30e: {  	vm15 =	veq.s32 v0, $0x2;
	v1 =	vsel vm0, s31, v1;
	[sflag:s19] =	ssyncadd.s32 s30  }
0x30f: {  	v1 =	vsel vm15, s23, v1;
	[sflag:s19] =	ssyncpa.u1 $0x1  }
0x310: {  	[tilespmem:$0x6088] =	vst v1  }
.LBB2_25:
0x311: {  	s0 =	sadd.s32 $0x180, s21  }
0x312: {  	s1 =	smov.u32 s8;
	p3 =	slt.s32 s0, s9  }
0x313: {  	s1 =	smov.u32 @p3 s0;
	p3 =	sne.s32 s22, s17  }
.Ltmp1:
0x314: {  	_ = 	snop;
	(pc) =	sbr.rel @!p3 .LBB2_26-.Ltmp1, $4  }
0x315: {  	_ = 	snop  }
0x316: {  	s23 =	smov.u32 s20  }
0x317: {  	s31 =	sadd.s32 $0x1, s22;
	s20 =	smov.u32 s21;
	p1 =	por !p1, !p1  }
0x318: {  	p2 =	por !p2, !p2;
	s22 =	smov.u32 s31;
	s21 =	smov.u32 s1  }
.LBB2_1:
0x319: {  	p3 =	sge.u32 s22, s13  }
0x31a: {  	s0 =	smulhi.u32 @!p3 $0xAAAAAAAB, s22  }
0x31b: {  	s1 =	smov.u32 s21;
	p4 =	sgt.s32 @!p3 s21, $0x13700  }
0x31c: {  	s2 =	sshra.s32 @!p3 s21, $0x1F;
	p4 =	por !p4, p3;
	s0 =	sshrl.u32 @!p3 s0, $0x1  }
0x31d: {  	s2 =	sand.u32 @!p3 s2, s21;
	s1 =	simm.s32 @p4 $0x13700;
	s0 =	smul.u32 @!p3 $0x3, s0  }
0x31e: {  	s1 =	ssub.s32 @!p3 s1, s2  }
0x31f: {  	s1 =	sadd.s32 @!p3 $0xFFFEC900, s1;
	s0 =	ssub.s32 @!p3 s22, s0  }
0x320: {  	s2 =	sshll.u32 @!p3 s1, $0x2;
	p4 =	sgt.s32 @!p3 s1, $0x17F;
	s0 =	smul.u32 @!p3 $0x600, s0  }
0x321: {  	s5 =	sand.u32 @!p3 $0x7, s21;
	s1 =	ssub.s32 @!p3 $0x600, s2;
	p4 =	por !p4, p3  }
0x322: {  	s2 =	sshrl.u32 @!p3 s21, $0x3;
	s1 =	sshrl.u32 @!p3 s1, $0x2;
	s0 =	sshrl.u32 @!p3 s0, $0x2  }
0x323: {  	s2 =	sadd.s32 @!p3 s2, s14;
	s1 =	simm.s32 @!p4 $0x0;
	s0 =	sadd.s32 @!p3 $0x64C8, s0  }
0x324: {  	[tilespmem:s0], [sflag:$0xA] =	stream.linear.gather @!p3 [hbm4b:s2+s5], s1, $0x38;
	[tilespmem:$0x1EC48] =	vst v63  }
0x325: {  	s1 =	sadd.s32 $0xFFFFFFFF, s22  }
0x326: {  	p3 =	sge.u32 s1, s13  }
0x327: {  	p4 =	sgt.s32 @!p3 s20, $0x13700  }
0x328: {  	s0 =	smov.u32 s20;
	s2 =	sshra.s32 @!p3 s20, $0x1F;
	p4 =	por !p4, p3  }
0x329: {  	s2 =	sand.u32 @!p3 s2, s20;
	s0 =	simm.s32 @p4 $0x13700  }
0x32a: {  	s0 =	ssub.s32 @!p3 s0, s2  }
0x32b: {  	s0 =	sadd.s32 @!p3 $0xFFFEC900, s0  }
0x32c: {  	s2 =	sshll.u32 @!p3 s0, $0x2  }
0x32d: {  	p4 =	sgt.s32 @!p3 s0, $0x17F;
	s0 =	ssub.s32 @!p3 $0x600, s2  }
0x32e: {  	p4 =	por !p4, p3;
	s0 =	sshrl.u32 @!p3 s0, $0x2  }
0x32f: {  	s5 =	simm.s32 @!p3 $0xA;
	s2 =	sand.u32 @!p3 $0x1, s1;
	s0 =	simm.s32 @!p4 $0x0  }
0x330: {  	s2 =	smul.u32 @!p3 $0x600, s2;
	_ =	swait.ge @!p3 [sflag:s5], s0  }
0x331: {  	s6 =	ssub.s32 @!p3 $0x0, s0;
	[sflag:s5] =	ssyncset.done @!p3 $0x0  }
0x332: {  	s2 =	sshrl.u32 @!p3 s2, $0x2;
	[sflag:s5] =	ssyncadd.s32 @!p3 s6;
	s5 =	sshrl.u32 @!p3 s20, $0x3  }
0x333: {  	s2 =	sadd.s32 @!p3 $0x6948, s2;
	s6 =	sand.u32 @!p3 $0x7, s20;
	s5 =	sadd.s32 @!p3 s5, s15  }
0x334: {  	[tilespmem:s2], [sflag:$0xB] =	stream.linear.gather @!p3 [hbm4b:s5+s6], s0, $0x38;
	[tilespmem:$0x1EC48] =	vst v63  }
0x335: {  	s0 =	ssub.s32 @!p3 $0x13880, s20  }
0x336: {  	p4 =	slt.s32 @!p3 s0, $0x1  }
0x337: {  	p4 =	por p3, p4  }
.Ltmp2:
0x338: {  	_ = 	snop;
	(pc) =	sbr.rel @p4 .LBB2_7-.Ltmp2, $1  }
0x339: {  	_ =	sdelay $0x3  }
0x33a: {  	s2 =	smulhi.u32 $0xAAAAAAAB, s1;
	_ =	sdelay $0x1  }
0x33b: {  	s2 =	sshrl.u32 s2, $0x1  }
0x33c: {  	s2 =	smul.u32 $0x3, s2;
	_ =	sdelay $0x1  }
0x33d: {  	s29 =	ssub.s32 s1, s2  }
0x33e: {  	s5 =	simm.s32 $0x1;
	s1 =	smul.u32 $0x600, s29  }
.Ltmp3:
0x33f: {  	s5 =	simm.s32 @!p1 $0x0;
	(pc) =	sbr.rel .LBB2_4-.Ltmp3, $4  }
0x340: {  	s30 =	smul.u32 $0x30000, s5  }
0x341: {  	p4 =	slt.s32 @!p3 s0, $0x180;
	s1 =	sshrl.u32 s1, $0x2  }
0x342: {  	p3 =	por !p4, p3;
	s2 =	sshrl.u32 s30, $0x2;
	s31 =	sadd.s32 $0x64C8, s1  }
0x343: {  	s24 =	simm.s32 $0x0;
	s0 =	simm.s32 @p3 $0x180;
	s1 =	sadd.s32 $0x6C48, s2;
	v1 =	vmov s31  }
.LBB2_3:
0x344: {  	p3 =	sge.s32 s24, s0  }
.Ltmp4:
0x345: {  	_ = 	snop;
	(pc) =	sbr.rel @p3 .LBB2_7-.Ltmp4, $2  }
0x346: {  	_ =	sdelay $0x2  }
0x347: {  	s1 =	sadd.s32 $0x800, s1  }
.LBB2_4:
0x348: {  	p3 =	sle.s32 s0, s24  }
.Ltmp5:
0x349: {  	_ = 	snop;
	(pc) =	sbr.rel @p3 .LBB2_3-.Ltmp5, $2  }
0x34a: {  	_ =	sdelay $0x2  }
0x34b: {  	s2 =	smov.u32 s24;
	s24 =	sadd.s32 $0x10, s24  }
0x34c: {  	s5 =	ssub.s32 s0, s2  }
0x34d: {  	p3 =	slt.s32 s5, $0x10  }
0x34e: {  	s5 =	simm.s32 @!p3 $0x10  }
0x34f: {  	v2 =	vmov s5  }
0x350: {  	vm0 =	vgt.s32 v2, v0;
	_ =	sdelay $0x5  }
0x351: {  	v2 =	vld.idx.msk [tilespmem:v1+s2+$0x0 ss:$0x1], vm0;
	_ =	sdelay $0x2  }
0x352: {  	s6 =	smov.u32 s0;
	p3 =	slt.s32 s24, s0  }
0x353: {  	s25 =	simm.s32 $0x0;
	s6 =	smov.u32 @p3 s24;
	s5 =	smov.u32 s1  }
.LBB2_6:
0x354: {  	(v2sf) =	vpush v2, s25;
	_ =	sdelay $0xc  }
0x355: {  	s25 =	sadd.s32 $0x1, s25  }
0x356: {  	s31 =	sadd.s32 s25, s2  }
0x357: {  	p3 =	slt.s32 s31, s6;
	s10 =	spop (v2sf)  }
.Ltmp6:
0x358: {  	s10 =	sshll.u32 s10, $0x4;
	(pc) =	sbr.rel @p3 .LBB2_6-.Ltmp6, $4  }
0x359: {  	s10 =	sand.u32 $0x1FFFFFF0, s10  }
0x35a: {  	s10 =	sadd.s32 s7, s10  }
0x35b: {  	[tilespmem:s5], [sflag:$0x9] =	stream.linear.gather [hbm4b:s10+s18], $0x20, $0x38;
	[tilespmem:$0x1EC48] =	vst v63  }
0x35c: {  	s5 =	sadd.s32 $0x80, s5  }
.Ltmp7:
0x35d: {  	_ = 	snop;
	(pc) =	sbr.rel .LBB2_3-.Ltmp7, $1  }
0x35e: {  	_ =	sdelay $0x3  }
.LBB2_7:
0x35f: {  	p3 =	slt.u32 s22, $0x2  }
.Ltmp8:
0x360: {  	_ = 	snop;
	(pc) =	sbr.rel @p3 .LBB2_25-.Ltmp8, $1  }
0x361: {  	_ =	sdelay $0x3  }
0x362: {  	p3 =	sgt.s32 s23, $0x13700  }
0x363: {  	s0 =	smov.u32 s23;
	s1 =	sshra.s32 s23, $0x1F;
	s2 =	ssub.s32 $0x13880, s23  }
0x364: {  	s0 =	simm.s32 @!p3 $0x13700;
	s1 =	sand.u32 s1, s23;
	p3 =	slt.s32 s2, $0x180  }
0x365: {  	s0 =	ssub.s32 s0, s1;
	s2 =	simm.s32 @!p3 $0x180  }
0x366: {  	s0 =	sadd.s32 $0xFFFEC900, s0;
	s11 =	sshll.u32 s2, $0x5  }
0x367: {  	s26 =	simm.s32 $0x9;
	s24 =	sshll.u32 s0, $0x2;
	s1 =	sand.u32 $0x3FFFFFE0, s11  }
0x368: {  	p3 =	sgt.s32 s0, $0x17F;
	s25 =	ssub.s32 $0x600, s24;
	_ =	swait.ge [sflag:s26], s1  }
0x369: {  	s1 =	ssub.s32 $0x0, s1;
	[sflag:s26] =	ssyncset.done $0x0;
	s0 =	sshrl.u32 s25, $0x2  }
0x36a: {  	[sflag:s26] =	ssyncadd.s32 s1;
	s0 =	simm.s32 @p3 $0x0  }
0x36b: {  	_ =	swait.ge [sflag:s12], s0  }
0x36c: {  	s0 =	ssub.s32 $0x0, s0;
	[sflag:s12] =	ssyncset.done $0x0  }
0x36d: {  	[sflag:s12] =	ssyncadd.s32 s0  }
0x36e: {  	v1 =	vld [tilespmem:$0x6088];
	_ =	sdelay $0x4  }
0x36f: {  	(v2sf) =	vpush v1, $0x0  }
0x370: {  	(v2sf) =	vpush v1, $0x1  }
0x371: {  	(v2sf) =	vpush v1, $0x2;
	_ =	sdelay $0x3  }
0x372: {  	s0 =	sadd.s32 $0x180, s23  }
0x373: {  	s1 =	ssub.s32 $0x27100, s23;
	p3 =	slt.s32 s9, s0  }
0x374: {  	s0 =	smov.u32 @p3 s9;
	p3 =	sgt.s32 s1, $0x0  }
0x375: {  	s28 =	ssub.s32 s0, s23;
	s1 =	simm.s32 @!p3 $0x0  }
0x376: {  	p3 =	slt.s32 s1, s28  }
0x377: {  	s28 =	smov.u32 @p3 s1  }
0x378: {  	s26 =	simm.s32 $0x1;
	p3 =	slt.s32 s28, $0x1  }
.Ltmp9:
0x379: {  	s26 =	simm.s32 @!p2 $0x0;
	(pc) =	sbr.rel @p3 .LBB2_12-.Ltmp9, $4  }
0x37a: {  	s30 =	smul.u32 $0x600, s26  }
0x37b: {  	s0 =	spop (v2sf)  }
0x37c: {  	s31 =	sshrl.u32 s30, $0x2;
	s29 =	spop (v2sf)  }
0x37d: {  	s24 =	sadd.s32 $0x6948, s31;
	s23 =	spop (v2sf)  }
0x37e: {  	s1 =	smin.u32 s28, $0x10  }
0x37f: {  	v1 =	vmov s1  }
0x380: {  	p4 =	sgt.s32 s28, $0x10;
	vm1 =	vgt.u32 v1, v0  }
.Ltmp10:
0x381: {  	_ = 	snop;
	(pc) =	sbr.rel @!p4 .LBB2_11-.Ltmp10, $2  }
0x382: {  	_ =	sdelay $0x2  }
0x383: {  	s2 =	simm.s32 $0x10;
	s25 =	sadd.s32 $0xFFFFFFF0, s28;
	s1 =	smov.u32 s24;
	vm0 =	vmmov vm1  }
.LBB2_10:
0x384: {  	s5 =	smin.u32 s25, $0x10;
	s2 =	sadd.s32 $0x10, s2;
	v1 =	vld.msk [tilespmem:s1+$0x0 ss:$0x1], vm1  }
0x385: {  	v2 =	vmov s5;
	p4 =	slt.s32 s2, s28  }
0x386: {  	vm1 =	vgt.u32 v2, v0  }
.Ltmp11:
0x387: {  	(pc) =	sbr.rel @p4 .LBB2_10-.Ltmp11, $3  }
0x388: {  	_ =	sdelay $0x1  }
0x389: {  	v1 =	vshll.u32 v1, $0x4  }
0x38a: {  	s25 =	sadd.s32 $0xFFFFFFF0, s25;
	[tilespmem:s1+$0x0] =	vst.msk vm0, v1;
	s1 =	sadd.s32 $0x10, s1;
	vm0 =	vmmov vm1  }
.LBB2_11:
0x38b: {  	_ =	sdelay $0x4  }
0x38c: {  	v1 =	vld.msk [tilespmem:s1+$0x0 ss:$0x1], vm1;
	_ =	sdelay $0x4  }
0x38d: {  	v1 =	vshll.u32 v1, $0x4  }
0x38e: {  	[tilespmem:s1+$0x0] =	vst.msk vm0, v1  }
.LBB2_12:
0x38f: {  	s1 =	sand.u32 $0x1, s22  }
0x390: {  	s1 =	smul.u32 $0x180, s1  }
0x391: {  	p4 =	sne.s32 s29, $0xFFFFFFFF  }
0x392: {  	v1 =	vld.msk @!p4 [tilespmem:s1+$0x6948], $0x1;
	_ =	sdelay $0x4  }
0x393: {  	(v2sf) =	vpush @!p4 v1, $0x0;
	_ =	sdelay $0xc  }
.Ltmp12:
0x394: {  	_ = 	snop;
	(pc) =	sbr.rel @p3 .LBB2_23-.Ltmp12, $4  }
0x395: {  	_ = 	snop  }
0x396: {  	s30 =	spop @!p4 (v2sf)  }
0x397: {  	s23 =	simm.s32 @!p4 $0x0;
	s25 =	smov.u32 s30  }
0x398: {  	[sflag:s19] =	ssyncpa.u1 $0x0;
	s30 =	smov.u32 @p4 s0;
	s25 =	smov.u32 @p4 s29  }
0x399: {  	v1 =	vld.msk [tilespmem:s24+$0x0], $0x1;
	_ =	sdelay $0x4  }
0x39a: {  	(v2sf) =	vpush v1, $0x0;
	_ =	sdelay $0xe  }
0x39b: {  	s0 =	smul.u32 $0x30000, s26;
	s1 =	spop (v2sf)  }
0x39c: {  	s28 =	ssub.s32 $0x0, s28;
	p3 =	seq.s32 s30, s1  }
0x39d: {  	s31 =	sadd.s32 $0x1, s28;
	s0 =	sshrl.u32 s0, $0x2;
	p4 =	sgt.s32 @!p3 s30, $0x0  }
0x39e: {  	s26 =	sadd.s32 $0x6C58, s0;
	s0 =	smov.u32 s30;
	p4 =	por !p4, p3  }
0x39f: {  	s0 =	simm.s32 @p4 $0x0;
	p4 =	seq.s32 s31, $0x0  }
.Ltmp13:
0x3a0: {  	_ = 	snop;
	(pc) =	sbr.rel @p4 .LBB2_15-.Ltmp13, $4  }
0x3a1: {  	_ = 	snop  }
0x3a2: {  	s29 =	simm.s32 $0x0;
	s2 =	simm.s32 @!p3 $0x1;
	s0 =	smin.u32 @!p3 s0, $0x270FC  }
0x3a3: {  	s6 =	simm.s32 @!p3 $0x3068;
	s2 =	smov.u32 @p3 s29;
	s10 =	sand.u32 @!p3 $0x3FFF8, s0  }
0x3a4: {  	s5 =	sand.u32 @!p3 $0x7, s0;
	s0 =	sadd.s32 $0x1, s24;
	s10 =	sadd.s32 @!p3 s4, s10  }
.LBB2_14:
0x3a5: {  	s11 =	smov.u32 s2  }
0x3a6: {  	[tilespmem:s6], [sflag:$0x2] =	stream.linear.gather @!p3 [hbm4b:s10+s5], $0x20, $0x38;
	[tilespmem:$0x1EC48] =	vst v63  }
0x3a7: {  	s31 =	sadd.s32 $0x1, s31;
	s5 =	smov.u32 s1;
	v1 =	vld.msk [tilespmem:s0+$0x0], $0x1  }
0x3a8: {  	p4 =	seq.s32 s31, $0x0;
	_ =	sdelay $0x3  }
0x3a9: {  	(v2sf) =	vpush v1, $0x0;
	_ =	sdelay $0xe  }
0x3aa: {  	s1 =	spop (v2sf)  }
0x3ab: {  	p3 =	seq.s32 s5, s1  }
0x3ac: {  	p5 =	sgt.s32 @!p3 s5, $0x0;
	s6 =	sshll.u32 @!p3 s2, $0x7;
	s2 =	sadd.s32 @!p3 $0x1, s2  }
.Ltmp14:
0x3ad: {  	p5 =	por !p5, p3;
	s6 =	sshra.s32 @!p3 s6, $0x2;
	(pc) =	sbr.rel @!p4 .LBB2_14-.Ltmp14, $4  }
0x3ae: {  	s2 =	smov.u32 @p3 s11;
	s5 =	simm.s32 @p5 $0x0;
	s6 =	sadd.s32 @!p3 $0x3068, s6  }
0x3af: {  	s5 =	smin.u32 @!p3 s5, $0x270FC  }
0x3b0: {  	s10 =	sand.u32 @!p3 $0x3FFF8, s5;
	s5 =	sand.u32 @!p3 $0x7, s5  }
0x3b1: {  	s0 =	sadd.s32 $0x1, s0;
	s10 =	sadd.s32 @!p3 s4, s10  }
.LBB2_15:
0x3b2: {  	[tilespmem:s6], [sflag:$0x2] =	stream.linear.gather @!p3 [hbm4b:s10+s5], $0x20, $0x38;
	[tilespmem:$0x1EC48] =	vst v63  }
.Ltmp15:
0x3b3: {  	s0 =	sshll.u32 s2, $0x5;
	(pc) =	sbr.rel .LBB2_16-.Ltmp15, $4  }
0x3b4: {  	s1 =	simm.s32 $0x2;
	s0 =	sand.u32 $0x3FFFFFE0, s0  }
0x3b5: {  	_ =	swait.ge [sflag:s1], s0  }
0x3b6: {  	s0 =	ssub.s32 $0x0, s0;
	[sflag:s1] =	ssyncset.done $0x0  }
0x3b7: {  	[sflag:s1] =	ssyncadd.s32 s0;
	s0 =	simm.s32 $0x0  }
.LBB2_17:
0x3b8: {  	v1 =	vld [tilespmem:s26+$0xFFFFFFF0];
	_ =	sdelay $0x4  }
0x3b9: {  	[tilespmem:s1+$0x48] =	vst.add.f32.msk $0xffff, v1  }
0x3ba: {  	v1 =	vld [tilespmem:s26+$0x0];
	_ =	sdelay $0x4  }
0x3bb: {  	[tilespmem:s1+$0x58] =	vst.add.f32.msk $0xffff, v1  }
.LBB2_21:
0x3bc: {  	s28 =	sadd.s32 $0x1, s28  }
0x3bd: {  	p3 =	seq.s32 s28, $0x0  }
.Ltmp16:
0x3be: {  	_ = 	snop;
	(pc) =	sbr.rel @p3 .LBB2_22-.Ltmp16, $2  }
0x3bf: {  	_ =	sdelay $0x2  }
0x3c0: {  	s26 =	sadd.s32 $0x80, s26;
	s24 =	sadd.s32 $0x1, s24;
	s30 =	smov.u32 s31  }
.LBB2_16:
0x3c1: {  	v1 =	vld.msk [tilespmem:s24+$0x0], $0x1;
	_ =	sdelay $0x4  }
0x3c2: {  	(v2sf) =	vpush v1, $0x0;
	_ =	sdelay $0xe  }
0x3c3: {  	s31 =	spop (v2sf)  }
0x3c4: {  	p3 =	sne.s32 s30, s31  }
.Ltmp17:
0x3c5: {  	_ = 	snop;
	(pc) =	sbr.rel @!p3 .LBB2_17-.Ltmp17, $3  }
0x3c6: {  	_ =	sdelay $0x1  }
0x3c7: {  	s1 =	sshll.u32 s23, $0x7  }
0x3c8: {  	s1 =	sshra.s32 s1, $0x2  }
0x3c9: {  	p3 =	seq.s32 s30, s25  }
.Ltmp18:
0x3ca: {  	_ = 	snop;
	(pc) =	sbr.rel @!p3 .LBB2_19-.Ltmp18, $1  }
0x3cb: {  	_ =	sdelay $0x3  }
.Ltmp19:
0x3cc: {  	s1 =	sadd.s32 $0x48, s1;
	(pc) =	sbr.rel .LBB2_20-.Ltmp19, $4  }
0x3cd: {  	[spmem:s16] =	stream.linear.scatter [tilespmem:s1], [sflag:$0x1], $0x20, $0x38;
	[tilespmem:$0x1EC48] =	vst v63  }
0x3ce: {  	_ =	swait.ge [sflag:s3], $0x20  }
0x3cf: {  	[sflag:s3] =	ssyncset.done $0x0  }
0x3d0: {  	[sflag:s3] =	ssyncadd.s32 $0xFFFFFFE0  }
.LBB2_19:
0x3d1: {  	s2 =	sshll.u32 s29, $0x7  }
0x3d2: {  	s2 =	sshra.s32 s2, $0x2  }
0x3d3: {  	v1 =	vld [tilespmem:s2+$0x3068];
	_ =	sdelay $0x4  }
0x3d4: {  	[tilespmem:s1+$0x48] =	vst.add.f32.msk $0xffff, v1  }
0x3d5: {  	v1 =	vld [tilespmem:s2+$0x3078];
	_ =	sdelay $0x2  }
0x3d6: {  	p3 =	sgt.u32 s30, $0x270FC  }
0x3d7: {  	s2 =	sand.u32 @!p3 $0x3FFF8, s30  }
0x3d8: {  	s5 =	sadd.s32 $0x48, s1;
	[tilespmem:s1+$0x58] =	vst.add.f32.msk $0xffff, v1;
	s1 =	sadd.s32 @!p3 s4, s2;
	s2 =	sand.u32 @!p3 $0x7, s30  }
0x3d9: {  	[hbm4b:s1+s2] =	stream.linear.scatter @!p3 [tilespmem:s5], [sflag:$0xC], $0x20, $0x38;
	[tilespmem:$0x1EC48] =	vst v63  }
0x3da: {  	s1 =	simm.s32 $0x0  }
0x3db: {  	s1 =	simm.s32 @!p3 $0x80  }
0x3dc: {  	s0 =	sadd.s32 s1, s0  }
.LBB2_20:
0x3dd: {  	s1 =	sadd.s32 $0x1, s23  }
0x3de: {  	s2 =	smulhi.u32 $0xAAAAAAAB, s1;
	_ =	sdelay $0x1  }
0x3df: {  	v1 =	vld [tilespmem:s26+$0xFFFFFFF0];
	s2 =	sshrl.u32 s2, $0x8  }
0x3e0: {  	s2 =	smul.u32 $0x180, s2;
	_ =	sdelay $0x1  }
0x3e1: {  	s23 =	ssub.s32 s1, s2  }
0x3e2: {  	s1 =	sshll.u32 s23, $0x5  }
0x3e3: {  	[tilespmem:s1+$0x48] =	vst v1  }
0x3e4: {  	v1 =	vld [tilespmem:s26+$0x0]  }
.Ltmp20:
0x3e5: {  	_ = 	snop;
	(pc) =	sbr.rel .LBB2_21-.Ltmp20, $2  }
0x3e6: {  	_ =	sdelay $0x2  }
0x3e7: {  	s29 =	sadd.s32 $0x1, s29;
	[tilespmem:s1+$0x58] =	vst v1  }
.LBB2_23:
.Ltmp21:
0x3e8: {  	(pc) =	sbr.rel .LBB2_24-.Ltmp21, $4  }
0x3e9: {  	_ = 	snop  }
0x3ea: {  	s0 =	simm.s32 $0x2  }
0x3eb: {  	_ =	swait.ge [sflag:s0], $0x0  }
0x3ec: {  	s31 =	smov.u32 s30;
	[sflag:s0] =	ssyncset.done $0x0;
	s0 =	simm.s32 $0x0  }
.LBB2_26:
0x3ed: {  	_ =	sfence.sel $0x180000  }
0x3ee: {  	s0 =	simm.s32 $0x9;
	[bflag:$0x0] =	sbarrier.arrive $0xFFFF  }
0x3ef: {  	s24 =	simm.s32 $0xA;
	[sflag:s0] =	ssyncpa.u1 $0x1  }
0x3f0: {  	s25 =	simm.s32 $0xB;
	[sflag:s24] =	ssyncpa.u1 $0x1  }
0x3f1: {  	s26 =	simm.s32 $0x2;
	[sflag:s25] =	ssyncpa.u1 $0x1  }
0x3f2: {  	[sflag:s26] =	ssyncpa.u1 $0x1  }
0x3f3: {  	v0 =	vld [tilespmem:$0x6088];
	_ =	sdelay $0x4  }
0x3f4: {  	(v2sf) =	vpush v0, $0x0  }
0x3f5: {  	(v2sf) =	vpush v0, $0x1;
	_ =	sdelay $0x1  }
0x3f6: {  	(v2sf) =	vpush v0, $0x2;
	_ =	sdelay $0xb  }
0x3f7: {  	s0 =	spop (v2sf)  }
0x3f8: {  	s1 =	spop (v2sf)  }
0x3f9: {  	s2 =	smov.u32 s0;
	p1 =	sne.s32 s0, s1  }
0x3fa: {  	s3 =	spop (v2sf);
	s2 =	simm.s32 @!p1 $0xFFFFFFFF  }
0x3fb: {  	v2 =	vimm.s32 $0x1;
	v3 =	vlaneseq.u32;
	p1 =	seq.s32 s3, $0xFFFFFFFF;
	v1 =	vmov s2  }
0x3fc: {  	s14 =	stileid.u32;
	v0 =	vperm.xlane v0, v2;
	p2 =	sne.s32 @!p1 s0, s1;
	v1 =	vperm.xlane v1, v3  }
0x3fd: {  	vm0 =	vcmask $0x3F04;
	s6 =	simm.s32 $0x6088;
	s0 =	simm.s32 @!p1 $0x1;
	p2 =	por !p2, p1  }
0x3fe: {  	s2 =	sshll.u32 s14, $0x1;
	s1 =	sshll.u32 @!p1 s3, $0x7;
	s0 =	simm.s32 @p2 $0x0;
	v0 =	vsel vm0, v1, v0  }
0x3ff: {  	s5 =	sor.u32 $0x400, s2;
	s1 =	sshra.s32 @!p1 s1, $0x2;
	s0 =	sor.u32 @!p1 s0, s2;
	[tilespmem:$0x6088] =	vst v0  }
0x400: {  	[spmem:s5] =	stream.linear.scatter [tilespmem:s6], [sflag:$0x1], $0x2, $0x38;
	[tilespmem:$0x1EC48] =	vst v63  }
0x401: {  	s1 =	sadd.s32 @!p1 $0x48, s1;
	s0 =	sshll.u32 @!p1 s0, $0x5  }
0x402: {  	[spmem:s0] =	stream.linear.scatter @!p1 [tilespmem:s1], [sflag:$0x1], $0x20, $0x38;
	[tilespmem:$0x1EC48] =	vst v63  }
0x403: {  	s0 =	simm.s32 @!p1 $0x22  }
0x404: {  	s28 =	simm.s32 $0x1;
	s0 =	simm.s32 @p1 $0x2  }
0x405: {  	_ =	swait.ge [sflag:s28], s0  }
0x406: {  	s0 =	ssub.s32 $0x0, s0;
	[sflag:s28] =	ssyncset.done $0x0  }
0x407: {  	[sflag:s28] =	ssyncadd.s32 s0  }
.Ltmp22:
0x408: {  	_ =	sfence.stream.spmem;
	(pc) =	sbr.rel @p0 .LBB2_43-.Ltmp22, $4  }
0x409: {  	s29 =	simm.s32 $0x3;
	[bflag:$0x0] =	sbarrier.arrive $0xFFFF  }
0x40a: {  	s30 =	simm.s32 $0x4;
	[sflag:s29] =	ssyncpa.u1 $0x1  }
0x40b: {  	s31 =	simm.s32 $0x3C;
	[sflag:s30] =	ssyncpa.u1 $0x1  }
0x40c: {  	s15 =	rddreg [dreg:$0x4];
	[sflag:s31] =	ssyncpa.u1 $0x1  }
0x40d: {  	_ =	sfence.stream.spmem;
	s0 =	simm.s32 $0x5  }
0x40e: {  	s1 =	simm.s32 $0x400;
	s2 =	simm.s32 $0x6098;
	[sflag:s0] =	ssyncpa.u1 $0x0  }
0x40f: {  	[tilespmem:s2], [sflag:$0x5] =	stream.linear.gather [spmem:s1], $0x20, $0x38;
	[tilespmem:$0x1EC48] =	vst v63  }
0x410: {  	s26 =	simm.s32 $0x0;
	s28 =	simm.s32 $0x60B8  }
0x411: {  	[tilespmem:s28], [sflag:$0x5] =	stream.linear.gather [spmem:s26], $0x400, $0x38;
	[tilespmem:$0x1EC48] =	vst v63  }
0x412: {  	_ =	swait.ge [sflag:s0], $0x420  }
0x413: {  	[sflag:s0] =	ssyncset.done $0x0  }
0x414: {  	s29 =	simm.s32 $0x0;
	[sflag:s0] =	ssyncadd.s32 $0xFFFFFBE0  }
0x415: {  	v0 =	vld.msk [tilespmem:s29+$0x6098], $0x1;
	_ =	sdelay $0x1  }
0x416: {  	s30 =	simm.s32 $0x1  }
0x417: {  	v1 =	vld.msk [tilespmem:s30+$0x6098], $0x1;
	_ =	sdelay $0x1  }
0x418: {  	(v2sf) =	vpush v0, $0x0;
	_ =	sdelay $0x2  }
0x419: {  	(v2sf) =	vpush v1, $0x0;
	_ =	sdelay $0x2  }
0x41a: {  	s31 =	simm.s32 $0x2  }
0x41b: {  	v0 =	vld.msk [tilespmem:s31+$0x6098], $0x1;
	_ =	sdelay $0x2  }
0x41c: {  	s1 =	simm.s32 $0xFFFFFFFF;
	s2 =	simm.s32 $0xFFFFFFFF;
	s0 =	simm.s32 $0xC  }
.LBB2_28:
0x41d: {  	s3 =	smov.u32 s2;
	s5 =	smov.u32 s1  }
0x41e: {  	s1 =	sshra.s32 s0, $0x2;
	p1 =	sne.s32 s0, $0x7C;
	s0 =	sadd.s32 $0x4, s0;
	(v2sf) =	vpush v0, $0x0  }
0x41f: {  	v0 =	vld.msk [tilespmem:s1+$0x6098], $0x1  }
.Ltmp23:
0x420: {  	(pc) =	sbr.rel @p1 .LBB2_28-.Ltmp23, $4  }
0x421: {  	s2 =	spop (v2sf)  }
0x422: {  	p2 =	sne.s32 s5, $0xFFFFFFFF;
	s1 =	smov.u32 s2  }
0x423: {  	p3 =	seq.s32 s2, $0xFFFFFFFF;
	s1 =	smov.u32 @p2 s5  }
0x424: {  	s2 =	smov.u32 @p3 s3;
	s1 =	smov.u32 @p3 s5  }
0x425: {  	(v2sf) =	vpush v0, $0x0;
	_ =	sdelay $0x8  }
0x426: {  	s0 =	spop (v2sf)  }
0x427: {  	p1 =	sne.s32 s1, $0xFFFFFFFF;
	s3 =	smov.u32 s0  }
0x428: {  	s9 =	simm.s32 $0x6;
	p2 =	seq.s32 s0, $0xFFFFFFFF;
	s3 =	smov.u32 @p1 s1  }
0x429: {  	s10 =	simm.s32 $0x6068;
	s3 =	smov.u32 @p2 s1;
	s1 =	spop (v2sf)  }
0x42a: {  	s0 =	smov.u32 @p2 s2;
	p1 =	sne.s32 s3, $0xFFFFFFFF;
	s5 =	smov.u32 s1  }
.Ltmp24:
0x42b: {  	p2 =	seq.s32 s1, $0xFFFFFFFF;
	s5 =	smov.u32 @p1 s3;
	(pc) =	sbr.rel .LBB2_30-.Ltmp24, $4  }
0x42c: {  	s11 =	simm.s32 $0x0;
	s5 =	smov.u32 @p2 s3;
	s7 =	spop (v2sf)  }
0x42d: {  	[sflag:s9] =	ssyncpa.u1 $0x0;
	p1 =	sne.s32 s5, $0xFFFFFFFF;
	s8 =	smov.u32 s7  }
0x42e: {  	s1 =	smov.u32 @p2 s0;
	p2 =	seq.s32 s7, $0xFFFFFFFF;
	s8 =	smov.u32 @p1 s5  }
0x42f: {  	s3 =	simm.s32 $0x0;
	s7 =	smov.u32 @p2 s1;
	s8 =	smov.u32 @p2 s5  }
.LBB2_36:
0x430: {  	p1 =	sgt.u32 s12, $0x270FC  }
0x431: {  	p2 =	seq.s32 @!p1 s12, s8  }
0x432: {  	p1 =	por p1, p2  }
0x433: {  	p2 =	sne.s32 @!p1 s12, s7  }
0x434: {  	p1 =	por p1, !p2  }
0x435: {  	s0 =	sshll.u32 @p1 s11, $0x7  }
0x436: {  	s0 =	sand.u32 @!p1 $0x3FFF8, s12  }
0x437: {  	s1 =	sand.u32 @!p1 $0x7, s12;
	s0 =	sadd.s32 @!p1 s4, s0  }
0x438: {  	[tilespmem:s10], [sflag:$0x6] =	stream.linear.gather @!p1 [hbm4b:s0+s1], $0x20, $0x38;
	[tilespmem:$0x1EC48] =	vst v63  }
0x439: {  	_ =	swait.ge @!p1 [sflag:s9], $0x20  }
0x43a: {  	[sflag:s9] =	ssyncset.done @!p1 $0x0  }
0x43b: {  	[sflag:s9] =	ssyncadd.s32 @!p1 $0xFFFFFFE0  }
0x43c: {  	v1 =	vld @!p1 [tilespmem:$0x6068];
	_ =	sdelay $0x2  }
0x43d: {  	s0 =	sshll.u32 @!p1 s11, $0x7  }
0x43e: {  	s1 =	sshrl.u32 @!p1 s0, $0x2  }
0x43f: {  	[tilespmem:s1+$0x60B8] =	vst.add.f32.msk @!p1 $0xffff, v1  }
0x440: {  	v1 =	vld @!p1 [tilespmem:$0x6078];
	_ =	sdelay $0x4  }
0x441: {  	[tilespmem:s1+$0x60C8] =	vst.add.f32.msk @!p1 $0xffff, v1  }
0x442: {  	s0 =	sshrl.u32 s0, $0x2;
	[tilespmem:s3+$0x6098] =	vst.msk $0x1, v0  }
0x443: {  	v0 =	vld [tilespmem:s0+$0x60B8];
	_ =	sdelay $0x2  }
0x444: {  	s31 =	sshll.u32 s3, $0x7  }
0x445: {  	s1 =	sshra.s32 s31, $0x2  }
0x446: {  	[tilespmem:s1+$0x60B8] =	vst v0  }
0x447: {  	v0 =	vld [tilespmem:s0+$0x60C8];
	_ =	sdelay $0x4  }
0x448: {  	s3 =	sadd.s32 $0x1, s3;
	[tilespmem:s1+$0x60C8] =	vst v0  }
.LBB2_37:
0x449: {  	s11 =	sadd.s32 $0x1, s11  }
0x44a: {  	p1 =	sne.s32 s11, $0x20  }
.Ltmp25:
0x44b: {  	_ = 	snop;
	(pc) =	sbr.rel @!p1 .LBB2_38-.Ltmp25, $1  }
0x44c: {  	_ =	sdelay $0x3  }
.LBB2_30:
0x44d: {  	v0 =	vld.msk [tilespmem:s11+$0x6098], $0x1;
	_ =	sdelay $0x4  }
0x44e: {  	(v2sf) =	vpush v0, $0x0;
	_ =	sdelay $0xe  }
0x44f: {  	s12 =	spop (v2sf)  }
0x450: {  	p1 =	seq.s32 s12, $0xFFFFFFFF  }
.Ltmp26:
0x451: {  	_ = 	snop;
	(pc) =	sbr.rel @p1 .LBB2_37-.Ltmp26, $1  }
0x452: {  	_ =	sdelay $0x3  }
0x453: {  	p1 =	slt.s32 s3, $0x1  }
.Ltmp27:
0x454: {  	_ = 	snop;
	(pc) =	sbr.rel @p1 .LBB2_36-.Ltmp27, $1  }
0x455: {  	_ =	sdelay $0x3  }
0x456: {  	s0 =	simm.s32 $0x6098;
	p1 =	por $0x0, $0x0  }
0x457: {  	v1 =	vld.msk @!p1 [tilespmem:s0+$0x0], $0x1;
	_ =	sdelay $0x4  }
0x458: {  	(v2sf) =	vpush @!p1 v1, $0x0;
	_ =	sdelay $0xd  }
0x459: {  	p3 =	sne.s32 s3, $0x1  }
.Ltmp28:
0x45a: {  	s1 =	spop @!p1 (v2sf);
	(pc) =	sbr.rel @!p3 .LBB2_34-.Ltmp28, $4  }
0x45b: {  	p2 =	seq.s32 @!p1 s12, s1  }
0x45c: {  	s13 =	simm.s32 $0x0;
	p2 =	por !p2, p1  }
0x45d: {  	s2 =	simm.s32 $0xFFFFFFFF;
	s13 =	simm.s32 @p2 $0xFFFFFFFF  }
0x45e: {  	s1 =	simm.s32 $0x1;
	s13 =	smov.u32 @p1 s2  }
.LBB2_33:
0x45f: {  	s2 =	smov.u32 s13;
	p1 =	sne.s32 s13, $0xFFFFFFFF  }
0x460: {  	s0 =	sadd.s32 $0x1, s0;
	s13 =	smov.u32 s1;
	s1 =	sadd.s32 $0x1, s1  }
0x461: {  	p2 =	sne.s32 s3, s1;
	v1 =	vld.msk @!p1 [tilespmem:s0+$0x0], $0x1;
	_ =	sdelay $0x4  }
0x462: {  	(v2sf) =	vpush @!p1 v1, $0x0;
	_ =	sdelay $0xe  }
.Ltmp29:
0x463: {  	s5 =	spop @!p1 (v2sf);
	(pc) =	sbr.rel @p2 .LBB2_33-.Ltmp29, $4  }
0x464: {  	p3 =	seq.s32 @!p1 s12, s5  }
0x465: {  	p3 =	por !p3, p1  }
0x466: {  	s13 =	simm.s32 @p3 $0xFFFFFFFF  }
0x467: {  	s13 =	smov.u32 @p1 s2  }
.LBB2_34:
0x468: {  	p1 =	seq.s32 s13, $0xFFFFFFFF  }
.Ltmp30:
0x469: {  	_ = 	snop;
	(pc) =	sbr.rel @p1 .LBB2_36-.Ltmp30, $1  }
0x46a: {  	_ =	sdelay $0x3  }
0x46b: {  	s0 =	sshll.u32 s11, $0x5  }
0x46c: {  	s0 =	sand.u32 $0x3FFFFFE0, s0  }
0x46d: {  	v0 =	vld [tilespmem:s0+$0x60B8];
	_ =	sdelay $0x2  }
0x46e: {  	s1 =	sshll.u32 s13, $0x7  }
0x46f: {  	s1 =	sshra.s32 s1, $0x2  }
0x470: {  	[tilespmem:s1+$0x60B8] =	vst.add.f32.msk $0xffff, v0  }
0x471: {  	v0 =	vld [tilespmem:s0+$0x60C8]  }
.Ltmp31:
0x472: {  	_ = 	snop;
	(pc) =	sbr.rel .LBB2_37-.Ltmp31, $2  }
0x473: {  	_ =	sdelay $0x2  }
0x474: {  	[tilespmem:s1+$0x60C8] =	vst.add.f32.msk $0xffff, v0  }
.LBB2_38:
0x475: {  	s0 =	simm.s32 $0x6;
	p1 =	seq.s32 s3, $0x0  }
0x476: {  	[sflag:s0] =	ssyncpa.u1 $0x1;
	v0 =	vimm.s32 @p1 $0xFFFFFFFF  }
0x477: {  	s9 =	sadd.s32 $0xFFFFFFFF, s3;
	[tilespmem:$0x64B8] =	vst @p1 v0  }
0x478: {  	v0 =	vld.msk @!p1 [tilespmem:s9+$0x6098], $0x1;
	_ =	sdelay $0x1  }
0x479: {  	v1 =	vld.msk @!p1 [tilespmem:$0x6098], $0x1;
	_ =	sdelay $0x2  }
0x47a: {  	p2 =	seq.s32 @!p1 s9, $0x0;
	v0 =	vbroadcast @!p1 v0, $0x0  }
0x47b: {  	vm0 =	vmmov @!p1 $0x1;
	p2 =	por !p2, p1  }
0x47c: {  	v1 =	vnsel @!p1 vm0, $0xFFFFFFFF, v1;
	vm0 =	vcmask @!p1 $0x308;
	v0 =	vpsel !p2, $0xFFFFFFFF, v0  }
0x47d: {  	p2 =	sne.s32 @!p1 s8, s7;
	v0 =	vsel @!p1 vm0, v1, v0  }
0x47e: {  	s0 =	simm.s32 @!p1 $0x60B8;
	s1 =	simm.s32 @!p1 $0x0;
	p3 =	por !p2, p1;
	[tilespmem:$0x64B8] =	vst @!p1 v0  }
0x47f: {  	[spmem:s1] =	stream.linear.scatter @!p1 [tilespmem:s0], [sflag:$0x1], $0x20, $0x38;
	[tilespmem:$0x1EC48] =	vst v63  }
0x480: {  	s0 =	sshll.u32 @!p3 s9, $0x7  }
0x481: {  	s0 =	sshra.s32 @!p3 s0, $0x2  }
0x482: {  	s1 =	simm.s32 @!p3 $0x20;
	s0 =	sadd.s32 @!p3 $0x60B8, s0  }
0x483: {  	[spmem:s1] =	stream.linear.scatter @!p3 [tilespmem:s0], [sflag:$0x1], $0x20, $0x38;
	[tilespmem:$0x1EC48] =	vst v63  }
0x484: {  	s0 =	simm.s32 @!p3 $0x1  }
0x485: {  	_ =	swait.ge @!p3 [sflag:s0], $0x40  }
0x486: {  	p1 =	por p2, p1;
	[sflag:s0] =	ssyncset.done @!p3 $0x0  }
0x487: {  	[sflag:s0] =	ssyncadd.s32 @!p3 $0xFFFFFFC0;
	s0 =	simm.s32 @!p1 $0x1  }
0x488: {  	_ =	swait.ge @!p1 [sflag:s0], $0x20  }
0x489: {  	s29 =	simm.s32 $0x64B8;
	[sflag:s0] =	ssyncset.done @!p1 $0x0  }
0x48a: {  	s30 =	simm.s32 $0x400;
	s31 =	simm.s32 $0x1;
	[sflag:s0] =	ssyncadd.s32 @!p1 $0xFFFFFFE0  }
0x48b: {  	[spmem:s30] =	stream.linear.scatter [tilespmem:s29], [sflag:$0x1], $0x10, $0x38;
	[tilespmem:$0x1EC48] =	vst v63  }
0x48c: {  	_ =	swait.ge [sflag:s31], $0x10  }
0x48d: {  	[sflag:s31] =	ssyncset.done $0x0  }
0x48e: {  	p1 =	seq.s32 s15, $0x0;
	s8 =	rddreg [dreg:$0x1];
	[sflag:s31] =	ssyncadd.s32 $0xFFFFFFF0  }
0x48f: {  	s1 =	sshll.u32 @p1 s8, $0xE;
	s7 =	rddreg [dreg:$0x2]  }
0x490: {  	s0 =	sadd.s32 @p1 $0x15C3C, s1;
	s1 =	sshll.u32 @p1 s7, $0x11  }
0x491: {  	_ =	sfence.stream.spmem;
	s0 =	sor.u32 @p1 s1, s0  }
0x492: {  	[sflag:s0] =	ssyncadd.remote.s32 @p1 $0x1;
	s0 =	simm.s32 @p1 $0x4  }
0x493: {  	s2 =	simm.s32 @!p1 $0x3C;
	s1 =	sand.u32 $0xFFFFFFFE, s8;
	_ =	swait.ge @p1 [sflag:s0], $0xA  }
0x494: {  	s5 =	simm.s32 @!p1 $0x0;
	s1 =	sadd.s32 @!p1 $0x4, s1;
	[sflag:s0] =	ssyncset.done @p1 $0x0  }
0x495: {  	s6 =	simm.s32 @!p1 $0x40;
	[sflag:s0] =	ssyncadd.s32 @p1 $0xFFFFFFF6;
	s0 =	sshll.u32 @!p1 s1, $0x1A  }
0x496: {  	s1 =	sshll.u32 @!p1 s1, $0xD;
	s0 =	sor.u32 @!p1 s0, s7;
	_ =	swait.eq @!p1 [sflag:s2], $0x1  }
0x497: {  	s1 =	sor.u32 @!p1 $0x1C04, s1;
	s2 =	simm.s32 @!p1 $0x1C03;
	s0 =	sor.u32 @!p1 $0x80004000, s0  }
0x498: {  	[spmem:s6], [sflag:s1] =	dma.general @!p1 [spmem:s5], [sflag:s2], length:$0x8, [dreg:$0x0], stride_count:$0x0, ici_dest:s0, dma_misc:DstOpCode:WRITE  }
0x499: {  	p2 =	slt.s32 s9, $0x2;
	s5 =	simm.s32 @!p1 $0x80;
	s6 =	simm.s32 @!p1 $0x82  }
0x49a: {  	[spmem:s6], [sflag:s1] =	dma.general @!p1 [spmem:s5], [sflag:s2], length:$0x2, [dreg:$0x0], stride_count:$0x0, ici_dest:s0, dma_misc:DstOpCode:WRITE  }
.Ltmp32:
0x49b: {  	s0 =	simm.s32 @!p1 $0x3;
	(pc) =	sbr.rel @p2 .LBB2_42-.Ltmp32, $4  }
0x49c: {  	s1 =	sshll.u32 @!p1 s8, $0xE;
	_ =	swait.ge @!p1 [sflag:s0], $0xA  }
0x49d: {  	s2 =	sshll.u32 @!p1 s7, $0x11;
	s1 =	sadd.s32 @!p1 $0x11C3C, s1;
	[sflag:s0] =	ssyncset.done @!p1 $0x0  }
0x49e: {  	[sflag:s0] =	ssyncadd.s32 @!p1 $0xFFFFFFF6;
	s0 =	sor.u32 @!p1 s2, s1  }
0x49f: {  	[sflag:s0] =	ssyncadd.remote.s32 @!p1 $0xFFFFFFFF;
	s0 =	simm.s32 $0x0  }
0x4a0: {  	s0 =	simm.s32 $0x6099  }
0x4a1: {  	v0 =	vld.msk [tilespmem:s0+$0x0], $0x1;
	_ =	sdelay $0x4  }
0x4a2: {  	(v2sf) =	vpush v0, $0x0;
	_ =	sdelay $0xc  }
0x4a3: {  	s1 =	sadd.s32 $0xFFFFFFFE, s3  }
0x4a4: {  	s1 =	sadd.s32 $0xFFFFFFFF, s1  }
0x4a5: {  	p2 =	sne.s32 s1, $0x0;
	s2 =	spop (v2sf)  }
.Ltmp33:
0x4a6: {  	p1 =	sgt.u32 s2, $0x270FC;
	(pc) =	sbr.rel @!p2 .LBB2_41-.Ltmp33, $4  }
0x4a7: {  	s6 =	simm.s32 $0x0;
	s3 =	sand.u32 @!p1 $0x3FFF8, s2  }
0x4a8: {  	s0 =	simm.s32 $0x60D8;
	s2 =	sand.u32 @!p1 $0x7, s2;
	s3 =	sadd.s32 @!p1 s4, s3  }
0x4a9: {  	[hbm4b:s3+s2] =	stream.linear.scatter @!p1 [tilespmem:s0], [sflag:$0x5], $0x20, $0x38;
	[tilespmem:$0x1EC48] =	vst v63  }
0x4aa: {  	s6 =	simm.s32 @!p1 $0x80;
	s2 =	simm.s32 $0x0;
	s3 =	simm.s32 $0x609A  }
.LBB2_40:
0x4ab: {  	v0 =	vld.msk [tilespmem:s3+$0x0], $0x1;
	s1 =	sadd.s32 $0xFFFFFFFF, s1;
	s2 =	sadd.s32 s2, s6  }
0x4ac: {  	p1 =	sne.s32 s1, $0x0;
	_ =	sdelay $0x3  }
0x4ad: {  	(v2sf) =	vpush v0, $0x0;
	_ =	sdelay $0xe  }
.Ltmp34:
0x4ae: {  	s5 =	spop (v2sf);
	(pc) =	sbr.rel @p1 .LBB2_40-.Ltmp34, $4  }
0x4af: {  	s6 =	simm.s32 $0x0;
	p2 =	sgt.u32 s5, $0x270FC  }
0x4b0: {  	s0 =	sadd.s32 $0x20, s0;
	s6 =	simm.s32 @!p2 $0x80;
	s7 =	sand.u32 @!p2 $0x3FFF8, s5  }
0x4b1: {  	s3 =	sadd.s32 $0x1, s3;
	s5 =	sand.u32 @!p2 $0x7, s5;
	s7 =	sadd.s32 @!p2 s4, s7  }
0x4b2: {  	[hbm4b:s7+s5] =	stream.linear.scatter @!p2 [tilespmem:s0], [sflag:$0x5], $0x20, $0x38;
	[tilespmem:$0x1EC48] =	vst v63  }
.LBB2_41:
0x4b3: {  	s0 =	sadd.s32 s2, s6  }
0x4b4: {  	s0 =	sshrl.u32 s0, $0x2  }
.LBB2_42:
0x4b5: {  	s1 =	simm.s32 $0x5  }
0x4b6: {  	_ =	swait.ge [sflag:s1], s0  }
0x4b7: {  	s31 =	ssub.s32 $0x0, s0;
	[sflag:s1] =	ssyncset.done $0x0  }
0x4b8: {  	[sflag:s1] =	ssyncadd.s32 s31  }
0x4b9: {  	[sflag:s1] =	ssyncpa.u1 $0x1  }
.LBB2_43:
0x4ba: {  	s0 =	sor.u32 s15, s14  }
0x4bb: {  	p1 =	sne.s32 s0, $0x0  }
.Ltmp35:
0x4bc: {  	_ = 	snop;
	(pc) =	sbr.rel @p1 .LBB2_58-.Ltmp35, $3  }
0x4bd: {  	_ =	sdelay $0x1  }
0x4be: {  	[bflag:$0x0] =	sbarrier.arrive $0xFFFF  }
0x4bf: {  	_ =	sfence  }
0x4c0: {  	s0 =	simm.s32 $0x7  }
0x4c1: {  	s1 =	simm.s32 $0x400;
	s2 =	simm.s32 $0x6098;
	[sflag:s0] =	ssyncpa.u1 $0x0  }
0x4c2: {  	[tilespmem:s2], [sflag:$0x7] =	stream.linear.gather [spmem:s1], $0x20, $0x38;
	[tilespmem:$0x1EC48] =	vst v63  }
0x4c3: {  	s30 =	simm.s32 $0x60B8;
	s1 =	simm.s32 $0x0  }
0x4c4: {  	[tilespmem:s30], [sflag:$0x7] =	stream.linear.gather [spmem:s1], $0x400, $0x38;
	[tilespmem:$0x1EC48] =	vst v63  }
.Ltmp36:
0x4c5: {  	_ = 	snop;
	(pc) =	sbr.rel .LBB2_45-.Ltmp36, $4  }
0x4c6: {  	_ =	swait.ge [sflag:s0], $0x420  }
0x4c7: {  	[sflag:s0] =	ssyncset.done $0x0  }
0x4c8: {  	s31 =	simm.s32 $0x8;
	[sflag:s0] =	ssyncadd.s32 $0xFFFFFBE0  }
0x4c9: {  	s2 =	simm.s32 $0x0;
	[sflag:s31] =	ssyncpa.u1 $0x0  }
.LBB2_51:
0x4ca: {  	p1 =	slt.u32 s3, $0x270FD  }
0x4cb: {  	s0 =	sand.u32 @p1 $0x3FFF8, s3  }
0x4cc: {  	s3 =	sand.u32 @p1 $0x7, s3;
	s5 =	simm.s32 @p1 $0x6068;
	s0 =	sadd.s32 @p1 s4, s0  }
0x4cd: {  	[tilespmem:s5], [sflag:$0x8] =	stream.linear.gather @p1 [hbm4b:s0+s3], $0x20, $0x38;
	[tilespmem:$0x1EC48] =	vst v63  }
0x4ce: {  	s0 =	simm.s32 @p1 $0x8  }
0x4cf: {  	_ =	swait.ge @p1 [sflag:s0], $0x20  }
0x4d0: {  	[sflag:s0] =	ssyncset.done @p1 $0x0  }
0x4d1: {  	[sflag:s0] =	ssyncadd.s32 @p1 $0xFFFFFFE0  }
0x4d2: {  	v1 =	vld @p1 [tilespmem:$0x6068];
	_ =	sdelay $0x2  }
0x4d3: {  	s0 =	sshll.u32 @p1 s2, $0x7  }
0x4d4: {  	s3 =	sshrl.u32 @p1 s0, $0x2  }
0x4d5: {  	[tilespmem:s3+$0x60B8] =	vst.add.f32.msk @p1 $0xffff, v1  }
0x4d6: {  	v1 =	vld @p1 [tilespmem:$0x6078];
	_ =	sdelay $0x3  }
0x4d7: {  	s5 =	sshll.u32 @!p1 s2, $0x7  }
0x4d8: {  	s5 =	smov.u32 @p1 s0;
	[tilespmem:s3+$0x60C8] =	vst.add.f32.msk @p1 $0xffff, v1  }
0x4d9: {  	s0 =	sshrl.u32 s5, $0x2;
	[tilespmem:s1+$0x6098] =	vst.msk $0x1, v0  }
0x4da: {  	v0 =	vld [tilespmem:s0+$0x60B8];
	_ =	sdelay $0x2  }
0x4db: {  	s31 =	sshll.u32 s1, $0x7  }
0x4dc: {  	s3 =	sshra.s32 s31, $0x2  }
0x4dd: {  	[tilespmem:s3+$0x60B8] =	vst v0  }
0x4de: {  	v0 =	vld [tilespmem:s0+$0x60C8];
	_ =	sdelay $0x4  }
0x4df: {  	s1 =	sadd.s32 $0x1, s1;
	[tilespmem:s3+$0x60C8] =	vst v0  }
.LBB2_52:
0x4e0: {  	s2 =	sadd.s32 $0x1, s2  }
0x4e1: {  	p1 =	sne.s32 s2, $0x20  }
.Ltmp37:
0x4e2: {  	_ = 	snop;
	(pc) =	sbr.rel @!p1 .LBB2_53-.Ltmp37, $1  }
0x4e3: {  	_ =	sdelay $0x3  }
.LBB2_45:
0x4e4: {  	v0 =	vld.msk [tilespmem:s2+$0x6098], $0x1;
	_ =	sdelay $0x4  }
0x4e5: {  	(v2sf) =	vpush v0, $0x0;
	_ =	sdelay $0xe  }
0x4e6: {  	s3 =	spop (v2sf)  }
0x4e7: {  	p1 =	seq.s32 s3, $0xFFFFFFFF  }
.Ltmp38:
0x4e8: {  	_ = 	snop;
	(pc) =	sbr.rel @p1 .LBB2_52-.Ltmp38, $1  }
0x4e9: {  	_ =	sdelay $0x3  }
0x4ea: {  	p1 =	slt.s32 s1, $0x1  }
.Ltmp39:
0x4eb: {  	_ = 	snop;
	(pc) =	sbr.rel @p1 .LBB2_51-.Ltmp39, $1  }
0x4ec: {  	_ =	sdelay $0x3  }
0x4ed: {  	s0 =	simm.s32 $0x6098;
	p1 =	por $0x0, $0x0  }
0x4ee: {  	v1 =	vld.msk @!p1 [tilespmem:s0+$0x0], $0x1;
	_ =	sdelay $0x4  }
0x4ef: {  	(v2sf) =	vpush @!p1 v1, $0x0;
	_ =	sdelay $0xd  }
0x4f0: {  	p3 =	sne.s32 s1, $0x1  }
.Ltmp40:
0x4f1: {  	s5 =	spop @!p1 (v2sf);
	(pc) =	sbr.rel @!p3 .LBB2_49-.Ltmp40, $4  }
0x4f2: {  	p2 =	seq.s32 @!p1 s3, s5  }
0x4f3: {  	s5 =	simm.s32 $0x0;
	p2 =	por !p2, p1  }
0x4f4: {  	s7 =	simm.s32 $0xFFFFFFFF;
	s5 =	simm.s32 @p2 $0xFFFFFFFF  }
0x4f5: {  	s6 =	simm.s32 $0x1;
	s5 =	smov.u32 @p1 s7  }
.LBB2_48:
0x4f6: {  	s7 =	smov.u32 s5;
	p1 =	sne.s32 s5, $0xFFFFFFFF  }
0x4f7: {  	s0 =	sadd.s32 $0x1, s0;
	s5 =	smov.u32 s6;
	s6 =	sadd.s32 $0x1, s6  }
0x4f8: {  	p2 =	sne.s32 s1, s6;
	v1 =	vld.msk @!p1 [tilespmem:s0+$0x0], $0x1;
	_ =	sdelay $0x4  }
0x4f9: {  	(v2sf) =	vpush @!p1 v1, $0x0;
	_ =	sdelay $0xe  }
.Ltmp41:
0x4fa: {  	s8 =	spop @!p1 (v2sf);
	(pc) =	sbr.rel @p2 .LBB2_48-.Ltmp41, $4  }
0x4fb: {  	p3 =	seq.s32 @!p1 s3, s8  }
0x4fc: {  	p3 =	por !p3, p1  }
0x4fd: {  	s5 =	simm.s32 @p3 $0xFFFFFFFF  }
0x4fe: {  	s5 =	smov.u32 @p1 s7  }
.LBB2_49:
0x4ff: {  	p1 =	seq.s32 s5, $0xFFFFFFFF  }
.Ltmp42:
0x500: {  	_ = 	snop;
	(pc) =	sbr.rel @p1 .LBB2_51-.Ltmp42, $1  }
0x501: {  	_ =	sdelay $0x3  }
0x502: {  	s0 =	sshll.u32 s2, $0x5  }
0x503: {  	s0 =	sand.u32 $0x3FFFFFE0, s0  }
0x504: {  	v0 =	vld [tilespmem:s0+$0x60B8];
	_ =	sdelay $0x2  }
0x505: {  	s3 =	sshll.u32 s5, $0x7  }
0x506: {  	s3 =	sshra.s32 s3, $0x2  }
0x507: {  	[tilespmem:s3+$0x60B8] =	vst.add.f32.msk $0xffff, v0  }
0x508: {  	v0 =	vld [tilespmem:s0+$0x60C8]  }
.Ltmp43:
0x509: {  	_ = 	snop;
	(pc) =	sbr.rel .LBB2_52-.Ltmp43, $2  }
0x50a: {  	_ =	sdelay $0x2  }
0x50b: {  	[tilespmem:s3+$0x60C8] =	vst.add.f32.msk $0xffff, v0  }
.LBB2_53:
0x50c: {  	p1 =	slt.s32 s1, $0x1  }
.Ltmp44:
0x50d: {  	_ = 	snop;
	(pc) =	sbr.rel @p1 .LBB2_57-.Ltmp44, $3  }
0x50e: {  	_ =	sdelay $0x1  }
0x50f: {  	s0 =	simm.s32 $0x8  }
0x510: {  	s2 =	simm.s32 $0x0;
	[sflag:s0] =	ssyncpa.u1 $0x1  }
0x511: {  	s0 =	simm.s32 $0x6098  }
0x512: {  	v0 =	vld.msk [tilespmem:s0+$0x0], $0x1;
	_ =	sdelay $0x4  }
0x513: {  	(v2sf) =	vpush v0, $0x0;
	_ =	sdelay $0xe  }
0x514: {  	s1 =	sadd.s32 $0xFFFFFFFF, s1;
	s3 =	spop (v2sf)  }
0x515: {  	p2 =	sne.s32 s1, $0x0;
	p1 =	sgt.u32 s3, $0x270FC  }
.Ltmp45:
0x516: {  	s5 =	sand.u32 @!p1 $0x3FFF8, s3;
	(pc) =	sbr.rel @!p2 .LBB2_56-.Ltmp45, $4  }
0x517: {  	s0 =	simm.s32 $0x60B8;
	s3 =	sand.u32 @!p1 $0x7, s3;
	s5 =	sadd.s32 @!p1 s4, s5  }
0x518: {  	[hbm4b:s5+s3] =	stream.linear.scatter @!p1 [tilespmem:s0], [sflag:$0x7], $0x20, $0x38;
	[tilespmem:$0x1EC48] =	vst v63  }
0x519: {  	s5 =	simm.s32 $0x0  }
0x51a: {  	s3 =	simm.s32 $0x6099;
	s5 =	simm.s32 @!p1 $0x80  }
.LBB2_55:
0x51b: {  	v0 =	vld.msk [tilespmem:s3+$0x0], $0x1;
	s1 =	sadd.s32 $0xFFFFFFFF, s1;
	s2 =	sadd.s32 s2, s5  }
0x51c: {  	p1 =	sne.s32 s1, $0x0;
	_ =	sdelay $0x3  }
0x51d: {  	(v2sf) =	vpush v0, $0x0;
	_ =	sdelay $0xe  }
.Ltmp46:
0x51e: {  	s6 =	spop (v2sf);
	(pc) =	sbr.rel @p1 .LBB2_55-.Ltmp46, $4  }
0x51f: {  	s5 =	simm.s32 $0x0;
	p2 =	sgt.u32 s6, $0x270FC  }
0x520: {  	s0 =	sadd.s32 $0x20, s0;
	s5 =	simm.s32 @!p2 $0x80;
	s7 =	sand.u32 @!p2 $0x3FFF8, s6  }
0x521: {  	s3 =	sadd.s32 $0x1, s3;
	s6 =	sand.u32 @!p2 $0x7, s6;
	s7 =	sadd.s32 @!p2 s4, s7  }
0x522: {  	[hbm4b:s7+s6] =	stream.linear.scatter @!p2 [tilespmem:s0], [sflag:$0x7], $0x20, $0x38;
	[tilespmem:$0x1EC48] =	vst v63  }
.LBB2_56:
0x523: {  	s0 =	sadd.s32 s2, s5  }
0x524: {  	s2 =	sshrl.u32 s0, $0x2  }
.LBB2_57:
0x525: {  	s0 =	simm.s32 $0x7  }
0x526: {  	_ =	swait.ge [sflag:s0], s2  }
0x527: {  	s1 =	ssub.s32 $0x0, s2;
	[sflag:s0] =	ssyncset.done $0x0  }
0x528: {  	[sflag:s0] =	ssyncadd.s32 s1  }
0x529: {  	[sflag:s0] =	ssyncpa.u1 $0x1  }
.LBB2_58:
0x52a: {  	_ =	sfence;
	s0 =	simm.s32 $0x1  }
0x52b: {  	[sflag:s0] =	ssyncpa.u1 $0x1  }
0x52c: {  	_ =	strace $0x9000004A  }
0x52d: {  	[bflag:$0x2] =	sbarrier.arrive $0xFFFF  }
0x52e: {  	s0 =	rddreg [dreg:$0x3]  }
0x52f: {  	s0 =	sadd.s32 @!p0 $0x100000, s0  }
0x530: {  	[sflag:s0] =	ssyncadd.tile.s32 @!p0 $0x1;
	_ =	shalt  }
.Lfunc_end2:
_tile_overlayer_lowered:
.L_overlay_start_2:
0x531: {  	(tag) =	ssettag $0x2  }
0x532: {  	s0 =	rddreg [dreg:$0x0];
	s2 =	stileid.u32  }
0x533: {  	s1 =	rddreg [dreg:$0x1];
	p0 =	sne.s32 s2, $0x0  }
0x534: {  	s3 =	rddreg [dreg:$0x2];
	[bflag:$0x3] =	sbarrier.arrive $0xFFFF;
	s2 =	simm.s32 @!p0 $0x1C01  }
0x535: {  	[timem:s3], [sflag:s2] =	dma.local @!p0 [hbm:s0], s1  }
0x536: {  	s0 =	simm.s32 @!p0 $0x1  }
0x537: {  	_ =	swait.ge @!p0 [sflag:s0], s1  }
0x538: {  	s1 =	ssub.s32 @!p0 $0x0, s1;
	[sflag:s0] =	ssyncset.done @!p0 $0x0  }
0x539: {  	[sflag:s0] =	ssyncadd.s32 @!p0 s1  }
0x53a: {  	[bflag:$0x3] =	sbarrier.arrive $0xFFFF  }
0x53b: {  	_ =	shalt  }

</sc_bundles>
